<compile_context>
chip_gen: v7x
topology: tpu7x:2x2x1
jax: 0.10.2.dev20260603
libtpu: 0.0.44.dev20260713+nightly
codegen_flags: <defaults>
</compile_context>

<pallas_src>
import functools

import jax
import jax.numpy as jnp
from jax import lax
from jax.experimental import pallas as pl
from jax.experimental.pallas import tpu as pltpu
from jax.experimental.pallas import tpu_sc as plsc

N_CORES = 2
N_SUBCORES = 16
N_TILES = N_CORES * N_SUBCORES
EDGE_BLK = 128
ROW_BLK = 512


def _sc_mesh():
    return plsc.VectorSubcoreMesh(core_axis_name="c", subcore_axis_name="s")


def _rsqrt_newton(x):
    i = plsc.bitcast(x, jnp.int32)
    i = jnp.int32(0x5F3759DF) - (i >> 1)
    y = plsc.bitcast(i, jnp.float32)
    for _ in range(3):
        y = y * (1.5 - 0.5 * x * y * y)
    return y


def _make_degree(n_pad, e_pad):
    cpt = e_pad // (N_SUBCORES * EDGE_BLK)
    rpt = n_pad // N_SUBCORES

    @functools.partial(
        pl.kernel,
        mesh=_sc_mesh(),
        out_type=jax.ShapeDtypeStruct((n_pad * 16,), jnp.float32),
        scratch_types=[
            pltpu.VMEM((e_pad // N_SUBCORES,), jnp.int32),
            pltpu.VMEM((n_pad,), jnp.float32),
            pltpu.VMEM((rpt,), jnp.float32),
            pltpu.VMEM((rpt * 16,), jnp.float32),
            pltpu.VMEM_SHARED((N_SUBCORES, n_pad), jnp.float32),
        ],
        compiler_params=pltpu.CompilerParams(needs_layout_passes=False),
    )
    def deg_kernel(dst_hbm, out_hbm, didx, hist, mbuf, dis16, shared):
        c = lax.axis_index("c")
        s = lax.axis_index("s")
        zero16 = jnp.zeros((16,), jnp.float32)
        ones16 = jnp.ones((16,), jnp.float32)

        def zbody(i, carry):
            hist[pl.ds(i * 16, 16)] = zero16
            return carry

        lax.fori_loop(0, n_pad // 16, zbody, 0)
        pltpu.sync_copy(dst_hbm.at[pl.ds(s * cpt * EDGE_BLK, cpt * EDGE_BLK)], didx)

        def body(j, carry):
            base = j * EDGE_BLK
            for k in range(EDGE_BLK // 16):
                idx = didx[pl.ds(base + k * 16, 16)]
                plsc.addupdate_scatter(hist, [idx], ones16)
            return carry

        lax.fori_loop(0, cpt, body, 0)
        pltpu.sync_copy(hist, shared.at[s])
        plsc.subcore_barrier()
        r0 = s * rpt

        def zbody2(i, carry):
            mbuf[pl.ds(i * 16, 16)] = zero16
            return carry

        lax.fori_loop(0, rpt // 16, zbody2, 0)
        for k in range(N_SUBCORES):
            pltpu.sync_copy(shared.at[k, pl.ds(r0, rpt)], hist.at[pl.ds(0, rpt)])

            def abody(i, carry):
                mbuf[pl.ds(i * 16, 16)] = mbuf[pl.ds(i * 16, 16)] + hist[pl.ds(i * 16, 16)]
                return carry

            lax.fori_loop(0, rpt // 16, abody, 0)

        def rbody(i, carry):
            mbuf[pl.ds(i * 16, 16)] = _rsqrt_newton(mbuf[pl.ds(i * 16, 16)] + 1.0)
            return carry

        lax.fori_loop(0, rpt // 16, rbody, 0)

        def bbody(i, carry):
            v = plsc.load_gather(mbuf, [jnp.full((16,), 1, jnp.int32) * i])
            dis16[pl.ds(i * 16, 16)] = v
            return carry

        lax.fori_loop(0, rpt, bbody, 0)

        @pl.when(c == 0)
        def _():
            pltpu.sync_copy(dis16, out_hbm.at[pl.ds(r0 * 16, rpt * 16)])

    return deg_kernel


STAGE = 40
S0 = 2
S1 = 2
CPTP = STAGE * (S0 + S1)


def _make_propagate(n_pad, d, e_pad):
    rpt = n_pad // N_SUBCORES
    assert e_pad % (N_SUBCORES * CPTP * EDGE_BLK) == 0
    tiles_chunks = e_pad // (N_SUBCORES * EDGE_BLK)
    rep = tiles_chunks // CPTP

    @functools.partial(
        pl.kernel,
        mesh=_sc_mesh(),
        out_type=jax.ShapeDtypeStruct((N_CORES, n_pad, d), jnp.float32),
        scratch_types=[
            pltpu.VMEM((STAGE, EDGE_BLK), jnp.int32),
            pltpu.VMEM((STAGE, EDGE_BLK), jnp.int32),
            pltpu.VMEM((2, EDGE_BLK, d), jnp.float32),
            pltpu.VMEM_SHARED((n_pad, d), jnp.float32),
            pltpu.SemaphoreType.DMA((2,)),
            pltpu.SemaphoreType.DMA((2,)),
        ],
    )
    def prop_kernel(g_hbm, src_hbm, dst_hbm, out_hbm, sidx, didx, rows, acc, gsem, ssem):
        c = lax.axis_index("c")
        s = lax.axis_index("s")
        r0 = s * rpt
        pltpu.sync_copy(g_hbm.at[pl.ds(r0, rpt)], acc.at[pl.ds(r0, rpt)])
        plsc.subcore_barrier()
        my_base = s * tiles_chunks + jnp.where(c == 0, 0, S0 * STAGE) * rep

        def stage(base):
            pltpu.sync_copy(src_hbm.at[pl.ds(base, STAGE)], sidx)
            pltpu.sync_copy(dst_hbm.at[pl.ds(base, STAGE)], didx)
            pltpu.async_copy(g_hbm.at[sidx.at[0]], rows.at[0], gsem.at[0])

            def body(g, carry):
                for b in range(2):
                    j = g * 2 + b
                    pltpu.make_async_copy(g_hbm.at[sidx.at[j]], rows.at[b], gsem.at[b]).wait()

                    @pl.when(j + 1 < STAGE)
                    def _():
                        @pl.when(j >= 1)
                        def _():
                            pltpu.make_async_copy(
                                rows.at[1 - b], acc.at[didx.at[j - 1]], ssem.at[1 - b]
                            ).wait()

                        pltpu.async_copy(g_hbm.at[sidx.at[j + 1]], rows.at[1 - b], gsem.at[1 - b])

                    pltpu.async_copy(rows.at[b], acc.at[didx.at[j]], ssem.at[b], add=True)
                return carry

            lax.fori_loop(0, STAGE // 2, body, 0)
            pltpu.make_async_copy(rows.at[0], acc.at[didx.at[STAGE - 2]], ssem.at[0]).wait()
            pltpu.make_async_copy(rows.at[1], acc.at[didx.at[STAGE - 1]], ssem.at[1]).wait()

        for st in range(S0 * rep):

            @pl.when((c == 0) | (st < S1 * rep))
            def _():
                stage(my_base + st * STAGE)

        plsc.subcore_barrier()
        pltpu.sync_copy(acc.at[pl.ds(r0, rpt)], out_hbm.at[c, pl.ds(r0, rpt)])

    return prop_kernel


def _prep_body(dis_ref, x_ref, w1_ref, g1_ref):
    h = jnp.dot(x_ref[...], w1_ref[...], preferred_element_type=jnp.float32)
    g1_ref[...] = dis_ref[...][:, 0:1] * h


def _tc_prep(dis, x_p, w1, n_pad):
    df, dh = w1.shape
    return pl.pallas_call(
        _prep_body,
        grid=(n_pad // ROW_BLK,),
        in_specs=[
            pl.BlockSpec((ROW_BLK, 16), lambda i: (i, 0)),
            pl.BlockSpec((ROW_BLK, df), lambda i: (i, 0)),
            pl.BlockSpec((df, dh), lambda i: (0, 0)),
        ],
        out_specs=pl.BlockSpec((ROW_BLK, dh), lambda i: (i, 0)),
        out_shape=jax.ShapeDtypeStruct((n_pad, dh), jnp.float32),
    )(dis, x_p, w1)


def _mid_body(accA_ref, accB_ref, g1_ref, dis_ref, b1_ref, u_ref):
    d = dis_ref[...][:, 0:1]
    t = (accA_ref[...] + accB_ref[...] - g1_ref[...]) * d + b1_ref[0:1, :]
    u_ref[...] = jnp.maximum(t, 0.0) * d


def _tc_mid(accA, accB, g1, dis, b1_2d, n_pad):
    dh = g1.shape[1]
    return pl.pallas_call(
        _mid_body,
        grid=(n_pad // ROW_BLK,),
        in_specs=[
            pl.BlockSpec((ROW_BLK, dh), lambda i: (i, 0)),
            pl.BlockSpec((ROW_BLK, dh), lambda i: (i, 0)),
            pl.BlockSpec((ROW_BLK, dh), lambda i: (i, 0)),
            pl.BlockSpec((ROW_BLK, 16), lambda i: (i, 0)),
            pl.BlockSpec((8, dh), lambda i: (0, 0)),
        ],
        out_specs=pl.BlockSpec((ROW_BLK, dh), lambda i: (i, 0)),
        out_shape=jax.ShapeDtypeStruct((n_pad, dh), jnp.float32),
    )(accA, accB, g1, dis, b1_2d)


def _final_body(accA_ref, accB_ref, u_ref, dis_ref, b2_ref, w2_ref, out_ref):
    d = dis_ref[...][:, 0:1]
    v = accA_ref[...] + accB_ref[...] - u_ref[...]
    out_ref[...] = d * jnp.dot(v, w2_ref[...], preferred_element_type=jnp.float32) + b2_ref[0:1, :]


def _tc_final(accA, accB, u, dis, b2_2d, w2, n_pad):
    dh, dc = w2.shape
    return pl.pallas_call(
        _final_body,
        grid=(n_pad // ROW_BLK,),
        in_specs=[
            pl.BlockSpec((ROW_BLK, dh), lambda i: (i, 0)),
            pl.BlockSpec((ROW_BLK, dh), lambda i: (i, 0)),
            pl.BlockSpec((ROW_BLK, dh), lambda i: (i, 0)),
            pl.BlockSpec((ROW_BLK, 16), lambda i: (i, 0)),
            pl.BlockSpec((8, dc), lambda i: (0, 0)),
            pl.BlockSpec((dh, dc), lambda i: (0, 0)),
        ],
        out_specs=pl.BlockSpec((ROW_BLK, dc), lambda i: (i, 0)),
        out_shape=jax.ShapeDtypeStruct((n_pad, dc), jnp.float32),
    )(accA, accB, u, dis, b2_2d, w2)


def kernel(x, edge_index, W1, b1, W2, b2):
    n, df = x.shape
    dh = W1.shape[1]
    dc = W2.shape[1]
    n_pad = -(-(n + 1) // ROW_BLK) * ROW_BLK

    src = edge_index[0].astype(jnp.int32)
    dst = edge_index[1].astype(jnp.int32)
    e = src.shape[0]
    step = N_SUBCORES * CPTP * EDGE_BLK
    e_pad = -(-e // step) * step
    if e_pad != e:
        fill = n + jnp.arange(e_pad - e, dtype=jnp.int32) % (n_pad - n)
        src = jnp.concatenate([src, fill])
        dst = jnp.concatenate([dst, fill])
    src2d = src.reshape(e_pad // EDGE_BLK, EDGE_BLK)
    dst2d = dst.reshape(e_pad // EDGE_BLK, EDGE_BLK)

    x_p = jnp.pad(x, ((0, n_pad - n), (0, 0)))

    dis = _make_degree(n_pad, e_pad)(dst).reshape(n_pad, 16)
    g1 = _tc_prep(dis, x_p, W1, n_pad)
    prop = _make_propagate(n_pad, dh, e_pad)
    acc1 = prop(g1, src2d, dst2d)
    u = _tc_mid(acc1[0], acc1[1], g1, dis, jnp.broadcast_to(b1, (8, dh)), n_pad)
    acc2 = prop(u, src2d, dst2d)
    out = _tc_final(acc2[0], acc2[1], u, dis, jnp.broadcast_to(b2, (8, dc)), W2, n_pad)
    return out[:n]

# --- scband reference (transcript-rebuilt; emitter-appended) ---
"""Pipeline reference for scband-lw-f-class-il-15985868276250 (READ-ONLY COPY).

The authoritative reference and input builder live on the scoring server;
editing this copy changes nothing except your own understanding.
"""

import jax, jax.numpy as jnp
import numpy as np

N_NODES = 10000
N_EDGES = 320000
D_FEAT = 128
D_HIDDEN = 128
N_CLASSES = 40


def gcn_conv(x, edge_index, W, b, n_nodes):
    # GCNConv with self-loops and symmetric normalization:
    # out = D^{-1/2} (A + I) D^{-1/2} (x W) + b
    src = edge_index[0]
    dst = edge_index[1]
    loop = jnp.arange(n_nodes, dtype=src.dtype)
    src = jnp.concatenate([src, loop])
    dst = jnp.concatenate([dst, loop])
    ones = jnp.ones(src.shape[0], dtype=x.dtype)
    deg = jax.ops.segment_sum(ones, dst, num_segments=n_nodes)
    deg_inv_sqrt = jnp.where(deg > 0, jax.lax.rsqrt(deg), 0.0)
    norm = deg_inv_sqrt[src] * deg_inv_sqrt[dst]
    h = x @ W  # [N, out]
    msg = h[src] * norm[:, None]
    out = jax.ops.segment_sum(msg, dst, num_segments=n_nodes)
    return out + b


def setup_inputs(seed: int = 0) -> dict:
    key = jax.random.key(seed)
    k1, k2, k3, k4, k5 = jax.random.split(key, 5)
    x = jax.random.normal(k1, (N_NODES, D_FEAT), dtype=jnp.float32)
    edge_index = jax.random.randint(k2, (2, N_EDGES), 0, N_NODES, dtype=jnp.int64)
    W1 = jax.random.normal(k3, (D_FEAT, D_HIDDEN), dtype=jnp.float32) * (1.0 / np.sqrt(D_FEAT))
    b1 = jnp.zeros((D_HIDDEN,), dtype=jnp.float32)
    W2 = jax.random.normal(k4, (D_HIDDEN, N_CLASSES), dtype=jnp.float32) * (1.0 / np.sqrt(D_HIDDEN))
    b2 = jnp.zeros((N_CLASSES,), dtype=jnp.float32)
    return {"x": x, "edge_index": edge_index, "W1": W1, "b1": b1, "W2": W2, "b2": b2}


def reference(x, edge_index, W1, b1, W2, b2):
    # backbone forward: 2-layer GCN (conv1 -> relu -> conv2), as used by
    # LwF_Class_IL via self.backbone(sub_g.x, sub_g.edge_index)
    h = gcn_conv(x, edge_index, W1, b1, N_NODES)
    h = jax.nn.relu(h)
    out = gcn_conv(h, edge_index, W2, b2, N_NODES)
    return out

if __name__ == "__main__":
    import jax
    _d = setup_inputs()
    print(jax.jit(kernel)(*tuple(_d.values())))

</pallas_src>

<mosaic_0001>
#map = affine_map<(d0, d1) -> (0)>
module attributes {stable_mosaic.version = 14 : i64} {
  func.func @deg_kernel(%arg0: i32, %arg1: i32, %arg2: memref<327680xi32, #tpu.memory_space<hbm>>, %arg3: memref<163840xf32, #tpu.memory_space<hbm>>, %arg4: memref<20480xi32, #tpu.memory_space<vmem>>, %arg5: memref<10240xf32, #tpu.memory_space<vmem>>, %arg6: memref<640xf32, #tpu.memory_space<vmem>>, %arg7: memref<10240xf32, #tpu.memory_space<vmem>>, %arg8: memref<16x10240xf32, #tpu.memory_space<vmem_shared>>) attributes {dimension_semantics = [#tpu.dimension_semantics<core_parallel>, #tpu.dimension_semantics<subcore_parallel>], iteration_bounds = array<i64: 2, 16>, scalar_prefetch = 0 : i64, scratch_operands = 5 : i64, tpu.core_type = #tpu.core_type<sc_vector_subcore>, window_params = [{transform_indices = #map}, {transform_indices = #map}]} {
    %broadcast_in_dim3A = arith.constant 0.000000e+00 : f32
    %broadcast_in_dim3A_0 = vector.broadcast %broadcast_in_dim3A : f32 to vector<16xf32>
    %broadcast_in_dim3A_1 = arith.constant 1.000000e+00 : f32
    %broadcast_in_dim3A_2 = vector.broadcast %broadcast_in_dim3A_1 : f32 to vector<16xf32>
    %scan3A = arith.constant 0 : i32
    %scan3A_3 = arith.constant 0 : i32
    %scan3A_4 = arith.constant 640 : i32
    %scan3A_5 = arith.addi %scan3A_3, %scan3A_4 : i32
    %scan3A_6 = arith.constant 1 : i32
    scf.for %scan3A_150 = %scan3A_3 to %scan3A_5 step %scan3A_6  : i32 {
      %mul3A_151 = arith.constant 16 : i32
      %mul3A_152 = arith.muli %scan3A_150, %mul3A_151 : i32
      %swap3A = arith.index_cast %mul3A_152 : i32 to index
      %swap3A_153 = tpu.vector_load %arg5[%swap3A] {strides = array<i32>} : memref<10240xf32, #tpu.memory_space<vmem>>, vector<16xf32>,
      tpu.vector_store %arg5[%swap3A], %broadcast_in_dim3A_0 {strides = array<i32>} : memref<10240xf32, #tpu.memory_space<vmem>>, vector<16xf32>,
    }
    %scan3A_7 = arith.constant 640 : i32
    %mul3A = arith.constant 160 : i32
    %mul3A_8 = arith.muli %arg1, %mul3A : i32
    %mul3A_9 = arith.constant 128 : i32
    %mul3A_10 = arith.muli %mul3A_8, %mul3A_9 : i32
    "tpu.region"() ({
      %run_scoped3A_150 = tpu.sem_alloc : memref<!tpu.dma_semaphore, #tpu.memory_space<semaphore_mem>>
      %dma_start3A = tpu.memref_slice %arg2[%mul3A_10] : memref<327680xi32, #tpu.memory_space<hbm>> -> memref<20480xi32, #tpu.memory_space<hbm>>
      %dma_start3A_151 = tpu.memref_slice %arg2[%mul3A_10] : memref<327680xi32, #tpu.memory_space<hbm>> -> memref<20480xi32, #tpu.memory_space<hbm>>
      tpu.enqueue_dma source(%dma_start3A_151 : memref<20480xi32, #tpu.memory_space<hbm>>) target(%arg4 : memref<20480xi32, #tpu.memory_space<vmem>>) target_semaphore(%run_scoped3A_150 : memref<!tpu.dma_semaphore, #tpu.memory_space<semaphore_mem>>)
      %dma_wait3A = tpu.memref_slice %arg2[%mul3A_10] : memref<327680xi32, #tpu.memory_space<hbm>> -> memref<20480xi32, #tpu.memory_space<hbm>>
      %dma_wait3A_152 = tpu.memref_slice %arg2[%mul3A_10] : memref<327680xi32, #tpu.memory_space<hbm>> -> memref<20480xi32, #tpu.memory_space<hbm>>
      tpu.wait_dma2 semaphore(%run_scoped3A_150 : memref<!tpu.dma_semaphore, #tpu.memory_space<semaphore_mem>>) src(%dma_wait3A_152 : memref<20480xi32, #tpu.memory_space<hbm>>) dst(%arg4 : memref<20480xi32, #tpu.memory_space<vmem>>)
      tpu.yield
    }) : () -> ()
    %scan3A_11 = arith.constant 0 : i32
    %scan3A_12 = arith.constant 0 : i32
    %scan3A_13 = arith.constant 160 : i32
    %scan3A_14 = arith.addi %scan3A_12, %scan3A_13 : i32
    %scan3A_15 = arith.constant 1 : i32
    scf.for %scan3A_150 = %scan3A_12 to %scan3A_14 step %scan3A_15  : i32 {
      %mul3A_151 = arith.constant 128 : i32
      %mul3A_152 = arith.muli %scan3A_150, %mul3A_151 : i32
      %add3A = arith.constant 0 : i32
      %add3A_153 = arith.addi %mul3A_152, %add3A : i32
      %get3A = arith.index_cast %add3A_153 : i32 to index
      %get3A_154 = tpu.vector_load %arg4[%get3A] {strides = array<i32>} : memref<20480xi32, #tpu.memory_space<vmem>>, vector<16xi32>,
      tpu.vector_store_idx %arg5[%get3A_154], %broadcast_in_dim3A_2 {add = true} : memref<10240xf32, #tpu.memory_space<vmem>>[vector<16xi32>], vector<16xf32>,
      %add3A_155 = arith.constant 16 : i32
      %add3A_156 = arith.addi %mul3A_152, %add3A_155 : i32
      %get3A_157 = arith.index_cast %add3A_156 : i32 to index
      %get3A_158 = tpu.vector_load %arg4[%get3A_157] {strides = array<i32>} : memref<20480xi32, #tpu.memory_space<vmem>>, vector<16xi32>,
      tpu.vector_store_idx %arg5[%get3A_158], %broadcast_in_dim3A_2 {add = true} : memref<10240xf32, #tpu.memory_space<vmem>>[vector<16xi32>], vector<16xf32>,
      %add3A_159 = arith.constant 32 : i32
      %add3A_160 = arith.addi %mul3A_152, %add3A_159 : i32
      %get3A_161 = arith.index_cast %add3A_160 : i32 to index
      %get3A_162 = tpu.vector_load %arg4[%get3A_161] {strides = array<i32>} : memref<20480xi32, #tpu.memory_space<vmem>>, vector<16xi32>,
      tpu.vector_store_idx %arg5[%get3A_162], %broadcast_in_dim3A_2 {add = true} : memref<10240xf32, #tpu.memory_space<vmem>>[vector<16xi32>], vector<16xf32>,
      %add3A_163 = arith.constant 48 : i32
      %add3A_164 = arith.addi %mul3A_152, %add3A_163 : i32
      %get3A_165 = arith.index_cast %add3A_164 : i32 to index
      %get3A_166 = tpu.vector_load %arg4[%get3A_165] {strides = array<i32>} : memref<20480xi32, #tpu.memory_space<vmem>>, vector<16xi32>,
      tpu.vector_store_idx %arg5[%get3A_166], %broadcast_in_dim3A_2 {add = true} : memref<10240xf32, #tpu.memory_space<vmem>>[vector<16xi32>], vector<16xf32>,
      %add3A_167 = arith.constant 64 : i32
      %add3A_168 = arith.addi %mul3A_152, %add3A_167 : i32
      %get3A_169 = arith.index_cast %add3A_168 : i32 to index
      %get3A_170 = tpu.vector_load %arg4[%get3A_169] {strides = array<i32>} : memref<20480xi32, #tpu.memory_space<vmem>>, vector<16xi32>,
      tpu.vector_store_idx %arg5[%get3A_170], %broadcast_in_dim3A_2 {add = true} : memref<10240xf32, #tpu.memory_space<vmem>>[vector<16xi32>], vector<16xf32>,
      %add3A_171 = arith.constant 80 : i32
      %add3A_172 = arith.addi %mul3A_152, %add3A_171 : i32
      %get3A_173 = arith.index_cast %add3A_172 : i32 to index
      %get3A_174 = tpu.vector_load %arg4[%get3A_173] {strides = array<i32>} : memref<20480xi32, #tpu.memory_space<vmem>>, vector<16xi32>,
      tpu.vector_store_idx %arg5[%get3A_174], %broadcast_in_dim3A_2 {add = true} : memref<10240xf32, #tpu.memory_space<vmem>>[vector<16xi32>], vector<16xf32>,
      %add3A_175 = arith.constant 96 : i32
      %add3A_176 = arith.addi %mul3A_152, %add3A_175 : i32
      %get3A_177 = arith.index_cast %add3A_176 : i32 to index
      %get3A_178 = tpu.vector_load %arg4[%get3A_177] {strides = array<i32>} : memref<20480xi32, #tpu.memory_space<vmem>>, vector<16xi32>,
      tpu.vector_store_idx %arg5[%get3A_178], %broadcast_in_dim3A_2 {add = true} : memref<10240xf32, #tpu.memory_space<vmem>>[vector<16xi32>], vector<16xf32>,
      %add3A_179 = arith.constant 112 : i32
      %add3A_180 = arith.addi %mul3A_152, %add3A_179 : i32
      %get3A_181 = arith.index_cast %add3A_180 : i32 to index
      %get3A_182 = tpu.vector_load %arg4[%get3A_181] {strides = array<i32>} : memref<20480xi32, #tpu.memory_space<vmem>>, vector<16xi32>,
      tpu.vector_store_idx %arg5[%get3A_182], %broadcast_in_dim3A_2 {add = true} : memref<10240xf32, #tpu.memory_space<vmem>>[vector<16xi32>], vector<16xf32>,
    }
    %scan3A_16 = arith.constant 160 : i32
    "tpu.region"() ({
      %run_scoped3A_150 = tpu.sem_alloc : memref<!tpu.dma_semaphore, #tpu.memory_space<semaphore_mem>>
      %dma_start3A = arith.constant 0 : i32
      %dma_start3A_151 = tpu.memref_slice %arg8[%arg1, %dma_start3A] : memref<16x10240xf32, #tpu.memory_space<vmem_shared>> -> memref<1x10240xf32, #tpu.memory_space<vmem_shared>>
      %dma_start3A_152 = tpu.memref_squeeze %dma_start3A_151 : memref<1x10240xf32, #tpu.memory_space<vmem_shared>> -> memref<10240xf32, #tpu.memory_space<vmem_shared>>
      %dma_start3A_153 = arith.constant 0 : i32
      %dma_start3A_154 = tpu.memref_slice %arg8[%arg1, %dma_start3A_153] : memref<16x10240xf32, #tpu.memory_space<vmem_shared>> -> memref<1x10240xf32, #tpu.memory_space<vmem_shared>>
      %dma_start3A_155 = tpu.memref_squeeze %dma_start3A_154 : memref<1x10240xf32, #tpu.memory_space<vmem_shared>> -> memref<10240xf32, #tpu.memory_space<vmem_shared>>
      tpu.enqueue_dma source(%arg5 : memref<10240xf32, #tpu.memory_space<vmem>>) target(%dma_start3A_155 : memref<10240xf32, #tpu.memory_space<vmem_shared>>) target_semaphore(%run_scoped3A_150 : memref<!tpu.dma_semaphore, #tpu.memory_space<semaphore_mem>>)
      %dma_wait3A = arith.constant 0 : i32
      %dma_wait3A_156 = tpu.memref_slice %arg8[%arg1, %dma_wait3A] : memref<16x10240xf32, #tpu.memory_space<vmem_shared>> -> memref<1x10240xf32, #tpu.memory_space<vmem_shared>>
      %dma_wait3A_157 = tpu.memref_squeeze %dma_wait3A_156 : memref<1x10240xf32, #tpu.memory_space<vmem_shared>> -> memref<10240xf32, #tpu.memory_space<vmem_shared>>
      %dma_wait3A_158 = arith.constant 0 : i32
      %dma_wait3A_159 = tpu.memref_slice %arg8[%arg1, %dma_wait3A_158] : memref<16x10240xf32, #tpu.memory_space<vmem_shared>> -> memref<1x10240xf32, #tpu.memory_space<vmem_shared>>
      %dma_wait3A_160 = tpu.memref_squeeze %dma_wait3A_159 : memref<1x10240xf32, #tpu.memory_space<vmem_shared>> -> memref<10240xf32, #tpu.memory_space<vmem_shared>>
      tpu.wait_dma2 semaphore(%run_scoped3A_150 : memref<!tpu.dma_semaphore, #tpu.memory_space<semaphore_mem>>) src(%arg5 : memref<10240xf32, #tpu.memory_space<vmem>>) dst(%dma_wait3A_160 : memref<10240xf32, #tpu.memory_space<vmem_shared>>)
      tpu.yield
    }) : () -> ()
    %barrier3A = arith.constant 0 : index
    tpu.barrier barrier_id(%barrier3A)
    %mul3A_17 = arith.constant 640 : i32
    %mul3A_18 = arith.muli %arg1, %mul3A_17 : i32
    %scan3A_19 = arith.constant 0 : i32
    %scan3A_20 = arith.constant 0 : i32
    %scan3A_21 = arith.constant 40 : i32
    %scan3A_22 = arith.addi %scan3A_20, %scan3A_21 : i32
    %scan3A_23 = arith.constant 1 : i32
    scf.for %scan3A_150 = %scan3A_20 to %scan3A_22 step %scan3A_23  : i32 {
      %mul3A_151 = arith.constant 16 : i32
      %mul3A_152 = arith.muli %scan3A_150, %mul3A_151 : i32
      %swap3A = arith.index_cast %mul3A_152 : i32 to index
      %swap3A_153 = tpu.vector_load %arg6[%swap3A] {strides = array<i32>} : memref<640xf32, #tpu.memory_space<vmem>>, vector<16xf32>,
      tpu.vector_store %arg6[%swap3A], %broadcast_in_dim3A_0 {strides = array<i32>} : memref<640xf32, #tpu.memory_space<vmem>>, vector<16xf32>,
    }
    %scan3A_24 = arith.constant 40 : i32
    %run_scoped3A = arith.constant 0 : i32
    "tpu.region"() ({
      %run_scoped3A_150 = tpu.sem_alloc : memref<!tpu.dma_semaphore, #tpu.memory_space<semaphore_mem>>
      %dma_start3A = arith.constant 0 : i32
      %dma_start3A_151 = tpu.memref_slice %arg5[%dma_start3A] : memref<10240xf32, #tpu.memory_space<vmem>> -> memref<640xf32, #tpu.memory_space<vmem>>
      %dma_start3A_152 = tpu.memref_slice %arg8[%run_scoped3A, %mul3A_18] : memref<16x10240xf32, #tpu.memory_space<vmem_shared>> -> memref<1x640xf32, #tpu.memory_space<vmem_shared>>
      %dma_start3A_153 = tpu.memref_squeeze %dma_start3A_152 : memref<1x640xf32, #tpu.memory_space<vmem_shared>> -> memref<640xf32, #tpu.memory_space<vmem_shared>>
      %dma_start3A_154 = arith.constant 0 : i32
      %dma_start3A_155 = tpu.memref_slice %arg5[%dma_start3A_154] : memref<10240xf32, #tpu.memory_space<vmem>> -> memref<640xf32, #tpu.memory_space<vmem>>
      %dma_start3A_156 = tpu.memref_slice %arg8[%run_scoped3A, %mul3A_18] : memref<16x10240xf32, #tpu.memory_space<vmem_shared>> -> memref<1x640xf32, #tpu.memory_space<vmem_shared>>
      %dma_start3A_157 = tpu.memref_squeeze %dma_start3A_156 : memref<1x640xf32, #tpu.memory_space<vmem_shared>> -> memref<640xf32, #tpu.memory_space<vmem_shared>>
      tpu.enqueue_dma source(%dma_start3A_157 : memref<640xf32, #tpu.memory_space<vmem_shared>>) target(%dma_start3A_155 : memref<640xf32, #tpu.memory_space<vmem>>) target_semaphore(%run_scoped3A_150 : memref<!tpu.dma_semaphore, #tpu.memory_space<semaphore_mem>>)
      %dma_wait3A = arith.constant 0 : i32
      %dma_wait3A_158 = tpu.memref_slice %arg5[%dma_wait3A] : memref<10240xf32, #tpu.memory_space<vmem>> -> memref<640xf32, #tpu.memory_space<vmem>>
      %dma_wait3A_159 = tpu.memref_slice %arg8[%run_scoped3A, %mul3A_18] : memref<16x10240xf32, #tpu.memory_space<vmem_shared>> -> memref<1x640xf32, #tpu.memory_space<vmem_shared>>
      %dma_wait3A_160 = tpu.memref_squeeze %dma_wait3A_159 : memref<1x640xf32, #tpu.memory_space<vmem_shared>> -> memref<640xf32, #tpu.memory_space<vmem_shared>>
      %dma_wait3A_161 = arith.constant 0 : i32
      %dma_wait3A_162 = tpu.memref_slice %arg5[%dma_wait3A_161] : memref<10240xf32, #tpu.memory_space<vmem>> -> memref<640xf32, #tpu.memory_space<vmem>>
      %dma_wait3A_163 = tpu.memref_slice %arg8[%run_scoped3A, %mul3A_18] : memref<16x10240xf32, #tpu.memory_space<vmem_shared>> -> memref<1x640xf32, #tpu.memory_space<vmem_shared>>
      %dma_wait3A_164 = tpu.memref_squeeze %dma_wait3A_163 : memref<1x640xf32, #tpu.memory_space<vmem_shared>> -> memref<640xf32, #tpu.memory_space<vmem_shared>>
      tpu.wait_dma2 semaphore(%run_scoped3A_150 : memref<!tpu.dma_semaphore, #tpu.memory_space<semaphore_mem>>) src(%dma_wait3A_164 : memref<640xf32, #tpu.memory_space<vmem_shared>>) dst(%dma_wait3A_162 : memref<640xf32, #tpu.memory_space<vmem>>)
      tpu.yield
    }) : () -> ()
    %scan3A_25 = arith.constant 0 : i32
    %scan3A_26 = arith.constant 0 : i32
    %scan3A_27 = arith.constant 40 : i32
    %scan3A_28 = arith.addi %scan3A_26, %scan3A_27 : i32
    %scan3A_29 = arith.constant 1 : i32
    scf.for %scan3A_150 = %scan3A_26 to %scan3A_28 step %scan3A_29  : i32 {
      %mul3A_151 = arith.constant 16 : i32
      %mul3A_152 = arith.muli %scan3A_150, %mul3A_151 : i32
      %get3A = arith.index_cast %mul3A_152 : i32 to index
      %get3A_153 = tpu.vector_load %arg6[%get3A] {strides = array<i32>} : memref<640xf32, #tpu.memory_space<vmem>>, vector<16xf32>,
      %mul3A_154 = arith.constant 16 : i32
      %mul3A_155 = arith.muli %scan3A_150, %mul3A_154 : i32
      %get3A_156 = arith.index_cast %mul3A_155 : i32 to index
      %get3A_157 = tpu.vector_load %arg5[%get3A_156] {strides = array<i32>} : memref<10240xf32, #tpu.memory_space<vmem>>, vector<16xf32>,
      %add3A = arith.addf %get3A_153, %get3A_157 : vector<16xf32>
      %mul3A_158 = arith.constant 16 : i32
      %mul3A_159 = arith.muli %scan3A_150, %mul3A_158 : i32
      %swap3A = arith.index_cast %mul3A_159 : i32 to index
      %swap3A_160 = tpu.vector_load %arg6[%swap3A] {strides = array<i32>} : memref<640xf32, #tpu.memory_space<vmem>>, vector<16xf32>,
      tpu.vector_store %arg6[%swap3A], %add3A {strides = array<i32>} : memref<640xf32, #tpu.memory_space<vmem>>, vector<16xf32>,
    }
    %scan3A_30 = arith.constant 40 : i32
    %run_scoped3A_31 = arith.constant 1 : i32
    "tpu.region"() ({
      %run_scoped3A_150 = tpu.sem_alloc : memref<!tpu.dma_semaphore, #tpu.memory_space<semaphore_mem>>
      %dma_start3A = arith.constant 0 : i32
      %dma_start3A_151 = tpu.memref_slice %arg5[%dma_start3A] : memref<10240xf32, #tpu.memory_space<vmem>> -> memref<640xf32, #tpu.memory_space<vmem>>
      %dma_start3A_152 = tpu.memref_slice %arg8[%run_scoped3A_31, %mul3A_18] : memref<16x10240xf32, #tpu.memory_space<vmem_shared>> -> memref<1x640xf32, #tpu.memory_space<vmem_shared>>
      %dma_start3A_153 = tpu.memref_squeeze %dma_start3A_152 : memref<1x640xf32, #tpu.memory_space<vmem_shared>> -> memref<640xf32, #tpu.memory_space<vmem_shared>>
      %dma_start3A_154 = arith.constant 0 : i32
      %dma_start3A_155 = tpu.memref_slice %arg5[%dma_start3A_154] : memref<10240xf32, #tpu.memory_space<vmem>> -> memref<640xf32, #tpu.memory_space<vmem>>
      %dma_start3A_156 = tpu.memref_slice %arg8[%run_scoped3A_31, %mul3A_18] : memref<16x10240xf32, #tpu.memory_space<vmem_shared>> -> memref<1x640xf32, #tpu.memory_space<vmem_shared>>
      %dma_start3A_157 = tpu.memref_squeeze %dma_start3A_156 : memref<1x640xf32, #tpu.memory_space<vmem_shared>> -> memref<640xf32, #tpu.memory_space<vmem_shared>>
      tpu.enqueue_dma source(%dma_start3A_157 : memref<640xf32, #tpu.memory_space<vmem_shared>>) target(%dma_start3A_155 : memref<640xf32, #tpu.memory_space<vmem>>) target_semaphore(%run_scoped3A_150 : memref<!tpu.dma_semaphore, #tpu.memory_space<semaphore_mem>>)
      %dma_wait3A = arith.constant 0 : i32
      %dma_wait3A_158 = tpu.memref_slice %arg5[%dma_wait3A] : memref<10240xf32, #tpu.memory_space<vmem>> -> memref<640xf32, #tpu.memory_space<vmem>>
      %dma_wait3A_159 = tpu.memref_slice %arg8[%run_scoped3A_31, %mul3A_18] : memref<16x10240xf32, #tpu.memory_space<vmem_shared>> -> memref<1x640xf32, #tpu.memory_space<vmem_shared>>
      %dma_wait3A_160 = tpu.memref_squeeze %dma_wait3A_159 : memref<1x640xf32, #tpu.memory_space<vmem_shared>> -> memref<640xf32, #tpu.memory_space<vmem_shared>>
      %dma_wait3A_161 = arith.constant 0 : i32
      %dma_wait3A_162 = tpu.memref_slice %arg5[%dma_wait3A_161] : memref<10240xf32, #tpu.memory_space<vmem>> -> memref<640xf32, #tpu.memory_space<vmem>>
      %dma_wait3A_163 = tpu.memref_slice %arg8[%run_scoped3A_31, %mul3A_18] : memref<16x10240xf32, #tpu.memory_space<vmem_shared>> -> memref<1x640xf32, #tpu.memory_space<vmem_shared>>
      %dma_wait3A_164 = tpu.memref_squeeze %dma_wait3A_163 : memref<1x640xf32, #tpu.memory_space<vmem_shared>> -> memref<640xf32, #tpu.memory_space<vmem_shared>>
      tpu.wait_dma2 semaphore(%run_scoped3A_150 : memref<!tpu.dma_semaphore, #tpu.memory_space<semaphore_mem>>) src(%dma_wait3A_164 : memref<640xf32, #tpu.memory_space<vmem_shared>>) dst(%dma_wait3A_162 : memref<640xf32, #tpu.memory_space<vmem>>)
      tpu.yield
    }) : () -> ()
    %scan3A_32 = arith.constant 0 : i32
    %scan3A_33 = arith.constant 0 : i32
    %scan3A_34 = arith.constant 40 : i32
    %scan3A_35 = arith.addi %scan3A_33, %scan3A_34 : i32
    %scan3A_36 = arith.constant 1 : i32
    scf.for %scan3A_150 = %scan3A_33 to %scan3A_35 step %scan3A_36  : i32 {
      %mul3A_151 = arith.constant 16 : i32
      %mul3A_152 = arith.muli %scan3A_150, %mul3A_151 : i32
      %get3A = arith.index_cast %mul3A_152 : i32 to index
      %get3A_153 = tpu.vector_load %arg6[%get3A] {strides = array<i32>} : memref<640xf32, #tpu.memory_space<vmem>>, vector<16xf32>,
      %mul3A_154 = arith.constant 16 : i32
      %mul3A_155 = arith.muli %scan3A_150, %mul3A_154 : i32
      %get3A_156 = arith.index_cast %mul3A_155 : i32 to index
      %get3A_157 = tpu.vector_load %arg5[%get3A_156] {strides = array<i32>} : memref<10240xf32, #tpu.memory_space<vmem>>, vector<16xf32>,
      %add3A = arith.addf %get3A_153, %get3A_157 : vector<16xf32>
      %mul3A_158 = arith.constant 16 : i32
      %mul3A_159 = arith.muli %scan3A_150, %mul3A_158 : i32
      %swap3A = arith.index_cast %mul3A_159 : i32 to index
      %swap3A_160 = tpu.vector_load %arg6[%swap3A] {strides = array<i32>} : memref<640xf32, #tpu.memory_space<vmem>>, vector<16xf32>,
      tpu.vector_store %arg6[%swap3A], %add3A {strides = array<i32>} : memref<640xf32, #tpu.memory_space<vmem>>, vector<16xf32>,
    }
    %scan3A_37 = arith.constant 40 : i32
    %run_scoped3A_38 = arith.constant 2 : i32
    "tpu.region"() ({
      %run_scoped3A_150 = tpu.sem_alloc : memref<!tpu.dma_semaphore, #tpu.memory_space<semaphore_mem>>
      %dma_start3A = arith.constant 0 : i32
      %dma_start3A_151 = tpu.memref_slice %arg5[%dma_start3A] : memref<10240xf32, #tpu.memory_space<vmem>> -> memref<640xf32, #tpu.memory_space<vmem>>
      %dma_start3A_152 = tpu.memref_slice %arg8[%run_scoped3A_38, %mul3A_18] : memref<16x10240xf32, #tpu.memory_space<vmem_shared>> -> memref<1x640xf32, #tpu.memory_space<vmem_shared>>
      %dma_start3A_153 = tpu.memref_squeeze %dma_start3A_152 : memref<1x640xf32, #tpu.memory_space<vmem_shared>> -> memref<640xf32, #tpu.memory_space<vmem_shared>>
      %dma_start3A_154 = arith.constant 0 : i32
      %dma_start3A_155 = tpu.memref_slice %arg5[%dma_start3A_154] : memref<10240xf32, #tpu.memory_space<vmem>> -> memref<640xf32, #tpu.memory_space<vmem>>
      %dma_start3A_156 = tpu.memref_slice %arg8[%run_scoped3A_38, %mul3A_18] : memref<16x10240xf32, #tpu.memory_space<vmem_shared>> -> memref<1x640xf32, #tpu.memory_space<vmem_shared>>
      %dma_start3A_157 = tpu.memref_squeeze %dma_start3A_156 : memref<1x640xf32, #tpu.memory_space<vmem_shared>> -> memref<640xf32, #tpu.memory_space<vmem_shared>>
      tpu.enqueue_dma source(%dma_start3A_157 : memref<640xf32, #tpu.memory_space<vmem_shared>>) target(%dma_start3A_155 : memref<640xf32, #tpu.memory_space<vmem>>) target_semaphore(%run_scoped3A_150 : memref<!tpu.dma_semaphore, #tpu.memory_space<semaphore_mem>>)
      %dma_wait3A = arith.constant 0 : i32
      %dma_wait3A_158 = tpu.memref_slice %arg5[%dma_wait3A] : memref<10240xf32, #tpu.memory_space<vmem>> -> memref<640xf32, #tpu.memory_space<vmem>>
      %dma_wait3A_159 = tpu.memref_slice %arg8[%run_scoped3A_38, %mul3A_18] : memref<16x10240xf32, #tpu.memory_space<vmem_shared>> -> memref<1x640xf32, #tpu.memory_space<vmem_shared>>
      %dma_wait3A_160 = tpu.memref_squeeze %dma_wait3A_159 : memref<1x640xf32, #tpu.memory_space<vmem_shared>> -> memref<640xf32, #tpu.memory_space<vmem_shared>>
      %dma_wait3A_161 = arith.constant 0 : i32
      %dma_wait3A_162 = tpu.memref_slice %arg5[%dma_wait3A_161] : memref<10240xf32, #tpu.memory_space<vmem>> -> memref<640xf32, #tpu.memory_space<vmem>>
      %dma_wait3A_163 = tpu.memref_slice %arg8[%run_scoped3A_38, %mul3A_18] : memref<16x10240xf32, #tpu.memory_space<vmem_shared>> -> memref<1x640xf32, #tpu.memory_space<vmem_shared>>
      %dma_wait3A_164 = tpu.memref_squeeze %dma_wait3A_163 : memref<1x640xf32, #tpu.memory_space<vmem_shared>> -> memref<640xf32, #tpu.memory_space<vmem_shared>>
      tpu.wait_dma2 semaphore(%run_scoped3A_150 : memref<!tpu.dma_semaphore, #tpu.memory_space<semaphore_mem>>) src(%dma_wait3A_164 : memref<640xf32, #tpu.memory_space<vmem_shared>>) dst(%dma_wait3A_162 : memref<640xf32, #tpu.memory_space<vmem>>)
      tpu.yield
    }) : () -> ()
    %scan3A_39 = arith.constant 0 : i32
    %scan3A_40 = arith.constant 0 : i32
    %scan3A_41 = arith.constant 40 : i32
    %scan3A_42 = arith.addi %scan3A_40, %scan3A_41 : i32
    %scan3A_43 = arith.constant 1 : i32
    scf.for %scan3A_150 = %scan3A_40 to %scan3A_42 step %scan3A_43  : i32 {
      %mul3A_151 = arith.constant 16 : i32
      %mul3A_152 = arith.muli %scan3A_150, %mul3A_151 : i32
      %get3A = arith.index_cast %mul3A_152 : i32 to index
      %get3A_153 = tpu.vector_load %arg6[%get3A] {strides = array<i32>} : memref<640xf32, #tpu.memory_space<vmem>>, vector<16xf32>,
      %mul3A_154 = arith.constant 16 : i32
      %mul3A_155 = arith.muli %scan3A_150, %mul3A_154 : i32
      %get3A_156 = arith.index_cast %mul3A_155 : i32 to index
      %get3A_157 = tpu.vector_load %arg5[%get3A_156] {strides = array<i32>} : memref<10240xf32, #tpu.memory_space<vmem>>, vector<16xf32>,
      %add3A = arith.addf %get3A_153, %get3A_157 : vector<16xf32>
      %mul3A_158 = arith.constant 16 : i32
      %mul3A_159 = arith.muli %scan3A_150, %mul3A_158 : i32
      %swap3A = arith.index_cast %mul3A_159 : i32 to index
      %swap3A_160 = tpu.vector_load %arg6[%swap3A] {strides = array<i32>} : memref<640xf32, #tpu.memory_space<vmem>>, vector<16xf32>,
      tpu.vector_store %arg6[%swap3A], %add3A {strides = array<i32>} : memref<640xf32, #tpu.memory_space<vmem>>, vector<16xf32>,
    }
    %scan3A_44 = arith.constant 40 : i32
    %run_scoped3A_45 = arith.constant 3 : i32
    "tpu.region"() ({
      %run_scoped3A_150 = tpu.sem_alloc : memref<!tpu.dma_semaphore, #tpu.memory_space<semaphore_mem>>
      %dma_start3A = arith.constant 0 : i32
      %dma_start3A_151 = tpu.memref_slice %arg5[%dma_start3A] : memref<10240xf32, #tpu.memory_space<vmem>> -> memref<640xf32, #tpu.memory_space<vmem>>
      %dma_start3A_152 = tpu.memref_slice %arg8[%run_scoped3A_45, %mul3A_18] : memref<16x10240xf32, #tpu.memory_space<vmem_shared>> -> memref<1x640xf32, #tpu.memory_space<vmem_shared>>
      %dma_start3A_153 = tpu.memref_squeeze %dma_start3A_152 : memref<1x640xf32, #tpu.memory_space<vmem_shared>> -> memref<640xf32, #tpu.memory_space<vmem_shared>>
      %dma_start3A_154 = arith.constant 0 : i32
      %dma_start3A_155 = tpu.memref_slice %arg5[%dma_start3A_154] : memref<10240xf32, #tpu.memory_space<vmem>> -> memref<640xf32, #tpu.memory_space<vmem>>
      %dma_start3A_156 = tpu.memref_slice %arg8[%run_scoped3A_45, %mul3A_18] : memref<16x10240xf32, #tpu.memory_space<vmem_shared>> -> memref<1x640xf32, #tpu.memory_space<vmem_shared>>
      %dma_start3A_157 = tpu.memref_squeeze %dma_start3A_156 : memref<1x640xf32, #tpu.memory_space<vmem_shared>> -> memref<640xf32, #tpu.memory_space<vmem_shared>>
      tpu.enqueue_dma source(%dma_start3A_157 : memref<640xf32, #tpu.memory_space<vmem_shared>>) target(%dma_start3A_155 : memref<640xf32, #tpu.memory_space<vmem>>) target_semaphore(%run_scoped3A_150 : memref<!tpu.dma_semaphore, #tpu.memory_space<semaphore_mem>>)
      %dma_wait3A = arith.constant 0 : i32
      %dma_wait3A_158 = tpu.memref_slice %arg5[%dma_wait3A] : memref<10240xf32, #tpu.memory_space<vmem>> -> memref<640xf32, #tpu.memory_space<vmem>>
      %dma_wait3A_159 = tpu.memref_slice %arg8[%run_scoped3A_45, %mul3A_18] : memref<16x10240xf32, #tpu.memory_space<vmem_shared>> -> memref<1x640xf32, #tpu.memory_space<vmem_shared>>
      %dma_wait3A_160 = tpu.memref_squeeze %dma_wait3A_159 : memref<1x640xf32, #tpu.memory_space<vmem_shared>> -> memref<640xf32, #tpu.memory_space<vmem_shared>>
      %dma_wait3A_161 = arith.constant 0 : i32
      %dma_wait3A_162 = tpu.memref_slice %arg5[%dma_wait3A_161] : memref<10240xf32, #tpu.memory_space<vmem>> -> memref<640xf32, #tpu.memory_space<vmem>>
      %dma_wait3A_163 = tpu.memref_slice %arg8[%run_scoped3A_45, %mul3A_18] : memref<16x10240xf32, #tpu.memory_space<vmem_shared>> -> memref<1x640xf32, #tpu.memory_space<vmem_shared>>
      %dma_wait3A_164 = tpu.memref_squeeze %dma_wait3A_163 : memref<1x640xf32, #tpu.memory_space<vmem_shared>> -> memref<640xf32, #tpu.memory_space<vmem_shared>>
      tpu.wait_dma2 semaphore(%run_scoped3A_150 : memref<!tpu.dma_semaphore, #tpu.memory_space<semaphore_mem>>) src(%dma_wait3A_164 : memref<640xf32, #tpu.memory_space<vmem_shared>>) dst(%dma_wait3A_162 : memref<640xf32, #tpu.memory_space<vmem>>)
      tpu.yield
    }) : () -> ()
    %scan3A_46 = arith.constant 0 : i32
    %scan3A_47 = arith.constant 0 : i32
    %scan3A_48 = arith.constant 40 : i32
    %scan3A_49 = arith.addi %scan3A_47, %scan3A_48 : i32
    %scan3A_50 = arith.constant 1 : i32
    scf.for %scan3A_150 = %scan3A_47 to %scan3A_49 step %scan3A_50  : i32 {
      %mul3A_151 = arith.constant 16 : i32
      %mul3A_152 = arith.muli %scan3A_150, %mul3A_151 : i32
      %get3A = arith.index_cast %mul3A_152 : i32 to index
      %get3A_153 = tpu.vector_load %arg6[%get3A] {strides = array<i32>} : memref<640xf32, #tpu.memory_space<vmem>>, vector<16xf32>,
      %mul3A_154 = arith.constant 16 : i32
      %mul3A_155 = arith.muli %scan3A_150, %mul3A_154 : i32
      %get3A_156 = arith.index_cast %mul3A_155 : i32 to index
      %get3A_157 = tpu.vector_load %arg5[%get3A_156] {strides = array<i32>} : memref<10240xf32, #tpu.memory_space<vmem>>, vector<16xf32>,
      %add3A = arith.addf %get3A_153, %get3A_157 : vector<16xf32>
      %mul3A_158 = arith.constant 16 : i32
      %mul3A_159 = arith.muli %scan3A_150, %mul3A_158 : i32
      %swap3A = arith.index_cast %mul3A_159 : i32 to index
      %swap3A_160 = tpu.vector_load %arg6[%swap3A] {strides = array<i32>} : memref<640xf32, #tpu.memory_space<vmem>>, vector<16xf32>,
      tpu.vector_store %arg6[%swap3A], %add3A {strides = array<i32>} : memref<640xf32, #tpu.memory_space<vmem>>, vector<16xf32>,
    }
    %scan3A_51 = arith.constant 40 : i32
    %run_scoped3A_52 = arith.constant 4 : i32
    "tpu.region"() ({
      %run_scoped3A_150 = tpu.sem_alloc : memref<!tpu.dma_semaphore, #tpu.memory_space<semaphore_mem>>
      %dma_start3A = arith.constant 0 : i32
      %dma_start3A_151 = tpu.memref_slice %arg5[%dma_start3A] : memref<10240xf32, #tpu.memory_space<vmem>> -> memref<640xf32, #tpu.memory_space<vmem>>
      %dma_start3A_152 = tpu.memref_slice %arg8[%run_scoped3A_52, %mul3A_18] : memref<16x10240xf32, #tpu.memory_space<vmem_shared>> -> memref<1x640xf32, #tpu.memory_space<vmem_shared>>
      %dma_start3A_153 = tpu.memref_squeeze %dma_start3A_152 : memref<1x640xf32, #tpu.memory_space<vmem_shared>> -> memref<640xf32, #tpu.memory_space<vmem_shared>>
      %dma_start3A_154 = arith.constant 0 : i32
      %dma_start3A_155 = tpu.memref_slice %arg5[%dma_start3A_154] : memref<10240xf32, #tpu.memory_space<vmem>> -> memref<640xf32, #tpu.memory_space<vmem>>
      %dma_start3A_156 = tpu.memref_slice %arg8[%run_scoped3A_52, %mul3A_18] : memref<16x10240xf32, #tpu.memory_space<vmem_shared>> -> memref<1x640xf32, #tpu.memory_space<vmem_shared>>
      %dma_start3A_157 = tpu.memref_squeeze %dma_start3A_156 : memref<1x640xf32, #tpu.memory_space<vmem_shared>> -> memref<640xf32, #tpu.memory_space<vmem_shared>>
      tpu.enqueue_dma source(%dma_start3A_157 : memref<640xf32, #tpu.memory_space<vmem_shared>>) target(%dma_start3A_155 : memref<640xf32, #tpu.memory_space<vmem>>) target_semaphore(%run_scoped3A_150 : memref<!tpu.dma_semaphore, #tpu.memory_space<semaphore_mem>>)
      %dma_wait3A = arith.constant 0 : i32
      %dma_wait3A_158 = tpu.memref_slice %arg5[%dma_wait3A] : memref<10240xf32, #tpu.memory_space<vmem>> -> memref<640xf32, #tpu.memory_space<vmem>>
      %dma_wait3A_159 = tpu.memref_slice %arg8[%run_scoped3A_52, %mul3A_18] : memref<16x10240xf32, #tpu.memory_space<vmem_shared>> -> memref<1x640xf32, #tpu.memory_space<vmem_shared>>
      %dma_wait3A_160 = tpu.memref_squeeze %dma_wait3A_159 : memref<1x640xf32, #tpu.memory_space<vmem_shared>> -> memref<640xf32, #tpu.memory_space<vmem_shared>>
      %dma_wait3A_161 = arith.constant 0 : i32
      %dma_wait3A_162 = tpu.memref_slice %arg5[%dma_wait3A_161] : memref<10240xf32, #tpu.memory_space<vmem>> -> memref<640xf32, #tpu.memory_space<vmem>>
      %dma_wait3A_163 = tpu.memref_slice %arg8[%run_scoped3A_52, %mul3A_18] : memref<16x10240xf32, #tpu.memory_space<vmem_shared>> -> memref<1x640xf32, #tpu.memory_space<vmem_shared>>
      %dma_wait3A_164 = tpu.memref_squeeze %dma_wait3A_163 : memref<1x640xf32, #tpu.memory_space<vmem_shared>> -> memref<640xf32, #tpu.memory_space<vmem_shared>>
      tpu.wait_dma2 semaphore(%run_scoped3A_150 : memref<!tpu.dma_semaphore, #tpu.memory_space<semaphore_mem>>) src(%dma_wait3A_164 : memref<640xf32, #tpu.memory_space<vmem_shared>>) dst(%dma_wait3A_162 : memref<640xf32, #tpu.memory_space<vmem>>)
      tpu.yield
    }) : () -> ()
    %scan3A_53 = arith.constant 0 : i32
    %scan3A_54 = arith.constant 0 : i32
    %scan3A_55 = arith.constant 40 : i32
    %scan3A_56 = arith.addi %scan3A_54, %scan3A_55 : i32
    %scan3A_57 = arith.constant 1 : i32
    scf.for %scan3A_150 = %scan3A_54 to %scan3A_56 step %scan3A_57  : i32 {
      %mul3A_151 = arith.constant 16 : i32
      %mul3A_152 = arith.muli %scan3A_150, %mul3A_151 : i32
      %get3A = arith.index_cast %mul3A_152 : i32 to index
      %get3A_153 = tpu.vector_load %arg6[%get3A] {strides = array<i32>} : memref<640xf32, #tpu.memory_space<vmem>>, vector<16xf32>,
      %mul3A_154 = arith.constant 16 : i32
      %mul3A_155 = arith.muli %scan3A_150, %mul3A_154 : i32
      %get3A_156 = arith.index_cast %mul3A_155 : i32 to index
      %get3A_157 = tpu.vector_load %arg5[%get3A_156] {strides = array<i32>} : memref<10240xf32, #tpu.memory_space<vmem>>, vector<16xf32>,
      %add3A = arith.addf %get3A_153, %get3A_157 : vector<16xf32>
      %mul3A_158 = arith.constant 16 : i32
      %mul3A_159 = arith.muli %scan3A_150, %mul3A_158 : i32
      %swap3A = arith.index_cast %mul3A_159 : i32 to index
      %swap3A_160 = tpu.vector_load %arg6[%swap3A] {strides = array<i32>} : memref<640xf32, #tpu.memory_space<vmem>>, vector<16xf32>,
      tpu.vector_store %arg6[%swap3A], %add3A {strides = array<i32>} : memref<640xf32, #tpu.memory_space<vmem>>, vector<16xf32>,
    }
    %scan3A_58 = arith.constant 40 : i32
    %run_scoped3A_59 = arith.constant 5 : i32
    "tpu.region"() ({
      %run_scoped3A_150 = tpu.sem_alloc : memref<!tpu.dma_semaphore, #tpu.memory_space<semaphore_mem>>
      %dma_start3A = arith.constant 0 : i32
      %dma_start3A_151 = tpu.memref_slice %arg5[%dma_start3A] : memref<10240xf32, #tpu.memory_space<vmem>> -> memref<640xf32, #tpu.memory_space<vmem>>
      %dma_start3A_152 = tpu.memref_slice %arg8[%run_scoped3A_59, %mul3A_18] : memref<16x10240xf32, #tpu.memory_space<vmem_shared>> -> memref<1x640xf32, #tpu.memory_space<vmem_shared>>
      %dma_start3A_153 = tpu.memref_squeeze %dma_start3A_152 : memref<1x640xf32, #tpu.memory_space<vmem_shared>> -> memref<640xf32, #tpu.memory_space<vmem_shared>>
      %dma_start3A_154 = arith.constant 0 : i32
      %dma_start3A_155 = tpu.memref_slice %arg5[%dma_start3A_154] : memref<10240xf32, #tpu.memory_space<vmem>> -> memref<640xf32, #tpu.memory_space<vmem>>
      %dma_start3A_156 = tpu.memref_slice %arg8[%run_scoped3A_59, %mul3A_18] : memref<16x10240xf32, #tpu.memory_space<vmem_shared>> -> memref<1x640xf32, #tpu.memory_space<vmem_shared>>
      %dma_start3A_157 = tpu.memref_squeeze %dma_start3A_156 : memref<1x640xf32, #tpu.memory_space<vmem_shared>> -> memref<640xf32, #tpu.memory_space<vmem_shared>>
      tpu.enqueue_dma source(%dma_start3A_157 : memref<640xf32, #tpu.memory_space<vmem_shared>>) target(%dma_start3A_155 : memref<640xf32, #tpu.memory_space<vmem>>) target_semaphore(%run_scoped3A_150 : memref<!tpu.dma_semaphore, #tpu.memory_space<semaphore_mem>>)
      %dma_wait3A = arith.constant 0 : i32
      %dma_wait3A_158 = tpu.memref_slice %arg5[%dma_wait3A] : memref<10240xf32, #tpu.memory_space<vmem>> -> memref<640xf32, #tpu.memory_space<vmem>>
      %dma_wait3A_159 = tpu.memref_slice %arg8[%run_scoped3A_59, %mul3A_18] : memref<16x10240xf32, #tpu.memory_space<vmem_shared>> -> memref<1x640xf32, #tpu.memory_space<vmem_shared>>
      %dma_wait3A_160 = tpu.memref_squeeze %dma_wait3A_159 : memref<1x640xf32, #tpu.memory_space<vmem_shared>> -> memref<640xf32, #tpu.memory_space<vmem_shared>>
      %dma_wait3A_161 = arith.constant 0 : i32
      %dma_wait3A_162 = tpu.memref_slice %arg5[%dma_wait3A_161] : memref<10240xf32, #tpu.memory_space<vmem>> -> memref<640xf32, #tpu.memory_space<vmem>>
      %dma_wait3A_163 = tpu.memref_slice %arg8[%run_scoped3A_59, %mul3A_18] : memref<16x10240xf32, #tpu.memory_space<vmem_shared>> -> memref<1x640xf32, #tpu.memory_space<vmem_shared>>
      %dma_wait3A_164 = tpu.memref_squeeze %dma_wait3A_163 : memref<1x640xf32, #tpu.memory_space<vmem_shared>> -> memref<640xf32, #tpu.memory_space<vmem_shared>>
      tpu.wait_dma2 semaphore(%run_scoped3A_150 : memref<!tpu.dma_semaphore, #tpu.memory_space<semaphore_mem>>) src(%dma_wait3A_164 : memref<640xf32, #tpu.memory_space<vmem_shared>>) dst(%dma_wait3A_162 : memref<640xf32, #tpu.memory_space<vmem>>)
      tpu.yield
    }) : () -> ()
    %scan3A_60 = arith.constant 0 : i32
    %scan3A_61 = arith.constant 0 : i32
    %scan3A_62 = arith.constant 40 : i32
    %scan3A_63 = arith.addi %scan3A_61, %scan3A_62 : i32
    %scan3A_64 = arith.constant 1 : i32
    scf.for %scan3A_150 = %scan3A_61 to %scan3A_63 step %scan3A_64  : i32 {
      %mul3A_151 = arith.constant 16 : i32
      %mul3A_152 = arith.muli %scan3A_150, %mul3A_151 : i32
      %get3A = arith.index_cast %mul3A_152 : i32 to index
      %get3A_153 = tpu.vector_load %arg6[%get3A] {strides = array<i32>} : memref<640xf32, #tpu.memory_space<vmem>>, vector<16xf32>,
      %mul3A_154 = arith.constant 16 : i32
      %mul3A_155 = arith.muli %scan3A_150, %mul3A_154 : i32
      %get3A_156 = arith.index_cast %mul3A_155 : i32 to index
      %get3A_157 = tpu.vector_load %arg5[%get3A_156] {strides = array<i32>} : memref<10240xf32, #tpu.memory_space<vmem>>, vector<16xf32>,
      %add3A = arith.addf %get3A_153, %get3A_157 : vector<16xf32>
      %mul3A_158 = arith.constant 16 : i32
      %mul3A_159 = arith.muli %scan3A_150, %mul3A_158 : i32
      %swap3A = arith.index_cast %mul3A_159 : i32 to index
      %swap3A_160 = tpu.vector_load %arg6[%swap3A] {strides = array<i32>} : memref<640xf32, #tpu.memory_space<vmem>>, vector<16xf32>,
      tpu.vector_store %arg6[%swap3A], %add3A {strides = array<i32>} : memref<640xf32, #tpu.memory_space<vmem>>, vector<16xf32>,
    }
    %scan3A_65 = arith.constant 40 : i32
    %run_scoped3A_66 = arith.constant 6 : i32
    "tpu.region"() ({
      %run_scoped3A_150 = tpu.sem_alloc : memref<!tpu.dma_semaphore, #tpu.memory_space<semaphore_mem>>
      %dma_start3A = arith.constant 0 : i32
      %dma_start3A_151 = tpu.memref_slice %arg5[%dma_start3A] : memref<10240xf32, #tpu.memory_space<vmem>> -> memref<640xf32, #tpu.memory_space<vmem>>
      %dma_start3A_152 = tpu.memref_slice %arg8[%run_scoped3A_66, %mul3A_18] : memref<16x10240xf32, #tpu.memory_space<vmem_shared>> -> memref<1x640xf32, #tpu.memory_space<vmem_shared>>
      %dma_start3A_153 = tpu.memref_squeeze %dma_start3A_152 : memref<1x640xf32, #tpu.memory_space<vmem_shared>> -> memref<640xf32, #tpu.memory_space<vmem_shared>>
      %dma_start3A_154 = arith.constant 0 : i32
      %dma_start3A_155 = tpu.memref_slice %arg5[%dma_start3A_154] : memref<10240xf32, #tpu.memory_space<vmem>> -> memref<640xf32, #tpu.memory_space<vmem>>
      %dma_start3A_156 = tpu.memref_slice %arg8[%run_scoped3A_66, %mul3A_18] : memref<16x10240xf32, #tpu.memory_space<vmem_shared>> -> memref<1x640xf32, #tpu.memory_space<vmem_shared>>
      %dma_start3A_157 = tpu.memref_squeeze %dma_start3A_156 : memref<1x640xf32, #tpu.memory_space<vmem_shared>> -> memref<640xf32, #tpu.memory_space<vmem_shared>>
      tpu.enqueue_dma source(%dma_start3A_157 : memref<640xf32, #tpu.memory_space<vmem_shared>>) target(%dma_start3A_155 : memref<640xf32, #tpu.memory_space<vmem>>) target_semaphore(%run_scoped3A_150 : memref<!tpu.dma_semaphore, #tpu.memory_space<semaphore_mem>>)
      %dma_wait3A = arith.constant 0 : i32
      %dma_wait3A_158 = tpu.memref_slice %arg5[%dma_wait3A] : memref<10240xf32, #tpu.memory_space<vmem>> -> memref<640xf32, #tpu.memory_space<vmem>>
      %dma_wait3A_159 = tpu.memref_slice %arg8[%run_scoped3A_66, %mul3A_18] : memref<16x10240xf32, #tpu.memory_space<vmem_shared>> -> memref<1x640xf32, #tpu.memory_space<vmem_shared>>
      %dma_wait3A_160 = tpu.memref_squeeze %dma_wait3A_159 : memref<1x640xf32, #tpu.memory_space<vmem_shared>> -> memref<640xf32, #tpu.memory_space<vmem_shared>>
      %dma_wait3A_161 = arith.constant 0 : i32
      %dma_wait3A_162 = tpu.memref_slice %arg5[%dma_wait3A_161] : memref<10240xf32, #tpu.memory_space<vmem>> -> memref<640xf32, #tpu.memory_space<vmem>>
      %dma_wait3A_163 = tpu.memref_slice %arg8[%run_scoped3A_66, %mul3A_18] : memref<16x10240xf32, #tpu.memory_space<vmem_shared>> -> memref<1x640xf32, #tpu.memory_space<vmem_shared>>
      %dma_wait3A_164 = tpu.memref_squeeze %dma_wait3A_163 : memref<1x640xf32, #tpu.memory_space<vmem_shared>> -> memref<640xf32, #tpu.memory_space<vmem_shared>>
      tpu.wait_dma2 semaphore(%run_scoped3A_150 : memref<!tpu.dma_semaphore, #tpu.memory_space<semaphore_mem>>) src(%dma_wait3A_164 : memref<640xf32, #tpu.memory_space<vmem_shared>>) dst(%dma_wait3A_162 : memref<640xf32, #tpu.memory_space<vmem>>)
      tpu.yield
    }) : () -> ()
    %scan3A_67 = arith.constant 0 : i32
    %scan3A_68 = arith.constant 0 : i32
    %scan3A_69 = arith.constant 40 : i32
    %scan3A_70 = arith.addi %scan3A_68, %scan3A_69 : i32
    %scan3A_71 = arith.constant 1 : i32
    scf.for %scan3A_150 = %scan3A_68 to %scan3A_70 step %scan3A_71  : i32 {
      %mul3A_151 = arith.constant 16 : i32
      %mul3A_152 = arith.muli %scan3A_150, %mul3A_151 : i32
      %get3A = arith.index_cast %mul3A_152 : i32 to index
      %get3A_153 = tpu.vector_load %arg6[%get3A] {strides = array<i32>} : memref<640xf32, #tpu.memory_space<vmem>>, vector<16xf32>,
      %mul3A_154 = arith.constant 16 : i32
      %mul3A_155 = arith.muli %scan3A_150, %mul3A_154 : i32
      %get3A_156 = arith.index_cast %mul3A_155 : i32 to index
      %get3A_157 = tpu.vector_load %arg5[%get3A_156] {strides = array<i32>} : memref<10240xf32, #tpu.memory_space<vmem>>, vector<16xf32>,
      %add3A = arith.addf %get3A_153, %get3A_157 : vector<16xf32>
      %mul3A_158 = arith.constant 16 : i32
      %mul3A_159 = arith.muli %scan3A_150, %mul3A_158 : i32
      %swap3A = arith.index_cast %mul3A_159 : i32 to index
      %swap3A_160 = tpu.vector_load %arg6[%swap3A] {strides = array<i32>} : memref<640xf32, #tpu.memory_space<vmem>>, vector<16xf32>,
      tpu.vector_store %arg6[%swap3A], %add3A {strides = array<i32>} : memref<640xf32, #tpu.memory_space<vmem>>, vector<16xf32>,
    }
    %scan3A_72 = arith.constant 40 : i32
    %run_scoped3A_73 = arith.constant 7 : i32
    "tpu.region"() ({
      %run_scoped3A_150 = tpu.sem_alloc : memref<!tpu.dma_semaphore, #tpu.memory_space<semaphore_mem>>
      %dma_start3A = arith.constant 0 : i32
      %dma_start3A_151 = tpu.memref_slice %arg5[%dma_start3A] : memref<10240xf32, #tpu.memory_space<vmem>> -> memref<640xf32, #tpu.memory_space<vmem>>
      %dma_start3A_152 = tpu.memref_slice %arg8[%run_scoped3A_73, %mul3A_18] : memref<16x10240xf32, #tpu.memory_space<vmem_shared>> -> memref<1x640xf32, #tpu.memory_space<vmem_shared>>
      %dma_start3A_153 = tpu.memref_squeeze %dma_start3A_152 : memref<1x640xf32, #tpu.memory_space<vmem_shared>> -> memref<640xf32, #tpu.memory_space<vmem_shared>>
      %dma_start3A_154 = arith.constant 0 : i32
      %dma_start3A_155 = tpu.memref_slice %arg5[%dma_start3A_154] : memref<10240xf32, #tpu.memory_space<vmem>> -> memref<640xf32, #tpu.memory_space<vmem>>
      %dma_start3A_156 = tpu.memref_slice %arg8[%run_scoped3A_73, %mul3A_18] : memref<16x10240xf32, #tpu.memory_space<vmem_shared>> -> memref<1x640xf32, #tpu.memory_space<vmem_shared>>
      %dma_start3A_157 = tpu.memref_squeeze %dma_start3A_156 : memref<1x640xf32, #tpu.memory_space<vmem_shared>> -> memref<640xf32, #tpu.memory_space<vmem_shared>>
      tpu.enqueue_dma source(%dma_start3A_157 : memref<640xf32, #tpu.memory_space<vmem_shared>>) target(%dma_start3A_155 : memref<640xf32, #tpu.memory_space<vmem>>) target_semaphore(%run_scoped3A_150 : memref<!tpu.dma_semaphore, #tpu.memory_space<semaphore_mem>>)
      %dma_wait3A = arith.constant 0 : i32
      %dma_wait3A_158 = tpu.memref_slice %arg5[%dma_wait3A] : memref<10240xf32, #tpu.memory_space<vmem>> -> memref<640xf32, #tpu.memory_space<vmem>>
      %dma_wait3A_159 = tpu.memref_slice %arg8[%run_scoped3A_73, %mul3A_18] : memref<16x10240xf32, #tpu.memory_space<vmem_shared>> -> memref<1x640xf32, #tpu.memory_space<vmem_shared>>
      %dma_wait3A_160 = tpu.memref_squeeze %dma_wait3A_159 : memref<1x640xf32, #tpu.memory_space<vmem_shared>> -> memref<640xf32, #tpu.memory_space<vmem_shared>>
      %dma_wait3A_161 = arith.constant 0 : i32
      %dma_wait3A_162 = tpu.memref_slice %arg5[%dma_wait3A_161] : memref<10240xf32, #tpu.memory_space<vmem>> -> memref<640xf32, #tpu.memory_space<vmem>>
      %dma_wait3A_163 = tpu.memref_slice %arg8[%run_scoped3A_73, %mul3A_18] : memref<16x10240xf32, #tpu.memory_space<vmem_shared>> -> memref<1x640xf32, #tpu.memory_space<vmem_shared>>
      %dma_wait3A_164 = tpu.memref_squeeze %dma_wait3A_163 : memref<1x640xf32, #tpu.memory_space<vmem_shared>> -> memref<640xf32, #tpu.memory_space<vmem_shared>>
      tpu.wait_dma2 semaphore(%run_scoped3A_150 : memref<!tpu.dma_semaphore, #tpu.memory_space<semaphore_mem>>) src(%dma_wait3A_164 : memref<640xf32, #tpu.memory_space<vmem_shared>>) dst(%dma_wait3A_162 : memref<640xf32, #tpu.memory_space<vmem>>)
      tpu.yield
    }) : () -> ()
    %scan3A_74 = arith.constant 0 : i32
    %scan3A_75 = arith.constant 0 : i32
    %scan3A_76 = arith.constant 40 : i32
    %scan3A_77 = arith.addi %scan3A_75, %scan3A_76 : i32
    %scan3A_78 = arith.constant 1 : i32
    scf.for %scan3A_150 = %scan3A_75 to %scan3A_77 step %scan3A_78  : i32 {
      %mul3A_151 = arith.constant 16 : i32
      %mul3A_152 = arith.muli %scan3A_150, %mul3A_151 : i32
      %get3A = arith.index_cast %mul3A_152 : i32 to index
      %get3A_153 = tpu.vector_load %arg6[%get3A] {strides = array<i32>} : memref<640xf32, #tpu.memory_space<vmem>>, vector<16xf32>,
      %mul3A_154 = arith.constant 16 : i32
      %mul3A_155 = arith.muli %scan3A_150, %mul3A_154 : i32
      %get3A_156 = arith.index_cast %mul3A_155 : i32 to index
      %get3A_157 = tpu.vector_load %arg5[%get3A_156] {strides = array<i32>} : memref<10240xf32, #tpu.memory_space<vmem>>, vector<16xf32>,
      %add3A = arith.addf %get3A_153, %get3A_157 : vector<16xf32>
      %mul3A_158 = arith.constant 16 : i32
      %mul3A_159 = arith.muli %scan3A_150, %mul3A_158 : i32
      %swap3A = arith.index_cast %mul3A_159 : i32 to index
      %swap3A_160 = tpu.vector_load %arg6[%swap3A] {strides = array<i32>} : memref<640xf32, #tpu.memory_space<vmem>>, vector<16xf32>,
      tpu.vector_store %arg6[%swap3A], %add3A {strides = array<i32>} : memref<640xf32, #tpu.memory_space<vmem>>, vector<16xf32>,
    }
    %scan3A_79 = arith.constant 40 : i32
    %run_scoped3A_80 = arith.constant 8 : i32
    "tpu.region"() ({
      %run_scoped3A_150 = tpu.sem_alloc : memref<!tpu.dma_semaphore, #tpu.memory_space<semaphore_mem>>
      %dma_start3A = arith.constant 0 : i32
      %dma_start3A_151 = tpu.memref_slice %arg5[%dma_start3A] : memref<10240xf32, #tpu.memory_space<vmem>> -> memref<640xf32, #tpu.memory_space<vmem>>
      %dma_start3A_152 = tpu.memref_slice %arg8[%run_scoped3A_80, %mul3A_18] : memref<16x10240xf32, #tpu.memory_space<vmem_shared>> -> memref<1x640xf32, #tpu.memory_space<vmem_shared>>
      %dma_start3A_153 = tpu.memref_squeeze %dma_start3A_152 : memref<1x640xf32, #tpu.memory_space<vmem_shared>> -> memref<640xf32, #tpu.memory_space<vmem_shared>>
      %dma_start3A_154 = arith.constant 0 : i32
      %dma_start3A_155 = tpu.memref_slice %arg5[%dma_start3A_154] : memref<10240xf32, #tpu.memory_space<vmem>> -> memref<640xf32, #tpu.memory_space<vmem>>
      %dma_start3A_156 = tpu.memref_slice %arg8[%run_scoped3A_80, %mul3A_18] : memref<16x10240xf32, #tpu.memory_space<vmem_shared>> -> memref<1x640xf32, #tpu.memory_space<vmem_shared>>
      %dma_start3A_157 = tpu.memref_squeeze %dma_start3A_156 : memref<1x640xf32, #tpu.memory_space<vmem_shared>> -> memref<640xf32, #tpu.memory_space<vmem_shared>>
      tpu.enqueue_dma source(%dma_start3A_157 : memref<640xf32, #tpu.memory_space<vmem_shared>>) target(%dma_start3A_155 : memref<640xf32, #tpu.memory_space<vmem>>) target_semaphore(%run_scoped3A_150 : memref<!tpu.dma_semaphore, #tpu.memory_space<semaphore_mem>>)
      %dma_wait3A = arith.constant 0 : i32
      %dma_wait3A_158 = tpu.memref_slice %arg5[%dma_wait3A] : memref<10240xf32, #tpu.memory_space<vmem>> -> memref<640xf32, #tpu.memory_space<vmem>>
      %dma_wait3A_159 = tpu.memref_slice %arg8[%run_scoped3A_80, %mul3A_18] : memref<16x10240xf32, #tpu.memory_space<vmem_shared>> -> memref<1x640xf32, #tpu.memory_space<vmem_shared>>
      %dma_wait3A_160 = tpu.memref_squeeze %dma_wait3A_159 : memref<1x640xf32, #tpu.memory_space<vmem_shared>> -> memref<640xf32, #tpu.memory_space<vmem_shared>>
      %dma_wait3A_161 = arith.constant 0 : i32
      %dma_wait3A_162 = tpu.memref_slice %arg5[%dma_wait3A_161] : memref<10240xf32, #tpu.memory_space<vmem>> -> memref<640xf32, #tpu.memory_space<vmem>>
      %dma_wait3A_163 = tpu.memref_slice %arg8[%run_scoped3A_80, %mul3A_18] : memref<16x10240xf32, #tpu.memory_space<vmem_shared>> -> memref<1x640xf32, #tpu.memory_space<vmem_shared>>
      %dma_wait3A_164 = tpu.memref_squeeze %dma_wait3A_163 : memref<1x640xf32, #tpu.memory_space<vmem_shared>> -> memref<640xf32, #tpu.memory_space<vmem_shared>>
      tpu.wait_dma2 semaphore(%run_scoped3A_150 : memref<!tpu.dma_semaphore, #tpu.memory_space<semaphore_mem>>) src(%dma_wait3A_164 : memref<640xf32, #tpu.memory_space<vmem_shared>>) dst(%dma_wait3A_162 : memref<640xf32, #tpu.memory_space<vmem>>)
      tpu.yield
    }) : () -> ()
    %scan3A_81 = arith.constant 0 : i32
    %scan3A_82 = arith.constant 0 : i32
    %scan3A_83 = arith.constant 40 : i32
    %scan3A_84 = arith.addi %scan3A_82, %scan3A_83 : i32
    %scan3A_85 = arith.constant 1 : i32
    scf.for %scan3A_150 = %scan3A_82 to %scan3A_84 step %scan3A_85  : i32 {
      %mul3A_151 = arith.constant 16 : i32
      %mul3A_152 = arith.muli %scan3A_150, %mul3A_151 : i32
      %get3A = arith.index_cast %mul3A_152 : i32 to index
      %get3A_153 = tpu.vector_load %arg6[%get3A] {strides = array<i32>} : memref<640xf32, #tpu.memory_space<vmem>>, vector<16xf32>,
      %mul3A_154 = arith.constant 16 : i32
      %mul3A_155 = arith.muli %scan3A_150, %mul3A_154 : i32
      %get3A_156 = arith.index_cast %mul3A_155 : i32 to index
      %get3A_157 = tpu.vector_load %arg5[%get3A_156] {strides = array<i32>} : memref<10240xf32, #tpu.memory_space<vmem>>, vector<16xf32>,
      %add3A = arith.addf %get3A_153, %get3A_157 : vector<16xf32>
      %mul3A_158 = arith.constant 16 : i32
      %mul3A_159 = arith.muli %scan3A_150, %mul3A_158 : i32
      %swap3A = arith.index_cast %mul3A_159 : i32 to index
      %swap3A_160 = tpu.vector_load %arg6[%swap3A] {strides = array<i32>} : memref<640xf32, #tpu.memory_space<vmem>>, vector<16xf32>,
      tpu.vector_store %arg6[%swap3A], %add3A {strides = array<i32>} : memref<640xf32, #tpu.memory_space<vmem>>, vector<16xf32>,
    }
    %scan3A_86 = arith.constant 40 : i32
    %run_scoped3A_87 = arith.constant 9 : i32
    "tpu.region"() ({
      %run_scoped3A_150 = tpu.sem_alloc : memref<!tpu.dma_semaphore, #tpu.memory_space<semaphore_mem>>
      %dma_start3A = arith.constant 0 : i32
      %dma_start3A_151 = tpu.memref_slice %arg5[%dma_start3A] : memref<10240xf32, #tpu.memory_space<vmem>> -> memref<640xf32, #tpu.memory_space<vmem>>
      %dma_start3A_152 = tpu.memref_slice %arg8[%run_scoped3A_87, %mul3A_18] : memref<16x10240xf32, #tpu.memory_space<vmem_shared>> -> memref<1x640xf32, #tpu.memory_space<vmem_shared>>
      %dma_start3A_153 = tpu.memref_squeeze %dma_start3A_152 : memref<1x640xf32, #tpu.memory_space<vmem_shared>> -> memref<640xf32, #tpu.memory_space<vmem_shared>>
      %dma_start3A_154 = arith.constant 0 : i32
      %dma_start3A_155 = tpu.memref_slice %arg5[%dma_start3A_154] : memref<10240xf32, #tpu.memory_space<vmem>> -> memref<640xf32, #tpu.memory_space<vmem>>
      %dma_start3A_156 = tpu.memref_slice %arg8[%run_scoped3A_87, %mul3A_18] : memref<16x10240xf32, #tpu.memory_space<vmem_shared>> -> memref<1x640xf32, #tpu.memory_space<vmem_shared>>
      %dma_start3A_157 = tpu.memref_squeeze %dma_start3A_156 : memref<1x640xf32, #tpu.memory_space<vmem_shared>> -> memref<640xf32, #tpu.memory_space<vmem_shared>>
      tpu.enqueue_dma source(%dma_start3A_157 : memref<640xf32, #tpu.memory_space<vmem_shared>>) target(%dma_start3A_155 : memref<640xf32, #tpu.memory_space<vmem>>) target_semaphore(%run_scoped3A_150 : memref<!tpu.dma_semaphore, #tpu.memory_space<semaphore_mem>>)
      %dma_wait3A = arith.constant 0 : i32
      %dma_wait3A_158 = tpu.memref_slice %arg5[%dma_wait3A] : memref<10240xf32, #tpu.memory_space<vmem>> -> memref<640xf32, #tpu.memory_space<vmem>>
      %dma_wait3A_159 = tpu.memref_slice %arg8[%run_scoped3A_87, %mul3A_18] : memref<16x10240xf32, #tpu.memory_space<vmem_shared>> -> memref<1x640xf32, #tpu.memory_space<vmem_shared>>
      %dma_wait3A_160 = tpu.memref_squeeze %dma_wait3A_159 : memref<1x640xf32, #tpu.memory_space<vmem_shared>> -> memref<640xf32, #tpu.memory_space<vmem_shared>>
      %dma_wait3A_161 = arith.constant 0 : i32
      %dma_wait3A_162 = tpu.memref_slice %arg5[%dma_wait3A_161] : memref<10240xf32, #tpu.memory_space<vmem>> -> memref<640xf32, #tpu.memory_space<vmem>>
      %dma_wait3A_163 = tpu.memref_slice %arg8[%run_scoped3A_87, %mul3A_18] : memref<16x10240xf32, #tpu.memory_space<vmem_shared>> -> memref<1x640xf32, #tpu.memory_space<vmem_shared>>
      %dma_wait3A_164 = tpu.memref_squeeze %dma_wait3A_163 : memref<1x640xf32, #tpu.memory_space<vmem_shared>> -> memref<640xf32, #tpu.memory_space<vmem_shared>>
      tpu.wait_dma2 semaphore(%run_scoped3A_150 : memref<!tpu.dma_semaphore, #tpu.memory_space<semaphore_mem>>) src(%dma_wait3A_164 : memref<640xf32, #tpu.memory_space<vmem_shared>>) dst(%dma_wait3A_162 : memref<640xf32, #tpu.memory_space<vmem>>)
      tpu.yield
    }) : () -> ()
    %scan3A_88 = arith.constant 0 : i32
    %scan3A_89 = arith.constant 0 : i32
    %scan3A_90 = arith.constant 40 : i32
    %scan3A_91 = arith.addi %scan3A_89, %scan3A_90 : i32
    %scan3A_92 = arith.constant 1 : i32
    scf.for %scan3A_150 = %scan3A_89 to %scan3A_91 step %scan3A_92  : i32 {
      %mul3A_151 = arith.constant 16 : i32
      %mul3A_152 = arith.muli %scan3A_150, %mul3A_151 : i32
      %get3A = arith.index_cast %mul3A_152 : i32 to index
      %get3A_153 = tpu.vector_load %arg6[%get3A] {strides = array<i32>} : memref<640xf32, #tpu.memory_space<vmem>>, vector<16xf32>,
      %mul3A_154 = arith.constant 16 : i32
      %mul3A_155 = arith.muli %scan3A_150, %mul3A_154 : i32
      %get3A_156 = arith.index_cast %mul3A_155 : i32 to index
      %get3A_157 = tpu.vector_load %arg5[%get3A_156] {strides = array<i32>} : memref<10240xf32, #tpu.memory_space<vmem>>, vector<16xf32>,
      %add3A = arith.addf %get3A_153, %get3A_157 : vector<16xf32>
      %mul3A_158 = arith.constant 16 : i32
      %mul3A_159 = arith.muli %scan3A_150, %mul3A_158 : i32
      %swap3A = arith.index_cast %mul3A_159 : i32 to index
      %swap3A_160 = tpu.vector_load %arg6[%swap3A] {strides = array<i32>} : memref<640xf32, #tpu.memory_space<vmem>>, vector<16xf32>,
      tpu.vector_store %arg6[%swap3A], %add3A {strides = array<i32>} : memref<640xf32, #tpu.memory_space<vmem>>, vector<16xf32>,
    }
    %scan3A_93 = arith.constant 40 : i32
    %run_scoped3A_94 = arith.constant 10 : i32
    "tpu.region"() ({
      %run_scoped3A_150 = tpu.sem_alloc : memref<!tpu.dma_semaphore, #tpu.memory_space<semaphore_mem>>
      %dma_start3A = arith.constant 0 : i32
      %dma_start3A_151 = tpu.memref_slice %arg5[%dma_start3A] : memref<10240xf32, #tpu.memory_space<vmem>> -> memref<640xf32, #tpu.memory_space<vmem>>
      %dma_start3A_152 = tpu.memref_slice %arg8[%run_scoped3A_94, %mul3A_18] : memref<16x10240xf32, #tpu.memory_space<vmem_shared>> -> memref<1x640xf32, #tpu.memory_space<vmem_shared>>
      %dma_start3A_153 = tpu.memref_squeeze %dma_start3A_152 : memref<1x640xf32, #tpu.memory_space<vmem_shared>> -> memref<640xf32, #tpu.memory_space<vmem_shared>>
      %dma_start3A_154 = arith.constant 0 : i32
      %dma_start3A_155 = tpu.memref_slice %arg5[%dma_start3A_154] : memref<10240xf32, #tpu.memory_space<vmem>> -> memref<640xf32, #tpu.memory_space<vmem>>
      %dma_start3A_156 = tpu.memref_slice %arg8[%run_scoped3A_94, %mul3A_18] : memref<16x10240xf32, #tpu.memory_space<vmem_shared>> -> memref<1x640xf32, #tpu.memory_space<vmem_shared>>
      %dma_start3A_157 = tpu.memref_squeeze %dma_start3A_156 : memref<1x640xf32, #tpu.memory_space<vmem_shared>> -> memref<640xf32, #tpu.memory_space<vmem_shared>>
      tpu.enqueue_dma source(%dma_start3A_157 : memref<640xf32, #tpu.memory_space<vmem_shared>>) target(%dma_start3A_155 : memref<640xf32, #tpu.memory_space<vmem>>) target_semaphore(%run_scoped3A_150 : memref<!tpu.dma_semaphore, #tpu.memory_space<semaphore_mem>>)
      %dma_wait3A = arith.constant 0 : i32
      %dma_wait3A_158 = tpu.memref_slice %arg5[%dma_wait3A] : memref<10240xf32, #tpu.memory_space<vmem>> -> memref<640xf32, #tpu.memory_space<vmem>>
      %dma_wait3A_159 = tpu.memref_slice %arg8[%run_scoped3A_94, %mul3A_18] : memref<16x10240xf32, #tpu.memory_space<vmem_shared>> -> memref<1x640xf32, #tpu.memory_space<vmem_shared>>
      %dma_wait3A_160 = tpu.memref_squeeze %dma_wait3A_159 : memref<1x640xf32, #tpu.memory_space<vmem_shared>> -> memref<640xf32, #tpu.memory_space<vmem_shared>>
      %dma_wait3A_161 = arith.constant 0 : i32
      %dma_wait3A_162 = tpu.memref_slice %arg5[%dma_wait3A_161] : memref<10240xf32, #tpu.memory_space<vmem>> -> memref<640xf32, #tpu.memory_space<vmem>>
      %dma_wait3A_163 = tpu.memref_slice %arg8[%run_scoped3A_94, %mul3A_18] : memref<16x10240xf32, #tpu.memory_space<vmem_shared>> -> memref<1x640xf32, #tpu.memory_space<vmem_shared>>
      %dma_wait3A_164 = tpu.memref_squeeze %dma_wait3A_163 : memref<1x640xf32, #tpu.memory_space<vmem_shared>> -> memref<640xf32, #tpu.memory_space<vmem_shared>>
      tpu.wait_dma2 semaphore(%run_scoped3A_150 : memref<!tpu.dma_semaphore, #tpu.memory_space<semaphore_mem>>) src(%dma_wait3A_164 : memref<640xf32, #tpu.memory_space<vmem_shared>>) dst(%dma_wait3A_162 : memref<640xf32, #tpu.memory_space<vmem>>)
      tpu.yield
    }) : () -> ()
    %scan3A_95 = arith.constant 0 : i32
    %scan3A_96 = arith.constant 0 : i32
    %scan3A_97 = arith.constant 40 : i32
    %scan3A_98 = arith.addi %scan3A_96, %scan3A_97 : i32
    %scan3A_99 = arith.constant 1 : i32
    scf.for %scan3A_150 = %scan3A_96 to %scan3A_98 step %scan3A_99  : i32 {
      %mul3A_151 = arith.constant 16 : i32
      %mul3A_152 = arith.muli %scan3A_150, %mul3A_151 : i32
      %get3A = arith.index_cast %mul3A_152 : i32 to index
      %get3A_153 = tpu.vector_load %arg6[%get3A] {strides = array<i32>} : memref<640xf32, #tpu.memory_space<vmem>>, vector<16xf32>,
      %mul3A_154 = arith.constant 16 : i32
      %mul3A_155 = arith.muli %scan3A_150, %mul3A_154 : i32
      %get3A_156 = arith.index_cast %mul3A_155 : i32 to index
      %get3A_157 = tpu.vector_load %arg5[%get3A_156] {strides = array<i32>} : memref<10240xf32, #tpu.memory_space<vmem>>, vector<16xf32>,
      %add3A = arith.addf %get3A_153, %get3A_157 : vector<16xf32>
      %mul3A_158 = arith.constant 16 : i32
      %mul3A_159 = arith.muli %scan3A_150, %mul3A_158 : i32
      %swap3A = arith.index_cast %mul3A_159 : i32 to index
      %swap3A_160 = tpu.vector_load %arg6[%swap3A] {strides = array<i32>} : memref<640xf32, #tpu.memory_space<vmem>>, vector<16xf32>,
      tpu.vector_store %arg6[%swap3A], %add3A {strides = array<i32>} : memref<640xf32, #tpu.memory_space<vmem>>, vector<16xf32>,
    }
    %scan3A_100 = arith.constant 40 : i32
    %run_scoped3A_101 = arith.constant 11 : i32
    "tpu.region"() ({
      %run_scoped3A_150 = tpu.sem_alloc : memref<!tpu.dma_semaphore, #tpu.memory_space<semaphore_mem>>
      %dma_start3A = arith.constant 0 : i32
      %dma_start3A_151 = tpu.memref_slice %arg5[%dma_start3A] : memref<10240xf32, #tpu.memory_space<vmem>> -> memref<640xf32, #tpu.memory_space<vmem>>
      %dma_start3A_152 = tpu.memref_slice %arg8[%run_scoped3A_101, %mul3A_18] : memref<16x10240xf32, #tpu.memory_space<vmem_shared>> -> memref<1x640xf32, #tpu.memory_space<vmem_shared>>
      %dma_start3A_153 = tpu.memref_squeeze %dma_start3A_152 : memref<1x640xf32, #tpu.memory_space<vmem_shared>> -> memref<640xf32, #tpu.memory_space<vmem_shared>>
      %dma_start3A_154 = arith.constant 0 : i32
      %dma_start3A_155 = tpu.memref_slice %arg5[%dma_start3A_154] : memref<10240xf32, #tpu.memory_space<vmem>> -> memref<640xf32, #tpu.memory_space<vmem>>
      %dma_start3A_156 = tpu.memref_slice %arg8[%run_scoped3A_101, %mul3A_18] : memref<16x10240xf32, #tpu.memory_space<vmem_shared>> -> memref<1x640xf32, #tpu.memory_space<vmem_shared>>
      %dma_start3A_157 = tpu.memref_squeeze %dma_start3A_156 : memref<1x640xf32, #tpu.memory_space<vmem_shared>> -> memref<640xf32, #tpu.memory_space<vmem_shared>>
      tpu.enqueue_dma source(%dma_start3A_157 : memref<640xf32, #tpu.memory_space<vmem_shared>>) target(%dma_start3A_155 : memref<640xf32, #tpu.memory_space<vmem>>) target_semaphore(%run_scoped3A_150 : memref<!tpu.dma_semaphore, #tpu.memory_space<semaphore_mem>>)
      %dma_wait3A = arith.constant 0 : i32
      %dma_wait3A_158 = tpu.memref_slice %arg5[%dma_wait3A] : memref<10240xf32, #tpu.memory_space<vmem>> -> memref<640xf32, #tpu.memory_space<vmem>>
      %dma_wait3A_159 = tpu.memref_slice %arg8[%run_scoped3A_101, %mul3A_18] : memref<16x10240xf32, #tpu.memory_space<vmem_shared>> -> memref<1x640xf32, #tpu.memory_space<vmem_shared>>
      %dma_wait3A_160 = tpu.memref_squeeze %dma_wait3A_159 : memref<1x640xf32, #tpu.memory_space<vmem_shared>> -> memref<640xf32, #tpu.memory_space<vmem_shared>>
      %dma_wait3A_161 = arith.constant 0 : i32
      %dma_wait3A_162 = tpu.memref_slice %arg5[%dma_wait3A_161] : memref<10240xf32, #tpu.memory_space<vmem>> -> memref<640xf32, #tpu.memory_space<vmem>>
      %dma_wait3A_163 = tpu.memref_slice %arg8[%run_scoped3A_101, %mul3A_18] : memref<16x10240xf32, #tpu.memory_space<vmem_shared>> -> memref<1x640xf32, #tpu.memory_space<vmem_shared>>
      %dma_wait3A_164 = tpu.memref_squeeze %dma_wait3A_163 : memref<1x640xf32, #tpu.memory_space<vmem_shared>> -> memref<640xf32, #tpu.memory_space<vmem_shared>>
      tpu.wait_dma2 semaphore(%run_scoped3A_150 : memref<!tpu.dma_semaphore, #tpu.memory_space<semaphore_mem>>) src(%dma_wait3A_164 : memref<640xf32, #tpu.memory_space<vmem_shared>>) dst(%dma_wait3A_162 : memref<640xf32, #tpu.memory_space<vmem>>)
      tpu.yield
    }) : () -> ()
    %scan3A_102 = arith.constant 0 : i32
    %scan3A_103 = arith.constant 0 : i32
    %scan3A_104 = arith.constant 40 : i32
    %scan3A_105 = arith.addi %scan3A_103, %scan3A_104 : i32
    %scan3A_106 = arith.constant 1 : i32
    scf.for %scan3A_150 = %scan3A_103 to %scan3A_105 step %scan3A_106  : i32 {
      %mul3A_151 = arith.constant 16 : i32
      %mul3A_152 = arith.muli %scan3A_150, %mul3A_151 : i32
      %get3A = arith.index_cast %mul3A_152 : i32 to index
      %get3A_153 = tpu.vector_load %arg6[%get3A] {strides = array<i32>} : memref<640xf32, #tpu.memory_space<vmem>>, vector<16xf32>,
      %mul3A_154 = arith.constant 16 : i32
      %mul3A_155 = arith.muli %scan3A_150, %mul3A_154 : i32
      %get3A_156 = arith.index_cast %mul3A_155 : i32 to index
      %get3A_157 = tpu.vector_load %arg5[%get3A_156] {strides = array<i32>} : memref<10240xf32, #tpu.memory_space<vmem>>, vector<16xf32>,
      %add3A = arith.addf %get3A_153, %get3A_157 : vector<16xf32>
      %mul3A_158 = arith.constant 16 : i32
      %mul3A_159 = arith.muli %scan3A_150, %mul3A_158 : i32
      %swap3A = arith.index_cast %mul3A_159 : i32 to index
      %swap3A_160 = tpu.vector_load %arg6[%swap3A] {strides = array<i32>} : memref<640xf32, #tpu.memory_space<vmem>>, vector<16xf32>,
      tpu.vector_store %arg6[%swap3A], %add3A {strides = array<i32>} : memref<640xf32, #tpu.memory_space<vmem>>, vector<16xf32>,
    }
    %scan3A_107 = arith.constant 40 : i32
    %run_scoped3A_108 = arith.constant 12 : i32
    "tpu.region"() ({
      %run_scoped3A_150 = tpu.sem_alloc : memref<!tpu.dma_semaphore, #tpu.memory_space<semaphore_mem>>
      %dma_start3A = arith.constant 0 : i32
      %dma_start3A_151 = tpu.memref_slice %arg5[%dma_start3A] : memref<10240xf32, #tpu.memory_space<vmem>> -> memref<640xf32, #tpu.memory_space<vmem>>
      %dma_start3A_152 = tpu.memref_slice %arg8[%run_scoped3A_108, %mul3A_18] : memref<16x10240xf32, #tpu.memory_space<vmem_shared>> -> memref<1x640xf32, #tpu.memory_space<vmem_shared>>
      %dma_start3A_153 = tpu.memref_squeeze %dma_start3A_152 : memref<1x640xf32, #tpu.memory_space<vmem_shared>> -> memref<640xf32, #tpu.memory_space<vmem_shared>>
      %dma_start3A_154 = arith.constant 0 : i32
      %dma_start3A_155 = tpu.memref_slice %arg5[%dma_start3A_154] : memref<10240xf32, #tpu.memory_space<vmem>> -> memref<640xf32, #tpu.memory_space<vmem>>
      %dma_start3A_156 = tpu.memref_slice %arg8[%run_scoped3A_108, %mul3A_18] : memref<16x10240xf32, #tpu.memory_space<vmem_shared>> -> memref<1x640xf32, #tpu.memory_space<vmem_shared>>
      %dma_start3A_157 = tpu.memref_squeeze %dma_start3A_156 : memref<1x640xf32, #tpu.memory_space<vmem_shared>> -> memref<640xf32, #tpu.memory_space<vmem_shared>>
      tpu.enqueue_dma source(%dma_start3A_157 : memref<640xf32, #tpu.memory_space<vmem_shared>>) target(%dma_start3A_155 : memref<640xf32, #tpu.memory_space<vmem>>) target_semaphore(%run_scoped3A_150 : memref<!tpu.dma_semaphore, #tpu.memory_space<semaphore_mem>>)
      %dma_wait3A = arith.constant 0 : i32
      %dma_wait3A_158 = tpu.memref_slice %arg5[%dma_wait3A] : memref<10240xf32, #tpu.memory_space<vmem>> -> memref<640xf32, #tpu.memory_space<vmem>>
      %dma_wait3A_159 = tpu.memref_slice %arg8[%run_scoped3A_108, %mul3A_18] : memref<16x10240xf32, #tpu.memory_space<vmem_shared>> -> memref<1x640xf32, #tpu.memory_space<vmem_shared>>
      %dma_wait3A_160 = tpu.memref_squeeze %dma_wait3A_159 : memref<1x640xf32, #tpu.memory_space<vmem_shared>> -> memref<640xf32, #tpu.memory_space<vmem_shared>>
      %dma_wait3A_161 = arith.constant 0 : i32
      %dma_wait3A_162 = tpu.memref_slice %arg5[%dma_wait3A_161] : memref<10240xf32, #tpu.memory_space<vmem>> -> memref<640xf32, #tpu.memory_space<vmem>>
      %dma_wait3A_163 = tpu.memref_slice %arg8[%run_scoped3A_108, %mul3A_18] : memref<16x10240xf32, #tpu.memory_space<vmem_shared>> -> memref<1x640xf32, #tpu.memory_space<vmem_shared>>
      %dma_wait3A_164 = tpu.memref_squeeze %dma_wait3A_163 : memref<1x640xf32, #tpu.memory_space<vmem_shared>> -> memref<640xf32, #tpu.memory_space<vmem_shared>>
      tpu.wait_dma2 semaphore(%run_scoped3A_150 : memref<!tpu.dma_semaphore, #tpu.memory_space<semaphore_mem>>) src(%dma_wait3A_164 : memref<640xf32, #tpu.memory_space<vmem_shared>>) dst(%dma_wait3A_162 : memref<640xf32, #tpu.memory_space<vmem>>)
      tpu.yield
    }) : () -> ()
    %scan3A_109 = arith.constant 0 : i32
    %scan3A_110 = arith.constant 0 : i32
    %scan3A_111 = arith.constant 40 : i32
    %scan3A_112 = arith.addi %scan3A_110, %scan3A_111 : i32
    %scan3A_113 = arith.constant 1 : i32
    scf.for %scan3A_150 = %scan3A_110 to %scan3A_112 step %scan3A_113  : i32 {
      %mul3A_151 = arith.constant 16 : i32
      %mul3A_152 = arith.muli %scan3A_150, %mul3A_151 : i32
      %get3A = arith.index_cast %mul3A_152 : i32 to index
      %get3A_153 = tpu.vector_load %arg6[%get3A] {strides = array<i32>} : memref<640xf32, #tpu.memory_space<vmem>>, vector<16xf32>,
      %mul3A_154 = arith.constant 16 : i32
      %mul3A_155 = arith.muli %scan3A_150, %mul3A_154 : i32
      %get3A_156 = arith.index_cast %mul3A_155 : i32 to index
      %get3A_157 = tpu.vector_load %arg5[%get3A_156] {strides = array<i32>} : memref<10240xf32, #tpu.memory_space<vmem>>, vector<16xf32>,
      %add3A = arith.addf %get3A_153, %get3A_157 : vector<16xf32>
      %mul3A_158 = arith.constant 16 : i32
      %mul3A_159 = arith.muli %scan3A_150, %mul3A_158 : i32
      %swap3A = arith.index_cast %mul3A_159 : i32 to index
      %swap3A_160 = tpu.vector_load %arg6[%swap3A] {strides = array<i32>} : memref<640xf32, #tpu.memory_space<vmem>>, vector<16xf32>,
      tpu.vector_store %arg6[%swap3A], %add3A {strides = array<i32>} : memref<640xf32, #tpu.memory_space<vmem>>, vector<16xf32>,
    }
    %scan3A_114 = arith.constant 40 : i32
    %run_scoped3A_115 = arith.constant 13 : i32
    "tpu.region"() ({
      %run_scoped3A_150 = tpu.sem_alloc : memref<!tpu.dma_semaphore, #tpu.memory_space<semaphore_mem>>
      %dma_start3A = arith.constant 0 : i32
      %dma_start3A_151 = tpu.memref_slice %arg5[%dma_start3A] : memref<10240xf32, #tpu.memory_space<vmem>> -> memref<640xf32, #tpu.memory_space<vmem>>
      %dma_start3A_152 = tpu.memref_slice %arg8[%run_scoped3A_115, %mul3A_18] : memref<16x10240xf32, #tpu.memory_space<vmem_shared>> -> memref<1x640xf32, #tpu.memory_space<vmem_shared>>
      %dma_start3A_153 = tpu.memref_squeeze %dma_start3A_152 : memref<1x640xf32, #tpu.memory_space<vmem_shared>> -> memref<640xf32, #tpu.memory_space<vmem_shared>>
      %dma_start3A_154 = arith.constant 0 : i32
      %dma_start3A_155 = tpu.memref_slice %arg5[%dma_start3A_154] : memref<10240xf32, #tpu.memory_space<vmem>> -> memref<640xf32, #tpu.memory_space<vmem>>
      %dma_start3A_156 = tpu.memref_slice %arg8[%run_scoped3A_115, %mul3A_18] : memref<16x10240xf32, #tpu.memory_space<vmem_shared>> -> memref<1x640xf32, #tpu.memory_space<vmem_shared>>
      %dma_start3A_157 = tpu.memref_squeeze %dma_start3A_156 : memref<1x640xf32, #tpu.memory_space<vmem_shared>> -> memref<640xf32, #tpu.memory_space<vmem_shared>>
      tpu.enqueue_dma source(%dma_start3A_157 : memref<640xf32, #tpu.memory_space<vmem_shared>>) target(%dma_start3A_155 : memref<640xf32, #tpu.memory_space<vmem>>) target_semaphore(%run_scoped3A_150 : memref<!tpu.dma_semaphore, #tpu.memory_space<semaphore_mem>>)
      %dma_wait3A = arith.constant 0 : i32
      %dma_wait3A_158 = tpu.memref_slice %arg5[%dma_wait3A] : memref<10240xf32, #tpu.memory_space<vmem>> -> memref<640xf32, #tpu.memory_space<vmem>>
      %dma_wait3A_159 = tpu.memref_slice %arg8[%run_scoped3A_115, %mul3A_18] : memref<16x10240xf32, #tpu.memory_space<vmem_shared>> -> memref<1x640xf32, #tpu.memory_space<vmem_shared>>
      %dma_wait3A_160 = tpu.memref_squeeze %dma_wait3A_159 : memref<1x640xf32, #tpu.memory_space<vmem_shared>> -> memref<640xf32, #tpu.memory_space<vmem_shared>>
      %dma_wait3A_161 = arith.constant 0 : i32
      %dma_wait3A_162 = tpu.memref_slice %arg5[%dma_wait3A_161] : memref<10240xf32, #tpu.memory_space<vmem>> -> memref<640xf32, #tpu.memory_space<vmem>>
      %dma_wait3A_163 = tpu.memref_slice %arg8[%run_scoped3A_115, %mul3A_18] : memref<16x10240xf32, #tpu.memory_space<vmem_shared>> -> memref<1x640xf32, #tpu.memory_space<vmem_shared>>
      %dma_wait3A_164 = tpu.memref_squeeze %dma_wait3A_163 : memref<1x640xf32, #tpu.memory_space<vmem_shared>> -> memref<640xf32, #tpu.memory_space<vmem_shared>>
      tpu.wait_dma2 semaphore(%run_scoped3A_150 : memref<!tpu.dma_semaphore, #tpu.memory_space<semaphore_mem>>) src(%dma_wait3A_164 : memref<640xf32, #tpu.memory_space<vmem_shared>>) dst(%dma_wait3A_162 : memref<640xf32, #tpu.memory_space<vmem>>)
      tpu.yield
    }) : () -> ()
    %scan3A_116 = arith.constant 0 : i32
    %scan3A_117 = arith.constant 0 : i32
    %scan3A_118 = arith.constant 40 : i32
    %scan3A_119 = arith.addi %scan3A_117, %scan3A_118 : i32
    %scan3A_120 = arith.constant 1 : i32
    scf.for %scan3A_150 = %scan3A_117 to %scan3A_119 step %scan3A_120  : i32 {
      %mul3A_151 = arith.constant 16 : i32
      %mul3A_152 = arith.muli %scan3A_150, %mul3A_151 : i32
      %get3A = arith.index_cast %mul3A_152 : i32 to index
      %get3A_153 = tpu.vector_load %arg6[%get3A] {strides = array<i32>} : memref<640xf32, #tpu.memory_space<vmem>>, vector<16xf32>,
      %mul3A_154 = arith.constant 16 : i32
      %mul3A_155 = arith.muli %scan3A_150, %mul3A_154 : i32
      %get3A_156 = arith.index_cast %mul3A_155 : i32 to index
      %get3A_157 = tpu.vector_load %arg5[%get3A_156] {strides = array<i32>} : memref<10240xf32, #tpu.memory_space<vmem>>, vector<16xf32>,
      %add3A = arith.addf %get3A_153, %get3A_157 : vector<16xf32>
      %mul3A_158 = arith.constant 16 : i32
      %mul3A_159 = arith.muli %scan3A_150, %mul3A_158 : i32
      %swap3A = arith.index_cast %mul3A_159 : i32 to index
      %swap3A_160 = tpu.vector_load %arg6[%swap3A] {strides = array<i32>} : memref<640xf32, #tpu.memory_space<vmem>>, vector<16xf32>,
      tpu.vector_store %arg6[%swap3A], %add3A {strides = array<i32>} : memref<640xf32, #tpu.memory_space<vmem>>, vector<16xf32>,
    }
    %scan3A_121 = arith.constant 40 : i32
    %run_scoped3A_122 = arith.constant 14 : i32
    "tpu.region"() ({
      %run_scoped3A_150 = tpu.sem_alloc : memref<!tpu.dma_semaphore, #tpu.memory_space<semaphore_mem>>
      %dma_start3A = arith.constant 0 : i32
      %dma_start3A_151 = tpu.memref_slice %arg5[%dma_start3A] : memref<10240xf32, #tpu.memory_space<vmem>> -> memref<640xf32, #tpu.memory_space<vmem>>
      %dma_start3A_152 = tpu.memref_slice %arg8[%run_scoped3A_122, %mul3A_18] : memref<16x10240xf32, #tpu.memory_space<vmem_shared>> -> memref<1x640xf32, #tpu.memory_space<vmem_shared>>
      %dma_start3A_153 = tpu.memref_squeeze %dma_start3A_152 : memref<1x640xf32, #tpu.memory_space<vmem_shared>> -> memref<640xf32, #tpu.memory_space<vmem_shared>>
      %dma_start3A_154 = arith.constant 0 : i32
      %dma_start3A_155 = tpu.memref_slice %arg5[%dma_start3A_154] : memref<10240xf32, #tpu.memory_space<vmem>> -> memref<640xf32, #tpu.memory_space<vmem>>
      %dma_start3A_156 = tpu.memref_slice %arg8[%run_scoped3A_122, %mul3A_18] : memref<16x10240xf32, #tpu.memory_space<vmem_shared>> -> memref<1x640xf32, #tpu.memory_space<vmem_shared>>
      %dma_start3A_157 = tpu.memref_squeeze %dma_start3A_156 : memref<1x640xf32, #tpu.memory_space<vmem_shared>> -> memref<640xf32, #tpu.memory_space<vmem_shared>>
      tpu.enqueue_dma source(%dma_start3A_157 : memref<640xf32, #tpu.memory_space<vmem_shared>>) target(%dma_start3A_155 : memref<640xf32, #tpu.memory_space<vmem>>) target_semaphore(%run_scoped3A_150 : memref<!tpu.dma_semaphore, #tpu.memory_space<semaphore_mem>>)
      %dma_wait3A = arith.constant 0 : i32
      %dma_wait3A_158 = tpu.memref_slice %arg5[%dma_wait3A] : memref<10240xf32, #tpu.memory_space<vmem>> -> memref<640xf32, #tpu.memory_space<vmem>>
      %dma_wait3A_159 = tpu.memref_slice %arg8[%run_scoped3A_122, %mul3A_18] : memref<16x10240xf32, #tpu.memory_space<vmem_shared>> -> memref<1x640xf32, #tpu.memory_space<vmem_shared>>
      %dma_wait3A_160 = tpu.memref_squeeze %dma_wait3A_159 : memref<1x640xf32, #tpu.memory_space<vmem_shared>> -> memref<640xf32, #tpu.memory_space<vmem_shared>>
      %dma_wait3A_161 = arith.constant 0 : i32
      %dma_wait3A_162 = tpu.memref_slice %arg5[%dma_wait3A_161] : memref<10240xf32, #tpu.memory_space<vmem>> -> memref<640xf32, #tpu.memory_space<vmem>>
      %dma_wait3A_163 = tpu.memref_slice %arg8[%run_scoped3A_122, %mul3A_18] : memref<16x10240xf32, #tpu.memory_space<vmem_shared>> -> memref<1x640xf32, #tpu.memory_space<vmem_shared>>
      %dma_wait3A_164 = tpu.memref_squeeze %dma_wait3A_163 : memref<1x640xf32, #tpu.memory_space<vmem_shared>> -> memref<640xf32, #tpu.memory_space<vmem_shared>>
      tpu.wait_dma2 semaphore(%run_scoped3A_150 : memref<!tpu.dma_semaphore, #tpu.memory_space<semaphore_mem>>) src(%dma_wait3A_164 : memref<640xf32, #tpu.memory_space<vmem_shared>>) dst(%dma_wait3A_162 : memref<640xf32, #tpu.memory_space<vmem>>)
      tpu.yield
    }) : () -> ()
    %scan3A_123 = arith.constant 0 : i32
    %scan3A_124 = arith.constant 0 : i32
    %scan3A_125 = arith.constant 40 : i32
    %scan3A_126 = arith.addi %scan3A_124, %scan3A_125 : i32
    %scan3A_127 = arith.constant 1 : i32
    scf.for %scan3A_150 = %scan3A_124 to %scan3A_126 step %scan3A_127  : i32 {
      %mul3A_151 = arith.constant 16 : i32
      %mul3A_152 = arith.muli %scan3A_150, %mul3A_151 : i32
      %get3A = arith.index_cast %mul3A_152 : i32 to index
      %get3A_153 = tpu.vector_load %arg6[%get3A] {strides = array<i32>} : memref<640xf32, #tpu.memory_space<vmem>>, vector<16xf32>,
      %mul3A_154 = arith.constant 16 : i32
      %mul3A_155 = arith.muli %scan3A_150, %mul3A_154 : i32
      %get3A_156 = arith.index_cast %mul3A_155 : i32 to index
      %get3A_157 = tpu.vector_load %arg5[%get3A_156] {strides = array<i32>} : memref<10240xf32, #tpu.memory_space<vmem>>, vector<16xf32>,
      %add3A = arith.addf %get3A_153, %get3A_157 : vector<16xf32>
      %mul3A_158 = arith.constant 16 : i32
      %mul3A_159 = arith.muli %scan3A_150, %mul3A_158 : i32
      %swap3A = arith.index_cast %mul3A_159 : i32 to index
      %swap3A_160 = tpu.vector_load %arg6[%swap3A] {strides = array<i32>} : memref<640xf32, #tpu.memory_space<vmem>>, vector<16xf32>,
      tpu.vector_store %arg6[%swap3A], %add3A {strides = array<i32>} : memref<640xf32, #tpu.memory_space<vmem>>, vector<16xf32>,
    }
    %scan3A_128 = arith.constant 40 : i32
    %run_scoped3A_129 = arith.constant 15 : i32
    "tpu.region"() ({
      %run_scoped3A_150 = tpu.sem_alloc : memref<!tpu.dma_semaphore, #tpu.memory_space<semaphore_mem>>
      %dma_start3A = arith.constant 0 : i32
      %dma_start3A_151 = tpu.memref_slice %arg5[%dma_start3A] : memref<10240xf32, #tpu.memory_space<vmem>> -> memref<640xf32, #tpu.memory_space<vmem>>
      %dma_start3A_152 = tpu.memref_slice %arg8[%run_scoped3A_129, %mul3A_18] : memref<16x10240xf32, #tpu.memory_space<vmem_shared>> -> memref<1x640xf32, #tpu.memory_space<vmem_shared>>
      %dma_start3A_153 = tpu.memref_squeeze %dma_start3A_152 : memref<1x640xf32, #tpu.memory_space<vmem_shared>> -> memref<640xf32, #tpu.memory_space<vmem_shared>>
      %dma_start3A_154 = arith.constant 0 : i32
      %dma_start3A_155 = tpu.memref_slice %arg5[%dma_start3A_154] : memref<10240xf32, #tpu.memory_space<vmem>> -> memref<640xf32, #tpu.memory_space<vmem>>
      %dma_start3A_156 = tpu.memref_slice %arg8[%run_scoped3A_129, %mul3A_18] : memref<16x10240xf32, #tpu.memory_space<vmem_shared>> -> memref<1x640xf32, #tpu.memory_space<vmem_shared>>
      %dma_start3A_157 = tpu.memref_squeeze %dma_start3A_156 : memref<1x640xf32, #tpu.memory_space<vmem_shared>> -> memref<640xf32, #tpu.memory_space<vmem_shared>>
      tpu.enqueue_dma source(%dma_start3A_157 : memref<640xf32, #tpu.memory_space<vmem_shared>>) target(%dma_start3A_155 : memref<640xf32, #tpu.memory_space<vmem>>) target_semaphore(%run_scoped3A_150 : memref<!tpu.dma_semaphore, #tpu.memory_space<semaphore_mem>>)
      %dma_wait3A = arith.constant 0 : i32
      %dma_wait3A_158 = tpu.memref_slice %arg5[%dma_wait3A] : memref<10240xf32, #tpu.memory_space<vmem>> -> memref<640xf32, #tpu.memory_space<vmem>>
      %dma_wait3A_159 = tpu.memref_slice %arg8[%run_scoped3A_129, %mul3A_18] : memref<16x10240xf32, #tpu.memory_space<vmem_shared>> -> memref<1x640xf32, #tpu.memory_space<vmem_shared>>
      %dma_wait3A_160 = tpu.memref_squeeze %dma_wait3A_159 : memref<1x640xf32, #tpu.memory_space<vmem_shared>> -> memref<640xf32, #tpu.memory_space<vmem_shared>>
      %dma_wait3A_161 = arith.constant 0 : i32
      %dma_wait3A_162 = tpu.memref_slice %arg5[%dma_wait3A_161] : memref<10240xf32, #tpu.memory_space<vmem>> -> memref<640xf32, #tpu.memory_space<vmem>>
      %dma_wait3A_163 = tpu.memref_slice %arg8[%run_scoped3A_129, %mul3A_18] : memref<16x10240xf32, #tpu.memory_space<vmem_shared>> -> memref<1x640xf32, #tpu.memory_space<vmem_shared>>
      %dma_wait3A_164 = tpu.memref_squeeze %dma_wait3A_163 : memref<1x640xf32, #tpu.memory_space<vmem_shared>> -> memref<640xf32, #tpu.memory_space<vmem_shared>>
      tpu.wait_dma2 semaphore(%run_scoped3A_150 : memref<!tpu.dma_semaphore, #tpu.memory_space<semaphore_mem>>) src(%dma_wait3A_164 : memref<640xf32, #tpu.memory_space<vmem_shared>>) dst(%dma_wait3A_162 : memref<640xf32, #tpu.memory_space<vmem>>)
      tpu.yield
    }) : () -> ()
    %scan3A_130 = arith.constant 0 : i32
    %scan3A_131 = arith.constant 0 : i32
    %scan3A_132 = arith.constant 40 : i32
    %scan3A_133 = arith.addi %scan3A_131, %scan3A_132 : i32
    %scan3A_134 = arith.constant 1 : i32
    scf.for %scan3A_150 = %scan3A_131 to %scan3A_133 step %scan3A_134  : i32 {
      %mul3A_151 = arith.constant 16 : i32
      %mul3A_152 = arith.muli %scan3A_150, %mul3A_151 : i32
      %get3A = arith.index_cast %mul3A_152 : i32 to index
      %get3A_153 = tpu.vector_load %arg6[%get3A] {strides = array<i32>} : memref<640xf32, #tpu.memory_space<vmem>>, vector<16xf32>,
      %mul3A_154 = arith.constant 16 : i32
      %mul3A_155 = arith.muli %scan3A_150, %mul3A_154 : i32
      %get3A_156 = arith.index_cast %mul3A_155 : i32 to index
      %get3A_157 = tpu.vector_load %arg5[%get3A_156] {strides = array<i32>} : memref<10240xf32, #tpu.memory_space<vmem>>, vector<16xf32>,
      %add3A = arith.addf %get3A_153, %get3A_157 : vector<16xf32>
      %mul3A_158 = arith.constant 16 : i32
      %mul3A_159 = arith.muli %scan3A_150, %mul3A_158 : i32
      %swap3A = arith.index_cast %mul3A_159 : i32 to index
      %swap3A_160 = tpu.vector_load %arg6[%swap3A] {strides = array<i32>} : memref<640xf32, #tpu.memory_space<vmem>>, vector<16xf32>,
      tpu.vector_store %arg6[%swap3A], %add3A {strides = array<i32>} : memref<640xf32, #tpu.memory_space<vmem>>, vector<16xf32>,
    }
    %scan3A_135 = arith.constant 40 : i32
    %scan3A_136 = arith.constant 0 : i32
    %scan3A_137 = arith.constant 0 : i32
    %scan3A_138 = arith.constant 40 : i32
    %scan3A_139 = arith.addi %scan3A_137, %scan3A_138 : i32
    %scan3A_140 = arith.constant 1 : i32
    scf.for %scan3A_150 = %scan3A_137 to %scan3A_139 step %scan3A_140  : i32 {
      %mul3A_151 = arith.constant 16 : i32
      %mul3A_152 = arith.muli %scan3A_150, %mul3A_151 : i32
      %get3A = arith.index_cast %mul3A_152 : i32 to index
      %get3A_153 = tpu.vector_load %arg6[%get3A] {strides = array<i32>} : memref<640xf32, #tpu.memory_space<vmem>>, vector<16xf32>,
      %add3A = arith.constant 1.000000e+00 : f32
      %add3A_154 = vector.broadcast %add3A : f32 to vector<16xf32>
      %add3A_155 = arith.addf %get3A_153, %add3A_154 : vector<16xf32>
      %bitcast3A = vector.bitcast %add3A_155 : vector<16xf32> to vector<16xi32>
      %shift_right_arithmetic3A = arith.constant 1 : i32
      %shift_right_arithmetic3A_156 = vector.broadcast %shift_right_arithmetic3A : i32 to vector<16xi32>
      %shift_right_arithmetic3A_157 = arith.shrsi %bitcast3A, %shift_right_arithmetic3A_156 : vector<16xi32>
      %sub3A = arith.constant 1597463007 : i32
      %sub3A_158 = vector.broadcast %sub3A : i32 to vector<16xi32>
      %sub3A_159 = arith.subi %sub3A_158, %shift_right_arithmetic3A_157 : vector<16xi32>
      %bitcast3A_160 = vector.bitcast %sub3A_159 : vector<16xi32> to vector<16xf32>
      %mul3A_161 = arith.constant 5.000000e-01 : f32
      %mul3A_162 = vector.broadcast %mul3A_161 : f32 to vector<16xf32>
      %mul3A_163 = arith.mulf %mul3A_162, %add3A_155 : vector<16xf32>
      %mul3A_164 = arith.mulf %mul3A_163, %bitcast3A_160 : vector<16xf32>
      %mul3A_165 = arith.mulf %mul3A_164, %bitcast3A_160 : vector<16xf32>
      %sub3A_166 = arith.constant 1.500000e+00 : f32
      %sub3A_167 = vector.broadcast %sub3A_166 : f32 to vector<16xf32>
      %sub3A_168 = arith.subf %sub3A_167, %mul3A_165 : vector<16xf32>
      %mul3A_169 = arith.mulf %bitcast3A_160, %sub3A_168 : vector<16xf32>
      %mul3A_170 = arith.constant 5.000000e-01 : f32
      %mul3A_171 = vector.broadcast %mul3A_170 : f32 to vector<16xf32>
      %mul3A_172 = arith.mulf %mul3A_171, %add3A_155 : vector<16xf32>
      %mul3A_173 = arith.mulf %mul3A_172, %mul3A_169 : vector<16xf32>
      %mul3A_174 = arith.mulf %mul3A_173, %mul3A_169 : vector<16xf32>
      %sub3A_175 = arith.constant 1.500000e+00 : f32
      %sub3A_176 = vector.broadcast %sub3A_175 : f32 to vector<16xf32>
      %sub3A_177 = arith.subf %sub3A_176, %mul3A_174 : vector<16xf32>
      %mul3A_178 = arith.mulf %mul3A_169, %sub3A_177 : vector<16xf32>
      %mul3A_179 = arith.constant 5.000000e-01 : f32
      %mul3A_180 = vector.broadcast %mul3A_179 : f32 to vector<16xf32>
      %mul3A_181 = arith.mulf %mul3A_180, %add3A_155 : vector<16xf32>
      %mul3A_182 = arith.mulf %mul3A_181, %mul3A_178 : vector<16xf32>
      %mul3A_183 = arith.mulf %mul3A_182, %mul3A_178 : vector<16xf32>
      %sub3A_184 = arith.constant 1.500000e+00 : f32
      %sub3A_185 = vector.broadcast %sub3A_184 : f32 to vector<16xf32>
      %sub3A_186 = arith.subf %sub3A_185, %mul3A_183 : vector<16xf32>
      %mul3A_187 = arith.mulf %mul3A_178, %sub3A_186 : vector<16xf32>
      %mul3A_188 = arith.constant 16 : i32
      %mul3A_189 = arith.muli %scan3A_150, %mul3A_188 : i32
      %swap3A = arith.index_cast %mul3A_189 : i32 to index
      %swap3A_190 = tpu.vector_load %arg6[%swap3A] {strides = array<i32>} : memref<640xf32, #tpu.memory_space<vmem>>, vector<16xf32>,
      tpu.vector_store %arg6[%swap3A], %mul3A_187 {strides = array<i32>} : memref<640xf32, #tpu.memory_space<vmem>>, vector<16xf32>,
    }
    %scan3A_141 = arith.constant 40 : i32
    %scan3A_142 = arith.constant 0 : i32
    %scan3A_143 = arith.constant 0 : i32
    %scan3A_144 = arith.constant 640 : i32
    %scan3A_145 = arith.addi %scan3A_143, %scan3A_144 : i32
    %scan3A_146 = arith.constant 1 : i32
    scf.for %scan3A_150 = %scan3A_143 to %scan3A_145 step %scan3A_146  : i32 {
      %broadcast_in_dim3A_151 = arith.constant 1 : i32
      %broadcast_in_dim3A_152 = vector.broadcast %broadcast_in_dim3A_151 : i32 to vector<16xi32>
      %mul3A_153 = vector.broadcast %scan3A_150 : i32 to vector<16xi32>
      %mul3A_154 = arith.muli %broadcast_in_dim3A_152, %mul3A_153 : vector<16xi32>
      %gather3A = tpu.vector_load_idx %arg6[%mul3A_154] : memref<640xf32, #tpu.memory_space<vmem>>[vector<16xi32>], vector<16xf32>,
      %mul3A_155 = arith.constant 16 : i32
      %mul3A_156 = arith.muli %scan3A_150, %mul3A_155 : i32
      %swap3A = arith.index_cast %mul3A_156 : i32 to index
      %swap3A_157 = tpu.vector_load %arg7[%swap3A] {strides = array<i32>} : memref<10240xf32, #tpu.memory_space<vmem>>, vector<16xf32>,
      tpu.vector_store %arg7[%swap3A], %gather3A {strides = array<i32>} : memref<10240xf32, #tpu.memory_space<vmem>>, vector<16xf32>,
    }
    %scan3A_147 = arith.constant 640 : i32
    %eq3A = arith.constant 0 : i32
    %eq3A_148 = arith.cmpi eq, %arg0, %eq3A : i32
    %convert_element_type3A = arith.extui %eq3A_148 : i1 to i32
    %cond3A = arith.constant 0 : i32
    %cond3A_149 = arith.cmpi ne, %convert_element_type3A, %cond3A : i32
    scf.if %cond3A_149 {
      %mul3A_150 = arith.constant 16 : i32
      %mul3A_151 = arith.muli %mul3A_18, %mul3A_150 : i32
      "tpu.region"() ({
        %run_scoped3A_152 = tpu.sem_alloc : memref<!tpu.dma_semaphore, #tpu.memory_space<semaphore_mem>>
        %dma_start3A = tpu.memref_slice %arg3[%mul3A_151] : memref<163840xf32, #tpu.memory_space<hbm>> -> memref<10240xf32, #tpu.memory_space<hbm>>
        %dma_start3A_153 = tpu.memref_slice %arg3[%mul3A_151] : memref<163840xf32, #tpu.memory_space<hbm>> -> memref<10240xf32, #tpu.memory_space<hbm>>
        tpu.enqueue_dma source(%arg7 : memref<10240xf32, #tpu.memory_space<vmem>>) target(%dma_start3A_153 : memref<10240xf32, #tpu.memory_space<hbm>>) target_semaphore(%run_scoped3A_152 : memref<!tpu.dma_semaphore, #tpu.memory_space<semaphore_mem>>)
        %dma_wait3A = tpu.memref_slice %arg3[%mul3A_151] : memref<163840xf32, #tpu.memory_space<hbm>> -> memref<10240xf32, #tpu.memory_space<hbm>>
        %dma_wait3A_154 = tpu.memref_slice %arg3[%mul3A_151] : memref<163840xf32, #tpu.memory_space<hbm>> -> memref<10240xf32, #tpu.memory_space<hbm>>
        tpu.wait_dma2 semaphore(%run_scoped3A_152 : memref<!tpu.dma_semaphore, #tpu.memory_space<semaphore_mem>>) src(%arg7 : memref<10240xf32, #tpu.memory_space<vmem>>) dst(%dma_wait3A_154 : memref<10240xf32, #tpu.memory_space<hbm>>)
        tpu.yield
      }) : () -> ()
    } else {
    }
    return
  }
}

#map = affine_map<(d0, d1) -> (0, 0)>
#map1 = affine_map<(d0, d1) -> (0, 0, 0)>
module attributes {stable_mosaic.version = 14 : i64} {
  func.func @prop_kernel(%arg0: i32, %arg1: i32, %arg2: memref<10240x128xf32, #tpu.memory_space<hbm>>, %arg3: memref<2560x128xi32, #tpu.memory_space<hbm>>, %arg4: memref<2560x128xi32, #tpu.memory_space<hbm>>, %arg5: memref<2x10240x128xf32, #tpu.memory_space<hbm>>, %arg6: memref<40x128xi32, #tpu.memory_space<vmem>>, %arg7: memref<40x128xi32, #tpu.memory_space<vmem>>, %arg8: memref<2x128x128xf32, #tpu.memory_space<vmem>>, %arg9: memref<10240x128xf32, #tpu.memory_space<vmem_shared>>, %arg10: memref<2x!tpu.dma_semaphore, #tpu.memory_space<semaphore_mem>>, %arg11: memref<2x!tpu.dma_semaphore, #tpu.memory_space<semaphore_mem>>) attributes {dimension_semantics = [#tpu.dimension_semantics<core_parallel>, #tpu.dimension_semantics<subcore_parallel>], iteration_bounds = array<i64: 2, 16>, scalar_prefetch = 0 : i64, scratch_operands = 6 : i64, tpu.core_type = #tpu.core_type<sc_vector_subcore>, window_params = [{transform_indices = #map}, {transform_indices = #map}, {transform_indices = #map}, {transform_indices = #map1}]} {
    %mul3A = arith.constant 640 : i32
    %mul3A_0 = arith.muli %arg1, %mul3A : i32
    "tpu.region"() ({
      %run_scoped3A = tpu.sem_alloc : memref<!tpu.dma_semaphore, #tpu.memory_space<semaphore_mem>>
      %dma_start3A = arith.constant 0 : i32
      %dma_start3A_19 = tpu.memref_slice %arg9[%mul3A_0, %dma_start3A] : memref<10240x128xf32, #tpu.memory_space<vmem_shared>> -> memref<640x128xf32, #tpu.memory_space<vmem_shared>>
      %dma_start3A_20 = arith.constant 0 : i32
      %dma_start3A_21 = tpu.memref_slice %arg2[%mul3A_0, %dma_start3A_20] : memref<10240x128xf32, #tpu.memory_space<hbm>> -> memref<640x128xf32, #tpu.memory_space<hbm>>
      tpu.enqueue_dma source(%dma_start3A_21 : memref<640x128xf32, #tpu.memory_space<hbm>>) target(%dma_start3A_19 : memref<640x128xf32, #tpu.memory_space<vmem_shared>>) target_semaphore(%run_scoped3A : memref<!tpu.dma_semaphore, #tpu.memory_space<semaphore_mem>>)
      %dma_wait3A = arith.constant 0 : i32
      %dma_wait3A_22 = tpu.memref_slice %arg9[%mul3A_0, %dma_wait3A] : memref<10240x128xf32, #tpu.memory_space<vmem_shared>> -> memref<640x128xf32, #tpu.memory_space<vmem_shared>>
      %dma_wait3A_23 = arith.constant 0 : i32
      %dma_wait3A_24 = tpu.memref_slice %arg2[%mul3A_0, %dma_wait3A_23] : memref<10240x128xf32, #tpu.memory_space<hbm>> -> memref<640x128xf32, #tpu.memory_space<hbm>>
      tpu.wait_dma2 semaphore(%run_scoped3A : memref<!tpu.dma_semaphore, #tpu.memory_space<semaphore_mem>>) src(%dma_wait3A_24 : memref<640x128xf32, #tpu.memory_space<hbm>>) dst(%dma_wait3A_22 : memref<640x128xf32, #tpu.memory_space<vmem_shared>>)
      tpu.yield
    }) : () -> ()
    %barrier3A = arith.constant 0 : index
    tpu.barrier barrier_id(%barrier3A)
    %mul3A_1 = arith.constant 160 : i32
    %mul3A_2 = arith.muli %arg1, %mul3A_1 : i32
    %eq3A = arith.constant 0 : i32
    %eq3A_3 = arith.cmpi eq, %arg0, %eq3A : i32
    %jit3A = arith.constant 0 : i32
    %jit3A_4 = arith.constant 80 : i32
    %select_n3A = arith.select %eq3A_3, %jit3A, %jit3A_4 : i32
    %mul3A_5 = arith.constant 1 : i32
    %mul3A_6 = arith.muli %select_n3A, %mul3A_5 : i32
    %add3A = arith.addi %mul3A_2, %mul3A_6 : i32
    %eq3A_7 = arith.constant 0 : i32
    %eq3A_8 = arith.cmpi eq, %arg0, %eq3A_7 : i32
    %or3A = arith.constant true
    %or3A_9 = arith.ori %eq3A_8, %or3A : i1
    %convert_element_type3A = arith.extui %or3A_9 : i1 to i32
    %cond3A = arith.constant 0 : i32
    %cond3A_10 = arith.cmpi ne, %convert_element_type3A, %cond3A : i32
    scf.if %cond3A_10 {
      %add3A_19 = arith.constant 0 : i32
      %add3A_20 = arith.addi %add3A, %add3A_19 : i32
      "tpu.region"() ({
        %run_scoped3A = tpu.sem_alloc : memref<!tpu.dma_semaphore, #tpu.memory_space<semaphore_mem>>
        %dma_start3A_69 = arith.constant 0 : i32
        %dma_start3A_70 = tpu.memref_slice %arg3[%add3A_20, %dma_start3A_69] : memref<2560x128xi32, #tpu.memory_space<hbm>> -> memref<40x128xi32, #tpu.memory_space<hbm>>
        %dma_start3A_71 = arith.constant 0 : i32
        %dma_start3A_72 = tpu.memref_slice %arg3[%add3A_20, %dma_start3A_71] : memref<2560x128xi32, #tpu.memory_space<hbm>> -> memref<40x128xi32, #tpu.memory_space<hbm>>
        tpu.enqueue_dma source(%dma_start3A_72 : memref<40x128xi32, #tpu.memory_space<hbm>>) target(%arg6 : memref<40x128xi32, #tpu.memory_space<vmem>>) target_semaphore(%run_scoped3A : memref<!tpu.dma_semaphore, #tpu.memory_space<semaphore_mem>>)
        %dma_wait3A_73 = arith.constant 0 : i32
        %dma_wait3A_74 = tpu.memref_slice %arg3[%add3A_20, %dma_wait3A_73] : memref<2560x128xi32, #tpu.memory_space<hbm>> -> memref<40x128xi32, #tpu.memory_space<hbm>>
        %dma_wait3A_75 = arith.constant 0 : i32
        %dma_wait3A_76 = tpu.memref_slice %arg3[%add3A_20, %dma_wait3A_75] : memref<2560x128xi32, #tpu.memory_space<hbm>> -> memref<40x128xi32, #tpu.memory_space<hbm>>
        tpu.wait_dma2 semaphore(%run_scoped3A : memref<!tpu.dma_semaphore, #tpu.memory_space<semaphore_mem>>) src(%dma_wait3A_76 : memref<40x128xi32, #tpu.memory_space<hbm>>) dst(%arg6 : memref<40x128xi32, #tpu.memory_space<vmem>>)
        tpu.yield
      }) : () -> ()
      "tpu.region"() ({
        %run_scoped3A = tpu.sem_alloc : memref<!tpu.dma_semaphore, #tpu.memory_space<semaphore_mem>>
        %dma_start3A_69 = arith.constant 0 : i32
        %dma_start3A_70 = tpu.memref_slice %arg4[%add3A_20, %dma_start3A_69] : memref<2560x128xi32, #tpu.memory_space<hbm>> -> memref<40x128xi32, #tpu.memory_space<hbm>>
        %dma_start3A_71 = arith.constant 0 : i32
        %dma_start3A_72 = tpu.memref_slice %arg4[%add3A_20, %dma_start3A_71] : memref<2560x128xi32, #tpu.memory_space<hbm>> -> memref<40x128xi32, #tpu.memory_space<hbm>>
        tpu.enqueue_dma source(%dma_start3A_72 : memref<40x128xi32, #tpu.memory_space<hbm>>) target(%arg7 : memref<40x128xi32, #tpu.memory_space<vmem>>) target_semaphore(%run_scoped3A : memref<!tpu.dma_semaphore, #tpu.memory_space<semaphore_mem>>)
        %dma_wait3A_73 = arith.constant 0 : i32
        %dma_wait3A_74 = tpu.memref_slice %arg4[%add3A_20, %dma_wait3A_73] : memref<2560x128xi32, #tpu.memory_space<hbm>> -> memref<40x128xi32, #tpu.memory_space<hbm>>
        %dma_wait3A_75 = arith.constant 0 : i32
        %dma_wait3A_76 = tpu.memref_slice %arg4[%add3A_20, %dma_wait3A_75] : memref<2560x128xi32, #tpu.memory_space<hbm>> -> memref<40x128xi32, #tpu.memory_space<hbm>>
        tpu.wait_dma2 semaphore(%run_scoped3A : memref<!tpu.dma_semaphore, #tpu.memory_space<semaphore_mem>>) src(%dma_wait3A_76 : memref<40x128xi32, #tpu.memory_space<hbm>>) dst(%arg7 : memref<40x128xi32, #tpu.memory_space<vmem>>)
        tpu.yield
      }) : () -> ()
      %dma_start3A = arith.constant 0 : i32
      %dma_start3A_21 = arith.constant 0 : i32
      %dma_start3A_22 = arith.constant 0 : i32
      %dma_start3A_23 = arith.constant 0 : i32
      %dma_start3A_24 = arith.constant 0 : i32
      %dma_start3A_25 = tpu.memref_slice %arg8[%dma_start3A_21, %dma_start3A_23, %dma_start3A_24] : memref<2x128x128xf32, #tpu.memory_space<vmem>> -> memref<1x128x128xf32, #tpu.memory_space<vmem>>
      %dma_start3A_26 = tpu.memref_squeeze %dma_start3A_25 : memref<1x128x128xf32, #tpu.memory_space<vmem>> -> memref<128x128xf32, #tpu.memory_space<vmem>>
      %dma_start3A_27 = arith.constant 0 : i32
      %dma_start3A_28 = tpu.memref_slice %arg6[%dma_start3A, %dma_start3A_27] : memref<40x128xi32, #tpu.memory_space<vmem>> -> memref<1x128xi32, #tpu.memory_space<vmem>>
      %dma_start3A_29 = tpu.memref_squeeze %dma_start3A_28 : memref<1x128xi32, #tpu.memory_space<vmem>> -> memref<128xi32, #tpu.memory_space<vmem>>
      %dma_start3A_30 = arith.constant 0 : i32
      %dma_start3A_31 = arith.constant 0 : i32
      %dma_start3A_32 = tpu.memref_slice %arg2[%dma_start3A_30, %dma_start3A_31] : memref<10240x128xf32, #tpu.memory_space<hbm>> -> memref<10240x128xf32, #tpu.memory_space<hbm>>
      %dma_start3A_33 = tpu.memref_slice %arg10[%dma_start3A_22] : memref<2x!tpu.dma_semaphore, #tpu.memory_space<semaphore_mem>> -> memref<1x!tpu.dma_semaphore, #tpu.memory_space<semaphore_mem>>
      %dma_start3A_34 = tpu.memref_squeeze %dma_start3A_33 : memref<1x!tpu.dma_semaphore, #tpu.memory_space<semaphore_mem>> -> memref<!tpu.dma_semaphore, #tpu.memory_space<semaphore_mem>>
      tpu.enqueue_indirect_dma source(%dma_start3A_32 : memref<10240x128xf32, #tpu.memory_space<hbm>>) target(%dma_start3A_26 : memref<128x128xf32, #tpu.memory_space<vmem>>) offsets(%dma_start3A_29 : memref<128xi32, #tpu.memory_space<vmem>>) semaphore(%dma_start3A_34 : memref<!tpu.dma_semaphore, #tpu.memory_space<semaphore_mem>>)
      %scan3A = arith.constant 0 : i32
      %scan3A_35 = arith.constant 0 : i32
      %scan3A_36 = arith.constant 20 : i32
      %scan3A_37 = arith.addi %scan3A_35, %scan3A_36 : i32
      %scan3A_38 = arith.constant 1 : i32
      scf.for %scan3A_69 = %scan3A_35 to %scan3A_37 step %scan3A_38  : i32 {
        %mul3A_70 = arith.constant 2 : i32
        %mul3A_71 = arith.muli %scan3A_69, %mul3A_70 : i32
        %add3A_72 = arith.constant 0 : i32
        %add3A_73 = arith.addi %mul3A_71, %add3A_72 : i32
        %dma_wait3A_74 = arith.constant 0 : i32
        %dma_wait3A_75 = arith.constant 0 : i32
        %dma_wait3A_76 = arith.constant 0 : i32
        %dma_wait3A_77 = arith.constant 0 : i32
        %dma_wait3A_78 = tpu.memref_slice %arg8[%dma_wait3A_74, %dma_wait3A_76, %dma_wait3A_77] : memref<2x128x128xf32, #tpu.memory_space<vmem>> -> memref<1x128x128xf32, #tpu.memory_space<vmem>>
        %dma_wait3A_79 = tpu.memref_squeeze %dma_wait3A_78 : memref<1x128x128xf32, #tpu.memory_space<vmem>> -> memref<128x128xf32, #tpu.memory_space<vmem>>
        %dma_wait3A_80 = arith.constant 0 : i32
        %dma_wait3A_81 = tpu.memref_slice %arg6[%add3A_73, %dma_wait3A_80] : memref<40x128xi32, #tpu.memory_space<vmem>> -> memref<1x128xi32, #tpu.memory_space<vmem>>
        %dma_wait3A_82 = tpu.memref_squeeze %dma_wait3A_81 : memref<1x128xi32, #tpu.memory_space<vmem>> -> memref<128xi32, #tpu.memory_space<vmem>>
        %dma_wait3A_83 = arith.constant 0 : i32
        %dma_wait3A_84 = arith.constant 0 : i32
        %dma_wait3A_85 = tpu.memref_slice %arg2[%dma_wait3A_83, %dma_wait3A_84] : memref<10240x128xf32, #tpu.memory_space<hbm>> -> memref<10240x128xf32, #tpu.memory_space<hbm>>
        %dma_wait3A_86 = tpu.memref_slice %arg10[%dma_wait3A_75] : memref<2x!tpu.dma_semaphore, #tpu.memory_space<semaphore_mem>> -> memref<1x!tpu.dma_semaphore, #tpu.memory_space<semaphore_mem>>
        %dma_wait3A_87 = tpu.memref_squeeze %dma_wait3A_86 : memref<1x!tpu.dma_semaphore, #tpu.memory_space<semaphore_mem>> -> memref<!tpu.dma_semaphore, #tpu.memory_space<semaphore_mem>>
        tpu.wait_indirect_dma semaphore(%dma_wait3A_87 : memref<!tpu.dma_semaphore, #tpu.memory_space<semaphore_mem>>) src(%dma_wait3A_85 : memref<10240x128xf32, #tpu.memory_space<hbm>>) dst(%dma_wait3A_79 : memref<128x128xf32, #tpu.memory_space<vmem>>)
        %add3A_88 = arith.constant 1 : i32
        %add3A_89 = arith.addi %add3A_73, %add3A_88 : i32
        %lt3A = arith.constant 40 : i32
        %lt3A_90 = arith.cmpi slt, %add3A_89, %lt3A : i32
        %convert_element_type3A_91 = arith.extui %lt3A_90 : i1 to i32
        %cond3A_92 = arith.constant 0 : i32
        %cond3A_93 = arith.cmpi ne, %convert_element_type3A_91, %cond3A_92 : i32
        scf.if %cond3A_93 {
          %ge3A = arith.constant 1 : i32
          %ge3A_147 = arith.cmpi sge, %add3A_73, %ge3A : i32
          %convert_element_type3A_148 = arith.extui %ge3A_147 : i1 to i32
          %cond3A_149 = arith.constant 0 : i32
          %cond3A_150 = arith.cmpi ne, %convert_element_type3A_148, %cond3A_149 : i32
          scf.if %cond3A_150 {
            %sub3A = arith.constant 1 : i32
            %sub3A_167 = arith.subi %add3A_73, %sub3A : i32
            %dma_wait3A_168 = arith.constant 1 : i32
            %dma_wait3A_169 = arith.constant 1 : i32
            %dma_wait3A_170 = arith.constant 0 : i32
            %dma_wait3A_171 = arith.constant 0 : i32
            %dma_wait3A_172 = tpu.memref_slice %arg8[%dma_wait3A_168, %dma_wait3A_170, %dma_wait3A_171] : memref<2x128x128xf32, #tpu.memory_space<vmem>> -> memref<1x128x128xf32, #tpu.memory_space<vmem>>
            %dma_wait3A_173 = tpu.memref_squeeze %dma_wait3A_172 : memref<1x128x128xf32, #tpu.memory_space<vmem>> -> memref<128x128xf32, #tpu.memory_space<vmem>>
            %dma_wait3A_174 = arith.constant 0 : i32
            %dma_wait3A_175 = tpu.memref_slice %arg7[%sub3A_167, %dma_wait3A_174] : memref<40x128xi32, #tpu.memory_space<vmem>> -> memref<1x128xi32, #tpu.memory_space<vmem>>
            %dma_wait3A_176 = tpu.memref_squeeze %dma_wait3A_175 : memref<1x128xi32, #tpu.memory_space<vmem>> -> memref<128xi32, #tpu.memory_space<vmem>>
            %dma_wait3A_177 = arith.constant 0 : i32
            %dma_wait3A_178 = arith.constant 0 : i32
            %dma_wait3A_179 = tpu.memref_slice %arg9[%dma_wait3A_177, %dma_wait3A_178] : memref<10240x128xf32, #tpu.memory_space<vmem_shared>> -> memref<10240x128xf32, #tpu.memory_space<vmem_shared>>
            %dma_wait3A_180 = tpu.memref_slice %arg11[%dma_wait3A_169] : memref<2x!tpu.dma_semaphore, #tpu.memory_space<semaphore_mem>> -> memref<1x!tpu.dma_semaphore, #tpu.memory_space<semaphore_mem>>
            %dma_wait3A_181 = tpu.memref_squeeze %dma_wait3A_180 : memref<1x!tpu.dma_semaphore, #tpu.memory_space<semaphore_mem>> -> memref<!tpu.dma_semaphore, #tpu.memory_space<semaphore_mem>>
            tpu.wait_indirect_dma semaphore(%dma_wait3A_181 : memref<!tpu.dma_semaphore, #tpu.memory_space<semaphore_mem>>) src(%dma_wait3A_173 : memref<128x128xf32, #tpu.memory_space<vmem>>) dst(%dma_wait3A_179 : memref<10240x128xf32, #tpu.memory_space<vmem_shared>>)
          } else {
          }
          %add3A_151 = arith.constant 1 : i32
          %add3A_152 = arith.addi %add3A_73, %add3A_151 : i32
          %dma_start3A_153 = arith.constant 1 : i32
          %dma_start3A_154 = arith.constant 1 : i32
          %dma_start3A_155 = arith.constant 0 : i32
          %dma_start3A_156 = arith.constant 0 : i32
          %dma_start3A_157 = tpu.memref_slice %arg8[%dma_start3A_153, %dma_start3A_155, %dma_start3A_156] : memref<2x128x128xf32, #tpu.memory_space<vmem>> -> memref<1x128x128xf32, #tpu.memory_space<vmem>>
          %dma_start3A_158 = tpu.memref_squeeze %dma_start3A_157 : memref<1x128x128xf32, #tpu.memory_space<vmem>> -> memref<128x128xf32, #tpu.memory_space<vmem>>
          %dma_start3A_159 = arith.constant 0 : i32
          %dma_start3A_160 = tpu.memref_slice %arg6[%add3A_152, %dma_start3A_159] : memref<40x128xi32, #tpu.memory_space<vmem>> -> memref<1x128xi32, #tpu.memory_space<vmem>>
          %dma_start3A_161 = tpu.memref_squeeze %dma_start3A_160 : memref<1x128xi32, #tpu.memory_space<vmem>> -> memref<128xi32, #tpu.memory_space<vmem>>
          %dma_start3A_162 = arith.constant 0 : i32
          %dma_start3A_163 = arith.constant 0 : i32
          %dma_start3A_164 = tpu.memref_slice %arg2[%dma_start3A_162, %dma_start3A_163] : memref<10240x128xf32, #tpu.memory_space<hbm>> -> memref<10240x128xf32, #tpu.memory_space<hbm>>
          %dma_start3A_165 = tpu.memref_slice %arg10[%dma_start3A_154] : memref<2x!tpu.dma_semaphore, #tpu.memory_space<semaphore_mem>> -> memref<1x!tpu.dma_semaphore, #tpu.memory_space<semaphore_mem>>
          %dma_start3A_166 = tpu.memref_squeeze %dma_start3A_165 : memref<1x!tpu.dma_semaphore, #tpu.memory_space<semaphore_mem>> -> memref<!tpu.dma_semaphore, #tpu.memory_space<semaphore_mem>>
          tpu.enqueue_indirect_dma source(%dma_start3A_164 : memref<10240x128xf32, #tpu.memory_space<hbm>>) target(%dma_start3A_158 : memref<128x128xf32, #tpu.memory_space<vmem>>) offsets(%dma_start3A_161 : memref<128xi32, #tpu.memory_space<vmem>>) semaphore(%dma_start3A_166 : memref<!tpu.dma_semaphore, #tpu.memory_space<semaphore_mem>>)
        } else {
        }
        %dma_start3A_94 = arith.constant 0 : i32
        %dma_start3A_95 = arith.constant 0 : i32
        %dma_start3A_96 = arith.constant 0 : i32
        %dma_start3A_97 = arith.constant 0 : i32
        %dma_start3A_98 = tpu.memref_slice %arg8[%dma_start3A_94, %dma_start3A_96, %dma_start3A_97] : memref<2x128x128xf32, #tpu.memory_space<vmem>> -> memref<1x128x128xf32, #tpu.memory_space<vmem>>
        %dma_start3A_99 = tpu.memref_squeeze %dma_start3A_98 : memref<1x128x128xf32, #tpu.memory_space<vmem>> -> memref<128x128xf32, #tpu.memory_space<vmem>>
        %dma_start3A_100 = arith.constant 0 : i32
        %dma_start3A_101 = tpu.memref_slice %arg7[%add3A_73, %dma_start3A_100] : memref<40x128xi32, #tpu.memory_space<vmem>> -> memref<1x128xi32, #tpu.memory_space<vmem>>
        %dma_start3A_102 = tpu.memref_squeeze %dma_start3A_101 : memref<1x128xi32, #tpu.memory_space<vmem>> -> memref<128xi32, #tpu.memory_space<vmem>>
        %dma_start3A_103 = arith.constant 0 : i32
        %dma_start3A_104 = arith.constant 0 : i32
        %dma_start3A_105 = tpu.memref_slice %arg9[%dma_start3A_103, %dma_start3A_104] : memref<10240x128xf32, #tpu.memory_space<vmem_shared>> -> memref<10240x128xf32, #tpu.memory_space<vmem_shared>>
        %dma_start3A_106 = tpu.memref_slice %arg11[%dma_start3A_95] : memref<2x!tpu.dma_semaphore, #tpu.memory_space<semaphore_mem>> -> memref<1x!tpu.dma_semaphore, #tpu.memory_space<semaphore_mem>>
        %dma_start3A_107 = tpu.memref_squeeze %dma_start3A_106 : memref<1x!tpu.dma_semaphore, #tpu.memory_space<semaphore_mem>> -> memref<!tpu.dma_semaphore, #tpu.memory_space<semaphore_mem>>
        tpu.enqueue_indirect_dma source(%dma_start3A_99 : memref<128x128xf32, #tpu.memory_space<vmem>>) target(%dma_start3A_105 : memref<10240x128xf32, #tpu.memory_space<vmem_shared>>) offsets(%dma_start3A_102 : memref<128xi32, #tpu.memory_space<vmem>>) semaphore(%dma_start3A_107 : memref<!tpu.dma_semaphore, #tpu.memory_space<semaphore_mem>>) {add = true}
        %mul3A_108 = arith.constant 2 : i32
        %mul3A_109 = arith.muli %scan3A_69, %mul3A_108 : i32
        %add3A_110 = arith.constant 1 : i32
        %add3A_111 = arith.addi %mul3A_109, %add3A_110 : i32
        %dma_wait3A_112 = arith.constant 1 : i32
        %dma_wait3A_113 = arith.constant 1 : i32
        %dma_wait3A_114 = arith.constant 0 : i32
        %dma_wait3A_115 = arith.constant 0 : i32
        %dma_wait3A_116 = tpu.memref_slice %arg8[%dma_wait3A_112, %dma_wait3A_114, %dma_wait3A_115] : memref<2x128x128xf32, #tpu.memory_space<vmem>> -> memref<1x128x128xf32, #tpu.memory_space<vmem>>
        %dma_wait3A_117 = tpu.memref_squeeze %dma_wait3A_116 : memref<1x128x128xf32, #tpu.memory_space<vmem>> -> memref<128x128xf32, #tpu.memory_space<vmem>>
        %dma_wait3A_118 = arith.constant 0 : i32
        %dma_wait3A_119 = tpu.memref_slice %arg6[%add3A_111, %dma_wait3A_118] : memref<40x128xi32, #tpu.memory_space<vmem>> -> memref<1x128xi32, #tpu.memory_space<vmem>>
        %dma_wait3A_120 = tpu.memref_squeeze %dma_wait3A_119 : memref<1x128xi32, #tpu.memory_space<vmem>> -> memref<128xi32, #tpu.memory_space<vmem>>
        %dma_wait3A_121 = arith.constant 0 : i32
        %dma_wait3A_122 = arith.constant 0 : i32
        %dma_wait3A_123 = tpu.memref_slice %arg2[%dma_wait3A_121, %dma_wait3A_122] : memref<10240x128xf32, #tpu.memory_space<hbm>> -> memref<10240x128xf32, #tpu.memory_space<hbm>>
        %dma_wait3A_124 = tpu.memref_slice %arg10[%dma_wait3A_113] : memref<2x!tpu.dma_semaphore, #tpu.memory_space<semaphore_mem>> -> memref<1x!tpu.dma_semaphore, #tpu.memory_space<semaphore_mem>>
        %dma_wait3A_125 = tpu.memref_squeeze %dma_wait3A_124 : memref<1x!tpu.dma_semaphore, #tpu.memory_space<semaphore_mem>> -> memref<!tpu.dma_semaphore, #tpu.memory_space<semaphore_mem>>
        tpu.wait_indirect_dma semaphore(%dma_wait3A_125 : memref<!tpu.dma_semaphore, #tpu.memory_space<semaphore_mem>>) src(%dma_wait3A_123 : memref<10240x128xf32, #tpu.memory_space<hbm>>) dst(%dma_wait3A_117 : memref<128x128xf32, #tpu.memory_space<vmem>>)
        %add3A_126 = arith.constant 1 : i32
        %add3A_127 = arith.addi %add3A_111, %add3A_126 : i32
        %lt3A_128 = arith.constant 40 : i32
        %lt3A_129 = arith.cmpi slt, %add3A_127, %lt3A_128 : i32
        %convert_element_type3A_130 = arith.extui %lt3A_129 : i1 to i32
        %cond3A_131 = arith.constant 0 : i32
        %cond3A_132 = arith.cmpi ne, %convert_element_type3A_130, %cond3A_131 : i32
        scf.if %cond3A_132 {
          %ge3A = arith.constant 1 : i32
          %ge3A_147 = arith.cmpi sge, %add3A_111, %ge3A : i32
          %convert_element_type3A_148 = arith.extui %ge3A_147 : i1 to i32
          %cond3A_149 = arith.constant 0 : i32
          %cond3A_150 = arith.cmpi ne, %convert_element_type3A_148, %cond3A_149 : i32
          scf.if %cond3A_150 {
            %sub3A = arith.constant 1 : i32
            %sub3A_167 = arith.subi %add3A_111, %sub3A : i32
            %dma_wait3A_168 = arith.constant 0 : i32
            %dma_wait3A_169 = arith.constant 0 : i32
            %dma_wait3A_170 = arith.constant 0 : i32
            %dma_wait3A_171 = arith.constant 0 : i32
            %dma_wait3A_172 = tpu.memref_slice %arg8[%dma_wait3A_168, %dma_wait3A_170, %dma_wait3A_171] : memref<2x128x128xf32, #tpu.memory_space<vmem>> -> memref<1x128x128xf32, #tpu.memory_space<vmem>>
            %dma_wait3A_173 = tpu.memref_squeeze %dma_wait3A_172 : memref<1x128x128xf32, #tpu.memory_space<vmem>> -> memref<128x128xf32, #tpu.memory_space<vmem>>
            %dma_wait3A_174 = arith.constant 0 : i32
            %dma_wait3A_175 = tpu.memref_slice %arg7[%sub3A_167, %dma_wait3A_174] : memref<40x128xi32, #tpu.memory_space<vmem>> -> memref<1x128xi32, #tpu.memory_space<vmem>>
            %dma_wait3A_176 = tpu.memref_squeeze %dma_wait3A_175 : memref<1x128xi32, #tpu.memory_space<vmem>> -> memref<128xi32, #tpu.memory_space<vmem>>
            %dma_wait3A_177 = arith.constant 0 : i32
            %dma_wait3A_178 = arith.constant 0 : i32
            %dma_wait3A_179 = tpu.memref_slice %arg9[%dma_wait3A_177, %dma_wait3A_178] : memref<10240x128xf32, #tpu.memory_space<vmem_shared>> -> memref<10240x128xf32, #tpu.memory_space<vmem_shared>>
            %dma_wait3A_180 = tpu.memref_slice %arg11[%dma_wait3A_169] : memref<2x!tpu.dma_semaphore, #tpu.memory_space<semaphore_mem>> -> memref<1x!tpu.dma_semaphore, #tpu.memory_space<semaphore_mem>>
            %dma_wait3A_181 = tpu.memref_squeeze %dma_wait3A_180 : memref<1x!tpu.dma_semaphore, #tpu.memory_space<semaphore_mem>> -> memref<!tpu.dma_semaphore, #tpu.memory_space<semaphore_mem>>
            tpu.wait_indirect_dma semaphore(%dma_wait3A_181 : memref<!tpu.dma_semaphore, #tpu.memory_space<semaphore_mem>>) src(%dma_wait3A_173 : memref<128x128xf32, #tpu.memory_space<vmem>>) dst(%dma_wait3A_179 : memref<10240x128xf32, #tpu.memory_space<vmem_shared>>)
          } else {
          }
          %add3A_151 = arith.constant 1 : i32
          %add3A_152 = arith.addi %add3A_111, %add3A_151 : i32
          %dma_start3A_153 = arith.constant 0 : i32
          %dma_start3A_154 = arith.constant 0 : i32
          %dma_start3A_155 = arith.constant 0 : i32
          %dma_start3A_156 = arith.constant 0 : i32
          %dma_start3A_157 = tpu.memref_slice %arg8[%dma_start3A_153, %dma_start3A_155, %dma_start3A_156] : memref<2x128x128xf32, #tpu.memory_space<vmem>> -> memref<1x128x128xf32, #tpu.memory_space<vmem>>
          %dma_start3A_158 = tpu.memref_squeeze %dma_start3A_157 : memref<1x128x128xf32, #tpu.memory_space<vmem>> -> memref<128x128xf32, #tpu.memory_space<vmem>>
          %dma_start3A_159 = arith.constant 0 : i32
          %dma_start3A_160 = tpu.memref_slice %arg6[%add3A_152, %dma_start3A_159] : memref<40x128xi32, #tpu.memory_space<vmem>> -> memref<1x128xi32, #tpu.memory_space<vmem>>
          %dma_start3A_161 = tpu.memref_squeeze %dma_start3A_160 : memref<1x128xi32, #tpu.memory_space<vmem>> -> memref<128xi32, #tpu.memory_space<vmem>>
          %dma_start3A_162 = arith.constant 0 : i32
          %dma_start3A_163 = arith.constant 0 : i32
          %dma_start3A_164 = tpu.memref_slice %arg2[%dma_start3A_162, %dma_start3A_163] : memref<10240x128xf32, #tpu.memory_space<hbm>> -> memref<10240x128xf32, #tpu.memory_space<hbm>>
          %dma_start3A_165 = tpu.memref_slice %arg10[%dma_start3A_154] : memref<2x!tpu.dma_semaphore, #tpu.memory_space<semaphore_mem>> -> memref<1x!tpu.dma_semaphore, #tpu.memory_space<semaphore_mem>>
          %dma_start3A_166 = tpu.memref_squeeze %dma_start3A_165 : memref<1x!tpu.dma_semaphore, #tpu.memory_space<semaphore_mem>> -> memref<!tpu.dma_semaphore, #tpu.memory_space<semaphore_mem>>
          tpu.enqueue_indirect_dma source(%dma_start3A_164 : memref<10240x128xf32, #tpu.memory_space<hbm>>) target(%dma_start3A_158 : memref<128x128xf32, #tpu.memory_space<vmem>>) offsets(%dma_start3A_161 : memref<128xi32, #tpu.memory_space<vmem>>) semaphore(%dma_start3A_166 : memref<!tpu.dma_semaphore, #tpu.memory_space<semaphore_mem>>)
        } else {
        }
        %dma_start3A_133 = arith.constant 1 : i32
        %dma_start3A_134 = arith.constant 1 : i32
        %dma_start3A_135 = arith.constant 0 : i32
        %dma_start3A_136 = arith.constant 0 : i32
        %dma_start3A_137 = tpu.memref_slice %arg8[%dma_start3A_133, %dma_start3A_135, %dma_start3A_136] : memref<2x128x128xf32, #tpu.memory_space<vmem>> -> memref<1x128x128xf32, #tpu.memory_space<vmem>>
        %dma_start3A_138 = tpu.memref_squeeze %dma_start3A_137 : memref<1x128x128xf32, #tpu.memory_space<vmem>> -> memref<128x128xf32, #tpu.memory_space<vmem>>
        %dma_start3A_139 = arith.constant 0 : i32
        %dma_start3A_140 = tpu.memref_slice %arg7[%add3A_111, %dma_start3A_139] : memref<40x128xi32, #tpu.memory_space<vmem>> -> memref<1x128xi32, #tpu.memory_space<vmem>>
        %dma_start3A_141 = tpu.memref_squeeze %dma_start3A_140 : memref<1x128xi32, #tpu.memory_space<vmem>> -> memref<128xi32, #tpu.memory_space<vmem>>
        %dma_start3A_142 = arith.constant 0 : i32
        %dma_start3A_143 = arith.constant 0 : i32
        %dma_start3A_144 = tpu.memref_slice %arg9[%dma_start3A_142, %dma_start3A_143] : memref<10240x128xf32, #tpu.memory_space<vmem_shared>> -> memref<10240x128xf32, #tpu.memory_space<vmem_shared>>
        %dma_start3A_145 = tpu.memref_slice %arg11[%dma_start3A_134] : memref<2x!tpu.dma_semaphore, #tpu.memory_space<semaphore_mem>> -> memref<1x!tpu.dma_semaphore, #tpu.memory_space<semaphore_mem>>
        %dma_start3A_146 = tpu.memref_squeeze %dma_start3A_145 : memref<1x!tpu.dma_semaphore, #tpu.memory_space<semaphore_mem>> -> memref<!tpu.dma_semaphore, #tpu.memory_space<semaphore_mem>>
        tpu.enqueue_indirect_dma source(%dma_start3A_138 : memref<128x128xf32, #tpu.memory_space<vmem>>) target(%dma_start3A_144 : memref<10240x128xf32, #tpu.memory_space<vmem_shared>>) offsets(%dma_start3A_141 : memref<128xi32, #tpu.memory_space<vmem>>) semaphore(%dma_start3A_146 : memref<!tpu.dma_semaphore, #tpu.memory_space<semaphore_mem>>) {add = true}
      }
      %scan3A_39 = arith.constant 20 : i32
      %dma_wait3A = arith.constant 0 : i32
      %dma_wait3A_40 = arith.constant 38 : i32
      %dma_wait3A_41 = arith.constant 0 : i32
      %dma_wait3A_42 = arith.constant 0 : i32
      %dma_wait3A_43 = arith.constant 0 : i32
      %dma_wait3A_44 = tpu.memref_slice %arg8[%dma_wait3A, %dma_wait3A_42, %dma_wait3A_43] : memref<2x128x128xf32, #tpu.memory_space<vmem>> -> memref<1x128x128xf32, #tpu.memory_space<vmem>>
      %dma_wait3A_45 = tpu.memref_squeeze %dma_wait3A_44 : memref<1x128x128xf32, #tpu.memory_space<vmem>> -> memref<128x128xf32, #tpu.memory_space<vmem>>
      %dma_wait3A_46 = arith.constant 0 : i32
      %dma_wait3A_47 = tpu.memref_slice %arg7[%dma_wait3A_40, %dma_wait3A_46] : memref<40x128xi32, #tpu.memory_space<vmem>> -> memref<1x128xi32, #tpu.memory_space<vmem>>
      %dma_wait3A_48 = tpu.memref_squeeze %dma_wait3A_47 : memref<1x128xi32, #tpu.memory_space<vmem>> -> memref<128xi32, #tpu.memory_space<vmem>>
      %dma_wait3A_49 = arith.constant 0 : i32
      %dma_wait3A_50 = arith.constant 0 : i32
      %dma_wait3A_51 = tpu.memref_slice %arg9[%dma_wait3A_49, %dma_wait3A_50] : memref<10240x128xf32, #tpu.memory_space<vmem_shared>> -> memref<10240x128xf32, #tpu.memory_space<vmem_shared>>
      %dma_wait3A_52 = tpu.memref_slice %arg11[%dma_wait3A_41] : memref<2x!tpu.dma_semaphore, #tpu.memory_space<semaphore_mem>> -> memref<1x!tpu.dma_semaphore, #tpu.memory_space<semaphore_mem>>
      %dma_wait3A_53 = tpu.memref_squeeze %dma_wait3A_52 : memref<1x!tpu.dma_semaphore, #tpu.memory_space<semaphore_mem>> -> memref<!tpu.dma_semaphore, #tpu.memory_space<semaphore_mem>>
      tpu.wait_indirect_dma semaphore(%dma_wait3A_53 : memref<!tpu.dma_semaphore, #tpu.memory_space<semaphore_mem>>) src(%dma_wait3A_45 : memref<128x128xf32, #tpu.memory_space<vmem>>) dst(%dma_wait3A_51 : memref<10240x128xf32, #tpu.memory_space<vmem_shared>>)
      %dma_wait3A_54 = arith.constant 1 : i32
      %dma_wait3A_55 = arith.constant 39 : i32
      %dma_wait3A_56 = arith.constant 1 : i32
      %dma_wait3A_57 = arith.constant 0 : i32
      %dma_wait3A_58 = arith.constant 0 : i32
      %dma_wait3A_59 = tpu.memref_slice %arg8[%dma_wait3A_54, %dma_wait3A_57, %dma_wait3A_58] : memref<2x128x128xf32, #tpu.memory_space<vmem>> -> memref<1x128x128xf32, #tpu.memory_space<vmem>>
      %dma_wait3A_60 = tpu.memref_squeeze %dma_wait3A_59 : memref<1x128x128xf32, #tpu.memory_space<vmem>> -> memref<128x128xf32, #tpu.memory_space<vmem>>
      %dma_wait3A_61 = arith.constant 0 : i32
      %dma_wait3A_62 = tpu.memref_slice %arg7[%dma_wait3A_55, %dma_wait3A_61] : memref<40x128xi32, #tpu.memory_space<vmem>> -> memref<1x128xi32, #tpu.memory_space<vmem>>
      %dma_wait3A_63 = tpu.memref_squeeze %dma_wait3A_62 : memref<1x128xi32, #tpu.memory_space<vmem>> -> memref<128xi32, #tpu.memory_space<vmem>>
      %dma_wait3A_64 = arith.constant 0 : i32
      %dma_wait3A_65 = arith.constant 0 : i32
      %dma_wait3A_66 = tpu.memref_slice %arg9[%dma_wait3A_64, %dma_wait3A_65] : memref<10240x128xf32, #tpu.memory_space<vmem_shared>> -> memref<10240x128xf32, #tpu.memory_space<vmem_shared>>
      %dma_wait3A_67 = tpu.memref_slice %arg11[%dma_wait3A_56] : memref<2x!tpu.dma_semaphore, #tpu.memory_space<semaphore_mem>> -> memref<1x!tpu.dma_semaphore, #tpu.memory_space<semaphore_mem>>
      %dma_wait3A_68 = tpu.memref_squeeze %dma_wait3A_67 : memref<1x!tpu.dma_semaphore, #tpu.memory_space<semaphore_mem>> -> memref<!tpu.dma_semaphore, #tpu.memory_space<semaphore_mem>>
      tpu.wait_indirect_dma semaphore(%dma_wait3A_68 : memref<!tpu.dma_semaphore, #tpu.memory_space<semaphore_mem>>) src(%dma_wait3A_60 : memref<128x128xf32, #tpu.memory_space<vmem>>) dst(%dma_wait3A_66 : memref<10240x128xf32, #tpu.memory_space<vmem_shared>>)
    } else {
    }
    %eq3A_11 = arith.constant 0 : i32
    %eq3A_12 = arith.cmpi eq, %arg0, %eq3A_11 : i32
    %or3A_13 = arith.constant true
    %or3A_14 = arith.ori %eq3A_12, %or3A_13 : i1
    %convert_element_type3A_15 = arith.extui %or3A_14 : i1 to i32
    %cond3A_16 = arith.constant 0 : i32
    %cond3A_17 = arith.cmpi ne, %convert_element_type3A_15, %cond3A_16 : i32
    scf.if %cond3A_17 {
      %add3A_19 = arith.constant 40 : i32
      %add3A_20 = arith.addi %add3A, %add3A_19 : i32
      "tpu.region"() ({
        %run_scoped3A = tpu.sem_alloc : memref<!tpu.dma_semaphore, #tpu.memory_space<semaphore_mem>>
        %dma_start3A_69 = arith.constant 0 : i32
        %dma_start3A_70 = tpu.memref_slice %arg3[%add3A_20, %dma_start3A_69] : memref<2560x128xi32, #tpu.memory_space<hbm>> -> memref<40x128xi32, #tpu.memory_space<hbm>>
        %dma_start3A_71 = arith.constant 0 : i32
        %dma_start3A_72 = tpu.memref_slice %arg3[%add3A_20, %dma_start3A_71] : memref<2560x128xi32, #tpu.memory_space<hbm>> -> memref<40x128xi32, #tpu.memory_space<hbm>>
        tpu.enqueue_dma source(%dma_start3A_72 : memref<40x128xi32, #tpu.memory_space<hbm>>) target(%arg6 : memref<40x128xi32, #tpu.memory_space<vmem>>) target_semaphore(%run_scoped3A : memref<!tpu.dma_semaphore, #tpu.memory_space<semaphore_mem>>)
        %dma_wait3A_73 = arith.constant 0 : i32
        %dma_wait3A_74 = tpu.memref_slice %arg3[%add3A_20, %dma_wait3A_73] : memref<2560x128xi32, #tpu.memory_space<hbm>> -> memref<40x128xi32, #tpu.memory_space<hbm>>
        %dma_wait3A_75 = arith.constant 0 : i32
        %dma_wait3A_76 = tpu.memref_slice %arg3[%add3A_20, %dma_wait3A_75] : memref<2560x128xi32, #tpu.memory_space<hbm>> -> memref<40x128xi32, #tpu.memory_space<hbm>>
        tpu.wait_dma2 semaphore(%run_scoped3A : memref<!tpu.dma_semaphore, #tpu.memory_space<semaphore_mem>>) src(%dma_wait3A_76 : memref<40x128xi32, #tpu.memory_space<hbm>>) dst(%arg6 : memref<40x128xi32, #tpu.memory_space<vmem>>)
        tpu.yield
      }) : () -> ()
      "tpu.region"() ({
        %run_scoped3A = tpu.sem_alloc : memref<!tpu.dma_semaphore, #tpu.memory_space<semaphore_mem>>
        %dma_start3A_69 = arith.constant 0 : i32
        %dma_start3A_70 = tpu.memref_slice %arg4[%add3A_20, %dma_start3A_69] : memref<2560x128xi32, #tpu.memory_space<hbm>> -> memref<40x128xi32, #tpu.memory_space<hbm>>
        %dma_start3A_71 = arith.constant 0 : i32
        %dma_start3A_72 = tpu.memref_slice %arg4[%add3A_20, %dma_start3A_71] : memref<2560x128xi32, #tpu.memory_space<hbm>> -> memref<40x128xi32, #tpu.memory_space<hbm>>
        tpu.enqueue_dma source(%dma_start3A_72 : memref<40x128xi32, #tpu.memory_space<hbm>>) target(%arg7 : memref<40x128xi32, #tpu.memory_space<vmem>>) target_semaphore(%run_scoped3A : memref<!tpu.dma_semaphore, #tpu.memory_space<semaphore_mem>>)
        %dma_wait3A_73 = arith.constant 0 : i32
        %dma_wait3A_74 = tpu.memref_slice %arg4[%add3A_20, %dma_wait3A_73] : memref<2560x128xi32, #tpu.memory_space<hbm>> -> memref<40x128xi32, #tpu.memory_space<hbm>>
        %dma_wait3A_75 = arith.constant 0 : i32
        %dma_wait3A_76 = tpu.memref_slice %arg4[%add3A_20, %dma_wait3A_75] : memref<2560x128xi32, #tpu.memory_space<hbm>> -> memref<40x128xi32, #tpu.memory_space<hbm>>
        tpu.wait_dma2 semaphore(%run_scoped3A : memref<!tpu.dma_semaphore, #tpu.memory_space<semaphore_mem>>) src(%dma_wait3A_76 : memref<40x128xi32, #tpu.memory_space<hbm>>) dst(%arg7 : memref<40x128xi32, #tpu.memory_space<vmem>>)
        tpu.yield
      }) : () -> ()
      %dma_start3A = arith.constant 0 : i32
      %dma_start3A_21 = arith.constant 0 : i32
      %dma_start3A_22 = arith.constant 0 : i32
      %dma_start3A_23 = arith.constant 0 : i32
      %dma_start3A_24 = arith.constant 0 : i32
      %dma_start3A_25 = tpu.memref_slice %arg8[%dma_start3A_21, %dma_start3A_23, %dma_start3A_24] : memref<2x128x128xf32, #tpu.memory_space<vmem>> -> memref<1x128x128xf32, #tpu.memory_space<vmem>>
      %dma_start3A_26 = tpu.memref_squeeze %dma_start3A_25 : memref<1x128x128xf32, #tpu.memory_space<vmem>> -> memref<128x128xf32, #tpu.memory_space<vmem>>
      %dma_start3A_27 = arith.constant 0 : i32
      %dma_start3A_28 = tpu.memref_slice %arg6[%dma_start3A, %dma_start3A_27] : memref<40x128xi32, #tpu.memory_space<vmem>> -> memref<1x128xi32, #tpu.memory_space<vmem>>
      %dma_start3A_29 = tpu.memref_squeeze %dma_start3A_28 : memref<1x128xi32, #tpu.memory_space<vmem>> -> memref<128xi32, #tpu.memory_space<vmem>>
      %dma_start3A_30 = arith.constant 0 : i32
      %dma_start3A_31 = arith.constant 0 : i32
      %dma_start3A_32 = tpu.memref_slice %arg2[%dma_start3A_30, %dma_start3A_31] : memref<10240x128xf32, #tpu.memory_space<hbm>> -> memref<10240x128xf32, #tpu.memory_space<hbm>>
      %dma_start3A_33 = tpu.memref_slice %arg10[%dma_start3A_22] : memref<2x!tpu.dma_semaphore, #tpu.memory_space<semaphore_mem>> -> memref<1x!tpu.dma_semaphore, #tpu.memory_space<semaphore_mem>>
      %dma_start3A_34 = tpu.memref_squeeze %dma_start3A_33 : memref<1x!tpu.dma_semaphore, #tpu.memory_space<semaphore_mem>> -> memref<!tpu.dma_semaphore, #tpu.memory_space<semaphore_mem>>
      tpu.enqueue_indirect_dma source(%dma_start3A_32 : memref<10240x128xf32, #tpu.memory_space<hbm>>) target(%dma_start3A_26 : memref<128x128xf32, #tpu.memory_space<vmem>>) offsets(%dma_start3A_29 : memref<128xi32, #tpu.memory_space<vmem>>) semaphore(%dma_start3A_34 : memref<!tpu.dma_semaphore, #tpu.memory_space<semaphore_mem>>)
      %scan3A = arith.constant 0 : i32
      %scan3A_35 = arith.constant 0 : i32
      %scan3A_36 = arith.constant 20 : i32
      %scan3A_37 = arith.addi %scan3A_35, %scan3A_36 : i32
      %scan3A_38 = arith.constant 1 : i32
      scf.for %scan3A_69 = %scan3A_35 to %scan3A_37 step %scan3A_38  : i32 {
        %mul3A_70 = arith.constant 2 : i32
        %mul3A_71 = arith.muli %scan3A_69, %mul3A_70 : i32
        %add3A_72 = arith.constant 0 : i32
        %add3A_73 = arith.addi %mul3A_71, %add3A_72 : i32
        %dma_wait3A_74 = arith.constant 0 : i32
        %dma_wait3A_75 = arith.constant 0 : i32
        %dma_wait3A_76 = arith.constant 0 : i32
        %dma_wait3A_77 = arith.constant 0 : i32
        %dma_wait3A_78 = tpu.memref_slice %arg8[%dma_wait3A_74, %dma_wait3A_76, %dma_wait3A_77] : memref<2x128x128xf32, #tpu.memory_space<vmem>> -> memref<1x128x128xf32, #tpu.memory_space<vmem>>
        %dma_wait3A_79 = tpu.memref_squeeze %dma_wait3A_78 : memref<1x128x128xf32, #tpu.memory_space<vmem>> -> memref<128x128xf32, #tpu.memory_space<vmem>>
        %dma_wait3A_80 = arith.constant 0 : i32
        %dma_wait3A_81 = tpu.memref_slice %arg6[%add3A_73, %dma_wait3A_80] : memref<40x128xi32, #tpu.memory_space<vmem>> -> memref<1x128xi32, #tpu.memory_space<vmem>>
        %dma_wait3A_82 = tpu.memref_squeeze %dma_wait3A_81 : memref<1x128xi32, #tpu.memory_space<vmem>> -> memref<128xi32, #tpu.memory_space<vmem>>
        %dma_wait3A_83 = arith.constant 0 : i32
        %dma_wait3A_84 = arith.constant 0 : i32
        %dma_wait3A_85 = tpu.memref_slice %arg2[%dma_wait3A_83, %dma_wait3A_84] : memref<10240x128xf32, #tpu.memory_space<hbm>> -> memref<10240x128xf32, #tpu.memory_space<hbm>>
        %dma_wait3A_86 = tpu.memref_slice %arg10[%dma_wait3A_75] : memref<2x!tpu.dma_semaphore, #tpu.memory_space<semaphore_mem>> -> memref<1x!tpu.dma_semaphore, #tpu.memory_space<semaphore_mem>>
        %dma_wait3A_87 = tpu.memref_squeeze %dma_wait3A_86 : memref<1x!tpu.dma_semaphore, #tpu.memory_space<semaphore_mem>> -> memref<!tpu.dma_semaphore, #tpu.memory_space<semaphore_mem>>
        tpu.wait_indirect_dma semaphore(%dma_wait3A_87 : memref<!tpu.dma_semaphore, #tpu.memory_space<semaphore_mem>>) src(%dma_wait3A_85 : memref<10240x128xf32, #tpu.memory_space<hbm>>) dst(%dma_wait3A_79 : memref<128x128xf32, #tpu.memory_space<vmem>>)
        %add3A_88 = arith.constant 1 : i32
        %add3A_89 = arith.addi %add3A_73, %add3A_88 : i32
        %lt3A = arith.constant 40 : i32
        %lt3A_90 = arith.cmpi slt, %add3A_89, %lt3A : i32
        %convert_element_type3A_91 = arith.extui %lt3A_90 : i1 to i32
        %cond3A_92 = arith.constant 0 : i32
        %cond3A_93 = arith.cmpi ne, %convert_element_type3A_91, %cond3A_92 : i32
        scf.if %cond3A_93 {
          %ge3A = arith.constant 1 : i32
          %ge3A_147 = arith.cmpi sge, %add3A_73, %ge3A : i32
          %convert_element_type3A_148 = arith.extui %ge3A_147 : i1 to i32
          %cond3A_149 = arith.constant 0 : i32
          %cond3A_150 = arith.cmpi ne, %convert_element_type3A_148, %cond3A_149 : i32
          scf.if %cond3A_150 {
            %sub3A = arith.constant 1 : i32
            %sub3A_167 = arith.subi %add3A_73, %sub3A : i32
            %dma_wait3A_168 = arith.constant 1 : i32
            %dma_wait3A_169 = arith.constant 1 : i32
            %dma_wait3A_170 = arith.constant 0 : i32
            %dma_wait3A_171 = arith.constant 0 : i32
            %dma_wait3A_172 = tpu.memref_slice %arg8[%dma_wait3A_168, %dma_wait3A_170, %dma_wait3A_171] : memref<2x128x128xf32, #tpu.memory_space<vmem>> -> memref<1x128x128xf32, #tpu.memory_space<vmem>>
            %dma_wait3A_173 = tpu.memref_squeeze %dma_wait3A_172 : memref<1x128x128xf32, #tpu.memory_space<vmem>> -> memref<128x128xf32, #tpu.memory_space<vmem>>
            %dma_wait3A_174 = arith.constant 0 : i32
            %dma_wait3A_175 = tpu.memref_slice %arg7[%sub3A_167, %dma_wait3A_174] : memref<40x128xi32, #tpu.memory_space<vmem>> -> memref<1x128xi32, #tpu.memory_space<vmem>>
            %dma_wait3A_176 = tpu.memref_squeeze %dma_wait3A_175 : memref<1x128xi32, #tpu.memory_space<vmem>> -> memref<128xi32, #tpu.memory_space<vmem>>
            %dma_wait3A_177 = arith.constant 0 : i32
            %dma_wait3A_178 = arith.constant 0 : i32
            %dma_wait3A_179 = tpu.memref_slice %arg9[%dma_wait3A_177, %dma_wait3A_178] : memref<10240x128xf32, #tpu.memory_space<vmem_shared>> -> memref<10240x128xf32, #tpu.memory_space<vmem_shared>>
            %dma_wait3A_180 = tpu.memref_slice %arg11[%dma_wait3A_169] : memref<2x!tpu.dma_semaphore, #tpu.memory_space<semaphore_mem>> -> memref<1x!tpu.dma_semaphore, #tpu.memory_space<semaphore_mem>>
            %dma_wait3A_181 = tpu.memref_squeeze %dma_wait3A_180 : memref<1x!tpu.dma_semaphore, #tpu.memory_space<semaphore_mem>> -> memref<!tpu.dma_semaphore, #tpu.memory_space<semaphore_mem>>
            tpu.wait_indirect_dma semaphore(%dma_wait3A_181 : memref<!tpu.dma_semaphore, #tpu.memory_space<semaphore_mem>>) src(%dma_wait3A_173 : memref<128x128xf32, #tpu.memory_space<vmem>>) dst(%dma_wait3A_179 : memref<10240x128xf32, #tpu.memory_space<vmem_shared>>)
          } else {
          }
          %add3A_151 = arith.constant 1 : i32
          %add3A_152 = arith.addi %add3A_73, %add3A_151 : i32
          %dma_start3A_153 = arith.constant 1 : i32
          %dma_start3A_154 = arith.constant 1 : i32
          %dma_start3A_155 = arith.constant 0 : i32
          %dma_start3A_156 = arith.constant 0 : i32
          %dma_start3A_157 = tpu.memref_slice %arg8[%dma_start3A_153, %dma_start3A_155, %dma_start3A_156] : memref<2x128x128xf32, #tpu.memory_space<vmem>> -> memref<1x128x128xf32, #tpu.memory_space<vmem>>
          %dma_start3A_158 = tpu.memref_squeeze %dma_start3A_157 : memref<1x128x128xf32, #tpu.memory_space<vmem>> -> memref<128x128xf32, #tpu.memory_space<vmem>>
          %dma_start3A_159 = arith.constant 0 : i32
          %dma_start3A_160 = tpu.memref_slice %arg6[%add3A_152, %dma_start3A_159] : memref<40x128xi32, #tpu.memory_space<vmem>> -> memref<1x128xi32, #tpu.memory_space<vmem>>
          %dma_start3A_161 = tpu.memref_squeeze %dma_start3A_160 : memref<1x128xi32, #tpu.memory_space<vmem>> -> memref<128xi32, #tpu.memory_space<vmem>>
          %dma_start3A_162 = arith.constant 0 : i32
          %dma_start3A_163 = arith.constant 0 : i32
          %dma_start3A_164 = tpu.memref_slice %arg2[%dma_start3A_162, %dma_start3A_163] : memref<10240x128xf32, #tpu.memory_space<hbm>> -> memref<10240x128xf32, #tpu.memory_space<hbm>>
          %dma_start3A_165 = tpu.memref_slice %arg10[%dma_start3A_154] : memref<2x!tpu.dma_semaphore, #tpu.memory_space<semaphore_mem>> -> memref<1x!tpu.dma_semaphore, #tpu.memory_space<semaphore_mem>>
          %dma_start3A_166 = tpu.memref_squeeze %dma_start3A_165 : memref<1x!tpu.dma_semaphore, #tpu.memory_space<semaphore_mem>> -> memref<!tpu.dma_semaphore, #tpu.memory_space<semaphore_mem>>
          tpu.enqueue_indirect_dma source(%dma_start3A_164 : memref<10240x128xf32, #tpu.memory_space<hbm>>) target(%dma_start3A_158 : memref<128x128xf32, #tpu.memory_space<vmem>>) offsets(%dma_start3A_161 : memref<128xi32, #tpu.memory_space<vmem>>) semaphore(%dma_start3A_166 : memref<!tpu.dma_semaphore, #tpu.memory_space<semaphore_mem>>)
        } else {
        }
        %dma_start3A_94 = arith.constant 0 : i32
        %dma_start3A_95 = arith.constant 0 : i32
        %dma_start3A_96 = arith.constant 0 : i32
        %dma_start3A_97 = arith.constant 0 : i32
        %dma_start3A_98 = tpu.memref_slice %arg8[%dma_start3A_94, %dma_start3A_96, %dma_start3A_97] : memref<2x128x128xf32, #tpu.memory_space<vmem>> -> memref<1x128x128xf32, #tpu.memory_space<vmem>>
        %dma_start3A_99 = tpu.memref_squeeze %dma_start3A_98 : memref<1x128x128xf32, #tpu.memory_space<vmem>> -> memref<128x128xf32, #tpu.memory_space<vmem>>
        %dma_start3A_100 = arith.constant 0 : i32
        %dma_start3A_101 = tpu.memref_slice %arg7[%add3A_73, %dma_start3A_100] : memref<40x128xi32, #tpu.memory_space<vmem>> -> memref<1x128xi32, #tpu.memory_space<vmem>>
        %dma_start3A_102 = tpu.memref_squeeze %dma_start3A_101 : memref<1x128xi32, #tpu.memory_space<vmem>> -> memref<128xi32, #tpu.memory_space<vmem>>
        %dma_start3A_103 = arith.constant 0 : i32
        %dma_start3A_104 = arith.constant 0 : i32
        %dma_start3A_105 = tpu.memref_slice %arg9[%dma_start3A_103, %dma_start3A_104] : memref<10240x128xf32, #tpu.memory_space<vmem_shared>> -> memref<10240x128xf32, #tpu.memory_space<vmem_shared>>
        %dma_start3A_106 = tpu.memref_slice %arg11[%dma_start3A_95] : memref<2x!tpu.dma_semaphore, #tpu.memory_space<semaphore_mem>> -> memref<1x!tpu.dma_semaphore, #tpu.memory_space<semaphore_mem>>
        %dma_start3A_107 = tpu.memref_squeeze %dma_start3A_106 : memref<1x!tpu.dma_semaphore, #tpu.memory_space<semaphore_mem>> -> memref<!tpu.dma_semaphore, #tpu.memory_space<semaphore_mem>>
        tpu.enqueue_indirect_dma source(%dma_start3A_99 : memref<128x128xf32, #tpu.memory_space<vmem>>) target(%dma_start3A_105 : memref<10240x128xf32, #tpu.memory_space<vmem_shared>>) offsets(%dma_start3A_102 : memref<128xi32, #tpu.memory_space<vmem>>) semaphore(%dma_start3A_107 : memref<!tpu.dma_semaphore, #tpu.memory_space<semaphore_mem>>) {add = true}
        %mul3A_108 = arith.constant 2 : i32
        %mul3A_109 = arith.muli %scan3A_69, %mul3A_108 : i32
        %add3A_110 = arith.constant 1 : i32
        %add3A_111 = arith.addi %mul3A_109, %add3A_110 : i32
        %dma_wait3A_112 = arith.constant 1 : i32
        %dma_wait3A_113 = arith.constant 1 : i32
        %dma_wait3A_114 = arith.constant 0 : i32
        %dma_wait3A_115 = arith.constant 0 : i32
        %dma_wait3A_116 = tpu.memref_slice %arg8[%dma_wait3A_112, %dma_wait3A_114, %dma_wait3A_115] : memref<2x128x128xf32, #tpu.memory_space<vmem>> -> memref<1x128x128xf32, #tpu.memory_space<vmem>>
        %dma_wait3A_117 = tpu.memref_squeeze %dma_wait3A_116 : memref<1x128x128xf32, #tpu.memory_space<vmem>> -> memref<128x128xf32, #tpu.memory_space<vmem>>
        %dma_wait3A_118 = arith.constant 0 : i32
        %dma_wait3A_119 = tpu.memref_slice %arg6[%add3A_111, %dma_wait3A_118] : memref<40x128xi32, #tpu.memory_space<vmem>> -> memref<1x128xi32, #tpu.memory_space<vmem>>
        %dma_wait3A_120 = tpu.memref_squeeze %dma_wait3A_119 : memref<1x128xi32, #tpu.memory_space<vmem>> -> memref<128xi32, #tpu.memory_space<vmem>>
        %dma_wait3A_121 = arith.constant 0 : i32
        %dma_wait3A_122 = arith.constant 0 : i32
        %dma_wait3A_123 = tpu.memref_slice %arg2[%dma_wait3A_121, %dma_wait3A_122] : memref<10240x128xf32, #tpu.memory_space<hbm>> -> memref<10240x128xf32, #tpu.memory_space<hbm>>
        %dma_wait3A_124 = tpu.memref_slice %arg10[%dma_wait3A_113] : memref<2x!tpu.dma_semaphore, #tpu.memory_space<semaphore_mem>> -> memref<1x!tpu.dma_semaphore, #tpu.memory_space<semaphore_mem>>
        %dma_wait3A_125 = tpu.memref_squeeze %dma_wait3A_124 : memref<1x!tpu.dma_semaphore, #tpu.memory_space<semaphore_mem>> -> memref<!tpu.dma_semaphore, #tpu.memory_space<semaphore_mem>>
        tpu.wait_indirect_dma semaphore(%dma_wait3A_125 : memref<!tpu.dma_semaphore, #tpu.memory_space<semaphore_mem>>) src(%dma_wait3A_123 : memref<10240x128xf32, #tpu.memory_space<hbm>>) dst(%dma_wait3A_117 : memref<128x128xf32, #tpu.memory_space<vmem>>)
        %add3A_126 = arith.constant 1 : i32
        %add3A_127 = arith.addi %add3A_111, %add3A_126 : i32
        %lt3A_128 = arith.constant 40 : i32
        %lt3A_129 = arith.cmpi slt, %add3A_127, %lt3A_128 : i32
        %convert_element_type3A_130 = arith.extui %lt3A_129 : i1 to i32
        %cond3A_131 = arith.constant 0 : i32
        %cond3A_132 = arith.cmpi ne, %convert_element_type3A_130, %cond3A_131 : i32
        scf.if %cond3A_132 {
          %ge3A = arith.constant 1 : i32
          %ge3A_147 = arith.cmpi sge, %add3A_111, %ge3A : i32
          %convert_element_type3A_148 = arith.extui %ge3A_147 : i1 to i32
          %cond3A_149 = arith.constant 0 : i32
          %cond3A_150 = arith.cmpi ne, %convert_element_type3A_148, %cond3A_149 : i32
          scf.if %cond3A_150 {
            %sub3A = arith.constant 1 : i32
            %sub3A_167 = arith.subi %add3A_111, %sub3A : i32
            %dma_wait3A_168 = arith.constant 0 : i32
            %dma_wait3A_169 = arith.constant 0 : i32
            %dma_wait3A_170 = arith.constant 0 : i32
            %dma_wait3A_171 = arith.constant 0 : i32
            %dma_wait3A_172 = tpu.memref_slice %arg8[%dma_wait3A_168, %dma_wait3A_170, %dma_wait3A_171] : memref<2x128x128xf32, #tpu.memory_space<vmem>> -> memref<1x128x128xf32, #tpu.memory_space<vmem>>
            %dma_wait3A_173 = tpu.memref_squeeze %dma_wait3A_172 : memref<1x128x128xf32, #tpu.memory_space<vmem>> -> memref<128x128xf32, #tpu.memory_space<vmem>>
            %dma_wait3A_174 = arith.constant 0 : i32
            %dma_wait3A_175 = tpu.memref_slice %arg7[%sub3A_167, %dma_wait3A_174] : memref<40x128xi32, #tpu.memory_space<vmem>> -> memref<1x128xi32, #tpu.memory_space<vmem>>
            %dma_wait3A_176 = tpu.memref_squeeze %dma_wait3A_175 : memref<1x128xi32, #tpu.memory_space<vmem>> -> memref<128xi32, #tpu.memory_space<vmem>>
            %dma_wait3A_177 = arith.constant 0 : i32
            %dma_wait3A_178 = arith.constant 0 : i32
            %dma_wait3A_179 = tpu.memref_slice %arg9[%dma_wait3A_177, %dma_wait3A_178] : memref<10240x128xf32, #tpu.memory_space<vmem_shared>> -> memref<10240x128xf32, #tpu.memory_space<vmem_shared>>
            %dma_wait3A_180 = tpu.memref_slice %arg11[%dma_wait3A_169] : memref<2x!tpu.dma_semaphore, #tpu.memory_space<semaphore_mem>> -> memref<1x!tpu.dma_semaphore, #tpu.memory_space<semaphore_mem>>
            %dma_wait3A_181 = tpu.memref_squeeze %dma_wait3A_180 : memref<1x!tpu.dma_semaphore, #tpu.memory_space<semaphore_mem>> -> memref<!tpu.dma_semaphore, #tpu.memory_space<semaphore_mem>>
            tpu.wait_indirect_dma semaphore(%dma_wait3A_181 : memref<!tpu.dma_semaphore, #tpu.memory_space<semaphore_mem>>) src(%dma_wait3A_173 : memref<128x128xf32, #tpu.memory_space<vmem>>) dst(%dma_wait3A_179 : memref<10240x128xf32, #tpu.memory_space<vmem_shared>>)
          } else {
          }
          %add3A_151 = arith.constant 1 : i32
          %add3A_152 = arith.addi %add3A_111, %add3A_151 : i32
          %dma_start3A_153 = arith.constant 0 : i32
          %dma_start3A_154 = arith.constant 0 : i32
          %dma_start3A_155 = arith.constant 0 : i32
          %dma_start3A_156 = arith.constant 0 : i32
          %dma_start3A_157 = tpu.memref_slice %arg8[%dma_start3A_153, %dma_start3A_155, %dma_start3A_156] : memref<2x128x128xf32, #tpu.memory_space<vmem>> -> memref<1x128x128xf32, #tpu.memory_space<vmem>>
          %dma_start3A_158 = tpu.memref_squeeze %dma_start3A_157 : memref<1x128x128xf32, #tpu.memory_space<vmem>> -> memref<128x128xf32, #tpu.memory_space<vmem>>
          %dma_start3A_159 = arith.constant 0 : i32
          %dma_start3A_160 = tpu.memref_slice %arg6[%add3A_152, %dma_start3A_159] : memref<40x128xi32, #tpu.memory_space<vmem>> -> memref<1x128xi32, #tpu.memory_space<vmem>>
          %dma_start3A_161 = tpu.memref_squeeze %dma_start3A_160 : memref<1x128xi32, #tpu.memory_space<vmem>> -> memref<128xi32, #tpu.memory_space<vmem>>
          %dma_start3A_162 = arith.constant 0 : i32
          %dma_start3A_163 = arith.constant 0 : i32
          %dma_start3A_164 = tpu.memref_slice %arg2[%dma_start3A_162, %dma_start3A_163] : memref<10240x128xf32, #tpu.memory_space<hbm>> -> memref<10240x128xf32, #tpu.memory_space<hbm>>
          %dma_start3A_165 = tpu.memref_slice %arg10[%dma_start3A_154] : memref<2x!tpu.dma_semaphore, #tpu.memory_space<semaphore_mem>> -> memref<1x!tpu.dma_semaphore, #tpu.memory_space<semaphore_mem>>
          %dma_start3A_166 = tpu.memref_squeeze %dma_start3A_165 : memref<1x!tpu.dma_semaphore, #tpu.memory_space<semaphore_mem>> -> memref<!tpu.dma_semaphore, #tpu.memory_space<semaphore_mem>>
          tpu.enqueue_indirect_dma source(%dma_start3A_164 : memref<10240x128xf32, #tpu.memory_space<hbm>>) target(%dma_start3A_158 : memref<128x128xf32, #tpu.memory_space<vmem>>) offsets(%dma_start3A_161 : memref<128xi32, #tpu.memory_space<vmem>>) semaphore(%dma_start3A_166 : memref<!tpu.dma_semaphore, #tpu.memory_space<semaphore_mem>>)
        } else {
        }
        %dma_start3A_133 = arith.constant 1 : i32
        %dma_start3A_134 = arith.constant 1 : i32
        %dma_start3A_135 = arith.constant 0 : i32
        %dma_start3A_136 = arith.constant 0 : i32
        %dma_start3A_137 = tpu.memref_slice %arg8[%dma_start3A_133, %dma_start3A_135, %dma_start3A_136] : memref<2x128x128xf32, #tpu.memory_space<vmem>> -> memref<1x128x128xf32, #tpu.memory_space<vmem>>
        %dma_start3A_138 = tpu.memref_squeeze %dma_start3A_137 : memref<1x128x128xf32, #tpu.memory_space<vmem>> -> memref<128x128xf32, #tpu.memory_space<vmem>>
        %dma_start3A_139 = arith.constant 0 : i32
        %dma_start3A_140 = tpu.memref_slice %arg7[%add3A_111, %dma_start3A_139] : memref<40x128xi32, #tpu.memory_space<vmem>> -> memref<1x128xi32, #tpu.memory_space<vmem>>
        %dma_start3A_141 = tpu.memref_squeeze %dma_start3A_140 : memref<1x128xi32, #tpu.memory_space<vmem>> -> memref<128xi32, #tpu.memory_space<vmem>>
        %dma_start3A_142 = arith.constant 0 : i32
        %dma_start3A_143 = arith.constant 0 : i32
        %dma_start3A_144 = tpu.memref_slice %arg9[%dma_start3A_142, %dma_start3A_143] : memref<10240x128xf32, #tpu.memory_space<vmem_shared>> -> memref<10240x128xf32, #tpu.memory_space<vmem_shared>>
        %dma_start3A_145 = tpu.memref_slice %arg11[%dma_start3A_134] : memref<2x!tpu.dma_semaphore, #tpu.memory_space<semaphore_mem>> -> memref<1x!tpu.dma_semaphore, #tpu.memory_space<semaphore_mem>>
        %dma_start3A_146 = tpu.memref_squeeze %dma_start3A_145 : memref<1x!tpu.dma_semaphore, #tpu.memory_space<semaphore_mem>> -> memref<!tpu.dma_semaphore, #tpu.memory_space<semaphore_mem>>
        tpu.enqueue_indirect_dma source(%dma_start3A_138 : memref<128x128xf32, #tpu.memory_space<vmem>>) target(%dma_start3A_144 : memref<10240x128xf32, #tpu.memory_space<vmem_shared>>) offsets(%dma_start3A_141 : memref<128xi32, #tpu.memory_space<vmem>>) semaphore(%dma_start3A_146 : memref<!tpu.dma_semaphore, #tpu.memory_space<semaphore_mem>>) {add = true}
      }
      %scan3A_39 = arith.constant 20 : i32
      %dma_wait3A = arith.constant 0 : i32
      %dma_wait3A_40 = arith.constant 38 : i32
      %dma_wait3A_41 = arith.constant 0 : i32
      %dma_wait3A_42 = arith.constant 0 : i32
      %dma_wait3A_43 = arith.constant 0 : i32
      %dma_wait3A_44 = tpu.memref_slice %arg8[%dma_wait3A, %dma_wait3A_42, %dma_wait3A_43] : memref<2x128x128xf32, #tpu.memory_space<vmem>> -> memref<1x128x128xf32, #tpu.memory_space<vmem>>
      %dma_wait3A_45 = tpu.memref_squeeze %dma_wait3A_44 : memref<1x128x128xf32, #tpu.memory_space<vmem>> -> memref<128x128xf32, #tpu.memory_space<vmem>>
      %dma_wait3A_46 = arith.constant 0 : i32
      %dma_wait3A_47 = tpu.memref_slice %arg7[%dma_wait3A_40, %dma_wait3A_46] : memref<40x128xi32, #tpu.memory_space<vmem>> -> memref<1x128xi32, #tpu.memory_space<vmem>>
      %dma_wait3A_48 = tpu.memref_squeeze %dma_wait3A_47 : memref<1x128xi32, #tpu.memory_space<vmem>> -> memref<128xi32, #tpu.memory_space<vmem>>
      %dma_wait3A_49 = arith.constant 0 : i32
      %dma_wait3A_50 = arith.constant 0 : i32
      %dma_wait3A_51 = tpu.memref_slice %arg9[%dma_wait3A_49, %dma_wait3A_50] : memref<10240x128xf32, #tpu.memory_space<vmem_shared>> -> memref<10240x128xf32, #tpu.memory_space<vmem_shared>>
      %dma_wait3A_52 = tpu.memref_slice %arg11[%dma_wait3A_41] : memref<2x!tpu.dma_semaphore, #tpu.memory_space<semaphore_mem>> -> memref<1x!tpu.dma_semaphore, #tpu.memory_space<semaphore_mem>>
      %dma_wait3A_53 = tpu.memref_squeeze %dma_wait3A_52 : memref<1x!tpu.dma_semaphore, #tpu.memory_space<semaphore_mem>> -> memref<!tpu.dma_semaphore, #tpu.memory_space<semaphore_mem>>
      tpu.wait_indirect_dma semaphore(%dma_wait3A_53 : memref<!tpu.dma_semaphore, #tpu.memory_space<semaphore_mem>>) src(%dma_wait3A_45 : memref<128x128xf32, #tpu.memory_space<vmem>>) dst(%dma_wait3A_51 : memref<10240x128xf32, #tpu.memory_space<vmem_shared>>)
      %dma_wait3A_54 = arith.constant 1 : i32
      %dma_wait3A_55 = arith.constant 39 : i32
      %dma_wait3A_56 = arith.constant 1 : i32
      %dma_wait3A_57 = arith.constant 0 : i32
      %dma_wait3A_58 = arith.constant 0 : i32
      %dma_wait3A_59 = tpu.memref_slice %arg8[%dma_wait3A_54, %dma_wait3A_57, %dma_wait3A_58] : memref<2x128x128xf32, #tpu.memory_space<vmem>> -> memref<1x128x128xf32, #tpu.memory_space<vmem>>
      %dma_wait3A_60 = tpu.memref_squeeze %dma_wait3A_59 : memref<1x128x128xf32, #tpu.memory_space<vmem>> -> memref<128x128xf32, #tpu.memory_space<vmem>>
      %dma_wait3A_61 = arith.constant 0 : i32
      %dma_wait3A_62 = tpu.memref_slice %arg7[%dma_wait3A_55, %dma_wait3A_61] : memref<40x128xi32, #tpu.memory_space<vmem>> -> memref<1x128xi32, #tpu.memory_space<vmem>>
      %dma_wait3A_63 = tpu.memref_squeeze %dma_wait3A_62 : memref<1x128xi32, #tpu.memory_space<vmem>> -> memref<128xi32, #tpu.memory_space<vmem>>
      %dma_wait3A_64 = arith.constant 0 : i32
      %dma_wait3A_65 = arith.constant 0 : i32
      %dma_wait3A_66 = tpu.memref_slice %arg9[%dma_wait3A_64, %dma_wait3A_65] : memref<10240x128xf32, #tpu.memory_space<vmem_shared>> -> memref<10240x128xf32, #tpu.memory_space<vmem_shared>>
      %dma_wait3A_67 = tpu.memref_slice %arg11[%dma_wait3A_56] : memref<2x!tpu.dma_semaphore, #tpu.memory_space<semaphore_mem>> -> memref<1x!tpu.dma_semaphore, #tpu.memory_space<semaphore_mem>>
      %dma_wait3A_68 = tpu.memref_squeeze %dma_wait3A_67 : memref<1x!tpu.dma_semaphore, #tpu.memory_space<semaphore_mem>> -> memref<!tpu.dma_semaphore, #tpu.memory_space<semaphore_mem>>
      tpu.wait_indirect_dma semaphore(%dma_wait3A_68 : memref<!tpu.dma_semaphore, #tpu.memory_space<semaphore_mem>>) src(%dma_wait3A_60 : memref<128x128xf32, #tpu.memory_space<vmem>>) dst(%dma_wait3A_66 : memref<10240x128xf32, #tpu.memory_space<vmem_shared>>)
    } else {
    }
    %barrier3A_18 = arith.constant 0 : index
    tpu.barrier barrier_id(%barrier3A_18)
    "tpu.region"() ({
      %run_scoped3A = tpu.sem_alloc : memref<!tpu.dma_semaphore, #tpu.memory_space<semaphore_mem>>
      %dma_start3A = arith.constant 0 : i32
      %dma_start3A_19 = tpu.memref_slice %arg5[%arg0, %mul3A_0, %dma_start3A] : memref<2x10240x128xf32, #tpu.memory_space<hbm>> -> memref<1x640x128xf32, #tpu.memory_space<hbm>>
      %dma_start3A_20 = tpu.memref_squeeze %dma_start3A_19 : memref<1x640x128xf32, #tpu.memory_space<hbm>> -> memref<640x128xf32, #tpu.memory_space<hbm>>
      %dma_start3A_21 = arith.constant 0 : i32
      %dma_start3A_22 = tpu.memref_slice %arg9[%mul3A_0, %dma_start3A_21] : memref<10240x128xf32, #tpu.memory_space<vmem_shared>> -> memref<640x128xf32, #tpu.memory_space<vmem_shared>>
      tpu.enqueue_dma source(%dma_start3A_22 : memref<640x128xf32, #tpu.memory_space<vmem_shared>>) target(%dma_start3A_20 : memref<640x128xf32, #tpu.memory_space<hbm>>) target_semaphore(%run_scoped3A : memref<!tpu.dma_semaphore, #tpu.memory_space<semaphore_mem>>)
      %dma_wait3A = arith.constant 0 : i32
      %dma_wait3A_23 = tpu.memref_slice %arg5[%arg0, %mul3A_0, %dma_wait3A] : memref<2x10240x128xf32, #tpu.memory_space<hbm>> -> memref<1x640x128xf32, #tpu.memory_space<hbm>>
      %dma_wait3A_24 = tpu.memref_squeeze %dma_wait3A_23 : memref<1x640x128xf32, #tpu.memory_space<hbm>> -> memref<640x128xf32, #tpu.memory_space<hbm>>
      %dma_wait3A_25 = arith.constant 0 : i32
      %dma_wait3A_26 = tpu.memref_slice %arg9[%mul3A_0, %dma_wait3A_25] : memref<10240x128xf32, #tpu.memory_space<vmem_shared>> -> memref<640x128xf32, #tpu.memory_space<vmem_shared>>
      tpu.wait_dma2 semaphore(%run_scoped3A : memref<!tpu.dma_semaphore, #tpu.memory_space<semaphore_mem>>) src(%dma_wait3A_26 : memref<640x128xf32, #tpu.memory_space<vmem_shared>>) dst(%dma_wait3A_24 : memref<640x128xf32, #tpu.memory_space<hbm>>)
      tpu.yield
    }) : () -> ()
    return
  }
}

#map = affine_map<(d0, d1) -> (0, 0)>
#map1 = affine_map<(d0, d1) -> (0, 0, 0)>
module attributes {stable_mosaic.version = 14 : i64} {
  func.func @prop_kernel(%arg0: i32, %arg1: i32, %arg2: memref<10240x128xf32, #tpu.memory_space<hbm>>, %arg3: memref<2560x128xi32, #tpu.memory_space<hbm>>, %arg4: memref<2560x128xi32, #tpu.memory_space<hbm>>, %arg5: memref<2x10240x128xf32, #tpu.memory_space<hbm>>, %arg6: memref<40x128xi32, #tpu.memory_space<vmem>>, %arg7: memref<40x128xi32, #tpu.memory_space<vmem>>, %arg8: memref<2x128x128xf32, #tpu.memory_space<vmem>>, %arg9: memref<10240x128xf32, #tpu.memory_space<vmem_shared>>, %arg10: memref<2x!tpu.dma_semaphore, #tpu.memory_space<semaphore_mem>>, %arg11: memref<2x!tpu.dma_semaphore, #tpu.memory_space<semaphore_mem>>) attributes {dimension_semantics = [#tpu.dimension_semantics<core_parallel>, #tpu.dimension_semantics<subcore_parallel>], iteration_bounds = array<i64: 2, 16>, scalar_prefetch = 0 : i64, scratch_operands = 6 : i64, tpu.core_type = #tpu.core_type<sc_vector_subcore>, window_params = [{transform_indices = #map}, {transform_indices = #map}, {transform_indices = #map}, {transform_indices = #map1}]} {
    %mul3A = arith.constant 640 : i32
    %mul3A_0 = arith.muli %arg1, %mul3A : i32
    "tpu.region"() ({
      %run_scoped3A = tpu.sem_alloc : memref<!tpu.dma_semaphore, #tpu.memory_space<semaphore_mem>>
      %dma_start3A = arith.constant 0 : i32
      %dma_start3A_19 = tpu.memref_slice %arg9[%mul3A_0, %dma_start3A] : memref<10240x128xf32, #tpu.memory_space<vmem_shared>> -> memref<640x128xf32, #tpu.memory_space<vmem_shared>>
      %dma_start3A_20 = arith.constant 0 : i32
      %dma_start3A_21 = tpu.memref_slice %arg2[%mul3A_0, %dma_start3A_20] : memref<10240x128xf32, #tpu.memory_space<hbm>> -> memref<640x128xf32, #tpu.memory_space<hbm>>
      tpu.enqueue_dma source(%dma_start3A_21 : memref<640x128xf32, #tpu.memory_space<hbm>>) target(%dma_start3A_19 : memref<640x128xf32, #tpu.memory_space<vmem_shared>>) target_semaphore(%run_scoped3A : memref<!tpu.dma_semaphore, #tpu.memory_space<semaphore_mem>>)
      %dma_wait3A = arith.constant 0 : i32
      %dma_wait3A_22 = tpu.memref_slice %arg9[%mul3A_0, %dma_wait3A] : memref<10240x128xf32, #tpu.memory_space<vmem_shared>> -> memref<640x128xf32, #tpu.memory_space<vmem_shared>>
      %dma_wait3A_23 = arith.constant 0 : i32
      %dma_wait3A_24 = tpu.memref_slice %arg2[%mul3A_0, %dma_wait3A_23] : memref<10240x128xf32, #tpu.memory_space<hbm>> -> memref<640x128xf32, #tpu.memory_space<hbm>>
      tpu.wait_dma2 semaphore(%run_scoped3A : memref<!tpu.dma_semaphore, #tpu.memory_space<semaphore_mem>>) src(%dma_wait3A_24 : memref<640x128xf32, #tpu.memory_space<hbm>>) dst(%dma_wait3A_22 : memref<640x128xf32, #tpu.memory_space<vmem_shared>>)
      tpu.yield
    }) : () -> ()
    %barrier3A = arith.constant 0 : index
    tpu.barrier barrier_id(%barrier3A)
    %mul3A_1 = arith.constant 160 : i32
    %mul3A_2 = arith.muli %arg1, %mul3A_1 : i32
    %eq3A = arith.constant 0 : i32
    %eq3A_3 = arith.cmpi eq, %arg0, %eq3A : i32
    %jit3A = arith.constant 0 : i32
    %jit3A_4 = arith.constant 80 : i32
    %select_n3A = arith.select %eq3A_3, %jit3A, %jit3A_4 : i32
    %mul3A_5 = arith.constant 1 : i32
    %mul3A_6 = arith.muli %select_n3A, %mul3A_5 : i32
    %add3A = arith.addi %mul3A_2, %mul3A_6 : i32
    %eq3A_7 = arith.constant 0 : i32
    %eq3A_8 = arith.cmpi eq, %arg0, %eq3A_7 : i32
    %or3A = arith.constant true
    %or3A_9 = arith.ori %eq3A_8, %or3A : i1
    %convert_element_type3A = arith.extui %or3A_9 : i1 to i32
    %cond3A = arith.constant 0 : i32
    %cond3A_10 = arith.cmpi ne, %convert_element_type3A, %cond3A : i32
    scf.if %cond3A_10 {
      %add3A_19 = arith.constant 0 : i32
      %add3A_20 = arith.addi %add3A, %add3A_19 : i32
      "tpu.region"() ({
        %run_scoped3A = tpu.sem_alloc : memref<!tpu.dma_semaphore, #tpu.memory_space<semaphore_mem>>
        %dma_start3A_69 = arith.constant 0 : i32
        %dma_start3A_70 = tpu.memref_slice %arg3[%add3A_20, %dma_start3A_69] : memref<2560x128xi32, #tpu.memory_space<hbm>> -> memref<40x128xi32, #tpu.memory_space<hbm>>
        %dma_start3A_71 = arith.constant 0 : i32
        %dma_start3A_72 = tpu.memref_slice %arg3[%add3A_20, %dma_start3A_71] : memref<2560x128xi32, #tpu.memory_space<hbm>> -> memref<40x128xi32, #tpu.memory_space<hbm>>
        tpu.enqueue_dma source(%dma_start3A_72 : memref<40x128xi32, #tpu.memory_space<hbm>>) target(%arg6 : memref<40x128xi32, #tpu.memory_space<vmem>>) target_semaphore(%run_scoped3A : memref<!tpu.dma_semaphore, #tpu.memory_space<semaphore_mem>>)
        %dma_wait3A_73 = arith.constant 0 : i32
        %dma_wait3A_74 = tpu.memref_slice %arg3[%add3A_20, %dma_wait3A_73] : memref<2560x128xi32, #tpu.memory_space<hbm>> -> memref<40x128xi32, #tpu.memory_space<hbm>>
        %dma_wait3A_75 = arith.constant 0 : i32
        %dma_wait3A_76 = tpu.memref_slice %arg3[%add3A_20, %dma_wait3A_75] : memref<2560x128xi32, #tpu.memory_space<hbm>> -> memref<40x128xi32, #tpu.memory_space<hbm>>
        tpu.wait_dma2 semaphore(%run_scoped3A : memref<!tpu.dma_semaphore, #tpu.memory_space<semaphore_mem>>) src(%dma_wait3A_76 : memref<40x128xi32, #tpu.memory_space<hbm>>) dst(%arg6 : memref<40x128xi32, #tpu.memory_space<vmem>>)
        tpu.yield
      }) : () -> ()
      "tpu.region"() ({
        %run_scoped3A = tpu.sem_alloc : memref<!tpu.dma_semaphore, #tpu.memory_space<semaphore_mem>>
        %dma_start3A_69 = arith.constant 0 : i32
        %dma_start3A_70 = tpu.memref_slice %arg4[%add3A_20, %dma_start3A_69] : memref<2560x128xi32, #tpu.memory_space<hbm>> -> memref<40x128xi32, #tpu.memory_space<hbm>>
        %dma_start3A_71 = arith.constant 0 : i32
        %dma_start3A_72 = tpu.memref_slice %arg4[%add3A_20, %dma_start3A_71] : memref<2560x128xi32, #tpu.memory_space<hbm>> -> memref<40x128xi32, #tpu.memory_space<hbm>>
        tpu.enqueue_dma source(%dma_start3A_72 : memref<40x128xi32, #tpu.memory_space<hbm>>) target(%arg7 : memref<40x128xi32, #tpu.memory_space<vmem>>) target_semaphore(%run_scoped3A : memref<!tpu.dma_semaphore, #tpu.memory_space<semaphore_mem>>)
        %dma_wait3A_73 = arith.constant 0 : i32
        %dma_wait3A_74 = tpu.memref_slice %arg4[%add3A_20, %dma_wait3A_73] : memref<2560x128xi32, #tpu.memory_space<hbm>> -> memref<40x128xi32, #tpu.memory_space<hbm>>
        %dma_wait3A_75 = arith.constant 0 : i32
        %dma_wait3A_76 = tpu.memref_slice %arg4[%add3A_20, %dma_wait3A_75] : memref<2560x128xi32, #tpu.memory_space<hbm>> -> memref<40x128xi32, #tpu.memory_space<hbm>>
        tpu.wait_dma2 semaphore(%run_scoped3A : memref<!tpu.dma_semaphore, #tpu.memory_space<semaphore_mem>>) src(%dma_wait3A_76 : memref<40x128xi32, #tpu.memory_space<hbm>>) dst(%arg7 : memref<40x128xi32, #tpu.memory_space<vmem>>)
        tpu.yield
      }) : () -> ()
      %dma_start3A = arith.constant 0 : i32
      %dma_start3A_21 = arith.constant 0 : i32
      %dma_start3A_22 = arith.constant 0 : i32
      %dma_start3A_23 = arith.constant 0 : i32
      %dma_start3A_24 = arith.constant 0 : i32
      %dma_start3A_25 = tpu.memref_slice %arg8[%dma_start3A_21, %dma_start3A_23, %dma_start3A_24] : memref<2x128x128xf32, #tpu.memory_space<vmem>> -> memref<1x128x128xf32, #tpu.memory_space<vmem>>
      %dma_start3A_26 = tpu.memref_squeeze %dma_start3A_25 : memref<1x128x128xf32, #tpu.memory_space<vmem>> -> memref<128x128xf32, #tpu.memory_space<vmem>>
      %dma_start3A_27 = arith.constant 0 : i32
      %dma_start3A_28 = tpu.memref_slice %arg6[%dma_start3A, %dma_start3A_27] : memref<40x128xi32, #tpu.memory_space<vmem>> -> memref<1x128xi32, #tpu.memory_space<vmem>>
      %dma_start3A_29 = tpu.memref_squeeze %dma_start3A_28 : memref<1x128xi32, #tpu.memory_space<vmem>> -> memref<128xi32, #tpu.memory_space<vmem>>
      %dma_start3A_30 = arith.constant 0 : i32
      %dma_start3A_31 = arith.constant 0 : i32
      %dma_start3A_32 = tpu.memref_slice %arg2[%dma_start3A_30, %dma_start3A_31] : memref<10240x128xf32, #tpu.memory_space<hbm>> -> memref<10240x128xf32, #tpu.memory_space<hbm>>
      %dma_start3A_33 = tpu.memref_slice %arg10[%dma_start3A_22] : memref<2x!tpu.dma_semaphore, #tpu.memory_space<semaphore_mem>> -> memref<1x!tpu.dma_semaphore, #tpu.memory_space<semaphore_mem>>
      %dma_start3A_34 = tpu.memref_squeeze %dma_start3A_33 : memref<1x!tpu.dma_semaphore, #tpu.memory_space<semaphore_mem>> -> memref<!tpu.dma_semaphore, #tpu.memory_space<semaphore_mem>>
      tpu.enqueue_indirect_dma source(%dma_start3A_32 : memref<10240x128xf32, #tpu.memory_space<hbm>>) target(%dma_start3A_26 : memref<128x128xf32, #tpu.memory_space<vmem>>) offsets(%dma_start3A_29 : memref<128xi32, #tpu.memory_space<vmem>>) semaphore(%dma_start3A_34 : memref<!tpu.dma_semaphore, #tpu.memory_space<semaphore_mem>>)
      %scan3A = arith.constant 0 : i32
      %scan3A_35 = arith.constant 0 : i32
      %scan3A_36 = arith.constant 20 : i32
      %scan3A_37 = arith.addi %scan3A_35, %scan3A_36 : i32
      %scan3A_38 = arith.constant 1 : i32
      scf.for %scan3A_69 = %scan3A_35 to %scan3A_37 step %scan3A_38  : i32 {
        %mul3A_70 = arith.constant 2 : i32
        %mul3A_71 = arith.muli %scan3A_69, %mul3A_70 : i32
        %add3A_72 = arith.constant 0 : i32
        %add3A_73 = arith.addi %mul3A_71, %add3A_72 : i32
        %dma_wait3A_74 = arith.constant 0 : i32
        %dma_wait3A_75 = arith.constant 0 : i32
        %dma_wait3A_76 = arith.constant 0 : i32
        %dma_wait3A_77 = arith.constant 0 : i32
        %dma_wait3A_78 = tpu.memref_slice %arg8[%dma_wait3A_74, %dma_wait3A_76, %dma_wait3A_77] : memref<2x128x128xf32, #tpu.memory_space<vmem>> -> memref<1x128x128xf32, #tpu.memory_space<vmem>>
        %dma_wait3A_79 = tpu.memref_squeeze %dma_wait3A_78 : memref<1x128x128xf32, #tpu.memory_space<vmem>> -> memref<128x128xf32, #tpu.memory_space<vmem>>
        %dma_wait3A_80 = arith.constant 0 : i32
        %dma_wait3A_81 = tpu.memref_slice %arg6[%add3A_73, %dma_wait3A_80] : memref<40x128xi32, #tpu.memory_space<vmem>> -> memref<1x128xi32, #tpu.memory_space<vmem>>
        %dma_wait3A_82 = tpu.memref_squeeze %dma_wait3A_81 : memref<1x128xi32, #tpu.memory_space<vmem>> -> memref<128xi32, #tpu.memory_space<vmem>>
        %dma_wait3A_83 = arith.constant 0 : i32
        %dma_wait3A_84 = arith.constant 0 : i32
        %dma_wait3A_85 = tpu.memref_slice %arg2[%dma_wait3A_83, %dma_wait3A_84] : memref<10240x128xf32, #tpu.memory_space<hbm>> -> memref<10240x128xf32, #tpu.memory_space<hbm>>
        %dma_wait3A_86 = tpu.memref_slice %arg10[%dma_wait3A_75] : memref<2x!tpu.dma_semaphore, #tpu.memory_space<semaphore_mem>> -> memref<1x!tpu.dma_semaphore, #tpu.memory_space<semaphore_mem>>
        %dma_wait3A_87 = tpu.memref_squeeze %dma_wait3A_86 : memref<1x!tpu.dma_semaphore, #tpu.memory_space<semaphore_mem>> -> memref<!tpu.dma_semaphore, #tpu.memory_space<semaphore_mem>>
        tpu.wait_indirect_dma semaphore(%dma_wait3A_87 : memref<!tpu.dma_semaphore, #tpu.memory_space<semaphore_mem>>) src(%dma_wait3A_85 : memref<10240x128xf32, #tpu.memory_space<hbm>>) dst(%dma_wait3A_79 : memref<128x128xf32, #tpu.memory_space<vmem>>)
        %add3A_88 = arith.constant 1 : i32
        %add3A_89 = arith.addi %add3A_73, %add3A_88 : i32
        %lt3A = arith.constant 40 : i32
        %lt3A_90 = arith.cmpi slt, %add3A_89, %lt3A : i32
        %convert_element_type3A_91 = arith.extui %lt3A_90 : i1 to i32
        %cond3A_92 = arith.constant 0 : i32
        %cond3A_93 = arith.cmpi ne, %convert_element_type3A_91, %cond3A_92 : i32
        scf.if %cond3A_93 {
          %ge3A = arith.constant 1 : i32
          %ge3A_147 = arith.cmpi sge, %add3A_73, %ge3A : i32
          %convert_element_type3A_148 = arith.extui %ge3A_147 : i1 to i32
          %cond3A_149 = arith.constant 0 : i32
          %cond3A_150 = arith.cmpi ne, %convert_element_type3A_148, %cond3A_149 : i32
          scf.if %cond3A_150 {
            %sub3A = arith.constant 1 : i32
            %sub3A_167 = arith.subi %add3A_73, %sub3A : i32
            %dma_wait3A_168 = arith.constant 1 : i32
            %dma_wait3A_169 = arith.constant 1 : i32
            %dma_wait3A_170 = arith.constant 0 : i32
            %dma_wait3A_171 = arith.constant 0 : i32
            %dma_wait3A_172 = tpu.memref_slice %arg8[%dma_wait3A_168, %dma_wait3A_170, %dma_wait3A_171] : memref<2x128x128xf32, #tpu.memory_space<vmem>> -> memref<1x128x128xf32, #tpu.memory_space<vmem>>
            %dma_wait3A_173 = tpu.memref_squeeze %dma_wait3A_172 : memref<1x128x128xf32, #tpu.memory_space<vmem>> -> memref<128x128xf32, #tpu.memory_space<vmem>>
            %dma_wait3A_174 = arith.constant 0 : i32
            %dma_wait3A_175 = tpu.memref_slice %arg7[%sub3A_167, %dma_wait3A_174] : memref<40x128xi32, #tpu.memory_space<vmem>> -> memref<1x128xi32, #tpu.memory_space<vmem>>
            %dma_wait3A_176 = tpu.memref_squeeze %dma_wait3A_175 : memref<1x128xi32, #tpu.memory_space<vmem>> -> memref<128xi32, #tpu.memory_space<vmem>>
            %dma_wait3A_177 = arith.constant 0 : i32
            %dma_wait3A_178 = arith.constant 0 : i32
            %dma_wait3A_179 = tpu.memref_slice %arg9[%dma_wait3A_177, %dma_wait3A_178] : memref<10240x128xf32, #tpu.memory_space<vmem_shared>> -> memref<10240x128xf32, #tpu.memory_space<vmem_shared>>
            %dma_wait3A_180 = tpu.memref_slice %arg11[%dma_wait3A_169] : memref<2x!tpu.dma_semaphore, #tpu.memory_space<semaphore_mem>> -> memref<1x!tpu.dma_semaphore, #tpu.memory_space<semaphore_mem>>
            %dma_wait3A_181 = tpu.memref_squeeze %dma_wait3A_180 : memref<1x!tpu.dma_semaphore, #tpu.memory_space<semaphore_mem>> -> memref<!tpu.dma_semaphore, #tpu.memory_space<semaphore_mem>>
            tpu.wait_indirect_dma semaphore(%dma_wait3A_181 : memref<!tpu.dma_semaphore, #tpu.memory_space<semaphore_mem>>) src(%dma_wait3A_173 : memref<128x128xf32, #tpu.memory_space<vmem>>) dst(%dma_wait3A_179 : memref<10240x128xf32, #tpu.memory_space<vmem_shared>>)
          } else {
          }
          %add3A_151 = arith.constant 1 : i32
          %add3A_152 = arith.addi %add3A_73, %add3A_151 : i32
          %dma_start3A_153 = arith.constant 1 : i32
          %dma_start3A_154 = arith.constant 1 : i32
          %dma_start3A_155 = arith.constant 0 : i32
          %dma_start3A_156 = arith.constant 0 : i32
          %dma_start3A_157 = tpu.memref_slice %arg8[%dma_start3A_153, %dma_start3A_155, %dma_start3A_156] : memref<2x128x128xf32, #tpu.memory_space<vmem>> -> memref<1x128x128xf32, #tpu.memory_space<vmem>>
          %dma_start3A_158 = tpu.memref_squeeze %dma_start3A_157 : memref<1x128x128xf32, #tpu.memory_space<vmem>> -> memref<128x128xf32, #tpu.memory_space<vmem>>
          %dma_start3A_159 = arith.constant 0 : i32
          %dma_start3A_160 = tpu.memref_slice %arg6[%add3A_152, %dma_start3A_159] : memref<40x128xi32, #tpu.memory_space<vmem>> -> memref<1x128xi32, #tpu.memory_space<vmem>>
          %dma_start3A_161 = tpu.memref_squeeze %dma_start3A_160 : memref<1x128xi32, #tpu.memory_space<vmem>> -> memref<128xi32, #tpu.memory_space<vmem>>
          %dma_start3A_162 = arith.constant 0 : i32
          %dma_start3A_163 = arith.constant 0 : i32
          %dma_start3A_164 = tpu.memref_slice %arg2[%dma_start3A_162, %dma_start3A_163] : memref<10240x128xf32, #tpu.memory_space<hbm>> -> memref<10240x128xf32, #tpu.memory_space<hbm>>
          %dma_start3A_165 = tpu.memref_slice %arg10[%dma_start3A_154] : memref<2x!tpu.dma_semaphore, #tpu.memory_space<semaphore_mem>> -> memref<1x!tpu.dma_semaphore, #tpu.memory_space<semaphore_mem>>
          %dma_start3A_166 = tpu.memref_squeeze %dma_start3A_165 : memref<1x!tpu.dma_semaphore, #tpu.memory_space<semaphore_mem>> -> memref<!tpu.dma_semaphore, #tpu.memory_space<semaphore_mem>>
          tpu.enqueue_indirect_dma source(%dma_start3A_164 : memref<10240x128xf32, #tpu.memory_space<hbm>>) target(%dma_start3A_158 : memref<128x128xf32, #tpu.memory_space<vmem>>) offsets(%dma_start3A_161 : memref<128xi32, #tpu.memory_space<vmem>>) semaphore(%dma_start3A_166 : memref<!tpu.dma_semaphore, #tpu.memory_space<semaphore_mem>>)
        } else {
        }
        %dma_start3A_94 = arith.constant 0 : i32
        %dma_start3A_95 = arith.constant 0 : i32
        %dma_start3A_96 = arith.constant 0 : i32
        %dma_start3A_97 = arith.constant 0 : i32
        %dma_start3A_98 = tpu.memref_slice %arg8[%dma_start3A_94, %dma_start3A_96, %dma_start3A_97] : memref<2x128x128xf32, #tpu.memory_space<vmem>> -> memref<1x128x128xf32, #tpu.memory_space<vmem>>
        %dma_start3A_99 = tpu.memref_squeeze %dma_start3A_98 : memref<1x128x128xf32, #tpu.memory_space<vmem>> -> memref<128x128xf32, #tpu.memory_space<vmem>>
        %dma_start3A_100 = arith.constant 0 : i32
        %dma_start3A_101 = tpu.memref_slice %arg7[%add3A_73, %dma_start3A_100] : memref<40x128xi32, #tpu.memory_space<vmem>> -> memref<1x128xi32, #tpu.memory_space<vmem>>
        %dma_start3A_102 = tpu.memref_squeeze %dma_start3A_101 : memref<1x128xi32, #tpu.memory_space<vmem>> -> memref<128xi32, #tpu.memory_space<vmem>>
        %dma_start3A_103 = arith.constant 0 : i32
        %dma_start3A_104 = arith.constant 0 : i32
        %dma_start3A_105 = tpu.memref_slice %arg9[%dma_start3A_103, %dma_start3A_104] : memref<10240x128xf32, #tpu.memory_space<vmem_shared>> -> memref<10240x128xf32, #tpu.memory_space<vmem_shared>>
        %dma_start3A_106 = tpu.memref_slice %arg11[%dma_start3A_95] : memref<2x!tpu.dma_semaphore, #tpu.memory_space<semaphore_mem>> -> memref<1x!tpu.dma_semaphore, #tpu.memory_space<semaphore_mem>>
        %dma_start3A_107 = tpu.memref_squeeze %dma_start3A_106 : memref<1x!tpu.dma_semaphore, #tpu.memory_space<semaphore_mem>> -> memref<!tpu.dma_semaphore, #tpu.memory_space<semaphore_mem>>
        tpu.enqueue_indirect_dma source(%dma_start3A_99 : memref<128x128xf32, #tpu.memory_space<vmem>>) target(%dma_start3A_105 : memref<10240x128xf32, #tpu.memory_space<vmem_shared>>) offsets(%dma_start3A_102 : memref<128xi32, #tpu.memory_space<vmem>>) semaphore(%dma_start3A_107 : memref<!tpu.dma_semaphore, #tpu.memory_space<semaphore_mem>>) {add = true}
        %mul3A_108 = arith.constant 2 : i32
        %mul3A_109 = arith.muli %scan3A_69, %mul3A_108 : i32
        %add3A_110 = arith.constant 1 : i32
        %add3A_111 = arith.addi %mul3A_109, %add3A_110 : i32
        %dma_wait3A_112 = arith.constant 1 : i32
        %dma_wait3A_113 = arith.constant 1 : i32
        %dma_wait3A_114 = arith.constant 0 : i32
        %dma_wait3A_115 = arith.constant 0 : i32
        %dma_wait3A_116 = tpu.memref_slice %arg8[%dma_wait3A_112, %dma_wait3A_114, %dma_wait3A_115] : memref<2x128x128xf32, #tpu.memory_space<vmem>> -> memref<1x128x128xf32, #tpu.memory_space<vmem>>
        %dma_wait3A_117 = tpu.memref_squeeze %dma_wait3A_116 : memref<1x128x128xf32, #tpu.memory_space<vmem>> -> memref<128x128xf32, #tpu.memory_space<vmem>>
        %dma_wait3A_118 = arith.constant 0 : i32
        %dma_wait3A_119 = tpu.memref_slice %arg6[%add3A_111, %dma_wait3A_118] : memref<40x128xi32, #tpu.memory_space<vmem>> -> memref<1x128xi32, #tpu.memory_space<vmem>>
        %dma_wait3A_120 = tpu.memref_squeeze %dma_wait3A_119 : memref<1x128xi32, #tpu.memory_space<vmem>> -> memref<128xi32, #tpu.memory_space<vmem>>
        %dma_wait3A_121 = arith.constant 0 : i32
        %dma_wait3A_122 = arith.constant 0 : i32
        %dma_wait3A_123 = tpu.memref_slice %arg2[%dma_wait3A_121, %dma_wait3A_122] : memref<10240x128xf32, #tpu.memory_space<hbm>> -> memref<10240x128xf32, #tpu.memory_space<hbm>>
        %dma_wait3A_124 = tpu.memref_slice %arg10[%dma_wait3A_113] : memref<2x!tpu.dma_semaphore, #tpu.memory_space<semaphore_mem>> -> memref<1x!tpu.dma_semaphore, #tpu.memory_space<semaphore_mem>>
        %dma_wait3A_125 = tpu.memref_squeeze %dma_wait3A_124 : memref<1x!tpu.dma_semaphore, #tpu.memory_space<semaphore_mem>> -> memref<!tpu.dma_semaphore, #tpu.memory_space<semaphore_mem>>
        tpu.wait_indirect_dma semaphore(%dma_wait3A_125 : memref<!tpu.dma_semaphore, #tpu.memory_space<semaphore_mem>>) src(%dma_wait3A_123 : memref<10240x128xf32, #tpu.memory_space<hbm>>) dst(%dma_wait3A_117 : memref<128x128xf32, #tpu.memory_space<vmem>>)
        %add3A_126 = arith.constant 1 : i32
        %add3A_127 = arith.addi %add3A_111, %add3A_126 : i32
        %lt3A_128 = arith.constant 40 : i32
        %lt3A_129 = arith.cmpi slt, %add3A_127, %lt3A_128 : i32
        %convert_element_type3A_130 = arith.extui %lt3A_129 : i1 to i32
        %cond3A_131 = arith.constant 0 : i32
        %cond3A_132 = arith.cmpi ne, %convert_element_type3A_130, %cond3A_131 : i32
        scf.if %cond3A_132 {
          %ge3A = arith.constant 1 : i32
          %ge3A_147 = arith.cmpi sge, %add3A_111, %ge3A : i32
          %convert_element_type3A_148 = arith.extui %ge3A_147 : i1 to i32
          %cond3A_149 = arith.constant 0 : i32
          %cond3A_150 = arith.cmpi ne, %convert_element_type3A_148, %cond3A_149 : i32
          scf.if %cond3A_150 {
            %sub3A = arith.constant 1 : i32
            %sub3A_167 = arith.subi %add3A_111, %sub3A : i32
            %dma_wait3A_168 = arith.constant 0 : i32
            %dma_wait3A_169 = arith.constant 0 : i32
            %dma_wait3A_170 = arith.constant 0 : i32
            %dma_wait3A_171 = arith.constant 0 : i32
            %dma_wait3A_172 = tpu.memref_slice %arg8[%dma_wait3A_168, %dma_wait3A_170, %dma_wait3A_171] : memref<2x128x128xf32, #tpu.memory_space<vmem>> -> memref<1x128x128xf32, #tpu.memory_space<vmem>>
            %dma_wait3A_173 = tpu.memref_squeeze %dma_wait3A_172 : memref<1x128x128xf32, #tpu.memory_space<vmem>> -> memref<128x128xf32, #tpu.memory_space<vmem>>
            %dma_wait3A_174 = arith.constant 0 : i32
            %dma_wait3A_175 = tpu.memref_slice %arg7[%sub3A_167, %dma_wait3A_174] : memref<40x128xi32, #tpu.memory_space<vmem>> -> memref<1x128xi32, #tpu.memory_space<vmem>>
            %dma_wait3A_176 = tpu.memref_squeeze %dma_wait3A_175 : memref<1x128xi32, #tpu.memory_space<vmem>> -> memref<128xi32, #tpu.memory_space<vmem>>
            %dma_wait3A_177 = arith.constant 0 : i32
            %dma_wait3A_178 = arith.constant 0 : i32
            %dma_wait3A_179 = tpu.memref_slice %arg9[%dma_wait3A_177, %dma_wait3A_178] : memref<10240x128xf32, #tpu.memory_space<vmem_shared>> -> memref<10240x128xf32, #tpu.memory_space<vmem_shared>>
            %dma_wait3A_180 = tpu.memref_slice %arg11[%dma_wait3A_169] : memref<2x!tpu.dma_semaphore, #tpu.memory_space<semaphore_mem>> -> memref<1x!tpu.dma_semaphore, #tpu.memory_space<semaphore_mem>>
            %dma_wait3A_181 = tpu.memref_squeeze %dma_wait3A_180 : memref<1x!tpu.dma_semaphore, #tpu.memory_space<semaphore_mem>> -> memref<!tpu.dma_semaphore, #tpu.memory_space<semaphore_mem>>
            tpu.wait_indirect_dma semaphore(%dma_wait3A_181 : memref<!tpu.dma_semaphore, #tpu.memory_space<semaphore_mem>>) src(%dma_wait3A_173 : memref<128x128xf32, #tpu.memory_space<vmem>>) dst(%dma_wait3A_179 : memref<10240x128xf32, #tpu.memory_space<vmem_shared>>)
          } else {
          }
          %add3A_151 = arith.constant 1 : i32
          %add3A_152 = arith.addi %add3A_111, %add3A_151 : i32
          %dma_start3A_153 = arith.constant 0 : i32
          %dma_start3A_154 = arith.constant 0 : i32
          %dma_start3A_155 = arith.constant 0 : i32
          %dma_start3A_156 = arith.constant 0 : i32
          %dma_start3A_157 = tpu.memref_slice %arg8[%dma_start3A_153, %dma_start3A_155, %dma_start3A_156] : memref<2x128x128xf32, #tpu.memory_space<vmem>> -> memref<1x128x128xf32, #tpu.memory_space<vmem>>
          %dma_start3A_158 = tpu.memref_squeeze %dma_start3A_157 : memref<1x128x128xf32, #tpu.memory_space<vmem>> -> memref<128x128xf32, #tpu.memory_space<vmem>>
          %dma_start3A_159 = arith.constant 0 : i32
          %dma_start3A_160 = tpu.memref_slice %arg6[%add3A_152, %dma_start3A_159] : memref<40x128xi32, #tpu.memory_space<vmem>> -> memref<1x128xi32, #tpu.memory_space<vmem>>
          %dma_start3A_161 = tpu.memref_squeeze %dma_start3A_160 : memref<1x128xi32, #tpu.memory_space<vmem>> -> memref<128xi32, #tpu.memory_space<vmem>>
          %dma_start3A_162 = arith.constant 0 : i32
          %dma_start3A_163 = arith.constant 0 : i32
          %dma_start3A_164 = tpu.memref_slice %arg2[%dma_start3A_162, %dma_start3A_163] : memref<10240x128xf32, #tpu.memory_space<hbm>> -> memref<10240x128xf32, #tpu.memory_space<hbm>>
          %dma_start3A_165 = tpu.memref_slice %arg10[%dma_start3A_154] : memref<2x!tpu.dma_semaphore, #tpu.memory_space<semaphore_mem>> -> memref<1x!tpu.dma_semaphore, #tpu.memory_space<semaphore_mem>>
          %dma_start3A_166 = tpu.memref_squeeze %dma_start3A_165 : memref<1x!tpu.dma_semaphore, #tpu.memory_space<semaphore_mem>> -> memref<!tpu.dma_semaphore, #tpu.memory_space<semaphore_mem>>
          tpu.enqueue_indirect_dma source(%dma_start3A_164 : memref<10240x128xf32, #tpu.memory_space<hbm>>) target(%dma_start3A_158 : memref<128x128xf32, #tpu.memory_space<vmem>>) offsets(%dma_start3A_161 : memref<128xi32, #tpu.memory_space<vmem>>) semaphore(%dma_start3A_166 : memref<!tpu.dma_semaphore, #tpu.memory_space<semaphore_mem>>)
        } else {
        }
        %dma_start3A_133 = arith.constant 1 : i32
        %dma_start3A_134 = arith.constant 1 : i32
        %dma_start3A_135 = arith.constant 0 : i32
        %dma_start3A_136 = arith.constant 0 : i32
        %dma_start3A_137 = tpu.memref_slice %arg8[%dma_start3A_133, %dma_start3A_135, %dma_start3A_136] : memref<2x128x128xf32, #tpu.memory_space<vmem>> -> memref<1x128x128xf32, #tpu.memory_space<vmem>>
        %dma_start3A_138 = tpu.memref_squeeze %dma_start3A_137 : memref<1x128x128xf32, #tpu.memory_space<vmem>> -> memref<128x128xf32, #tpu.memory_space<vmem>>
        %dma_start3A_139 = arith.constant 0 : i32
        %dma_start3A_140 = tpu.memref_slice %arg7[%add3A_111, %dma_start3A_139] : memref<40x128xi32, #tpu.memory_space<vmem>> -> memref<1x128xi32, #tpu.memory_space<vmem>>
        %dma_start3A_141 = tpu.memref_squeeze %dma_start3A_140 : memref<1x128xi32, #tpu.memory_space<vmem>> -> memref<128xi32, #tpu.memory_space<vmem>>
        %dma_start3A_142 = arith.constant 0 : i32
        %dma_start3A_143 = arith.constant 0 : i32
        %dma_start3A_144 = tpu.memref_slice %arg9[%dma_start3A_142, %dma_start3A_143] : memref<10240x128xf32, #tpu.memory_space<vmem_shared>> -> memref<10240x128xf32, #tpu.memory_space<vmem_shared>>
        %dma_start3A_145 = tpu.memref_slice %arg11[%dma_start3A_134] : memref<2x!tpu.dma_semaphore, #tpu.memory_space<semaphore_mem>> -> memref<1x!tpu.dma_semaphore, #tpu.memory_space<semaphore_mem>>
        %dma_start3A_146 = tpu.memref_squeeze %dma_start3A_145 : memref<1x!tpu.dma_semaphore, #tpu.memory_space<semaphore_mem>> -> memref<!tpu.dma_semaphore, #tpu.memory_space<semaphore_mem>>
        tpu.enqueue_indirect_dma source(%dma_start3A_138 : memref<128x128xf32, #tpu.memory_space<vmem>>) target(%dma_start3A_144 : memref<10240x128xf32, #tpu.memory_space<vmem_shared>>) offsets(%dma_start3A_141 : memref<128xi32, #tpu.memory_space<vmem>>) semaphore(%dma_start3A_146 : memref<!tpu.dma_semaphore, #tpu.memory_space<semaphore_mem>>) {add = true}
      }
      %scan3A_39 = arith.constant 20 : i32
      %dma_wait3A = arith.constant 0 : i32
      %dma_wait3A_40 = arith.constant 38 : i32
      %dma_wait3A_41 = arith.constant 0 : i32
      %dma_wait3A_42 = arith.constant 0 : i32
      %dma_wait3A_43 = arith.constant 0 : i32
      %dma_wait3A_44 = tpu.memref_slice %arg8[%dma_wait3A, %dma_wait3A_42, %dma_wait3A_43] : memref<2x128x128xf32, #tpu.memory_space<vmem>> -> memref<1x128x128xf32, #tpu.memory_space<vmem>>
      %dma_wait3A_45 = tpu.memref_squeeze %dma_wait3A_44 : memref<1x128x128xf32, #tpu.memory_space<vmem>> -> memref<128x128xf32, #tpu.memory_space<vmem>>
      %dma_wait3A_46 = arith.constant 0 : i32
      %dma_wait3A_47 = tpu.memref_slice %arg7[%dma_wait3A_40, %dma_wait3A_46] : memref<40x128xi32, #tpu.memory_space<vmem>> -> memref<1x128xi32, #tpu.memory_space<vmem>>
      %dma_wait3A_48 = tpu.memref_squeeze %dma_wait3A_47 : memref<1x128xi32, #tpu.memory_space<vmem>> -> memref<128xi32, #tpu.memory_space<vmem>>
      %dma_wait3A_49 = arith.constant 0 : i32
      %dma_wait3A_50 = arith.constant 0 : i32
      %dma_wait3A_51 = tpu.memref_slice %arg9[%dma_wait3A_49, %dma_wait3A_50] : memref<10240x128xf32, #tpu.memory_space<vmem_shared>> -> memref<10240x128xf32, #tpu.memory_space<vmem_shared>>
      %dma_wait3A_52 = tpu.memref_slice %arg11[%dma_wait3A_41] : memref<2x!tpu.dma_semaphore, #tpu.memory_space<semaphore_mem>> -> memref<1x!tpu.dma_semaphore, #tpu.memory_space<semaphore_mem>>
      %dma_wait3A_53 = tpu.memref_squeeze %dma_wait3A_52 : memref<1x!tpu.dma_semaphore, #tpu.memory_space<semaphore_mem>> -> memref<!tpu.dma_semaphore, #tpu.memory_space<semaphore_mem>>
      tpu.wait_indirect_dma semaphore(%dma_wait3A_53 : memref<!tpu.dma_semaphore, #tpu.memory_space<semaphore_mem>>) src(%dma_wait3A_45 : memref<128x128xf32, #tpu.memory_space<vmem>>) dst(%dma_wait3A_51 : memref<10240x128xf32, #tpu.memory_space<vmem_shared>>)
      %dma_wait3A_54 = arith.constant 1 : i32
      %dma_wait3A_55 = arith.constant 39 : i32
      %dma_wait3A_56 = arith.constant 1 : i32
      %dma_wait3A_57 = arith.constant 0 : i32
      %dma_wait3A_58 = arith.constant 0 : i32
      %dma_wait3A_59 = tpu.memref_slice %arg8[%dma_wait3A_54, %dma_wait3A_57, %dma_wait3A_58] : memref<2x128x128xf32, #tpu.memory_space<vmem>> -> memref<1x128x128xf32, #tpu.memory_space<vmem>>
      %dma_wait3A_60 = tpu.memref_squeeze %dma_wait3A_59 : memref<1x128x128xf32, #tpu.memory_space<vmem>> -> memref<128x128xf32, #tpu.memory_space<vmem>>
      %dma_wait3A_61 = arith.constant 0 : i32
      %dma_wait3A_62 = tpu.memref_slice %arg7[%dma_wait3A_55, %dma_wait3A_61] : memref<40x128xi32, #tpu.memory_space<vmem>> -> memref<1x128xi32, #tpu.memory_space<vmem>>
      %dma_wait3A_63 = tpu.memref_squeeze %dma_wait3A_62 : memref<1x128xi32, #tpu.memory_space<vmem>> -> memref<128xi32, #tpu.memory_space<vmem>>
      %dma_wait3A_64 = arith.constant 0 : i32
      %dma_wait3A_65 = arith.constant 0 : i32
      %dma_wait3A_66 = tpu.memref_slice %arg9[%dma_wait3A_64, %dma_wait3A_65] : memref<10240x128xf32, #tpu.memory_space<vmem_shared>> -> memref<10240x128xf32, #tpu.memory_space<vmem_shared>>
      %dma_wait3A_67 = tpu.memref_slice %arg11[%dma_wait3A_56] : memref<2x!tpu.dma_semaphore, #tpu.memory_space<semaphore_mem>> -> memref<1x!tpu.dma_semaphore, #tpu.memory_space<semaphore_mem>>
      %dma_wait3A_68 = tpu.memref_squeeze %dma_wait3A_67 : memref<1x!tpu.dma_semaphore, #tpu.memory_space<semaphore_mem>> -> memref<!tpu.dma_semaphore, #tpu.memory_space<semaphore_mem>>
      tpu.wait_indirect_dma semaphore(%dma_wait3A_68 : memref<!tpu.dma_semaphore, #tpu.memory_space<semaphore_mem>>) src(%dma_wait3A_60 : memref<128x128xf32, #tpu.memory_space<vmem>>) dst(%dma_wait3A_66 : memref<10240x128xf32, #tpu.memory_space<vmem_shared>>)
    } else {
    }
    %eq3A_11 = arith.constant 0 : i32
    %eq3A_12 = arith.cmpi eq, %arg0, %eq3A_11 : i32
    %or3A_13 = arith.constant true
    %or3A_14 = arith.ori %eq3A_12, %or3A_13 : i1
    %convert_element_type3A_15 = arith.extui %or3A_14 : i1 to i32
    %cond3A_16 = arith.constant 0 : i32
    %cond3A_17 = arith.cmpi ne, %convert_element_type3A_15, %cond3A_16 : i32
    scf.if %cond3A_17 {
      %add3A_19 = arith.constant 40 : i32
      %add3A_20 = arith.addi %add3A, %add3A_19 : i32
      "tpu.region"() ({
        %run_scoped3A = tpu.sem_alloc : memref<!tpu.dma_semaphore, #tpu.memory_space<semaphore_mem>>
        %dma_start3A_69 = arith.constant 0 : i32
        %dma_start3A_70 = tpu.memref_slice %arg3[%add3A_20, %dma_start3A_69] : memref<2560x128xi32, #tpu.memory_space<hbm>> -> memref<40x128xi32, #tpu.memory_space<hbm>>
        %dma_start3A_71 = arith.constant 0 : i32
        %dma_start3A_72 = tpu.memref_slice %arg3[%add3A_20, %dma_start3A_71] : memref<2560x128xi32, #tpu.memory_space<hbm>> -> memref<40x128xi32, #tpu.memory_space<hbm>>
        tpu.enqueue_dma source(%dma_start3A_72 : memref<40x128xi32, #tpu.memory_space<hbm>>) target(%arg6 : memref<40x128xi32, #tpu.memory_space<vmem>>) target_semaphore(%run_scoped3A : memref<!tpu.dma_semaphore, #tpu.memory_space<semaphore_mem>>)
        %dma_wait3A_73 = arith.constant 0 : i32
        %dma_wait3A_74 = tpu.memref_slice %arg3[%add3A_20, %dma_wait3A_73] : memref<2560x128xi32, #tpu.memory_space<hbm>> -> memref<40x128xi32, #tpu.memory_space<hbm>>
        %dma_wait3A_75 = arith.constant 0 : i32
        %dma_wait3A_76 = tpu.memref_slice %arg3[%add3A_20, %dma_wait3A_75] : memref<2560x128xi32, #tpu.memory_space<hbm>> -> memref<40x128xi32, #tpu.memory_space<hbm>>
        tpu.wait_dma2 semaphore(%run_scoped3A : memref<!tpu.dma_semaphore, #tpu.memory_space<semaphore_mem>>) src(%dma_wait3A_76 : memref<40x128xi32, #tpu.memory_space<hbm>>) dst(%arg6 : memref<40x128xi32, #tpu.memory_space<vmem>>)
        tpu.yield
      }) : () -> ()
      "tpu.region"() ({
        %run_scoped3A = tpu.sem_alloc : memref<!tpu.dma_semaphore, #tpu.memory_space<semaphore_mem>>
        %dma_start3A_69 = arith.constant 0 : i32
        %dma_start3A_70 = tpu.memref_slice %arg4[%add3A_20, %dma_start3A_69] : memref<2560x128xi32, #tpu.memory_space<hbm>> -> memref<40x128xi32, #tpu.memory_space<hbm>>
        %dma_start3A_71 = arith.constant 0 : i32
        %dma_start3A_72 = tpu.memref_slice %arg4[%add3A_20, %dma_start3A_71] : memref<2560x128xi32, #tpu.memory_space<hbm>> -> memref<40x128xi32, #tpu.memory_space<hbm>>
        tpu.enqueue_dma source(%dma_start3A_72 : memref<40x128xi32, #tpu.memory_space<hbm>>) target(%arg7 : memref<40x128xi32, #tpu.memory_space<vmem>>) target_semaphore(%run_scoped3A : memref<!tpu.dma_semaphore, #tpu.memory_space<semaphore_mem>>)
        %dma_wait3A_73 = arith.constant 0 : i32
        %dma_wait3A_74 = tpu.memref_slice %arg4[%add3A_20, %dma_wait3A_73] : memref<2560x128xi32, #tpu.memory_space<hbm>> -> memref<40x128xi32, #tpu.memory_space<hbm>>
        %dma_wait3A_75 = arith.constant 0 : i32
        %dma_wait3A_76 = tpu.memref_slice %arg4[%add3A_20, %dma_wait3A_75] : memref<2560x128xi32, #tpu.memory_space<hbm>> -> memref<40x128xi32, #tpu.memory_space<hbm>>
        tpu.wait_dma2 semaphore(%run_scoped3A : memref<!tpu.dma_semaphore, #tpu.memory_space<semaphore_mem>>) src(%dma_wait3A_76 : memref<40x128xi32, #tpu.memory_space<hbm>>) dst(%arg7 : memref<40x128xi32, #tpu.memory_space<vmem>>)
        tpu.yield
      }) : () -> ()
      %dma_start3A = arith.constant 0 : i32
      %dma_start3A_21 = arith.constant 0 : i32
      %dma_start3A_22 = arith.constant 0 : i32
      %dma_start3A_23 = arith.constant 0 : i32
      %dma_start3A_24 = arith.constant 0 : i32
      %dma_start3A_25 = tpu.memref_slice %arg8[%dma_start3A_21, %dma_start3A_23, %dma_start3A_24] : memref<2x128x128xf32, #tpu.memory_space<vmem>> -> memref<1x128x128xf32, #tpu.memory_space<vmem>>
      %dma_start3A_26 = tpu.memref_squeeze %dma_start3A_25 : memref<1x128x128xf32, #tpu.memory_space<vmem>> -> memref<128x128xf32, #tpu.memory_space<vmem>>
      %dma_start3A_27 = arith.constant 0 : i32
      %dma_start3A_28 = tpu.memref_slice %arg6[%dma_start3A, %dma_start3A_27] : memref<40x128xi32, #tpu.memory_space<vmem>> -> memref<1x128xi32, #tpu.memory_space<vmem>>
      %dma_start3A_29 = tpu.memref_squeeze %dma_start3A_28 : memref<1x128xi32, #tpu.memory_space<vmem>> -> memref<128xi32, #tpu.memory_space<vmem>>
      %dma_start3A_30 = arith.constant 0 : i32
      %dma_start3A_31 = arith.constant 0 : i32
      %dma_start3A_32 = tpu.memref_slice %arg2[%dma_start3A_30, %dma_start3A_31] : memref<10240x128xf32, #tpu.memory_space<hbm>> -> memref<10240x128xf32, #tpu.memory_space<hbm>>
      %dma_start3A_33 = tpu.memref_slice %arg10[%dma_start3A_22] : memref<2x!tpu.dma_semaphore, #tpu.memory_space<semaphore_mem>> -> memref<1x!tpu.dma_semaphore, #tpu.memory_space<semaphore_mem>>
      %dma_start3A_34 = tpu.memref_squeeze %dma_start3A_33 : memref<1x!tpu.dma_semaphore, #tpu.memory_space<semaphore_mem>> -> memref<!tpu.dma_semaphore, #tpu.memory_space<semaphore_mem>>
      tpu.enqueue_indirect_dma source(%dma_start3A_32 : memref<10240x128xf32, #tpu.memory_space<hbm>>) target(%dma_start3A_26 : memref<128x128xf32, #tpu.memory_space<vmem>>) offsets(%dma_start3A_29 : memref<128xi32, #tpu.memory_space<vmem>>) semaphore(%dma_start3A_34 : memref<!tpu.dma_semaphore, #tpu.memory_space<semaphore_mem>>)
      %scan3A = arith.constant 0 : i32
      %scan3A_35 = arith.constant 0 : i32
      %scan3A_36 = arith.constant 20 : i32
      %scan3A_37 = arith.addi %scan3A_35, %scan3A_36 : i32
      %scan3A_38 = arith.constant 1 : i32
      scf.for %scan3A_69 = %scan3A_35 to %scan3A_37 step %scan3A_38  : i32 {
        %mul3A_70 = arith.constant 2 : i32
        %mul3A_71 = arith.muli %scan3A_69, %mul3A_70 : i32
        %add3A_72 = arith.constant 0 : i32
        %add3A_73 = arith.addi %mul3A_71, %add3A_72 : i32
        %dma_wait3A_74 = arith.constant 0 : i32
        %dma_wait3A_75 = arith.constant 0 : i32
        %dma_wait3A_76 = arith.constant 0 : i32
        %dma_wait3A_77 = arith.constant 0 : i32
        %dma_wait3A_78 = tpu.memref_slice %arg8[%dma_wait3A_74, %dma_wait3A_76, %dma_wait3A_77] : memref<2x128x128xf32, #tpu.memory_space<vmem>> -> memref<1x128x128xf32, #tpu.memory_space<vmem>>
        %dma_wait3A_79 = tpu.memref_squeeze %dma_wait3A_78 : memref<1x128x128xf32, #tpu.memory_space<vmem>> -> memref<128x128xf32, #tpu.memory_space<vmem>>
        %dma_wait3A_80 = arith.constant 0 : i32
        %dma_wait3A_81 = tpu.memref_slice %arg6[%add3A_73, %dma_wait3A_80] : memref<40x128xi32, #tpu.memory_space<vmem>> -> memref<1x128xi32, #tpu.memory_space<vmem>>
        %dma_wait3A_82 = tpu.memref_squeeze %dma_wait3A_81 : memref<1x128xi32, #tpu.memory_space<vmem>> -> memref<128xi32, #tpu.memory_space<vmem>>
        %dma_wait3A_83 = arith.constant 0 : i32
        %dma_wait3A_84 = arith.constant 0 : i32
        %dma_wait3A_85 = tpu.memref_slice %arg2[%dma_wait3A_83, %dma_wait3A_84] : memref<10240x128xf32, #tpu.memory_space<hbm>> -> memref<10240x128xf32, #tpu.memory_space<hbm>>
        %dma_wait3A_86 = tpu.memref_slice %arg10[%dma_wait3A_75] : memref<2x!tpu.dma_semaphore, #tpu.memory_space<semaphore_mem>> -> memref<1x!tpu.dma_semaphore, #tpu.memory_space<semaphore_mem>>
        %dma_wait3A_87 = tpu.memref_squeeze %dma_wait3A_86 : memref<1x!tpu.dma_semaphore, #tpu.memory_space<semaphore_mem>> -> memref<!tpu.dma_semaphore, #tpu.memory_space<semaphore_mem>>
        tpu.wait_indirect_dma semaphore(%dma_wait3A_87 : memref<!tpu.dma_semaphore, #tpu.memory_space<semaphore_mem>>) src(%dma_wait3A_85 : memref<10240x128xf32, #tpu.memory_space<hbm>>) dst(%dma_wait3A_79 : memref<128x128xf32, #tpu.memory_space<vmem>>)
        %add3A_88 = arith.constant 1 : i32
        %add3A_89 = arith.addi %add3A_73, %add3A_88 : i32
        %lt3A = arith.constant 40 : i32
        %lt3A_90 = arith.cmpi slt, %add3A_89, %lt3A : i32
        %convert_element_type3A_91 = arith.extui %lt3A_90 : i1 to i32
        %cond3A_92 = arith.constant 0 : i32
        %cond3A_93 = arith.cmpi ne, %convert_element_type3A_91, %cond3A_92 : i32
        scf.if %cond3A_93 {
          %ge3A = arith.constant 1 : i32
          %ge3A_147 = arith.cmpi sge, %add3A_73, %ge3A : i32
          %convert_element_type3A_148 = arith.extui %ge3A_147 : i1 to i32
          %cond3A_149 = arith.constant 0 : i32
          %cond3A_150 = arith.cmpi ne, %convert_element_type3A_148, %cond3A_149 : i32
          scf.if %cond3A_150 {
            %sub3A = arith.constant 1 : i32
            %sub3A_167 = arith.subi %add3A_73, %sub3A : i32
            %dma_wait3A_168 = arith.constant 1 : i32
            %dma_wait3A_169 = arith.constant 1 : i32
            %dma_wait3A_170 = arith.constant 0 : i32
            %dma_wait3A_171 = arith.constant 0 : i32
            %dma_wait3A_172 = tpu.memref_slice %arg8[%dma_wait3A_168, %dma_wait3A_170, %dma_wait3A_171] : memref<2x128x128xf32, #tpu.memory_space<vmem>> -> memref<1x128x128xf32, #tpu.memory_space<vmem>>
            %dma_wait3A_173 = tpu.memref_squeeze %dma_wait3A_172 : memref<1x128x128xf32, #tpu.memory_space<vmem>> -> memref<128x128xf32, #tpu.memory_space<vmem>>
            %dma_wait3A_174 = arith.constant 0 : i32
            %dma_wait3A_175 = tpu.memref_slice %arg7[%sub3A_167, %dma_wait3A_174] : memref<40x128xi32, #tpu.memory_space<vmem>> -> memref<1x128xi32, #tpu.memory_space<vmem>>
            %dma_wait3A_176 = tpu.memref_squeeze %dma_wait3A_175 : memref<1x128xi32, #tpu.memory_space<vmem>> -> memref<128xi32, #tpu.memory_space<vmem>>
            %dma_wait3A_177 = arith.constant 0 : i32
            %dma_wait3A_178 = arith.constant 0 : i32
            %dma_wait3A_179 = tpu.memref_slice %arg9[%dma_wait3A_177, %dma_wait3A_178] : memref<10240x128xf32, #tpu.memory_space<vmem_shared>> -> memref<10240x128xf32, #tpu.memory_space<vmem_shared>>
            %dma_wait3A_180 = tpu.memref_slice %arg11[%dma_wait3A_169] : memref<2x!tpu.dma_semaphore, #tpu.memory_space<semaphore_mem>> -> memref<1x!tpu.dma_semaphore, #tpu.memory_space<semaphore_mem>>
            %dma_wait3A_181 = tpu.memref_squeeze %dma_wait3A_180 : memref<1x!tpu.dma_semaphore, #tpu.memory_space<semaphore_mem>> -> memref<!tpu.dma_semaphore, #tpu.memory_space<semaphore_mem>>
            tpu.wait_indirect_dma semaphore(%dma_wait3A_181 : memref<!tpu.dma_semaphore, #tpu.memory_space<semaphore_mem>>) src(%dma_wait3A_173 : memref<128x128xf32, #tpu.memory_space<vmem>>) dst(%dma_wait3A_179 : memref<10240x128xf32, #tpu.memory_space<vmem_shared>>)
          } else {
          }
          %add3A_151 = arith.constant 1 : i32
          %add3A_152 = arith.addi %add3A_73, %add3A_151 : i32
          %dma_start3A_153 = arith.constant 1 : i32
          %dma_start3A_154 = arith.constant 1 : i32
          %dma_start3A_155 = arith.constant 0 : i32
          %dma_start3A_156 = arith.constant 0 : i32
          %dma_start3A_157 = tpu.memref_slice %arg8[%dma_start3A_153, %dma_start3A_155, %dma_start3A_156] : memref<2x128x128xf32, #tpu.memory_space<vmem>> -> memref<1x128x128xf32, #tpu.memory_space<vmem>>
          %dma_start3A_158 = tpu.memref_squeeze %dma_start3A_157 : memref<1x128x128xf32, #tpu.memory_space<vmem>> -> memref<128x128xf32, #tpu.memory_space<vmem>>
          %dma_start3A_159 = arith.constant 0 : i32
          %dma_start3A_160 = tpu.memref_slice %arg6[%add3A_152, %dma_start3A_159] : memref<40x128xi32, #tpu.memory_space<vmem>> -> memref<1x128xi32, #tpu.memory_space<vmem>>
          %dma_start3A_161 = tpu.memref_squeeze %dma_start3A_160 : memref<1x128xi32, #tpu.memory_space<vmem>> -> memref<128xi32, #tpu.memory_space<vmem>>
          %dma_start3A_162 = arith.constant 0 : i32
          %dma_start3A_163 = arith.constant 0 : i32
          %dma_start3A_164 = tpu.memref_slice %arg2[%dma_start3A_162, %dma_start3A_163] : memref<10240x128xf32, #tpu.memory_space<hbm>> -> memref<10240x128xf32, #tpu.memory_space<hbm>>
          %dma_start3A_165 = tpu.memref_slice %arg10[%dma_start3A_154] : memref<2x!tpu.dma_semaphore, #tpu.memory_space<semaphore_mem>> -> memref<1x!tpu.dma_semaphore, #tpu.memory_space<semaphore_mem>>
          %dma_start3A_166 = tpu.memref_squeeze %dma_start3A_165 : memref<1x!tpu.dma_semaphore, #tpu.memory_space<semaphore_mem>> -> memref<!tpu.dma_semaphore, #tpu.memory_space<semaphore_mem>>
          tpu.enqueue_indirect_dma source(%dma_start3A_164 : memref<10240x128xf32, #tpu.memory_space<hbm>>) target(%dma_start3A_158 : memref<128x128xf32, #tpu.memory_space<vmem>>) offsets(%dma_start3A_161 : memref<128xi32, #tpu.memory_space<vmem>>) semaphore(%dma_start3A_166 : memref<!tpu.dma_semaphore, #tpu.memory_space<semaphore_mem>>)
        } else {
        }
        %dma_start3A_94 = arith.constant 0 : i32
        %dma_start3A_95 = arith.constant 0 : i32
        %dma_start3A_96 = arith.constant 0 : i32
        %dma_start3A_97 = arith.constant 0 : i32
        %dma_start3A_98 = tpu.memref_slice %arg8[%dma_start3A_94, %dma_start3A_96, %dma_start3A_97] : memref<2x128x128xf32, #tpu.memory_space<vmem>> -> memref<1x128x128xf32, #tpu.memory_space<vmem>>
        %dma_start3A_99 = tpu.memref_squeeze %dma_start3A_98 : memref<1x128x128xf32, #tpu.memory_space<vmem>> -> memref<128x128xf32, #tpu.memory_space<vmem>>
        %dma_start3A_100 = arith.constant 0 : i32
        %dma_start3A_101 = tpu.memref_slice %arg7[%add3A_73, %dma_start3A_100] : memref<40x128xi32, #tpu.memory_space<vmem>> -> memref<1x128xi32, #tpu.memory_space<vmem>>
        %dma_start3A_102 = tpu.memref_squeeze %dma_start3A_101 : memref<1x128xi32, #tpu.memory_space<vmem>> -> memref<128xi32, #tpu.memory_space<vmem>>
        %dma_start3A_103 = arith.constant 0 : i32
        %dma_start3A_104 = arith.constant 0 : i32
        %dma_start3A_105 = tpu.memref_slice %arg9[%dma_start3A_103, %dma_start3A_104] : memref<10240x128xf32, #tpu.memory_space<vmem_shared>> -> memref<10240x128xf32, #tpu.memory_space<vmem_shared>>
        %dma_start3A_106 = tpu.memref_slice %arg11[%dma_start3A_95] : memref<2x!tpu.dma_semaphore, #tpu.memory_space<semaphore_mem>> -> memref<1x!tpu.dma_semaphore, #tpu.memory_space<semaphore_mem>>
        %dma_start3A_107 = tpu.memref_squeeze %dma_start3A_106 : memref<1x!tpu.dma_semaphore, #tpu.memory_space<semaphore_mem>> -> memref<!tpu.dma_semaphore, #tpu.memory_space<semaphore_mem>>
        tpu.enqueue_indirect_dma source(%dma_start3A_99 : memref<128x128xf32, #tpu.memory_space<vmem>>) target(%dma_start3A_105 : memref<10240x128xf32, #tpu.memory_space<vmem_shared>>) offsets(%dma_start3A_102 : memref<128xi32, #tpu.memory_space<vmem>>) semaphore(%dma_start3A_107 : memref<!tpu.dma_semaphore, #tpu.memory_space<semaphore_mem>>) {add = true}
        %mul3A_108 = arith.constant 2 : i32
        %mul3A_109 = arith.muli %scan3A_69, %mul3A_108 : i32
        %add3A_110 = arith.constant 1 : i32
        %add3A_111 = arith.addi %mul3A_109, %add3A_110 : i32
        %dma_wait3A_112 = arith.constant 1 : i32
        %dma_wait3A_113 = arith.constant 1 : i32
        %dma_wait3A_114 = arith.constant 0 : i32
        %dma_wait3A_115 = arith.constant 0 : i32
        %dma_wait3A_116 = tpu.memref_slice %arg8[%dma_wait3A_112, %dma_wait3A_114, %dma_wait3A_115] : memref<2x128x128xf32, #tpu.memory_space<vmem>> -> memref<1x128x128xf32, #tpu.memory_space<vmem>>
        %dma_wait3A_117 = tpu.memref_squeeze %dma_wait3A_116 : memref<1x128x128xf32, #tpu.memory_space<vmem>> -> memref<128x128xf32, #tpu.memory_space<vmem>>
        %dma_wait3A_118 = arith.constant 0 : i32
        %dma_wait3A_119 = tpu.memref_slice %arg6[%add3A_111, %dma_wait3A_118] : memref<40x128xi32, #tpu.memory_space<vmem>> -> memref<1x128xi32, #tpu.memory_space<vmem>>
        %dma_wait3A_120 = tpu.memref_squeeze %dma_wait3A_119 : memref<1x128xi32, #tpu.memory_space<vmem>> -> memref<128xi32, #tpu.memory_space<vmem>>
        %dma_wait3A_121 = arith.constant 0 : i32
        %dma_wait3A_122 = arith.constant 0 : i32
        %dma_wait3A_123 = tpu.memref_slice %arg2[%dma_wait3A_121, %dma_wait3A_122] : memref<10240x128xf32, #tpu.memory_space<hbm>> -> memref<10240x128xf32, #tpu.memory_space<hbm>>
        %dma_wait3A_124 = tpu.memref_slice %arg10[%dma_wait3A_113] : memref<2x!tpu.dma_semaphore, #tpu.memory_space<semaphore_mem>> -> memref<1x!tpu.dma_semaphore, #tpu.memory_space<semaphore_mem>>
        %dma_wait3A_125 = tpu.memref_squeeze %dma_wait3A_124 : memref<1x!tpu.dma_semaphore, #tpu.memory_space<semaphore_mem>> -> memref<!tpu.dma_semaphore, #tpu.memory_space<semaphore_mem>>
        tpu.wait_indirect_dma semaphore(%dma_wait3A_125 : memref<!tpu.dma_semaphore, #tpu.memory_space<semaphore_mem>>) src(%dma_wait3A_123 : memref<10240x128xf32, #tpu.memory_space<hbm>>) dst(%dma_wait3A_117 : memref<128x128xf32, #tpu.memory_space<vmem>>)
        %add3A_126 = arith.constant 1 : i32
        %add3A_127 = arith.addi %add3A_111, %add3A_126 : i32
        %lt3A_128 = arith.constant 40 : i32
        %lt3A_129 = arith.cmpi slt, %add3A_127, %lt3A_128 : i32
        %convert_element_type3A_130 = arith.extui %lt3A_129 : i1 to i32
        %cond3A_131 = arith.constant 0 : i32
        %cond3A_132 = arith.cmpi ne, %convert_element_type3A_130, %cond3A_131 : i32
        scf.if %cond3A_132 {
          %ge3A = arith.constant 1 : i32
          %ge3A_147 = arith.cmpi sge, %add3A_111, %ge3A : i32
          %convert_element_type3A_148 = arith.extui %ge3A_147 : i1 to i32
          %cond3A_149 = arith.constant 0 : i32
          %cond3A_150 = arith.cmpi ne, %convert_element_type3A_148, %cond3A_149 : i32
          scf.if %cond3A_150 {
            %sub3A = arith.constant 1 : i32
            %sub3A_167 = arith.subi %add3A_111, %sub3A : i32
            %dma_wait3A_168 = arith.constant 0 : i32
            %dma_wait3A_169 = arith.constant 0 : i32
            %dma_wait3A_170 = arith.constant 0 : i32
            %dma_wait3A_171 = arith.constant 0 : i32
            %dma_wait3A_172 = tpu.memref_slice %arg8[%dma_wait3A_168, %dma_wait3A_170, %dma_wait3A_171] : memref<2x128x128xf32, #tpu.memory_space<vmem>> -> memref<1x128x128xf32, #tpu.memory_space<vmem>>
            %dma_wait3A_173 = tpu.memref_squeeze %dma_wait3A_172 : memref<1x128x128xf32, #tpu.memory_space<vmem>> -> memref<128x128xf32, #tpu.memory_space<vmem>>
            %dma_wait3A_174 = arith.constant 0 : i32
            %dma_wait3A_175 = tpu.memref_slice %arg7[%sub3A_167, %dma_wait3A_174] : memref<40x128xi32, #tpu.memory_space<vmem>> -> memref<1x128xi32, #tpu.memory_space<vmem>>
            %dma_wait3A_176 = tpu.memref_squeeze %dma_wait3A_175 : memref<1x128xi32, #tpu.memory_space<vmem>> -> memref<128xi32, #tpu.memory_space<vmem>>
            %dma_wait3A_177 = arith.constant 0 : i32
            %dma_wait3A_178 = arith.constant 0 : i32
            %dma_wait3A_179 = tpu.memref_slice %arg9[%dma_wait3A_177, %dma_wait3A_178] : memref<10240x128xf32, #tpu.memory_space<vmem_shared>> -> memref<10240x128xf32, #tpu.memory_space<vmem_shared>>
            %dma_wait3A_180 = tpu.memref_slice %arg11[%dma_wait3A_169] : memref<2x!tpu.dma_semaphore, #tpu.memory_space<semaphore_mem>> -> memref<1x!tpu.dma_semaphore, #tpu.memory_space<semaphore_mem>>
            %dma_wait3A_181 = tpu.memref_squeeze %dma_wait3A_180 : memref<1x!tpu.dma_semaphore, #tpu.memory_space<semaphore_mem>> -> memref<!tpu.dma_semaphore, #tpu.memory_space<semaphore_mem>>
            tpu.wait_indirect_dma semaphore(%dma_wait3A_181 : memref<!tpu.dma_semaphore, #tpu.memory_space<semaphore_mem>>) src(%dma_wait3A_173 : memref<128x128xf32, #tpu.memory_space<vmem>>) dst(%dma_wait3A_179 : memref<10240x128xf32, #tpu.memory_space<vmem_shared>>)
          } else {
          }
          %add3A_151 = arith.constant 1 : i32
          %add3A_152 = arith.addi %add3A_111, %add3A_151 : i32
          %dma_start3A_153 = arith.constant 0 : i32
          %dma_start3A_154 = arith.constant 0 : i32
          %dma_start3A_155 = arith.constant 0 : i32
          %dma_start3A_156 = arith.constant 0 : i32
          %dma_start3A_157 = tpu.memref_slice %arg8[%dma_start3A_153, %dma_start3A_155, %dma_start3A_156] : memref<2x128x128xf32, #tpu.memory_space<vmem>> -> memref<1x128x128xf32, #tpu.memory_space<vmem>>
          %dma_start3A_158 = tpu.memref_squeeze %dma_start3A_157 : memref<1x128x128xf32, #tpu.memory_space<vmem>> -> memref<128x128xf32, #tpu.memory_space<vmem>>
          %dma_start3A_159 = arith.constant 0 : i32
          %dma_start3A_160 = tpu.memref_slice %arg6[%add3A_152, %dma_start3A_159] : memref<40x128xi32, #tpu.memory_space<vmem>> -> memref<1x128xi32, #tpu.memory_space<vmem>>
          %dma_start3A_161 = tpu.memref_squeeze %dma_start3A_160 : memref<1x128xi32, #tpu.memory_space<vmem>> -> memref<128xi32, #tpu.memory_space<vmem>>
          %dma_start3A_162 = arith.constant 0 : i32
          %dma_start3A_163 = arith.constant 0 : i32
          %dma_start3A_164 = tpu.memref_slice %arg2[%dma_start3A_162, %dma_start3A_163] : memref<10240x128xf32, #tpu.memory_space<hbm>> -> memref<10240x128xf32, #tpu.memory_space<hbm>>
          %dma_start3A_165 = tpu.memref_slice %arg10[%dma_start3A_154] : memref<2x!tpu.dma_semaphore, #tpu.memory_space<semaphore_mem>> -> memref<1x!tpu.dma_semaphore, #tpu.memory_space<semaphore_mem>>
          %dma_start3A_166 = tpu.memref_squeeze %dma_start3A_165 : memref<1x!tpu.dma_semaphore, #tpu.memory_space<semaphore_mem>> -> memref<!tpu.dma_semaphore, #tpu.memory_space<semaphore_mem>>
          tpu.enqueue_indirect_dma source(%dma_start3A_164 : memref<10240x128xf32, #tpu.memory_space<hbm>>) target(%dma_start3A_158 : memref<128x128xf32, #tpu.memory_space<vmem>>) offsets(%dma_start3A_161 : memref<128xi32, #tpu.memory_space<vmem>>) semaphore(%dma_start3A_166 : memref<!tpu.dma_semaphore, #tpu.memory_space<semaphore_mem>>)
        } else {
        }
        %dma_start3A_133 = arith.constant 1 : i32
        %dma_start3A_134 = arith.constant 1 : i32
        %dma_start3A_135 = arith.constant 0 : i32
        %dma_start3A_136 = arith.constant 0 : i32
        %dma_start3A_137 = tpu.memref_slice %arg8[%dma_start3A_133, %dma_start3A_135, %dma_start3A_136] : memref<2x128x128xf32, #tpu.memory_space<vmem>> -> memref<1x128x128xf32, #tpu.memory_space<vmem>>
        %dma_start3A_138 = tpu.memref_squeeze %dma_start3A_137 : memref<1x128x128xf32, #tpu.memory_space<vmem>> -> memref<128x128xf32, #tpu.memory_space<vmem>>
        %dma_start3A_139 = arith.constant 0 : i32
        %dma_start3A_140 = tpu.memref_slice %arg7[%add3A_111, %dma_start3A_139] : memref<40x128xi32, #tpu.memory_space<vmem>> -> memref<1x128xi32, #tpu.memory_space<vmem>>
        %dma_start3A_141 = tpu.memref_squeeze %dma_start3A_140 : memref<1x128xi32, #tpu.memory_space<vmem>> -> memref<128xi32, #tpu.memory_space<vmem>>
        %dma_start3A_142 = arith.constant 0 : i32
        %dma_start3A_143 = arith.constant 0 : i32
        %dma_start3A_144 = tpu.memref_slice %arg9[%dma_start3A_142, %dma_start3A_143] : memref<10240x128xf32, #tpu.memory_space<vmem_shared>> -> memref<10240x128xf32, #tpu.memory_space<vmem_shared>>
        %dma_start3A_145 = tpu.memref_slice %arg11[%dma_start3A_134] : memref<2x!tpu.dma_semaphore, #tpu.memory_space<semaphore_mem>> -> memref<1x!tpu.dma_semaphore, #tpu.memory_space<semaphore_mem>>
        %dma_start3A_146 = tpu.memref_squeeze %dma_start3A_145 : memref<1x!tpu.dma_semaphore, #tpu.memory_space<semaphore_mem>> -> memref<!tpu.dma_semaphore, #tpu.memory_space<semaphore_mem>>
        tpu.enqueue_indirect_dma source(%dma_start3A_138 : memref<128x128xf32, #tpu.memory_space<vmem>>) target(%dma_start3A_144 : memref<10240x128xf32, #tpu.memory_space<vmem_shared>>) offsets(%dma_start3A_141 : memref<128xi32, #tpu.memory_space<vmem>>) semaphore(%dma_start3A_146 : memref<!tpu.dma_semaphore, #tpu.memory_space<semaphore_mem>>) {add = true}
      }
      %scan3A_39 = arith.constant 20 : i32
      %dma_wait3A = arith.constant 0 : i32
      %dma_wait3A_40 = arith.constant 38 : i32
      %dma_wait3A_41 = arith.constant 0 : i32
      %dma_wait3A_42 = arith.constant 0 : i32
      %dma_wait3A_43 = arith.constant 0 : i32
      %dma_wait3A_44 = tpu.memref_slice %arg8[%dma_wait3A, %dma_wait3A_42, %dma_wait3A_43] : memref<2x128x128xf32, #tpu.memory_space<vmem>> -> memref<1x128x128xf32, #tpu.memory_space<vmem>>
      %dma_wait3A_45 = tpu.memref_squeeze %dma_wait3A_44 : memref<1x128x128xf32, #tpu.memory_space<vmem>> -> memref<128x128xf32, #tpu.memory_space<vmem>>
      %dma_wait3A_46 = arith.constant 0 : i32
      %dma_wait3A_47 = tpu.memref_slice %arg7[%dma_wait3A_40, %dma_wait3A_46] : memref<40x128xi32, #tpu.memory_space<vmem>> -> memref<1x128xi32, #tpu.memory_space<vmem>>
      %dma_wait3A_48 = tpu.memref_squeeze %dma_wait3A_47 : memref<1x128xi32, #tpu.memory_space<vmem>> -> memref<128xi32, #tpu.memory_space<vmem>>
      %dma_wait3A_49 = arith.constant 0 : i32
      %dma_wait3A_50 = arith.constant 0 : i32
      %dma_wait3A_51 = tpu.memref_slice %arg9[%dma_wait3A_49, %dma_wait3A_50] : memref<10240x128xf32, #tpu.memory_space<vmem_shared>> -> memref<10240x128xf32, #tpu.memory_space<vmem_shared>>
      %dma_wait3A_52 = tpu.memref_slice %arg11[%dma_wait3A_41] : memref<2x!tpu.dma_semaphore, #tpu.memory_space<semaphore_mem>> -> memref<1x!tpu.dma_semaphore, #tpu.memory_space<semaphore_mem>>
      %dma_wait3A_53 = tpu.memref_squeeze %dma_wait3A_52 : memref<1x!tpu.dma_semaphore, #tpu.memory_space<semaphore_mem>> -> memref<!tpu.dma_semaphore, #tpu.memory_space<semaphore_mem>>
      tpu.wait_indirect_dma semaphore(%dma_wait3A_53 : memref<!tpu.dma_semaphore, #tpu.memory_space<semaphore_mem>>) src(%dma_wait3A_45 : memref<128x128xf32, #tpu.memory_space<vmem>>) dst(%dma_wait3A_51 : memref<10240x128xf32, #tpu.memory_space<vmem_shared>>)
      %dma_wait3A_54 = arith.constant 1 : i32
      %dma_wait3A_55 = arith.constant 39 : i32
      %dma_wait3A_56 = arith.constant 1 : i32
      %dma_wait3A_57 = arith.constant 0 : i32
      %dma_wait3A_58 = arith.constant 0 : i32
      %dma_wait3A_59 = tpu.memref_slice %arg8[%dma_wait3A_54, %dma_wait3A_57, %dma_wait3A_58] : memref<2x128x128xf32, #tpu.memory_space<vmem>> -> memref<1x128x128xf32, #tpu.memory_space<vmem>>
      %dma_wait3A_60 = tpu.memref_squeeze %dma_wait3A_59 : memref<1x128x128xf32, #tpu.memory_space<vmem>> -> memref<128x128xf32, #tpu.memory_space<vmem>>
      %dma_wait3A_61 = arith.constant 0 : i32
      %dma_wait3A_62 = tpu.memref_slice %arg7[%dma_wait3A_55, %dma_wait3A_61] : memref<40x128xi32, #tpu.memory_space<vmem>> -> memref<1x128xi32, #tpu.memory_space<vmem>>
      %dma_wait3A_63 = tpu.memref_squeeze %dma_wait3A_62 : memref<1x128xi32, #tpu.memory_space<vmem>> -> memref<128xi32, #tpu.memory_space<vmem>>
      %dma_wait3A_64 = arith.constant 0 : i32
      %dma_wait3A_65 = arith.constant 0 : i32
      %dma_wait3A_66 = tpu.memref_slice %arg9[%dma_wait3A_64, %dma_wait3A_65] : memref<10240x128xf32, #tpu.memory_space<vmem_shared>> -> memref<10240x128xf32, #tpu.memory_space<vmem_shared>>
      %dma_wait3A_67 = tpu.memref_slice %arg11[%dma_wait3A_56] : memref<2x!tpu.dma_semaphore, #tpu.memory_space<semaphore_mem>> -> memref<1x!tpu.dma_semaphore, #tpu.memory_space<semaphore_mem>>
      %dma_wait3A_68 = tpu.memref_squeeze %dma_wait3A_67 : memref<1x!tpu.dma_semaphore, #tpu.memory_space<semaphore_mem>> -> memref<!tpu.dma_semaphore, #tpu.memory_space<semaphore_mem>>
      tpu.wait_indirect_dma semaphore(%dma_wait3A_68 : memref<!tpu.dma_semaphore, #tpu.memory_space<semaphore_mem>>) src(%dma_wait3A_60 : memref<128x128xf32, #tpu.memory_space<vmem>>) dst(%dma_wait3A_66 : memref<10240x128xf32, #tpu.memory_space<vmem_shared>>)
    } else {
    }
    %barrier3A_18 = arith.constant 0 : index
    tpu.barrier barrier_id(%barrier3A_18)
    "tpu.region"() ({
      %run_scoped3A = tpu.sem_alloc : memref<!tpu.dma_semaphore, #tpu.memory_space<semaphore_mem>>
      %dma_start3A = arith.constant 0 : i32
      %dma_start3A_19 = tpu.memref_slice %arg5[%arg0, %mul3A_0, %dma_start3A] : memref<2x10240x128xf32, #tpu.memory_space<hbm>> -> memref<1x640x128xf32, #tpu.memory_space<hbm>>
      %dma_start3A_20 = tpu.memref_squeeze %dma_start3A_19 : memref<1x640x128xf32, #tpu.memory_space<hbm>> -> memref<640x128xf32, #tpu.memory_space<hbm>>
      %dma_start3A_21 = arith.constant 0 : i32
      %dma_start3A_22 = tpu.memref_slice %arg9[%mul3A_0, %dma_start3A_21] : memref<10240x128xf32, #tpu.memory_space<vmem_shared>> -> memref<640x128xf32, #tpu.memory_space<vmem_shared>>
      tpu.enqueue_dma source(%dma_start3A_22 : memref<640x128xf32, #tpu.memory_space<vmem_shared>>) target(%dma_start3A_20 : memref<640x128xf32, #tpu.memory_space<hbm>>) target_semaphore(%run_scoped3A : memref<!tpu.dma_semaphore, #tpu.memory_space<semaphore_mem>>)
      %dma_wait3A = arith.constant 0 : i32
      %dma_wait3A_23 = tpu.memref_slice %arg5[%arg0, %mul3A_0, %dma_wait3A] : memref<2x10240x128xf32, #tpu.memory_space<hbm>> -> memref<1x640x128xf32, #tpu.memory_space<hbm>>
      %dma_wait3A_24 = tpu.memref_squeeze %dma_wait3A_23 : memref<1x640x128xf32, #tpu.memory_space<hbm>> -> memref<640x128xf32, #tpu.memory_space<hbm>>
      %dma_wait3A_25 = arith.constant 0 : i32
      %dma_wait3A_26 = tpu.memref_slice %arg9[%mul3A_0, %dma_wait3A_25] : memref<10240x128xf32, #tpu.memory_space<vmem_shared>> -> memref<640x128xf32, #tpu.memory_space<vmem_shared>>
      tpu.wait_dma2 semaphore(%run_scoped3A : memref<!tpu.dma_semaphore, #tpu.memory_space<semaphore_mem>>) src(%dma_wait3A_26 : memref<640x128xf32, #tpu.memory_space<vmem_shared>>) dst(%dma_wait3A_24 : memref<640x128xf32, #tpu.memory_space<hbm>>)
      tpu.yield
    }) : () -> ()
    return
  }
}

module attributes {stable_mosaic.version = 14 : i64} {
  func.func @_prep_body(%arg0: i32, %arg1: memref<512x16xf32, #tpu.memory_space<vmem>>, %arg2: memref<512x128xf32, #tpu.memory_space<vmem>>, %arg3: memref<128x128xf32, #tpu.memory_space<vmem>>, %arg4: memref<512x128xf32, #tpu.memory_space<vmem>>) attributes {dimension_semantics = [#tpu.dimension_semantics<arbitrary>], iteration_bounds = array<i64: 20>, scalar_prefetch = 0 : i64, scratch_operands = 0 : i64, tpu.core_type = #tpu.core_type<tc>, window_params = [{transform_indices = @transform_0, window_bounds = array<i64: 512, 16>}, {transform_indices = @transform_1, window_bounds = array<i64: 512, 128>}, {pipeline_mode = #tpu.pipeline_mode<synchronous>, transform_indices = @transform_2, window_bounds = array<i64: 128, 128>}, {transform_indices = @transform_3, window_bounds = array<i64: 512, 128>}]} {
    %get3A = arith.constant 0 : index
    %get3A_0 = arith.constant 0 : index
    %get3A_1 = vector.load %arg2[%get3A, %get3A_0] : memref<512x128xf32, #tpu.memory_space<vmem>>, vector<512x128xf32>
    %get3A_2 = arith.constant 0 : index
    %get3A_3 = arith.constant 0 : index
    %get3A_4 = vector.load %arg3[%get3A_2, %get3A_3] : memref<128x128xf32, #tpu.memory_space<vmem>>, vector<128x128xf32>
    %dot_general3A = arith.constant dense<0.000000e+00> : vector<512x128xf32>
    %dot_general3A_5 = tpu.matmul %get3A_1, %get3A_4, %dot_general3A {dimension_numbers = #tpu.dot_dimension_numbers<[1], [0], [0], [1], [0, 0, 1, 1], [], []>, transpose_lhs_hint = false} : vector<512x128xf32>, vector<128x128xf32>, vector<512x128xf32> -> vector<512x128xf32>
    %get3A_6 = arith.constant 0 : index
    %get3A_7 = arith.constant 0 : index
    %get3A_8 = vector.load %arg1[%get3A_6, %get3A_7] : memref<512x16xf32, #tpu.memory_space<vmem>>, vector<512x16xf32>
    %slice3A = vector.extract_strided_slice %get3A_8 {offsets = [0, 0], sizes = [512, 1], strides = [1, 1]} : vector<512x16xf32> to vector<512x1xf32>
    %mul3A = vector.broadcast %slice3A : vector<512x1xf32> to vector<512x128xf32>
    %mul3A_9 = arith.mulf %mul3A, %dot_general3A_5 : vector<512x128xf32>
    %swap3A = arith.constant 0 : index
    %swap3A_10 = arith.constant 0 : index
    %swap3A_11 = vector.load %arg4[%swap3A, %swap3A_10] : memref<512x128xf32, #tpu.memory_space<vmem>>, vector<512x128xf32>
    tpu.vector_store %arg4[%swap3A, %swap3A_10], %mul3A_9 {strides = array<i32>} : memref<512x128xf32, #tpu.memory_space<vmem>>, vector<512x128xf32>,
    return
  }
  func.func @transform_0(%arg0: i32) -> (i32, i32) {
    %c0_i32 = arith.constant 0 : i32
    %c0_i32_0 = arith.constant 0 : i32
    return %arg0, %c0_i32 : i32, i32
  }
  func.func @transform_1(%arg0: i32) -> (i32, i32) {
    %c0_i32 = arith.constant 0 : i32
    %c0_i32_0 = arith.constant 0 : i32
    return %arg0, %c0_i32 : i32, i32
  }
  func.func @transform_2(%arg0: i32) -> (i32, i32) {
    %c0_i32 = arith.constant 0 : i32
    %c0_i32_0 = arith.constant 0 : i32
    %c0_i32_1 = arith.constant 0 : i32
    return %c0_i32, %c0_i32_0 : i32, i32
  }
  func.func @transform_3(%arg0: i32) -> (i32, i32) {
    %c0_i32 = arith.constant 0 : i32
    %c0_i32_0 = arith.constant 0 : i32
    return %arg0, %c0_i32 : i32, i32
  }
}

module attributes {stable_mosaic.version = 14 : i64} {
  func.func @_mid_body(%arg0: i32, %arg1: memref<512x128xf32, #tpu.memory_space<vmem>>, %arg2: memref<512x128xf32, #tpu.memory_space<vmem>>, %arg3: memref<512x128xf32, #tpu.memory_space<vmem>>, %arg4: memref<512x16xf32, #tpu.memory_space<vmem>>, %arg5: memref<8x128xf32, #tpu.memory_space<vmem>>, %arg6: memref<512x128xf32, #tpu.memory_space<vmem>>) attributes {dimension_semantics = [#tpu.dimension_semantics<arbitrary>], iteration_bounds = array<i64: 20>, scalar_prefetch = 0 : i64, scratch_operands = 0 : i64, tpu.core_type = #tpu.core_type<tc>, window_params = [{transform_indices = @transform_0, window_bounds = array<i64: 512, 128>}, {transform_indices = @transform_1, window_bounds = array<i64: 512, 128>}, {transform_indices = @transform_2, window_bounds = array<i64: 512, 128>}, {transform_indices = @transform_3, window_bounds = array<i64: 512, 16>}, {pipeline_mode = #tpu.pipeline_mode<synchronous>, transform_indices = @transform_4, window_bounds = array<i64: 8, 128>}, {transform_indices = @transform_5, window_bounds = array<i64: 512, 128>}]} {
    %get3A = arith.constant 0 : index
    %get3A_0 = arith.constant 0 : index
    %get3A_1 = vector.load %arg4[%get3A, %get3A_0] : memref<512x16xf32, #tpu.memory_space<vmem>>, vector<512x16xf32>
    %slice3A = vector.extract_strided_slice %get3A_1 {offsets = [0, 0], sizes = [512, 1], strides = [1, 1]} : vector<512x16xf32> to vector<512x1xf32>
    %get3A_2 = arith.constant 0 : index
    %get3A_3 = arith.constant 0 : index
    %get3A_4 = vector.load %arg1[%get3A_2, %get3A_3] : memref<512x128xf32, #tpu.memory_space<vmem>>, vector<512x128xf32>
    %get3A_5 = arith.constant 0 : index
    %get3A_6 = arith.constant 0 : index
    %get3A_7 = vector.load %arg2[%get3A_5, %get3A_6] : memref<512x128xf32, #tpu.memory_space<vmem>>, vector<512x128xf32>
    %add3A = arith.addf %get3A_4, %get3A_7 : vector<512x128xf32>
    %get3A_8 = arith.constant 0 : index
    %get3A_9 = arith.constant 0 : index
    %get3A_10 = vector.load %arg3[%get3A_8, %get3A_9] : memref<512x128xf32, #tpu.memory_space<vmem>>, vector<512x128xf32>
    %sub3A = arith.subf %add3A, %get3A_10 : vector<512x128xf32>
    %mul3A = vector.broadcast %slice3A : vector<512x1xf32> to vector<512x128xf32>
    %mul3A_11 = arith.mulf %sub3A, %mul3A : vector<512x128xf32>
    %get3A_12 = arith.constant 0 : index
    %get3A_13 = arith.constant 0 : index
    %get3A_14 = vector.load %arg5[%get3A_12, %get3A_13] : memref<8x128xf32, #tpu.memory_space<vmem>>, vector<1x128xf32>
    %add3A_15 = vector.broadcast %get3A_14 : vector<1x128xf32> to vector<512x128xf32>
    %add3A_16 = arith.addf %mul3A_11, %add3A_15 : vector<512x128xf32>
    %max3A = arith.constant 0.000000e+00 : f32
    %max3A_17 = vector.broadcast %max3A : f32 to vector<512x128xf32>
    %max3A_18 = arith.maximumf %add3A_16, %max3A_17 : vector<512x128xf32>
    %mul3A_19 = vector.broadcast %slice3A : vector<512x1xf32> to vector<512x128xf32>
    %mul3A_20 = arith.mulf %max3A_18, %mul3A_19 : vector<512x128xf32>
    %swap3A = arith.constant 0 : index
    %swap3A_21 = arith.constant 0 : index
    %swap3A_22 = vector.load %arg6[%swap3A, %swap3A_21] : memref<512x128xf32, #tpu.memory_space<vmem>>, vector<512x128xf32>
    tpu.vector_store %arg6[%swap3A, %swap3A_21], %mul3A_20 {strides = array<i32>} : memref<512x128xf32, #tpu.memory_space<vmem>>, vector<512x128xf32>,
    return
  }
  func.func @transform_0(%arg0: i32) -> (i32, i32) {
    %c0_i32 = arith.constant 0 : i32
    %c0_i32_0 = arith.constant 0 : i32
    return %arg0, %c0_i32 : i32, i32
  }
  func.func @transform_1(%arg0: i32) -> (i32, i32) {
    %c0_i32 = arith.constant 0 : i32
    %c0_i32_0 = arith.constant 0 : i32
    return %arg0, %c0_i32 : i32, i32
  }
  func.func @transform_2(%arg0: i32) -> (i32, i32) {
    %c0_i32 = arith.constant 0 : i32
    %c0_i32_0 = arith.constant 0 : i32
    return %arg0, %c0_i32 : i32, i32
  }
  func.func @transform_3(%arg0: i32) -> (i32, i32) {
    %c0_i32 = arith.constant 0 : i32
    %c0_i32_0 = arith.constant 0 : i32
    return %arg0, %c0_i32 : i32, i32
  }
  func.func @transform_4(%arg0: i32) -> (i32, i32) {
    %c0_i32 = arith.constant 0 : i32
    %c0_i32_0 = arith.constant 0 : i32
    %c0_i32_1 = arith.constant 0 : i32
    return %c0_i32, %c0_i32_0 : i32, i32
  }
  func.func @transform_5(%arg0: i32) -> (i32, i32) {
    %c0_i32 = arith.constant 0 : i32
    %c0_i32_0 = arith.constant 0 : i32
    return %arg0, %c0_i32 : i32, i32
  }
}

module attributes {stable_mosaic.version = 14 : i64} {
  func.func @_final_body(%arg0: i32, %arg1: memref<512x128xf32, #tpu.memory_space<vmem>>, %arg2: memref<512x128xf32, #tpu.memory_space<vmem>>, %arg3: memref<512x128xf32, #tpu.memory_space<vmem>>, %arg4: memref<512x16xf32, #tpu.memory_space<vmem>>, %arg5: memref<8x40xf32, #tpu.memory_space<vmem>>, %arg6: memref<128x40xf32, #tpu.memory_space<vmem>>, %arg7: memref<512x40xf32, #tpu.memory_space<vmem>>) attributes {dimension_semantics = [#tpu.dimension_semantics<arbitrary>], iteration_bounds = array<i64: 20>, scalar_prefetch = 0 : i64, scratch_operands = 0 : i64, tpu.core_type = #tpu.core_type<tc>, window_params = [{transform_indices = @transform_0, window_bounds = array<i64: 512, 128>}, {transform_indices = @transform_1, window_bounds = array<i64: 512, 128>}, {transform_indices = @transform_2, window_bounds = array<i64: 512, 128>}, {transform_indices = @transform_3, window_bounds = array<i64: 512, 16>}, {pipeline_mode = #tpu.pipeline_mode<synchronous>, transform_indices = @transform_4, window_bounds = array<i64: 8, 40>}, {pipeline_mode = #tpu.pipeline_mode<synchronous>, transform_indices = @transform_5, window_bounds = array<i64: 128, 40>}, {transform_indices = @transform_6, window_bounds = array<i64: 512, 40>}]} {
    %get3A = arith.constant 0 : index
    %get3A_0 = arith.constant 0 : index
    %get3A_1 = vector.load %arg4[%get3A, %get3A_0] : memref<512x16xf32, #tpu.memory_space<vmem>>, vector<512x16xf32>
    %slice3A = vector.extract_strided_slice %get3A_1 {offsets = [0, 0], sizes = [512, 1], strides = [1, 1]} : vector<512x16xf32> to vector<512x1xf32>
    %get3A_2 = arith.constant 0 : index
    %get3A_3 = arith.constant 0 : index
    %get3A_4 = vector.load %arg1[%get3A_2, %get3A_3] : memref<512x128xf32, #tpu.memory_space<vmem>>, vector<512x128xf32>
    %get3A_5 = arith.constant 0 : index
    %get3A_6 = arith.constant 0 : index
    %get3A_7 = vector.load %arg2[%get3A_5, %get3A_6] : memref<512x128xf32, #tpu.memory_space<vmem>>, vector<512x128xf32>
    %add3A = arith.addf %get3A_4, %get3A_7 : vector<512x128xf32>
    %get3A_8 = arith.constant 0 : index
    %get3A_9 = arith.constant 0 : index
    %get3A_10 = vector.load %arg3[%get3A_8, %get3A_9] : memref<512x128xf32, #tpu.memory_space<vmem>>, vector<512x128xf32>
    %sub3A = arith.subf %add3A, %get3A_10 : vector<512x128xf32>
    %get3A_11 = arith.constant 0 : index
    %get3A_12 = arith.constant 0 : index
    %get3A_13 = vector.load %arg6[%get3A_11, %get3A_12] : memref<128x40xf32, #tpu.memory_space<vmem>>, vector<128x40xf32>
    %dot_general3A = arith.constant dense<0.000000e+00> : vector<512x40xf32>
    %dot_general3A_14 = tpu.matmul %sub3A, %get3A_13, %dot_general3A {dimension_numbers = #tpu.dot_dimension_numbers<[1], [0], [0], [1], [0, 0, 1, 1], [], []>, transpose_lhs_hint = false} : vector<512x128xf32>, vector<128x40xf32>, vector<512x40xf32> -> vector<512x40xf32>
    %mul3A = vector.broadcast %slice3A : vector<512x1xf32> to vector<512x40xf32>
    %mul3A_15 = arith.mulf %mul3A, %dot_general3A_14 : vector<512x40xf32>
    %get3A_16 = arith.constant 0 : index
    %get3A_17 = arith.constant 0 : index
    %get3A_18 = vector.load %arg5[%get3A_16, %get3A_17] : memref<8x40xf32, #tpu.memory_space<vmem>>, vector<1x40xf32>
    %add3A_19 = vector.broadcast %get3A_18 : vector<1x40xf32> to vector<512x40xf32>
    %add3A_20 = arith.addf %mul3A_15, %add3A_19 : vector<512x40xf32>
    %swap3A = arith.constant 0 : index
    %swap3A_21 = arith.constant 0 : index
    %swap3A_22 = vector.load %arg7[%swap3A, %swap3A_21] : memref<512x40xf32, #tpu.memory_space<vmem>>, vector<512x40xf32>
    tpu.vector_store %arg7[%swap3A, %swap3A_21], %add3A_20 {strides = array<i32>} : memref<512x40xf32, #tpu.memory_space<vmem>>, vector<512x40xf32>,
    return
  }
  func.func @transform_0(%arg0: i32) -> (i32, i32) {
    %c0_i32 = arith.constant 0 : i32
    %c0_i32_0 = arith.constant 0 : i32
    return %arg0, %c0_i32 : i32, i32
  }
  func.func @transform_1(%arg0: i32) -> (i32, i32) {
    %c0_i32 = arith.constant 0 : i32
    %c0_i32_0 = arith.constant 0 : i32
    return %arg0, %c0_i32 : i32, i32
  }
  func.func @transform_2(%arg0: i32) -> (i32, i32) {
    %c0_i32 = arith.constant 0 : i32
    %c0_i32_0 = arith.constant 0 : i32
    return %arg0, %c0_i32 : i32, i32
  }
  func.func @transform_3(%arg0: i32) -> (i32, i32) {
    %c0_i32 = arith.constant 0 : i32
    %c0_i32_0 = arith.constant 0 : i32
    return %arg0, %c0_i32 : i32, i32
  }
  func.func @transform_4(%arg0: i32) -> (i32, i32) {
    %c0_i32 = arith.constant 0 : i32
    %c0_i32_0 = arith.constant 0 : i32
    %c0_i32_1 = arith.constant 0 : i32
    return %c0_i32, %c0_i32_0 : i32, i32
  }
  func.func @transform_5(%arg0: i32) -> (i32, i32) {
    %c0_i32 = arith.constant 0 : i32
    %c0_i32_0 = arith.constant 0 : i32
    %c0_i32_1 = arith.constant 0 : i32
    return %c0_i32, %c0_i32_0 : i32, i32
  }
  func.func @transform_6(%arg0: i32) -> (i32, i32) {
    %c0_i32 = arith.constant 0 : i32
    %c0_i32_0 = arith.constant 0 : i32
    return %arg0, %c0_i32 : i32, i32
  }
}

</mosaic_0001>

<sc_bundles>
// kernel: kernel.11.cloned.1.call-start
scs
__scs_entry_jumppad:
0x0: {  	(pc) =	sbr.rel $0x88, $3  }
0x1: {  	(tag) =	ssettag $0x0;
	lr =	simm.s32 $0x1  }
0x2: {  	[smem:$0x3F9B] =	sst lr;
	_ =	strace $0xD0000000  }
0x3: {  	_ = 	snop  }
0x4: {  	_ = 	snop  }
0x5: {  	_ = 	snop  }
0x6: {  	_ = 	snop  }
0x7: {  	_ = 	snop  }
__scs_overlays_trampoline_lowered:
0x8: {  	[smem:$0x3FAA] =	sst s0  }
0x9: {  	[smem:$0x3FAB] =	sst s1  }
0xa: {  	[smem:$0x3FAC] =	sst s2  }
0xb: {  	[smem:$0x3FAD] =	sst s3  }
0xc: {  	[smem:$0x3FAE] =	sst s4  }
0xd: {  	[smem:$0x3FAF] =	sst s5  }
0xe: {  	[smem:$0x3FB0] =	sst s6  }
0xf: {  	[smem:$0x3FB1] =	sst s7  }
0x10: {  	[smem:$0x3FB2] =	sst s8  }
0x11: {  	[smem:$0x3FB3] =	sst s9;
	s0 =	simm.s32 @!p0 $0x0  }
0x12: {  	s1 =	sld [smem:$0x3F99];
	s0 =	simm.s32 @p0 $0x1  }
0x13: {  	[smem:$0x3FB4] =	sst s0;
	s0 =	simm.s32 @!p1 $0x0  }
0x14: {  	s2 =	sld [smem:$0x3F98];
	s0 =	simm.s32 @p1 $0x1  }
0x15: {  	[smem:$0x3FB5] =	sst s0;
	s0 =	simm.s32 @!p2 $0x0  }
0x16: {  	s3 =	sld [smem:$0x3FDB];
	s0 =	simm.s32 @p2 $0x1  }
0x17: {  	s4 =	simm.s32 $0x1BF5;
	[smem:$0x3FB7] =	sst s0  }
0x18: {  	s0 =	sld [smem:$0x3F9A];
	_ =	swait.ge [sflag:s4], $0x0  }
0x19: {  	s7 =	sld [smem:$0x3F9B]  }
0x1a: {  	s8 =	sadd.s32 $0xFFFFE003, lr  }
0x1b: {  	s9 =	sadd.s32 $0xFFFFFEF7, lr;
	s5 =	simm.s32 $0xFFFFFFFF;
	p2 =	slt.u32 s8, $0xFFFFF086  }
0x1c: {  	p1 =	slt.u32 s9, $0xF7A;
	s5 =	simm.s32 @!p2 $0x0  }
0x1d: {  	s5 =	simm.s32 @p1 $0x1;
	p0 =	seq.s32 s7, s2  }
0x1e: {  	s7 =	smul.u32 @!p0 $0xF7A, s2;
	p2 =	seq.s32 @!p0 s5, $0x0  }
0x1f: {  	s9 =	smul.u32 $0xF7A, s1;
	s8 =	simm.s32 @!p0 $0x1BF5;
	p2 =	por !p2, p0  }
0x20: {  	[sflag:s8] =	ssyncset.s32 @!p0 $0xFFFFF086;
	s6 =	sadd.s32 @!p0 s3, s7;
	s7 =	simm.s32 @!p0 $0x108  }
0x21: {  	s3 =	sadd.s32 s3, s9;
	s6 =	sadd.s32 @!p0 $0x88, s6;
	s7 =	simm.s32 @p2 $0x1082  }
0x22: {  	[simem:s7], [sflag:s8] =	dma.local @!p0 [hbm:s6], $0xF7A  }
0x23: {  	s9 =	sor.u32 $0xD0000000, s2;
	s6 =	simm.s32 $0x108;
	_ =	swait.ge @!p0 [sflag:s8], $0x0  }
0x24: {  	s3 =	sadd.s32 $0x88, s3;
	s6 =	simm.s32 @!p1 $0x1082;
	[sflag:s4] =	ssyncset.s32 $0xFFFFF086  }
0x25: {  	[simem:s6], [sflag:s4] =	dma.local [hbm:s3], $0xF7A  }
0x26: {  	[smem:$0x3F9B] =	sst s1;
	(tag) =	ssettag s2;
	_ =	strace s9  }
0x27: {  	s1 =	sld [smem:$0x3FAB]  }
0x28: {  	s2 =	sld [smem:$0x3FAC]  }
0x29: {  	s4 =	sld [smem:$0x3FAE]  }
0x2a: {  	p0 =	seq.s32 s5, $0x0;
	s5 =	sld [smem:$0x3FAF]  }
0x2b: {  	s6 =	sld [smem:$0x3FB0]  }
0x2c: {  	s7 =	sld [smem:$0x3FB1]  }
0x2d: {  	s3 =	simm.s32 $0x108;
	s8 =	sld [smem:$0x3FB2]  }
0x2e: {  	s3 =	simm.s32 @!p0 $0x1082;
	s9 =	sld [smem:$0x3FB3]  }
0x2f: {  	lr =	sadd.s32 s0, s3;
	s0 =	sld [smem:$0x3FAA]  }
0x30: {  	s3 =	sld [smem:$0x3FAD]  }
0x31: {  	[smem:$0x3FB6] =	sst s10  }
0x32: {  	s10 =	sld [smem:$0x3FB4];
	_ =	sdelay $0x3  }
0x33: {  	p0 =	seq.s32 s10, $0x1;
	s10 =	sld [smem:$0x3FB6];
	_ =	sdelay $0x3  }
0x34: {  	[smem:$0x3FB6] =	sst s10  }
0x35: {  	s10 =	sld [smem:$0x3FB5];
	_ =	sdelay $0x3  }
0x36: {  	p1 =	seq.s32 s10, $0x1;
	s10 =	sld [smem:$0x3FB6];
	_ =	sdelay $0x3  }
0x37: {  	[smem:$0x3FB6] =	sst s10  }
0x38: {  	s10 =	sld [smem:$0x3FB7]  }
0x39: {  	_ = 	snop;
	(pc) =	sbr.ind lr, $3  }
0x3a: {  	_ = 	snop  }
0x3b: {  	_ = 	snop  }
0x3c: {  	p2 =	seq.s32 s10, $0x1;
	s10 =	sld [smem:$0x3FB6]  }
0x3d: {  	_ =	shalt  }
0x3e: {  	_ =	shalt  }
0x3f: {  	_ =	shalt  }
0x40: {  	_ =	shalt  }
0x41: {  	_ =	shalt  }
0x42: {  	_ =	shalt  }
0x43: {  	_ =	shalt  }
0x44: {  	_ =	shalt  }
0x45: {  	_ =	shalt  }
0x46: {  	_ =	shalt  }
0x47: {  	_ =	shalt  }
0x48: {  	_ =	shalt  }
0x49: {  	_ =	shalt  }
0x4a: {  	_ =	shalt  }
0x4b: {  	_ =	shalt  }
0x4c: {  	_ =	shalt  }
0x4d: {  	_ =	shalt  }
0x4e: {  	_ =	shalt  }
0x4f: {  	_ =	shalt  }
0x50: {  	_ =	shalt  }
0x51: {  	_ =	shalt  }
0x52: {  	_ =	shalt  }
0x53: {  	_ =	shalt  }
0x54: {  	_ =	shalt  }
0x55: {  	_ =	shalt  }
0x56: {  	_ =	shalt  }
0x57: {  	_ =	shalt  }
0x58: {  	_ =	shalt  }
0x59: {  	_ =	shalt  }
0x5a: {  	_ =	shalt  }
0x5b: {  	_ =	shalt  }
0x5c: {  	_ =	shalt  }
0x5d: {  	_ =	shalt  }
0x5e: {  	_ =	shalt  }
0x5f: {  	_ =	shalt  }
0x60: {  	_ =	shalt  }
0x61: {  	_ =	shalt  }
0x62: {  	_ =	shalt  }
0x63: {  	_ =	shalt  }
0x64: {  	_ =	shalt  }
0x65: {  	_ =	shalt  }
0x66: {  	_ =	shalt  }
0x67: {  	_ =	shalt  }
0x68: {  	_ =	shalt  }
0x69: {  	_ =	shalt  }
0x6a: {  	_ =	shalt  }
0x6b: {  	_ =	shalt  }
0x6c: {  	_ =	shalt  }
0x6d: {  	_ =	shalt  }
0x6e: {  	_ =	shalt  }
0x6f: {  	_ =	shalt  }
0x70: {  	_ =	shalt  }
0x71: {  	_ =	shalt  }
0x72: {  	_ =	shalt  }
0x73: {  	_ =	shalt  }
0x74: {  	_ =	shalt  }
0x75: {  	_ =	shalt  }
0x76: {  	_ =	shalt  }
0x77: {  	_ =	shalt  }
0x78: {  	_ =	shalt  }
0x79: {  	_ =	shalt  }
0x7a: {  	_ =	shalt  }
0x7b: {  	_ =	shalt  }
0x7c: {  	_ =	shalt  }
0x7d: {  	_ =	shalt  }
0x7e: {  	_ =	shalt  }
0x7f: {  	_ =	shalt  }
0x80: {  	_ =	shalt  }
0x81: {  	_ =	shalt  }
0x82: {  	_ =	shalt  }
0x83: {  	_ =	shalt  }
0x84: {  	_ =	shalt  }
0x85: {  	_ =	shalt  }
0x86: {  	_ =	shalt  }
0x87: {  	_ =	shalt  }
.Lfunc_end0:
.L_simem_size_0:
called_computation.1_lowered:
.L_overlay_start_0:
0x88: {  	s2 =	sld [smem:$0x3FD9]  }
0x89: {  	s3 =	sld [smem:$0x3FFE];
	_ =	sdelay $0x1  }
0x8a: {  	s1 =	srdreg.scid  }
0x8b: {  	s0 =	sand.u32 $0x1, s1  }
0x8c: {  	s17 =	sshll.u32 s0, $0xA;
	s2 =	sadd.s32 s3, s2  }
0x8d: {  	s2 =	sadd.s32 s2, s17  }
0x8e: {  	[smem:$0x3FC2] =	sst s2  }
0x8f: {  	_ = 	snop  }
0x90: {  	s2 =	sld [smem:$0x3FD0];
	(tm) =	ssettm $0x1  }
0x91: {  	s18 =	sld [smem:$0x3FFB];
	_ =	sdelay $0x3  }
0x92: {  	_ =	strace s18  }
0x93: {  	s3 =	sld [smem:$0x3FFC];
	_ =	sdelay $0x3  }
0x94: {  	_ =	strace s3  }
0x95: {  	s3 =	sld [smem:$0x3FFD];
	_ =	sdelay $0x3  }
0x96: {  	_ =	strace s3  }
0x97: {  	_ =	strace $0x8FFFFFFF  }
0x98: {  	s19 =	sld [smem:$0x3FDB];
	_ =	sdelay $0x1  }
0x99: {  	s4 =	simm.s32 $_scs_section_size  }
0x9a: {  	s5 =	simm.s32 $_size__tile_overlayer_lowered;
	s6 =	simm.s32 $_tile_overlayer_lowered  }
0x9b: {  	s22 =	simm.s32 $0x1BFF;
	s21 =	sshll.u32 s6, $0x1;
	s3 =	sadd.s32 s4, s19  }
0x9c: {  	s7 =	simm.s32 $0x0;
	s20 =	sshll.u32 s5, $0x1;
	s5 =	sadd.s32 s21, s3  }
0x9d: {  	[timem:s7], [sflag:s22] =	dma.local [hbm:s5], s20  }
0x9e: {  	_ =	swait.ge [sflag:s22], s20  }
0x9f: {  	s4 =	ssub.s32 $0x0, s20;
	[sflag:s22] =	ssyncset.done $0x0  }
0xa0: {  	[sflag:s22] =	ssyncadd.s32 s4;
	_ =	sdelay $0x1  }
0xa1: {  	s23 =	simm.s32 $0x1B8B  }
0xa2: {  	_ =	swait.ge [sflag:s23], $0x1  }
0xa3: {  	[sflag:s23] =	ssyncset.done $0x0  }
0xa4: {  	s25 =	simm.s32 $0x1B8E;
	s24 =	sld [smem:$0x3FFE];
	[sflag:s23] =	ssyncadd.s32 $0xFFFFFFFF  }
0xa5: {  	s26 =	simm.s32 $execute0_lowered;
	[smem:$0x3FD2] =	sst s25  }
0xa6: {  	s5 =	sshll.u32 s26, $0x1;
	_ =	strace $0x80000049;
	[dreg:$0x1] =	wrdreg $0xFFFFFFFF  }
0xa7: {  	s28 =	simm.s32 $_size_execute0_lowered;
	s3 =	sadd.s32 s3, s5;
	[dreg:$0x0] =	wrdreg $0x0  }
0xa8: {  	s5 =	sshll.u32 s28, $0x1;
	[dreg:$0x2] =	wrdreg s3  }
0xa9: {  	[dreg:$0x3] =	wrdreg s5  }
0xaa: {  	[dreg:$0x4] =	wrdreg $0xC0  }
0xab: {  	_ =	task [dreg:s7], $0x5FFFF  }
0xac: {  	[dreg:$0x1] =	wrdreg $0xFFFFFFFF  }
0xad: {  	[dreg:$0x0] =	wrdreg $0x60  }
0xae: {  	[dreg:$0x2] =	wrdreg s24  }
0xaf: {  	[dreg:$0x3] =	wrdreg s2  }
0xb0: {  	[dreg:$0x4] =	wrdreg $0xA8000  }
0xb1: {  	[dreg:$0x5] =	wrdreg $0x9  }
0xb2: {  	_ =	task.clear_ibuf [dreg:s7], $0x6FFFF;
	_ =	strace $0x90000049  }
0xb3: {  	s29 =	simm.s32 $0x9;
	_ =	strace $0x8000004B  }
0xb4: {  	_ =	swait.ge [sflag:s29], $0x1  }
0xb5: {  	[sflag:s29] =	ssyncadd.s32 $0xFFFFFFFF  }
0xb6: {  	_ =	strace $0x9000004B  }
0xb7: {  	_ =	sfence  }
0xb8: {  	s30 =	sld [smem:$0x0];
	_ =	sdelay $0x2  }
0xb9: {  	s31 =	sshll.u32 s1, $0xD;
	s1 =	sshrl.u32 s1, $0x2  }
0xba: {  	s3 =	sand.u32 $0x4000, s31;
	s1 =	sadd.s32 s1, s30  }
0xbb: {  	s0 =	sor.u32 s3, s0;
	s1 =	sshll.u32 s1, $0x11  }
0xbc: {  	s0 =	sor.u32 s1, s0  }
0xbd: {  	s0 =	sadd.s32 $0x8F2B, s0  }
0xbe: {  	[sflag:s0] =	ssyncadd.remote.s32 $0x1  }
0xbf: {  	_ =	sfence.sel $0xFFFF  }
0xc0: {  	[dreg:$0x0] =	wrdreg $0xFFFFFFFF;
	(pc) =	sbr.abs _section_cstart, $3  }
0xc1: {  	[dreg:$0x1] =	wrdreg $0xFFFFFFFF  }
0xc2: {  	_ =	task.clear_ibuf [dreg:s7], $0x2FFFF;
	_ =	strace $0x9FFFFFFF  }
0xc3: {  	(tm) =	ssettm $0x7FFFFFFF  }
tec
execute0_lowered:
.L_overlay_start_1:
0x0: {  	(tag) =	ssettag $0x1  }
0x1: {  	s5 =	rddreg [dreg:$0x0]  }
0x2: {  	s1 =	srdreg.scid;
	s9 =	rddreg [dreg:$0x1]  }
0x3: {  	s0 =	stileid.u32;
	s2 =	rddreg [dreg:$0x2];
	s3 =	simm.s32 $0x0  }
0x4: {  	s15 =	simm.s32 $0x1400;
	s16 =	simm.s32 $0x80;
	s17 =	simm.s32 $0x2800  }
0x5: {  	s18 =	simm.s32 $0x1;
	s19 =	simm.s32 $0x6800;
	s20 =	simm.s32 $0x2  }
0x6: {  	s21 =	simm.s32 $0x3;
	s22 =	simm.s32 $0x100;
	s7 =	smul.u32 $0x14000, s0  }
0x7: {  	s23 =	simm.s32 $0x1480;
	s28 =	simm.s32 $0x0;
	s24 =	smul.u32 $0x50000, s0  }
0x8: {  	s6 =	sand.u32 $0x1, s1;
	s1 =	rddreg [dreg:$0x3];
	s12 =	smul.u32 $0xA0, s0  }
0x9: {  	[smem:$0x7FF] =	sst s3;
	s10 =	sadd.s32 $0x3000, s5;
	s4 =	smul.u32 $0x140000, s6  }
0xa: {  	s30 =	sshll.u32 s0, $0x6;
	s25 =	ssub.s32 $0x0, s6;
	s6 =	ssub.s32 $0x2, s6  }
0xb: {  	_ =	strace $0x8000004A;
	s13 =	sshrl.u32 s6, $0x1;
	s8 =	sadd.s32 s7, s4  }
0xc: {  	s29 =	sshrl.u32 s7, $0x3;
	s4 =	sadd.s32 $0x35000, s5;
	s8 =	sshrl.u32 s8, $0x3  }
0xd: {  	s13 =	ssub.s32 s6, s13;
	s6 =	sor.u32 $0x1C05, s30;
	s11 =	sadd.s32 s8, s5  }
0xe: {  	s5 =	sshrl.u32 s24, $0x2;
	s8 =	sand.u32 $0x50, s25;
	s24 =	simm.s32 $0x4  }
0xf: {  	s25 =	simm.s32 $0x180;
	s14 =	sadd.s32 s5, s2;
	s26 =	sadd.s32 s12, s8  }
0x10: {  	s5 =	sadd.s32 s4, s29;
	s11 =	sadd.s32 $0x5D000, s11;
	s12 =	smax.u32 s13, $0x1  }
0x11: {  	s8 =	sshll.u32 s26, $0x4;
	s13 =	sshrl.u32 s14, $0x3;
	s14 =	simm.s32 $0x5  }
0x12: {  	s26 =	simm.s32 $0x1500;
	s31 =	sadd.s32 $0x280, s8;
	s7 =	sadd.s32 s9, s8  }
0x13: {  	s8 =	sadd.s32 s10, s8;
	s9 =	sadd.s32 s9, s31;
	s10 =	sadd.s32 s10, s31  }
.LBB2_1:
0x14: {  	[spmem:s13], [sflag:s6] =	dma.local [hbm:s5], $0x2800  }
0x15: {  	_ =	swait.ge [sflag:s14], $0x2800  }
0x16: {  	[sflag:s14] =	ssyncset.done $0x0  }
0x17: {  	[sflag:s14] =	ssyncadd.s32 $0xFFFFD800  }
0x18: {  	[bflag:$0x0] =	sbarrier.arrive $0xFFFF  }
0x19: {  	[tilespmem:s3], [sflag:$0x5] =	stream.linear.gather [hbm4b:s7+s3], $0x1400, $0x38;
	[tilespmem:$0x1E800] =	vst v63  }
0x1a: {  	_ =	swait.ge [sflag:s14], $0x1400  }
0x1b: {  	[sflag:s14] =	ssyncset.done $0x0  }
0x1c: {  	[sflag:s14] =	ssyncadd.s32 $0xFFFFEC00  }
0x1d: {  	[tilespmem:s15], [sflag:$0x5] =	stream.linear.gather [hbm4b:s8+s3], $0x1400, $0x38;
	[tilespmem:$0x1E800] =	vst v63  }
0x1e: {  	_ =	swait.ge [sflag:s14], $0x1400  }
0x1f: {  	[sflag:s14] =	ssyncset.done $0x0  }
0x20: {  	[sflag:s14] =	ssyncadd.s32 $0xFFFFEC00  }
0x21: {  	[tilespmem:s17], [sflag:$0x1] =	stream.indirect.gather [hbm4b:s4+s16], $0x80, s3, s16, $0xb8;
	[tilespmem:$0x1E800] =	vst v63  }
0x22: {  	_ =	swait.ge [sflag:s18], $0x4000  }
0x23: {  	[sflag:s18] =	ssyncset.done $0x0  }
0x24: {  	[sflag:s18] =	ssyncadd.s32 $0xFFFFC000  }
0x25: {  	[tilespmem:s19], [sflag:$0x2] =	stream.indirect.gather [hbm4b:s4+s16], $0x80, s16, s16, $0xb8;
	[tilespmem:$0x1E800] =	vst v63  }
0x26: {  	_ = 	snop  }
0x27: {  	[spmem:s2] =	stream.indirect.scatter.add.f32 [tilespmem:s17], [sflag:$0x3], $0x80, s15, s16, $0xb8;
	[tilespmem:$0x1E800] =	vst v63  }
0x28: {  	_ =	swait.ge [sflag:s20], $0x4000  }
0x29: {  	[sflag:s20] =	ssyncset.done $0x0  }
0x2a: {  	[sflag:s20] =	ssyncadd.s32 $0xFFFFC000  }
0x2b: {  	_ =	swait.ge [sflag:s21], $0x4000  }
0x2c: {  	[sflag:s21] =	ssyncset.done $0x0  }
0x2d: {  	[sflag:s21] =	ssyncadd.s32 $0xFFFFC000  }
0x2e: {  	[tilespmem:s17], [sflag:$0x1] =	stream.indirect.gather [hbm4b:s4+s16], $0x80, s22, s16, $0xb8;
	[tilespmem:$0x1E800] =	vst v63  }
0x2f: {  	_ = 	snop  }
0x30: {  	[spmem:s2] =	stream.indirect.scatter.add.f32 [tilespmem:s19], [sflag:$0x4], $0x80, s23, s16, $0xb8;
	[tilespmem:$0x1E800] =	vst v63  }
0x31: {  	_ =	swait.ge [sflag:s18], $0x4000  }
0x32: {  	[sflag:s18] =	ssyncset.done $0x0  }
0x33: {  	[sflag:s18] =	ssyncadd.s32 $0xFFFFC000  }
0x34: {  	_ =	swait.ge [sflag:s24], $0x4000  }
0x35: {  	[sflag:s24] =	ssyncset.done $0x0  }
0x36: {  	[sflag:s24] =	ssyncadd.s32 $0xFFFFC000  }
0x37: {  	[tilespmem:s19], [sflag:$0x2] =	stream.indirect.gather [hbm4b:s4+s16], $0x80, s25, s16, $0xb8;
	[tilespmem:$0x1E800] =	vst v63  }
0x38: {  	_ = 	snop  }
0x39: {  	[spmem:s2] =	stream.indirect.scatter.add.f32 [tilespmem:s17], [sflag:$0x3], $0x80, s26, s16, $0xb8;
	[tilespmem:$0x1E800] =	vst v63  }
0x3a: {  	_ =	swait.ge [sflag:s20], $0x4000  }
0x3b: {  	[sflag:s20] =	ssyncset.done $0x0  }
0x3c: {  	[sflag:s20] =	ssyncadd.s32 $0xFFFFC000  }
0x3d: {  	_ =	swait.ge [sflag:s21], $0x4000  }
0x3e: {  	[sflag:s21] =	ssyncset.done $0x0  }
0x3f: {  	s29 =	simm.s32 $0x200;
	[sflag:s21] =	ssyncadd.s32 $0xFFFFC000  }
0x40: {  	[tilespmem:s17], [sflag:$0x1] =	stream.indirect.gather [hbm4b:s4+s16], $0x80, s29, s16, $0xb8;
	[tilespmem:$0x1E800] =	vst v63  }
0x41: {  	s29 =	simm.s32 $0x1580  }
0x42: {  	[spmem:s2] =	stream.indirect.scatter.add.f32 [tilespmem:s19], [sflag:$0x4], $0x80, s29, s16, $0xb8;
	[tilespmem:$0x1E800] =	vst v63  }
0x43: {  	_ =	swait.ge [sflag:s18], $0x4000  }
0x44: {  	[sflag:s18] =	ssyncset.done $0x0  }
0x45: {  	[sflag:s18] =	ssyncadd.s32 $0xFFFFC000  }
0x46: {  	_ =	swait.ge [sflag:s24], $0x4000  }
0x47: {  	[sflag:s24] =	ssyncset.done $0x0  }
0x48: {  	s29 =	simm.s32 $0x280;
	[sflag:s24] =	ssyncadd.s32 $0xFFFFC000  }
0x49: {  	[tilespmem:s19], [sflag:$0x2] =	stream.indirect.gather [hbm4b:s4+s16], $0x80, s29, s16, $0xb8;
	[tilespmem:$0x1E800] =	vst v63  }
0x4a: {  	s29 =	simm.s32 $0x1600  }
0x4b: {  	[spmem:s2] =	stream.indirect.scatter.add.f32 [tilespmem:s17], [sflag:$0x3], $0x80, s29, s16, $0xb8;
	[tilespmem:$0x1E800] =	vst v63  }
0x4c: {  	_ =	swait.ge [sflag:s20], $0x4000  }
0x4d: {  	s29 =	simm.s32 $0xFFFFBC00;
	[sflag:s20] =	ssyncset.done $0x0  }
.LBB2_2:
0x4e: {  	[sflag:s20] =	ssyncadd.s32 $0xFFFFC000;
	s30 =	smov.u32 s29;
	s29 =	sadd.s32 $0x400, s29  }
0x4f: {  	p0 =	sne.s32 s29, $0x0  }
0x50: {  	_ =	swait.ge [sflag:s21], $0x4000  }
0x51: {  	s30 =	sshra.s32 s30, $0x2;
	[sflag:s21] =	ssyncset.done $0x0  }
0x52: {  	s31 =	sadd.s32 $0x1400, s30;
	[sflag:s21] =	ssyncadd.s32 $0xFFFFC000  }
0x53: {  	[tilespmem:s17], [sflag:$0x1] =	stream.indirect.gather [hbm4b:s4+s16], $0x80, s31, s16, $0xb8;
	[tilespmem:$0x1E800] =	vst v63  }
0x54: {  	s31 =	sadd.s32 $0x2780, s30  }
0x55: {  	[spmem:s2] =	stream.indirect.scatter.add.f32 [tilespmem:s19], [sflag:$0x4], $0x80, s31, s16, $0xb8;
	[tilespmem:$0x1E800] =	vst v63  }
0x56: {  	_ =	swait.ge [sflag:s18], $0x4000  }
0x57: {  	[sflag:s18] =	ssyncset.done $0x0  }
0x58: {  	[sflag:s18] =	ssyncadd.s32 $0xFFFFC000  }
0x59: {  	_ =	swait.ge [sflag:s24], $0x4000  }
0x5a: {  	[sflag:s24] =	ssyncset.done $0x0  }
0x5b: {  	s31 =	sadd.s32 $0x1480, s30;
	[sflag:s24] =	ssyncadd.s32 $0xFFFFC000  }
0x5c: {  	[tilespmem:s19], [sflag:$0x2] =	stream.indirect.gather [hbm4b:s4+s16], $0x80, s31, s16, $0xb8;
	[tilespmem:$0x1E800] =	vst v63  }
.Ltmp0:
0x5d: {  	_ = 	snop;
	(pc) =	sbr.rel @p0 .LBB2_2-.Ltmp0, $4  }
0x5e: {  	s30 =	sadd.s32 $0x2800, s30  }
0x5f: {  	[spmem:s2] =	stream.indirect.scatter.add.f32 [tilespmem:s17], [sflag:$0x3], $0x80, s30, s16, $0xb8;
	[tilespmem:$0x1E800] =	vst v63  }
0x60: {  	_ =	swait.ge [sflag:s20], $0x4000  }
0x61: {  	[sflag:s20] =	ssyncset.done $0x0  }
0x62: {  	s29 =	sshra.s32 s29, $0x2  }
0x63: {  	[sflag:s20] =	ssyncadd.s32 $0xFFFFC000;
	s29 =	sadd.s32 $0x2780, s29  }
0x64: {  	[spmem:s2] =	stream.indirect.scatter.add.f32 [tilespmem:s19], [sflag:$0x4], $0x80, s29, s16, $0xb8;
	[tilespmem:$0x1E800] =	vst v63  }
0x65: {  	_ =	swait.ge [sflag:s21], $0x4000  }
0x66: {  	[sflag:s21] =	ssyncset.done $0x0  }
0x67: {  	[sflag:s21] =	ssyncadd.s32 $0xFFFFC000  }
0x68: {  	_ =	swait.ge [sflag:s24], $0x4000  }
0x69: {  	[sflag:s24] =	ssyncset.done $0x0  }
0x6a: {  	[sflag:s24] =	ssyncadd.s32 $0xFFFFC000  }
0x6b: {  	[tilespmem:s3], [sflag:$0x5] =	stream.linear.gather [hbm4b:s9+s3], $0x1400, $0x38;
	[tilespmem:$0x1E800] =	vst v63  }
0x6c: {  	_ =	swait.ge [sflag:s14], $0x1400  }
0x6d: {  	[sflag:s14] =	ssyncset.done $0x0  }
0x6e: {  	[sflag:s14] =	ssyncadd.s32 $0xFFFFEC00  }
0x6f: {  	[tilespmem:s15], [sflag:$0x5] =	stream.linear.gather [hbm4b:s10+s3], $0x1400, $0x38;
	[tilespmem:$0x1E800] =	vst v63  }
0x70: {  	_ =	swait.ge [sflag:s14], $0x1400  }
0x71: {  	[sflag:s14] =	ssyncset.done $0x0  }
0x72: {  	[sflag:s14] =	ssyncadd.s32 $0xFFFFEC00  }
0x73: {  	[tilespmem:s17], [sflag:$0x1] =	stream.indirect.gather [hbm4b:s4+s16], $0x80, s3, s16, $0xb8;
	[tilespmem:$0x1E800] =	vst v63  }
0x74: {  	_ =	swait.ge [sflag:s18], $0x4000  }
0x75: {  	[sflag:s18] =	ssyncset.done $0x0  }
0x76: {  	[sflag:s18] =	ssyncadd.s32 $0xFFFFC000  }
0x77: {  	[tilespmem:s19], [sflag:$0x2] =	stream.indirect.gather [hbm4b:s4+s16], $0x80, s16, s16, $0xb8;
	[tilespmem:$0x1E800] =	vst v63  }
0x78: {  	_ = 	snop  }
0x79: {  	[spmem:s2] =	stream.indirect.scatter.add.f32 [tilespmem:s17], [sflag:$0x3], $0x80, s15, s16, $0xb8;
	[tilespmem:$0x1E800] =	vst v63  }
0x7a: {  	_ =	swait.ge [sflag:s20], $0x4000  }
0x7b: {  	[sflag:s20] =	ssyncset.done $0x0  }
0x7c: {  	[sflag:s20] =	ssyncadd.s32 $0xFFFFC000  }
0x7d: {  	_ =	swait.ge [sflag:s21], $0x4000  }
0x7e: {  	[sflag:s21] =	ssyncset.done $0x0  }
0x7f: {  	[sflag:s21] =	ssyncadd.s32 $0xFFFFC000  }
0x80: {  	[tilespmem:s17], [sflag:$0x1] =	stream.indirect.gather [hbm4b:s4+s16], $0x80, s22, s16, $0xb8;
	[tilespmem:$0x1E800] =	vst v63  }
0x81: {  	_ = 	snop  }
0x82: {  	[spmem:s2] =	stream.indirect.scatter.add.f32 [tilespmem:s19], [sflag:$0x4], $0x80, s23, s16, $0xb8;
	[tilespmem:$0x1E800] =	vst v63  }
0x83: {  	_ =	swait.ge [sflag:s18], $0x4000  }
0x84: {  	[sflag:s18] =	ssyncset.done $0x0  }
0x85: {  	[sflag:s18] =	ssyncadd.s32 $0xFFFFC000  }
0x86: {  	_ =	swait.ge [sflag:s24], $0x4000  }
0x87: {  	[sflag:s24] =	ssyncset.done $0x0  }
0x88: {  	[sflag:s24] =	ssyncadd.s32 $0xFFFFC000  }
0x89: {  	[tilespmem:s19], [sflag:$0x2] =	stream.indirect.gather [hbm4b:s4+s16], $0x80, s25, s16, $0xb8;
	[tilespmem:$0x1E800] =	vst v63  }
0x8a: {  	_ = 	snop  }
0x8b: {  	[spmem:s2] =	stream.indirect.scatter.add.f32 [tilespmem:s17], [sflag:$0x3], $0x80, s26, s16, $0xb8;
	[tilespmem:$0x1E800] =	vst v63  }
0x8c: {  	_ =	swait.ge [sflag:s20], $0x4000  }
0x8d: {  	[sflag:s20] =	ssyncset.done $0x0  }
0x8e: {  	[sflag:s20] =	ssyncadd.s32 $0xFFFFC000  }
0x8f: {  	_ =	swait.ge [sflag:s21], $0x4000  }
0x90: {  	[sflag:s21] =	ssyncset.done $0x0  }
0x91: {  	s29 =	simm.s32 $0x200;
	[sflag:s21] =	ssyncadd.s32 $0xFFFFC000  }
0x92: {  	[tilespmem:s17], [sflag:$0x1] =	stream.indirect.gather [hbm4b:s4+s16], $0x80, s29, s16, $0xb8;
	[tilespmem:$0x1E800] =	vst v63  }
0x93: {  	s29 =	simm.s32 $0x1580  }
0x94: {  	[spmem:s2] =	stream.indirect.scatter.add.f32 [tilespmem:s19], [sflag:$0x4], $0x80, s29, s16, $0xb8;
	[tilespmem:$0x1E800] =	vst v63  }
0x95: {  	_ =	swait.ge [sflag:s18], $0x4000  }
0x96: {  	[sflag:s18] =	ssyncset.done $0x0  }
0x97: {  	[sflag:s18] =	ssyncadd.s32 $0xFFFFC000  }
0x98: {  	_ =	swait.ge [sflag:s24], $0x4000  }
0x99: {  	[sflag:s24] =	ssyncset.done $0x0  }
0x9a: {  	s29 =	simm.s32 $0x280;
	[sflag:s24] =	ssyncadd.s32 $0xFFFFC000  }
0x9b: {  	[tilespmem:s19], [sflag:$0x2] =	stream.indirect.gather [hbm4b:s4+s16], $0x80, s29, s16, $0xb8;
	[tilespmem:$0x1E800] =	vst v63  }
0x9c: {  	s29 =	simm.s32 $0x1600  }
0x9d: {  	[spmem:s2] =	stream.indirect.scatter.add.f32 [tilespmem:s17], [sflag:$0x3], $0x80, s29, s16, $0xb8;
	[tilespmem:$0x1E800] =	vst v63  }
0x9e: {  	_ =	swait.ge [sflag:s20], $0x4000  }
0x9f: {  	s29 =	simm.s32 $0xFFFFBC00;
	[sflag:s20] =	ssyncset.done $0x0  }
.LBB2_4:
0xa0: {  	[sflag:s20] =	ssyncadd.s32 $0xFFFFC000;
	s30 =	smov.u32 s29;
	s29 =	sadd.s32 $0x400, s29  }
0xa1: {  	p0 =	sne.s32 s29, $0x0  }
0xa2: {  	_ =	swait.ge [sflag:s21], $0x4000  }
0xa3: {  	s30 =	sshra.s32 s30, $0x2;
	[sflag:s21] =	ssyncset.done $0x0  }
0xa4: {  	s31 =	sadd.s32 $0x1400, s30;
	[sflag:s21] =	ssyncadd.s32 $0xFFFFC000  }
0xa5: {  	[tilespmem:s17], [sflag:$0x1] =	stream.indirect.gather [hbm4b:s4+s16], $0x80, s31, s16, $0xb8;
	[tilespmem:$0x1E800] =	vst v63  }
0xa6: {  	s31 =	sadd.s32 $0x2780, s30  }
0xa7: {  	[spmem:s2] =	stream.indirect.scatter.add.f32 [tilespmem:s19], [sflag:$0x4], $0x80, s31, s16, $0xb8;
	[tilespmem:$0x1E800] =	vst v63  }
0xa8: {  	_ =	swait.ge [sflag:s18], $0x4000  }
0xa9: {  	[sflag:s18] =	ssyncset.done $0x0  }
0xaa: {  	[sflag:s18] =	ssyncadd.s32 $0xFFFFC000  }
0xab: {  	_ =	swait.ge [sflag:s24], $0x4000  }
0xac: {  	[sflag:s24] =	ssyncset.done $0x0  }
0xad: {  	s31 =	sadd.s32 $0x1480, s30;
	[sflag:s24] =	ssyncadd.s32 $0xFFFFC000  }
0xae: {  	[tilespmem:s19], [sflag:$0x2] =	stream.indirect.gather [hbm4b:s4+s16], $0x80, s31, s16, $0xb8;
	[tilespmem:$0x1E800] =	vst v63  }
.Ltmp1:
0xaf: {  	_ = 	snop;
	(pc) =	sbr.rel @p0 .LBB2_4-.Ltmp1, $4  }
0xb0: {  	s30 =	sadd.s32 $0x2800, s30  }
0xb1: {  	[spmem:s2] =	stream.indirect.scatter.add.f32 [tilespmem:s17], [sflag:$0x3], $0x80, s30, s16, $0xb8;
	[tilespmem:$0x1E800] =	vst v63  }
0xb2: {  	_ =	swait.ge [sflag:s20], $0x4000  }
0xb3: {  	[sflag:s20] =	ssyncset.done $0x0  }
0xb4: {  	s29 =	sshra.s32 s29, $0x2  }
0xb5: {  	[sflag:s20] =	ssyncadd.s32 $0xFFFFC000;
	s29 =	sadd.s32 $0x2780, s29  }
0xb6: {  	[spmem:s2] =	stream.indirect.scatter.add.f32 [tilespmem:s19], [sflag:$0x4], $0x80, s29, s16, $0xb8;
	[tilespmem:$0x1E800] =	vst v63  }
0xb7: {  	_ =	swait.ge [sflag:s21], $0x4000  }
0xb8: {  	[sflag:s21] =	ssyncset.done $0x0  }
0xb9: {  	[sflag:s21] =	ssyncadd.s32 $0xFFFFC000  }
0xba: {  	_ =	swait.ge [sflag:s24], $0x4000  }
0xbb: {  	s28 =	sadd.s32 $0x1, s28;
	[sflag:s24] =	ssyncset.done $0x0  }
0xbc: {  	p0 =	sne.s32 s28, s12;
	[sflag:s24] =	ssyncadd.s32 $0xFFFFC000  }
.Ltmp2:
0xbd: {  	[bflag:$0x0] =	sbarrier.arrive $0xFFFF;
	(pc) =	sbr.rel @p0 .LBB2_1-.Ltmp2, $4  }
0xbe: {  	[hbm:s11], [sflag:s6] =	dma.local [spmem:s13], $0x2800  }
0xbf: {  	_ =	swait.ge [sflag:s14], $0x2800  }
0xc0: {  	[sflag:s14] =	ssyncset.done $0x0  }
0xc1: {  	[sflag:s14] =	ssyncadd.s32 $0xFFFFD800  }
0xc2: {  	_ =	sfence.sel $0x180000  }
0xc3: {  	[bflag:$0x0] =	sbarrier.arrive $0xFFFF  }
0xc4: {  	p0 =	sne.s32 s0, $0x0;
	_ =	strace $0x9000004A  }
0xc5: {  	s0 =	sadd.s32 @!p0 $0x100000, s1;
	[bflag:$0x2] =	sbarrier.arrive $0xFFFF  }
0xc6: {  	[sflag:s0] =	ssyncadd.tile.s32 @!p0 $0x1;
	_ =	shalt  }
.Lfunc_end2:
_tile_overlayer_lowered:
.L_overlay_start_2:
0xc7: {  	(tag) =	ssettag $0x2  }
0xc8: {  	s0 =	rddreg [dreg:$0x0];
	s2 =	stileid.u32  }
0xc9: {  	s1 =	rddreg [dreg:$0x1];
	p0 =	sne.s32 s2, $0x0  }
0xca: {  	s3 =	rddreg [dreg:$0x2];
	[bflag:$0x3] =	sbarrier.arrive $0xFFFF;
	s2 =	simm.s32 @!p0 $0x1C05  }
0xcb: {  	[timem:s3], [sflag:s2] =	dma.local @!p0 [hbm:s0], s1  }
0xcc: {  	s0 =	simm.s32 @!p0 $0x5  }
0xcd: {  	_ =	swait.ge @!p0 [sflag:s0], s1  }
0xce: {  	s1 =	ssub.s32 @!p0 $0x0, s1;
	[sflag:s0] =	ssyncset.done @!p0 $0x0  }
0xcf: {  	[sflag:s0] =	ssyncadd.s32 @!p0 s1  }
0xd0: {  	[bflag:$0x3] =	sbarrier.arrive $0xFFFF  }
0xd1: {  	_ =	shalt  }

// kernel: kernel.14.cloned.1.call-start
scs
__scs_entry_jumppad:
0x0: {  	(pc) =	sbr.rel $0x88, $3  }
0x1: {  	(tag) =	ssettag $0x0;
	lr =	simm.s32 $0x1  }
0x2: {  	[smem:$0x3F9B] =	sst lr;
	_ =	strace $0xD0000000  }
0x3: {  	_ = 	snop  }
0x4: {  	_ = 	snop  }
0x5: {  	_ = 	snop  }
0x6: {  	_ = 	snop  }
0x7: {  	_ = 	snop  }
__scs_overlays_trampoline_lowered:
0x8: {  	[smem:$0x3FAA] =	sst s0  }
0x9: {  	[smem:$0x3FAB] =	sst s1  }
0xa: {  	[smem:$0x3FAC] =	sst s2  }
0xb: {  	[smem:$0x3FAD] =	sst s3  }
0xc: {  	[smem:$0x3FAE] =	sst s4  }
0xd: {  	[smem:$0x3FAF] =	sst s5  }
0xe: {  	[smem:$0x3FB0] =	sst s6  }
0xf: {  	[smem:$0x3FB1] =	sst s7  }
0x10: {  	[smem:$0x3FB2] =	sst s8  }
0x11: {  	[smem:$0x3FB3] =	sst s9;
	s0 =	simm.s32 @!p0 $0x0  }
0x12: {  	s1 =	sld [smem:$0x3F99];
	s0 =	simm.s32 @p0 $0x1  }
0x13: {  	[smem:$0x3FB4] =	sst s0;
	s0 =	simm.s32 @!p1 $0x0  }
0x14: {  	s2 =	sld [smem:$0x3F98];
	s0 =	simm.s32 @p1 $0x1  }
0x15: {  	[smem:$0x3FB5] =	sst s0;
	s0 =	simm.s32 @!p2 $0x0  }
0x16: {  	s3 =	sld [smem:$0x3FDB];
	s0 =	simm.s32 @p2 $0x1  }
0x17: {  	s4 =	simm.s32 $0x1BF5;
	[smem:$0x3FB7] =	sst s0  }
0x18: {  	s0 =	sld [smem:$0x3F9A];
	_ =	swait.ge [sflag:s4], $0x0  }
0x19: {  	s7 =	sld [smem:$0x3F9B]  }
0x1a: {  	s8 =	sadd.s32 $0xFFFFE003, lr  }
0x1b: {  	s9 =	sadd.s32 $0xFFFFFEF7, lr;
	s5 =	simm.s32 $0xFFFFFFFF;
	p2 =	slt.u32 s8, $0xFFFFF086  }
0x1c: {  	p1 =	slt.u32 s9, $0xF7A;
	s5 =	simm.s32 @!p2 $0x0  }
0x1d: {  	s5 =	simm.s32 @p1 $0x1;
	p0 =	seq.s32 s7, s2  }
0x1e: {  	s7 =	smul.u32 @!p0 $0xF7A, s2;
	p2 =	seq.s32 @!p0 s5, $0x0  }
0x1f: {  	s9 =	smul.u32 $0xF7A, s1;
	s8 =	simm.s32 @!p0 $0x1BF5;
	p2 =	por !p2, p0  }
0x20: {  	[sflag:s8] =	ssyncset.s32 @!p0 $0xFFFFF086;
	s6 =	sadd.s32 @!p0 s3, s7;
	s7 =	simm.s32 @!p0 $0x108  }
0x21: {  	s3 =	sadd.s32 s3, s9;
	s6 =	sadd.s32 @!p0 $0x88, s6;
	s7 =	simm.s32 @p2 $0x1082  }
0x22: {  	[simem:s7], [sflag:s8] =	dma.local @!p0 [hbm:s6], $0xF7A  }
0x23: {  	s9 =	sor.u32 $0xD0000000, s2;
	s6 =	simm.s32 $0x108;
	_ =	swait.ge @!p0 [sflag:s8], $0x0  }
0x24: {  	s3 =	sadd.s32 $0x88, s3;
	s6 =	simm.s32 @!p1 $0x1082;
	[sflag:s4] =	ssyncset.s32 $0xFFFFF086  }
0x25: {  	[simem:s6], [sflag:s4] =	dma.local [hbm:s3], $0xF7A  }
0x26: {  	[smem:$0x3F9B] =	sst s1;
	(tag) =	ssettag s2;
	_ =	strace s9  }
0x27: {  	s1 =	sld [smem:$0x3FAB]  }
0x28: {  	s2 =	sld [smem:$0x3FAC]  }
0x29: {  	s4 =	sld [smem:$0x3FAE]  }
0x2a: {  	p0 =	seq.s32 s5, $0x0;
	s5 =	sld [smem:$0x3FAF]  }
0x2b: {  	s6 =	sld [smem:$0x3FB0]  }
0x2c: {  	s7 =	sld [smem:$0x3FB1]  }
0x2d: {  	s3 =	simm.s32 $0x108;
	s8 =	sld [smem:$0x3FB2]  }
0x2e: {  	s3 =	simm.s32 @!p0 $0x1082;
	s9 =	sld [smem:$0x3FB3]  }
0x2f: {  	lr =	sadd.s32 s0, s3;
	s0 =	sld [smem:$0x3FAA]  }
0x30: {  	s3 =	sld [smem:$0x3FAD]  }
0x31: {  	[smem:$0x3FB6] =	sst s10  }
0x32: {  	s10 =	sld [smem:$0x3FB4];
	_ =	sdelay $0x3  }
0x33: {  	p0 =	seq.s32 s10, $0x1;
	s10 =	sld [smem:$0x3FB6];
	_ =	sdelay $0x3  }
0x34: {  	[smem:$0x3FB6] =	sst s10  }
0x35: {  	s10 =	sld [smem:$0x3FB5];
	_ =	sdelay $0x3  }
0x36: {  	p1 =	seq.s32 s10, $0x1;
	s10 =	sld [smem:$0x3FB6];
	_ =	sdelay $0x3  }
0x37: {  	[smem:$0x3FB6] =	sst s10  }
0x38: {  	s10 =	sld [smem:$0x3FB7]  }
0x39: {  	_ = 	snop;
	(pc) =	sbr.ind lr, $3  }
0x3a: {  	_ = 	snop  }
0x3b: {  	_ = 	snop  }
0x3c: {  	p2 =	seq.s32 s10, $0x1;
	s10 =	sld [smem:$0x3FB6]  }
0x3d: {  	_ =	shalt  }
0x3e: {  	_ =	shalt  }
0x3f: {  	_ =	shalt  }
0x40: {  	_ =	shalt  }
0x41: {  	_ =	shalt  }
0x42: {  	_ =	shalt  }
0x43: {  	_ =	shalt  }
0x44: {  	_ =	shalt  }
0x45: {  	_ =	shalt  }
0x46: {  	_ =	shalt  }
0x47: {  	_ =	shalt  }
0x48: {  	_ =	shalt  }
0x49: {  	_ =	shalt  }
0x4a: {  	_ =	shalt  }
0x4b: {  	_ =	shalt  }
0x4c: {  	_ =	shalt  }
0x4d: {  	_ =	shalt  }
0x4e: {  	_ =	shalt  }
0x4f: {  	_ =	shalt  }
0x50: {  	_ =	shalt  }
0x51: {  	_ =	shalt  }
0x52: {  	_ =	shalt  }
0x53: {  	_ =	shalt  }
0x54: {  	_ =	shalt  }
0x55: {  	_ =	shalt  }
0x56: {  	_ =	shalt  }
0x57: {  	_ =	shalt  }
0x58: {  	_ =	shalt  }
0x59: {  	_ =	shalt  }
0x5a: {  	_ =	shalt  }
0x5b: {  	_ =	shalt  }
0x5c: {  	_ =	shalt  }
0x5d: {  	_ =	shalt  }
0x5e: {  	_ =	shalt  }
0x5f: {  	_ =	shalt  }
0x60: {  	_ =	shalt  }
0x61: {  	_ =	shalt  }
0x62: {  	_ =	shalt  }
0x63: {  	_ =	shalt  }
0x64: {  	_ =	shalt  }
0x65: {  	_ =	shalt  }
0x66: {  	_ =	shalt  }
0x67: {  	_ =	shalt  }
0x68: {  	_ =	shalt  }
0x69: {  	_ =	shalt  }
0x6a: {  	_ =	shalt  }
0x6b: {  	_ =	shalt  }
0x6c: {  	_ =	shalt  }
0x6d: {  	_ =	shalt  }
0x6e: {  	_ =	shalt  }
0x6f: {  	_ =	shalt  }
0x70: {  	_ =	shalt  }
0x71: {  	_ =	shalt  }
0x72: {  	_ =	shalt  }
0x73: {  	_ =	shalt  }
0x74: {  	_ =	shalt  }
0x75: {  	_ =	shalt  }
0x76: {  	_ =	shalt  }
0x77: {  	_ =	shalt  }
0x78: {  	_ =	shalt  }
0x79: {  	_ =	shalt  }
0x7a: {  	_ =	shalt  }
0x7b: {  	_ =	shalt  }
0x7c: {  	_ =	shalt  }
0x7d: {  	_ =	shalt  }
0x7e: {  	_ =	shalt  }
0x7f: {  	_ =	shalt  }
0x80: {  	_ =	shalt  }
0x81: {  	_ =	shalt  }
0x82: {  	_ =	shalt  }
0x83: {  	_ =	shalt  }
0x84: {  	_ =	shalt  }
0x85: {  	_ =	shalt  }
0x86: {  	_ =	shalt  }
0x87: {  	_ =	shalt  }
.Lfunc_end0:
.L_simem_size_0:
called_computation.2_lowered:
.L_overlay_start_0:
0x88: {  	s2 =	sld [smem:$0x3FD9]  }
0x89: {  	s3 =	sld [smem:$0x3FFE];
	_ =	sdelay $0x1  }
0x8a: {  	s1 =	srdreg.scid  }
0x8b: {  	s0 =	sand.u32 $0x1, s1  }
0x8c: {  	s17 =	sshll.u32 s0, $0xA;
	s2 =	sadd.s32 s3, s2  }
0x8d: {  	s2 =	sadd.s32 s2, s17  }
0x8e: {  	[smem:$0x3FC2] =	sst s2  }
0x8f: {  	_ = 	snop  }
0x90: {  	s2 =	sld [smem:$0x3FD0];
	(tm) =	ssettm $0x1  }
0x91: {  	s18 =	sld [smem:$0x3FFB];
	_ =	sdelay $0x3  }
0x92: {  	_ =	strace s18  }
0x93: {  	s3 =	sld [smem:$0x3FFC];
	_ =	sdelay $0x3  }
0x94: {  	_ =	strace s3  }
0x95: {  	s3 =	sld [smem:$0x3FFD];
	_ =	sdelay $0x3  }
0x96: {  	_ =	strace s3  }
0x97: {  	_ =	strace $0x8FFFFFFF  }
0x98: {  	s19 =	sld [smem:$0x3FDB];
	_ =	sdelay $0x1  }
0x99: {  	s4 =	simm.s32 $_scs_section_size  }
0x9a: {  	s5 =	simm.s32 $_size__tile_overlayer_lowered;
	s6 =	simm.s32 $_tile_overlayer_lowered  }
0x9b: {  	s22 =	simm.s32 $0x1BFF;
	s21 =	sshll.u32 s6, $0x1;
	s3 =	sadd.s32 s4, s19  }
0x9c: {  	s7 =	simm.s32 $0x0;
	s20 =	sshll.u32 s5, $0x1;
	s5 =	sadd.s32 s21, s3  }
0x9d: {  	[timem:s7], [sflag:s22] =	dma.local [hbm:s5], s20  }
0x9e: {  	_ =	swait.ge [sflag:s22], s20  }
0x9f: {  	s4 =	ssub.s32 $0x0, s20;
	[sflag:s22] =	ssyncset.done $0x0  }
0xa0: {  	[sflag:s22] =	ssyncadd.s32 s4;
	_ =	sdelay $0x1  }
0xa1: {  	s23 =	simm.s32 $0x1B8B  }
0xa2: {  	_ =	swait.ge [sflag:s23], $0x1  }
0xa3: {  	[sflag:s23] =	ssyncset.done $0x0  }
0xa4: {  	s25 =	simm.s32 $0x1B8E;
	s24 =	sld [smem:$0x3FFE];
	[sflag:s23] =	ssyncadd.s32 $0xFFFFFFFF  }
0xa5: {  	s26 =	simm.s32 $execute0_lowered;
	[smem:$0x3FD2] =	sst s25  }
0xa6: {  	s5 =	sshll.u32 s26, $0x1;
	_ =	strace $0x8000004C;
	[dreg:$0x1] =	wrdreg $0xFFFFFFFF  }
0xa7: {  	s28 =	simm.s32 $_size_execute0_lowered;
	s3 =	sadd.s32 s3, s5;
	[dreg:$0x0] =	wrdreg $0x0  }
0xa8: {  	s5 =	sshll.u32 s28, $0x1;
	[dreg:$0x2] =	wrdreg s3  }
0xa9: {  	[dreg:$0x3] =	wrdreg s5  }
0xaa: {  	[dreg:$0x4] =	wrdreg $0xC0  }
0xab: {  	_ =	task [dreg:s7], $0x5FFFF  }
0xac: {  	[dreg:$0x1] =	wrdreg $0xFFFFFFFF  }
0xad: {  	[dreg:$0x0] =	wrdreg $0x60  }
0xae: {  	[dreg:$0x2] =	wrdreg s24  }
0xaf: {  	[dreg:$0x3] =	wrdreg s2  }
0xb0: {  	[dreg:$0x4] =	wrdreg $0xA8000  }
0xb1: {  	[dreg:$0x5] =	wrdreg $0x9  }
0xb2: {  	_ =	task.clear_ibuf [dreg:s7], $0x6FFFF;
	_ =	strace $0x9000004C  }
0xb3: {  	s29 =	simm.s32 $0x9;
	_ =	strace $0x8000004E  }
0xb4: {  	_ =	swait.ge [sflag:s29], $0x1  }
0xb5: {  	[sflag:s29] =	ssyncadd.s32 $0xFFFFFFFF  }
0xb6: {  	_ =	strace $0x9000004E  }
0xb7: {  	_ =	sfence  }
0xb8: {  	s30 =	sld [smem:$0x0];
	_ =	sdelay $0x2  }
0xb9: {  	s31 =	sshll.u32 s1, $0xD;
	s1 =	sshrl.u32 s1, $0x2  }
0xba: {  	s3 =	sand.u32 $0x4000, s31;
	s1 =	sadd.s32 s1, s30  }
0xbb: {  	s0 =	sor.u32 s3, s0;
	s1 =	sshll.u32 s1, $0x11  }
0xbc: {  	s0 =	sor.u32 s1, s0  }
0xbd: {  	s0 =	sadd.s32 $0x8F2B, s0  }
0xbe: {  	[sflag:s0] =	ssyncadd.remote.s32 $0x1  }
0xbf: {  	_ =	sfence.sel $0xFFFF  }
0xc0: {  	[dreg:$0x0] =	wrdreg $0xFFFFFFFF;
	(pc) =	sbr.abs _section_cstart, $3  }
0xc1: {  	[dreg:$0x1] =	wrdreg $0xFFFFFFFF  }
0xc2: {  	_ =	task.clear_ibuf [dreg:s7], $0x2FFFF;
	_ =	strace $0x9FFFFFFF  }
0xc3: {  	(tm) =	ssettm $0x7FFFFFFF  }
tec
execute0_lowered:
.L_overlay_start_1:
0x0: {  	(tag) =	ssettag $0x1  }
0x1: {  	s5 =	rddreg [dreg:$0x0]  }
0x2: {  	s1 =	srdreg.scid;
	s9 =	rddreg [dreg:$0x1]  }
0x3: {  	s0 =	stileid.u32;
	s2 =	rddreg [dreg:$0x2];
	s3 =	simm.s32 $0x0  }
0x4: {  	s15 =	simm.s32 $0x1400;
	s16 =	simm.s32 $0x80;
	s17 =	simm.s32 $0x2800  }
0x5: {  	s18 =	simm.s32 $0x1;
	s19 =	simm.s32 $0x6800;
	s20 =	simm.s32 $0x2  }
0x6: {  	s21 =	simm.s32 $0x3;
	s22 =	simm.s32 $0x100;
	s7 =	smul.u32 $0x14000, s0  }
0x7: {  	s23 =	simm.s32 $0x1480;
	s28 =	simm.s32 $0x0;
	s24 =	smul.u32 $0x50000, s0  }
0x8: {  	s6 =	sand.u32 $0x1, s1;
	s1 =	rddreg [dreg:$0x3];
	s12 =	smul.u32 $0xA0, s0  }
0x9: {  	[smem:$0x7FF] =	sst s3;
	s10 =	sadd.s32 $0x3000, s5;
	s4 =	smul.u32 $0x140000, s6  }
0xa: {  	s30 =	sshll.u32 s0, $0x6;
	s25 =	ssub.s32 $0x0, s6;
	s6 =	ssub.s32 $0x2, s6  }
0xb: {  	_ =	strace $0x8000004D;
	s13 =	sshrl.u32 s6, $0x1;
	s8 =	sadd.s32 s7, s4  }
0xc: {  	s29 =	sshrl.u32 s7, $0x3;
	s4 =	sadd.s32 $0x35000, s5;
	s8 =	sshrl.u32 s8, $0x3  }
0xd: {  	s13 =	ssub.s32 s6, s13;
	s6 =	sor.u32 $0x1C05, s30;
	s11 =	sadd.s32 s8, s5  }
0xe: {  	s5 =	sshrl.u32 s24, $0x2;
	s8 =	sand.u32 $0x50, s25;
	s24 =	simm.s32 $0x4  }
0xf: {  	s25 =	simm.s32 $0x180;
	s14 =	sadd.s32 s5, s2;
	s26 =	sadd.s32 s12, s8  }
0x10: {  	s5 =	sadd.s32 s4, s29;
	s11 =	sadd.s32 $0x5D000, s11;
	s12 =	smax.u32 s13, $0x1  }
0x11: {  	s8 =	sshll.u32 s26, $0x4;
	s13 =	sshrl.u32 s14, $0x3;
	s14 =	simm.s32 $0x5  }
0x12: {  	s26 =	simm.s32 $0x1500;
	s31 =	sadd.s32 $0x280, s8;
	s7 =	sadd.s32 s9, s8  }
0x13: {  	s8 =	sadd.s32 s10, s8;
	s9 =	sadd.s32 s9, s31;
	s10 =	sadd.s32 s10, s31  }
.LBB2_1:
0x14: {  	[spmem:s13], [sflag:s6] =	dma.local [hbm:s5], $0x2800  }
0x15: {  	_ =	swait.ge [sflag:s14], $0x2800  }
0x16: {  	[sflag:s14] =	ssyncset.done $0x0  }
0x17: {  	[sflag:s14] =	ssyncadd.s32 $0xFFFFD800  }
0x18: {  	[bflag:$0x0] =	sbarrier.arrive $0xFFFF  }
0x19: {  	[tilespmem:s3], [sflag:$0x5] =	stream.linear.gather [hbm4b:s7+s3], $0x1400, $0x38;
	[tilespmem:$0x1E800] =	vst v63  }
0x1a: {  	_ =	swait.ge [sflag:s14], $0x1400  }
0x1b: {  	[sflag:s14] =	ssyncset.done $0x0  }
0x1c: {  	[sflag:s14] =	ssyncadd.s32 $0xFFFFEC00  }
0x1d: {  	[tilespmem:s15], [sflag:$0x5] =	stream.linear.gather [hbm4b:s8+s3], $0x1400, $0x38;
	[tilespmem:$0x1E800] =	vst v63  }
0x1e: {  	_ =	swait.ge [sflag:s14], $0x1400  }
0x1f: {  	[sflag:s14] =	ssyncset.done $0x0  }
0x20: {  	[sflag:s14] =	ssyncadd.s32 $0xFFFFEC00  }
0x21: {  	[tilespmem:s17], [sflag:$0x1] =	stream.indirect.gather [hbm4b:s4+s16], $0x80, s3, s16, $0xb8;
	[tilespmem:$0x1E800] =	vst v63  }
0x22: {  	_ =	swait.ge [sflag:s18], $0x4000  }
0x23: {  	[sflag:s18] =	ssyncset.done $0x0  }
0x24: {  	[sflag:s18] =	ssyncadd.s32 $0xFFFFC000  }
0x25: {  	[tilespmem:s19], [sflag:$0x2] =	stream.indirect.gather [hbm4b:s4+s16], $0x80, s16, s16, $0xb8;
	[tilespmem:$0x1E800] =	vst v63  }
0x26: {  	_ = 	snop  }
0x27: {  	[spmem:s2] =	stream.indirect.scatter.add.f32 [tilespmem:s17], [sflag:$0x3], $0x80, s15, s16, $0xb8;
	[tilespmem:$0x1E800] =	vst v63  }
0x28: {  	_ =	swait.ge [sflag:s20], $0x4000  }
0x29: {  	[sflag:s20] =	ssyncset.done $0x0  }
0x2a: {  	[sflag:s20] =	ssyncadd.s32 $0xFFFFC000  }
0x2b: {  	_ =	swait.ge [sflag:s21], $0x4000  }
0x2c: {  	[sflag:s21] =	ssyncset.done $0x0  }
0x2d: {  	[sflag:s21] =	ssyncadd.s32 $0xFFFFC000  }
0x2e: {  	[tilespmem:s17], [sflag:$0x1] =	stream.indirect.gather [hbm4b:s4+s16], $0x80, s22, s16, $0xb8;
	[tilespmem:$0x1E800] =	vst v63  }
0x2f: {  	_ = 	snop  }
0x30: {  	[spmem:s2] =	stream.indirect.scatter.add.f32 [tilespmem:s19], [sflag:$0x4], $0x80, s23, s16, $0xb8;
	[tilespmem:$0x1E800] =	vst v63  }
0x31: {  	_ =	swait.ge [sflag:s18], $0x4000  }
0x32: {  	[sflag:s18] =	ssyncset.done $0x0  }
0x33: {  	[sflag:s18] =	ssyncadd.s32 $0xFFFFC000  }
0x34: {  	_ =	swait.ge [sflag:s24], $0x4000  }
0x35: {  	[sflag:s24] =	ssyncset.done $0x0  }
0x36: {  	[sflag:s24] =	ssyncadd.s32 $0xFFFFC000  }
0x37: {  	[tilespmem:s19], [sflag:$0x2] =	stream.indirect.gather [hbm4b:s4+s16], $0x80, s25, s16, $0xb8;
	[tilespmem:$0x1E800] =	vst v63  }
0x38: {  	_ = 	snop  }
0x39: {  	[spmem:s2] =	stream.indirect.scatter.add.f32 [tilespmem:s17], [sflag:$0x3], $0x80, s26, s16, $0xb8;
	[tilespmem:$0x1E800] =	vst v63  }
0x3a: {  	_ =	swait.ge [sflag:s20], $0x4000  }
0x3b: {  	[sflag:s20] =	ssyncset.done $0x0  }
0x3c: {  	[sflag:s20] =	ssyncadd.s32 $0xFFFFC000  }
0x3d: {  	_ =	swait.ge [sflag:s21], $0x4000  }
0x3e: {  	[sflag:s21] =	ssyncset.done $0x0  }
0x3f: {  	s29 =	simm.s32 $0x200;
	[sflag:s21] =	ssyncadd.s32 $0xFFFFC000  }
0x40: {  	[tilespmem:s17], [sflag:$0x1] =	stream.indirect.gather [hbm4b:s4+s16], $0x80, s29, s16, $0xb8;
	[tilespmem:$0x1E800] =	vst v63  }
0x41: {  	s29 =	simm.s32 $0x1580  }
0x42: {  	[spmem:s2] =	stream.indirect.scatter.add.f32 [tilespmem:s19], [sflag:$0x4], $0x80, s29, s16, $0xb8;
	[tilespmem:$0x1E800] =	vst v63  }
0x43: {  	_ =	swait.ge [sflag:s18], $0x4000  }
0x44: {  	[sflag:s18] =	ssyncset.done $0x0  }
0x45: {  	[sflag:s18] =	ssyncadd.s32 $0xFFFFC000  }
0x46: {  	_ =	swait.ge [sflag:s24], $0x4000  }
0x47: {  	[sflag:s24] =	ssyncset.done $0x0  }
0x48: {  	s29 =	simm.s32 $0x280;
	[sflag:s24] =	ssyncadd.s32 $0xFFFFC000  }
0x49: {  	[tilespmem:s19], [sflag:$0x2] =	stream.indirect.gather [hbm4b:s4+s16], $0x80, s29, s16, $0xb8;
	[tilespmem:$0x1E800] =	vst v63  }
0x4a: {  	s29 =	simm.s32 $0x1600  }
0x4b: {  	[spmem:s2] =	stream.indirect.scatter.add.f32 [tilespmem:s17], [sflag:$0x3], $0x80, s29, s16, $0xb8;
	[tilespmem:$0x1E800] =	vst v63  }
0x4c: {  	_ =	swait.ge [sflag:s20], $0x4000  }
0x4d: {  	s29 =	simm.s32 $0xFFFFBC00;
	[sflag:s20] =	ssyncset.done $0x0  }
.LBB2_2:
0x4e: {  	[sflag:s20] =	ssyncadd.s32 $0xFFFFC000;
	s30 =	smov.u32 s29;
	s29 =	sadd.s32 $0x400, s29  }
0x4f: {  	p0 =	sne.s32 s29, $0x0  }
0x50: {  	_ =	swait.ge [sflag:s21], $0x4000  }
0x51: {  	s30 =	sshra.s32 s30, $0x2;
	[sflag:s21] =	ssyncset.done $0x0  }
0x52: {  	s31 =	sadd.s32 $0x1400, s30;
	[sflag:s21] =	ssyncadd.s32 $0xFFFFC000  }
0x53: {  	[tilespmem:s17], [sflag:$0x1] =	stream.indirect.gather [hbm4b:s4+s16], $0x80, s31, s16, $0xb8;
	[tilespmem:$0x1E800] =	vst v63  }
0x54: {  	s31 =	sadd.s32 $0x2780, s30  }
0x55: {  	[spmem:s2] =	stream.indirect.scatter.add.f32 [tilespmem:s19], [sflag:$0x4], $0x80, s31, s16, $0xb8;
	[tilespmem:$0x1E800] =	vst v63  }
0x56: {  	_ =	swait.ge [sflag:s18], $0x4000  }
0x57: {  	[sflag:s18] =	ssyncset.done $0x0  }
0x58: {  	[sflag:s18] =	ssyncadd.s32 $0xFFFFC000  }
0x59: {  	_ =	swait.ge [sflag:s24], $0x4000  }
0x5a: {  	[sflag:s24] =	ssyncset.done $0x0  }
0x5b: {  	s31 =	sadd.s32 $0x1480, s30;
	[sflag:s24] =	ssyncadd.s32 $0xFFFFC000  }
0x5c: {  	[tilespmem:s19], [sflag:$0x2] =	stream.indirect.gather [hbm4b:s4+s16], $0x80, s31, s16, $0xb8;
	[tilespmem:$0x1E800] =	vst v63  }
.Ltmp0:
0x5d: {  	_ = 	snop;
	(pc) =	sbr.rel @p0 .LBB2_2-.Ltmp0, $4  }
0x5e: {  	s30 =	sadd.s32 $0x2800, s30  }
0x5f: {  	[spmem:s2] =	stream.indirect.scatter.add.f32 [tilespmem:s17], [sflag:$0x3], $0x80, s30, s16, $0xb8;
	[tilespmem:$0x1E800] =	vst v63  }
0x60: {  	_ =	swait.ge [sflag:s20], $0x4000  }
0x61: {  	[sflag:s20] =	ssyncset.done $0x0  }
0x62: {  	s29 =	sshra.s32 s29, $0x2  }
0x63: {  	[sflag:s20] =	ssyncadd.s32 $0xFFFFC000;
	s29 =	sadd.s32 $0x2780, s29  }
0x64: {  	[spmem:s2] =	stream.indirect.scatter.add.f32 [tilespmem:s19], [sflag:$0x4], $0x80, s29, s16, $0xb8;
	[tilespmem:$0x1E800] =	vst v63  }
0x65: {  	_ =	swait.ge [sflag:s21], $0x4000  }
0x66: {  	[sflag:s21] =	ssyncset.done $0x0  }
0x67: {  	[sflag:s21] =	ssyncadd.s32 $0xFFFFC000  }
0x68: {  	_ =	swait.ge [sflag:s24], $0x4000  }
0x69: {  	[sflag:s24] =	ssyncset.done $0x0  }
0x6a: {  	[sflag:s24] =	ssyncadd.s32 $0xFFFFC000  }
0x6b: {  	[tilespmem:s3], [sflag:$0x5] =	stream.linear.gather [hbm4b:s9+s3], $0x1400, $0x38;
	[tilespmem:$0x1E800] =	vst v63  }
0x6c: {  	_ =	swait.ge [sflag:s14], $0x1400  }
0x6d: {  	[sflag:s14] =	ssyncset.done $0x0  }
0x6e: {  	[sflag:s14] =	ssyncadd.s32 $0xFFFFEC00  }
0x6f: {  	[tilespmem:s15], [sflag:$0x5] =	stream.linear.gather [hbm4b:s10+s3], $0x1400, $0x38;
	[tilespmem:$0x1E800] =	vst v63  }
0x70: {  	_ =	swait.ge [sflag:s14], $0x1400  }
0x71: {  	[sflag:s14] =	ssyncset.done $0x0  }
0x72: {  	[sflag:s14] =	ssyncadd.s32 $0xFFFFEC00  }
0x73: {  	[tilespmem:s17], [sflag:$0x1] =	stream.indirect.gather [hbm4b:s4+s16], $0x80, s3, s16, $0xb8;
	[tilespmem:$0x1E800] =	vst v63  }
0x74: {  	_ =	swait.ge [sflag:s18], $0x4000  }
0x75: {  	[sflag:s18] =	ssyncset.done $0x0  }
0x76: {  	[sflag:s18] =	ssyncadd.s32 $0xFFFFC000  }
0x77: {  	[tilespmem:s19], [sflag:$0x2] =	stream.indirect.gather [hbm4b:s4+s16], $0x80, s16, s16, $0xb8;
	[tilespmem:$0x1E800] =	vst v63  }
0x78: {  	_ = 	snop  }
0x79: {  	[spmem:s2] =	stream.indirect.scatter.add.f32 [tilespmem:s17], [sflag:$0x3], $0x80, s15, s16, $0xb8;
	[tilespmem:$0x1E800] =	vst v63  }
0x7a: {  	_ =	swait.ge [sflag:s20], $0x4000  }
0x7b: {  	[sflag:s20] =	ssyncset.done $0x0  }
0x7c: {  	[sflag:s20] =	ssyncadd.s32 $0xFFFFC000  }
0x7d: {  	_ =	swait.ge [sflag:s21], $0x4000  }
0x7e: {  	[sflag:s21] =	ssyncset.done $0x0  }
0x7f: {  	[sflag:s21] =	ssyncadd.s32 $0xFFFFC000  }
0x80: {  	[tilespmem:s17], [sflag:$0x1] =	stream.indirect.gather [hbm4b:s4+s16], $0x80, s22, s16, $0xb8;
	[tilespmem:$0x1E800] =	vst v63  }
0x81: {  	_ = 	snop  }
0x82: {  	[spmem:s2] =	stream.indirect.scatter.add.f32 [tilespmem:s19], [sflag:$0x4], $0x80, s23, s16, $0xb8;
	[tilespmem:$0x1E800] =	vst v63  }
0x83: {  	_ =	swait.ge [sflag:s18], $0x4000  }
0x84: {  	[sflag:s18] =	ssyncset.done $0x0  }
0x85: {  	[sflag:s18] =	ssyncadd.s32 $0xFFFFC000  }
0x86: {  	_ =	swait.ge [sflag:s24], $0x4000  }
0x87: {  	[sflag:s24] =	ssyncset.done $0x0  }
0x88: {  	[sflag:s24] =	ssyncadd.s32 $0xFFFFC000  }
0x89: {  	[tilespmem:s19], [sflag:$0x2] =	stream.indirect.gather [hbm4b:s4+s16], $0x80, s25, s16, $0xb8;
	[tilespmem:$0x1E800] =	vst v63  }
0x8a: {  	_ = 	snop  }
0x8b: {  	[spmem:s2] =	stream.indirect.scatter.add.f32 [tilespmem:s17], [sflag:$0x3], $0x80, s26, s16, $0xb8;
	[tilespmem:$0x1E800] =	vst v63  }
0x8c: {  	_ =	swait.ge [sflag:s20], $0x4000  }
0x8d: {  	[sflag:s20] =	ssyncset.done $0x0  }
0x8e: {  	[sflag:s20] =	ssyncadd.s32 $0xFFFFC000  }
0x8f: {  	_ =	swait.ge [sflag:s21], $0x4000  }
0x90: {  	[sflag:s21] =	ssyncset.done $0x0  }
0x91: {  	s29 =	simm.s32 $0x200;
	[sflag:s21] =	ssyncadd.s32 $0xFFFFC000  }
0x92: {  	[tilespmem:s17], [sflag:$0x1] =	stream.indirect.gather [hbm4b:s4+s16], $0x80, s29, s16, $0xb8;
	[tilespmem:$0x1E800] =	vst v63  }
0x93: {  	s29 =	simm.s32 $0x1580  }
0x94: {  	[spmem:s2] =	stream.indirect.scatter.add.f32 [tilespmem:s19], [sflag:$0x4], $0x80, s29, s16, $0xb8;
	[tilespmem:$0x1E800] =	vst v63  }
0x95: {  	_ =	swait.ge [sflag:s18], $0x4000  }
0x96: {  	[sflag:s18] =	ssyncset.done $0x0  }
0x97: {  	[sflag:s18] =	ssyncadd.s32 $0xFFFFC000  }
0x98: {  	_ =	swait.ge [sflag:s24], $0x4000  }
0x99: {  	[sflag:s24] =	ssyncset.done $0x0  }
0x9a: {  	s29 =	simm.s32 $0x280;
	[sflag:s24] =	ssyncadd.s32 $0xFFFFC000  }
0x9b: {  	[tilespmem:s19], [sflag:$0x2] =	stream.indirect.gather [hbm4b:s4+s16], $0x80, s29, s16, $0xb8;
	[tilespmem:$0x1E800] =	vst v63  }
0x9c: {  	s29 =	simm.s32 $0x1600  }
0x9d: {  	[spmem:s2] =	stream.indirect.scatter.add.f32 [tilespmem:s17], [sflag:$0x3], $0x80, s29, s16, $0xb8;
	[tilespmem:$0x1E800] =	vst v63  }
0x9e: {  	_ =	swait.ge [sflag:s20], $0x4000  }
0x9f: {  	s29 =	simm.s32 $0xFFFFBC00;
	[sflag:s20] =	ssyncset.done $0x0  }
.LBB2_4:
0xa0: {  	[sflag:s20] =	ssyncadd.s32 $0xFFFFC000;
	s30 =	smov.u32 s29;
	s29 =	sadd.s32 $0x400, s29  }
0xa1: {  	p0 =	sne.s32 s29, $0x0  }
0xa2: {  	_ =	swait.ge [sflag:s21], $0x4000  }
0xa3: {  	s30 =	sshra.s32 s30, $0x2;
	[sflag:s21] =	ssyncset.done $0x0  }
0xa4: {  	s31 =	sadd.s32 $0x1400, s30;
	[sflag:s21] =	ssyncadd.s32 $0xFFFFC000  }
0xa5: {  	[tilespmem:s17], [sflag:$0x1] =	stream.indirect.gather [hbm4b:s4+s16], $0x80, s31, s16, $0xb8;
	[tilespmem:$0x1E800] =	vst v63  }
0xa6: {  	s31 =	sadd.s32 $0x2780, s30  }
0xa7: {  	[spmem:s2] =	stream.indirect.scatter.add.f32 [tilespmem:s19], [sflag:$0x4], $0x80, s31, s16, $0xb8;
	[tilespmem:$0x1E800] =	vst v63  }
0xa8: {  	_ =	swait.ge [sflag:s18], $0x4000  }
0xa9: {  	[sflag:s18] =	ssyncset.done $0x0  }
0xaa: {  	[sflag:s18] =	ssyncadd.s32 $0xFFFFC000  }
0xab: {  	_ =	swait.ge [sflag:s24], $0x4000  }
0xac: {  	[sflag:s24] =	ssyncset.done $0x0  }
0xad: {  	s31 =	sadd.s32 $0x1480, s30;
	[sflag:s24] =	ssyncadd.s32 $0xFFFFC000  }
0xae: {  	[tilespmem:s19], [sflag:$0x2] =	stream.indirect.gather [hbm4b:s4+s16], $0x80, s31, s16, $0xb8;
	[tilespmem:$0x1E800] =	vst v63  }
.Ltmp1:
0xaf: {  	_ = 	snop;
	(pc) =	sbr.rel @p0 .LBB2_4-.Ltmp1, $4  }
0xb0: {  	s30 =	sadd.s32 $0x2800, s30  }
0xb1: {  	[spmem:s2] =	stream.indirect.scatter.add.f32 [tilespmem:s17], [sflag:$0x3], $0x80, s30, s16, $0xb8;
	[tilespmem:$0x1E800] =	vst v63  }
0xb2: {  	_ =	swait.ge [sflag:s20], $0x4000  }
0xb3: {  	[sflag:s20] =	ssyncset.done $0x0  }
0xb4: {  	s29 =	sshra.s32 s29, $0x2  }
0xb5: {  	[sflag:s20] =	ssyncadd.s32 $0xFFFFC000;
	s29 =	sadd.s32 $0x2780, s29  }
0xb6: {  	[spmem:s2] =	stream.indirect.scatter.add.f32 [tilespmem:s19], [sflag:$0x4], $0x80, s29, s16, $0xb8;
	[tilespmem:$0x1E800] =	vst v63  }
0xb7: {  	_ =	swait.ge [sflag:s21], $0x4000  }
0xb8: {  	[sflag:s21] =	ssyncset.done $0x0  }
0xb9: {  	[sflag:s21] =	ssyncadd.s32 $0xFFFFC000  }
0xba: {  	_ =	swait.ge [sflag:s24], $0x4000  }
0xbb: {  	s28 =	sadd.s32 $0x1, s28;
	[sflag:s24] =	ssyncset.done $0x0  }
0xbc: {  	p0 =	sne.s32 s28, s12;
	[sflag:s24] =	ssyncadd.s32 $0xFFFFC000  }
.Ltmp2:
0xbd: {  	[bflag:$0x0] =	sbarrier.arrive $0xFFFF;
	(pc) =	sbr.rel @p0 .LBB2_1-.Ltmp2, $4  }
0xbe: {  	[hbm:s11], [sflag:s6] =	dma.local [spmem:s13], $0x2800  }
0xbf: {  	_ =	swait.ge [sflag:s14], $0x2800  }
0xc0: {  	[sflag:s14] =	ssyncset.done $0x0  }
0xc1: {  	[sflag:s14] =	ssyncadd.s32 $0xFFFFD800  }
0xc2: {  	_ =	sfence.sel $0x180000  }
0xc3: {  	[bflag:$0x0] =	sbarrier.arrive $0xFFFF  }
0xc4: {  	p0 =	sne.s32 s0, $0x0;
	_ =	strace $0x9000004D  }
0xc5: {  	s0 =	sadd.s32 @!p0 $0x100000, s1;
	[bflag:$0x2] =	sbarrier.arrive $0xFFFF  }
0xc6: {  	[sflag:s0] =	ssyncadd.tile.s32 @!p0 $0x1;
	_ =	shalt  }
.Lfunc_end2:
_tile_overlayer_lowered:
.L_overlay_start_2:
0xc7: {  	(tag) =	ssettag $0x2  }
0xc8: {  	s0 =	rddreg [dreg:$0x0];
	s2 =	stileid.u32  }
0xc9: {  	s1 =	rddreg [dreg:$0x1];
	p0 =	sne.s32 s2, $0x0  }
0xca: {  	s3 =	rddreg [dreg:$0x2];
	[bflag:$0x3] =	sbarrier.arrive $0xFFFF;
	s2 =	simm.s32 @!p0 $0x1C05  }
0xcb: {  	[timem:s3], [sflag:s2] =	dma.local @!p0 [hbm:s0], s1  }
0xcc: {  	s0 =	simm.s32 @!p0 $0x5  }
0xcd: {  	_ =	swait.ge @!p0 [sflag:s0], s1  }
0xce: {  	s1 =	ssub.s32 @!p0 $0x0, s1;
	[sflag:s0] =	ssyncset.done @!p0 $0x0  }
0xcf: {  	[sflag:s0] =	ssyncadd.s32 @!p0 s1  }
0xd0: {  	[bflag:$0x3] =	sbarrier.arrive $0xFFFF  }
0xd1: {  	_ =	shalt  }

// kernel: kernel.8.cloned.1.call-start
scs
__scs_entry_jumppad:
0x0: {  	(pc) =	sbr.rel $0x88, $3  }
0x1: {  	(tag) =	ssettag $0x0;
	lr =	simm.s32 $0x1  }
0x2: {  	[smem:$0x3F9B] =	sst lr;
	_ =	strace $0xD0000000  }
0x3: {  	_ = 	snop  }
0x4: {  	_ = 	snop  }
0x5: {  	_ = 	snop  }
0x6: {  	_ = 	snop  }
0x7: {  	_ = 	snop  }
__scs_overlays_trampoline_lowered:
0x8: {  	[smem:$0x3FAA] =	sst s0  }
0x9: {  	[smem:$0x3FAB] =	sst s1  }
0xa: {  	[smem:$0x3FAC] =	sst s2  }
0xb: {  	[smem:$0x3FAD] =	sst s3  }
0xc: {  	[smem:$0x3FAE] =	sst s4  }
0xd: {  	[smem:$0x3FAF] =	sst s5  }
0xe: {  	[smem:$0x3FB0] =	sst s6  }
0xf: {  	[smem:$0x3FB1] =	sst s7  }
0x10: {  	[smem:$0x3FB2] =	sst s8  }
0x11: {  	[smem:$0x3FB3] =	sst s9;
	s0 =	simm.s32 @!p0 $0x0  }
0x12: {  	s1 =	sld [smem:$0x3F99];
	s0 =	simm.s32 @p0 $0x1  }
0x13: {  	[smem:$0x3FB4] =	sst s0;
	s0 =	simm.s32 @!p1 $0x0  }
0x14: {  	s2 =	sld [smem:$0x3F98];
	s0 =	simm.s32 @p1 $0x1  }
0x15: {  	[smem:$0x3FB5] =	sst s0;
	s0 =	simm.s32 @!p2 $0x0  }
0x16: {  	s3 =	sld [smem:$0x3FDB];
	s0 =	simm.s32 @p2 $0x1  }
0x17: {  	s4 =	simm.s32 $0x1BF5;
	[smem:$0x3FB7] =	sst s0  }
0x18: {  	s0 =	sld [smem:$0x3F9A];
	_ =	swait.ge [sflag:s4], $0x0  }
0x19: {  	s7 =	sld [smem:$0x3F9B]  }
0x1a: {  	s8 =	sadd.s32 $0xFFFFE003, lr  }
0x1b: {  	s9 =	sadd.s32 $0xFFFFFEF7, lr;
	s5 =	simm.s32 $0xFFFFFFFF;
	p2 =	slt.u32 s8, $0xFFFFF086  }
0x1c: {  	p1 =	slt.u32 s9, $0xF7A;
	s5 =	simm.s32 @!p2 $0x0  }
0x1d: {  	s5 =	simm.s32 @p1 $0x1;
	p0 =	seq.s32 s7, s2  }
0x1e: {  	s7 =	smul.u32 @!p0 $0xF7A, s2;
	p2 =	seq.s32 @!p0 s5, $0x0  }
0x1f: {  	s9 =	smul.u32 $0xF7A, s1;
	s8 =	simm.s32 @!p0 $0x1BF5;
	p2 =	por !p2, p0  }
0x20: {  	[sflag:s8] =	ssyncset.s32 @!p0 $0xFFFFF086;
	s6 =	sadd.s32 @!p0 s3, s7;
	s7 =	simm.s32 @!p0 $0x108  }
0x21: {  	s3 =	sadd.s32 s3, s9;
	s6 =	sadd.s32 @!p0 $0x88, s6;
	s7 =	simm.s32 @p2 $0x1082  }
0x22: {  	[simem:s7], [sflag:s8] =	dma.local @!p0 [hbm:s6], $0xF7A  }
0x23: {  	s9 =	sor.u32 $0xD0000000, s2;
	s6 =	simm.s32 $0x108;
	_ =	swait.ge @!p0 [sflag:s8], $0x0  }
0x24: {  	s3 =	sadd.s32 $0x88, s3;
	s6 =	simm.s32 @!p1 $0x1082;
	[sflag:s4] =	ssyncset.s32 $0xFFFFF086  }
0x25: {  	[simem:s6], [sflag:s4] =	dma.local [hbm:s3], $0xF7A  }
0x26: {  	[smem:$0x3F9B] =	sst s1;
	(tag) =	ssettag s2;
	_ =	strace s9  }
0x27: {  	s1 =	sld [smem:$0x3FAB]  }
0x28: {  	s2 =	sld [smem:$0x3FAC]  }
0x29: {  	s4 =	sld [smem:$0x3FAE]  }
0x2a: {  	p0 =	seq.s32 s5, $0x0;
	s5 =	sld [smem:$0x3FAF]  }
0x2b: {  	s6 =	sld [smem:$0x3FB0]  }
0x2c: {  	s7 =	sld [smem:$0x3FB1]  }
0x2d: {  	s3 =	simm.s32 $0x108;
	s8 =	sld [smem:$0x3FB2]  }
0x2e: {  	s3 =	simm.s32 @!p0 $0x1082;
	s9 =	sld [smem:$0x3FB3]  }
0x2f: {  	lr =	sadd.s32 s0, s3;
	s0 =	sld [smem:$0x3FAA]  }
0x30: {  	s3 =	sld [smem:$0x3FAD]  }
0x31: {  	[smem:$0x3FB6] =	sst s10  }
0x32: {  	s10 =	sld [smem:$0x3FB4];
	_ =	sdelay $0x3  }
0x33: {  	p0 =	seq.s32 s10, $0x1;
	s10 =	sld [smem:$0x3FB6];
	_ =	sdelay $0x3  }
0x34: {  	[smem:$0x3FB6] =	sst s10  }
0x35: {  	s10 =	sld [smem:$0x3FB5];
	_ =	sdelay $0x3  }
0x36: {  	p1 =	seq.s32 s10, $0x1;
	s10 =	sld [smem:$0x3FB6];
	_ =	sdelay $0x3  }
0x37: {  	[smem:$0x3FB6] =	sst s10  }
0x38: {  	s10 =	sld [smem:$0x3FB7]  }
0x39: {  	_ = 	snop;
	(pc) =	sbr.ind lr, $3  }
0x3a: {  	_ = 	snop  }
0x3b: {  	_ = 	snop  }
0x3c: {  	p2 =	seq.s32 s10, $0x1;
	s10 =	sld [smem:$0x3FB6]  }
0x3d: {  	_ =	shalt  }
0x3e: {  	_ =	shalt  }
0x3f: {  	_ =	shalt  }
0x40: {  	_ =	shalt  }
0x41: {  	_ =	shalt  }
0x42: {  	_ =	shalt  }
0x43: {  	_ =	shalt  }
0x44: {  	_ =	shalt  }
0x45: {  	_ =	shalt  }
0x46: {  	_ =	shalt  }
0x47: {  	_ =	shalt  }
0x48: {  	_ =	shalt  }
0x49: {  	_ =	shalt  }
0x4a: {  	_ =	shalt  }
0x4b: {  	_ =	shalt  }
0x4c: {  	_ =	shalt  }
0x4d: {  	_ =	shalt  }
0x4e: {  	_ =	shalt  }
0x4f: {  	_ =	shalt  }
0x50: {  	_ =	shalt  }
0x51: {  	_ =	shalt  }
0x52: {  	_ =	shalt  }
0x53: {  	_ =	shalt  }
0x54: {  	_ =	shalt  }
0x55: {  	_ =	shalt  }
0x56: {  	_ =	shalt  }
0x57: {  	_ =	shalt  }
0x58: {  	_ =	shalt  }
0x59: {  	_ =	shalt  }
0x5a: {  	_ =	shalt  }
0x5b: {  	_ =	shalt  }
0x5c: {  	_ =	shalt  }
0x5d: {  	_ =	shalt  }
0x5e: {  	_ =	shalt  }
0x5f: {  	_ =	shalt  }
0x60: {  	_ =	shalt  }
0x61: {  	_ =	shalt  }
0x62: {  	_ =	shalt  }
0x63: {  	_ =	shalt  }
0x64: {  	_ =	shalt  }
0x65: {  	_ =	shalt  }
0x66: {  	_ =	shalt  }
0x67: {  	_ =	shalt  }
0x68: {  	_ =	shalt  }
0x69: {  	_ =	shalt  }
0x6a: {  	_ =	shalt  }
0x6b: {  	_ =	shalt  }
0x6c: {  	_ =	shalt  }
0x6d: {  	_ =	shalt  }
0x6e: {  	_ =	shalt  }
0x6f: {  	_ =	shalt  }
0x70: {  	_ =	shalt  }
0x71: {  	_ =	shalt  }
0x72: {  	_ =	shalt  }
0x73: {  	_ =	shalt  }
0x74: {  	_ =	shalt  }
0x75: {  	_ =	shalt  }
0x76: {  	_ =	shalt  }
0x77: {  	_ =	shalt  }
0x78: {  	_ =	shalt  }
0x79: {  	_ =	shalt  }
0x7a: {  	_ =	shalt  }
0x7b: {  	_ =	shalt  }
0x7c: {  	_ =	shalt  }
0x7d: {  	_ =	shalt  }
0x7e: {  	_ =	shalt  }
0x7f: {  	_ =	shalt  }
0x80: {  	_ =	shalt  }
0x81: {  	_ =	shalt  }
0x82: {  	_ =	shalt  }
0x83: {  	_ =	shalt  }
0x84: {  	_ =	shalt  }
0x85: {  	_ =	shalt  }
0x86: {  	_ =	shalt  }
0x87: {  	_ =	shalt  }
.Lfunc_end0:
.L_simem_size_0:
called_computation_lowered:
.L_overlay_start_0:
0x88: {  	s2 =	sld [smem:$0x3FD9]  }
0x89: {  	s3 =	sld [smem:$0x3FFE];
	_ =	sdelay $0x1  }
0x8a: {  	s1 =	srdreg.scid  }
0x8b: {  	s0 =	sand.u32 $0x1, s1  }
0x8c: {  	s16 =	sshll.u32 s0, $0xA;
	s2 =	sadd.s32 s3, s2  }
0x8d: {  	s2 =	sadd.s32 s2, s16  }
0x8e: {  	[smem:$0x3FC2] =	sst s2  }
0x8f: {  	_ = 	snop  }
0x90: {  	(tm) =	ssettm $0x1  }
0x91: {  	s17 =	sld [smem:$0x3FFB];
	_ =	sdelay $0x3  }
0x92: {  	_ =	strace s17  }
0x93: {  	s2 =	sld [smem:$0x3FFC];
	_ =	sdelay $0x3  }
0x94: {  	_ =	strace s2  }
0x95: {  	s2 =	sld [smem:$0x3FFD];
	_ =	sdelay $0x3  }
0x96: {  	_ =	strace s2  }
0x97: {  	_ =	strace $0x8FFFFFFF  }
0x98: {  	s18 =	sld [smem:$0x3FDB];
	_ =	sdelay $0x1  }
0x99: {  	s19 =	simm.s32 $_scs_section_size  }
0x9a: {  	s4 =	simm.s32 $_size__tile_overlayer_lowered;
	s5 =	simm.s32 $_tile_overlayer_lowered  }
0x9b: {  	s22 =	simm.s32 $0x1BFF;
	s21 =	sshll.u32 s5, $0x1;
	s2 =	sadd.s32 s19, s18  }
0x9c: {  	s6 =	simm.s32 $0x0;
	s20 =	sshll.u32 s4, $0x1;
	s4 =	sadd.s32 s21, s2  }
0x9d: {  	[timem:s6], [sflag:s22] =	dma.local [hbm:s4], s20  }
0x9e: {  	_ =	swait.ge [sflag:s22], s20  }
0x9f: {  	s3 =	ssub.s32 $0x0, s20;
	[sflag:s22] =	ssyncset.done $0x0  }
0xa0: {  	[sflag:s22] =	ssyncadd.s32 s3;
	_ =	sdelay $0x1  }
0xa1: {  	s23 =	simm.s32 $0x1B8B  }
0xa2: {  	_ =	swait.ge [sflag:s23], $0x1  }
0xa3: {  	[sflag:s23] =	ssyncset.done $0x0  }
0xa4: {  	s25 =	simm.s32 $0x1B8E;
	s24 =	sld [smem:$0x3FFE];
	[sflag:s23] =	ssyncadd.s32 $0xFFFFFFFF  }
0xa5: {  	s26 =	simm.s32 $execute0_lowered;
	[smem:$0x3FD2] =	sst s25  }
0xa6: {  	s4 =	sshll.u32 s26, $0x1;
	_ =	strace $0x80000046;
	[dreg:$0x1] =	wrdreg $0xFFFFFFFF  }
0xa7: {  	s28 =	simm.s32 $_size_execute0_lowered;
	s2 =	sadd.s32 s2, s4;
	[dreg:$0x0] =	wrdreg $0x0  }
0xa8: {  	s4 =	sshll.u32 s28, $0x1;
	[dreg:$0x2] =	wrdreg s2  }
0xa9: {  	[dreg:$0x3] =	wrdreg s4  }
0xaa: {  	[dreg:$0x4] =	wrdreg $0xC0  }
0xab: {  	_ =	task [dreg:s6], $0x5FFFF  }
0xac: {  	[dreg:$0x1] =	wrdreg $0xFFFFFFFF  }
0xad: {  	[dreg:$0x0] =	wrdreg $0x60  }
0xae: {  	[dreg:$0x2] =	wrdreg s24  }
0xaf: {  	[dreg:$0x3] =	wrdreg $0xA2800  }
0xb0: {  	[dreg:$0x4] =	wrdreg $0x9  }
0xb1: {  	_ =	task.clear_ibuf [dreg:s6], $0x5FFFF;
	_ =	strace $0x90000046  }
0xb2: {  	s29 =	simm.s32 $0x9;
	_ =	strace $0x80000048  }
0xb3: {  	_ =	swait.ge [sflag:s29], $0x1  }
0xb4: {  	[sflag:s29] =	ssyncadd.s32 $0xFFFFFFFF  }
0xb5: {  	_ =	strace $0x90000048  }
0xb6: {  	_ =	sfence  }
0xb7: {  	s30 =	sld [smem:$0x0];
	_ =	sdelay $0x2  }
0xb8: {  	s31 =	sshll.u32 s1, $0xD;
	s1 =	sshrl.u32 s1, $0x2  }
0xb9: {  	s3 =	sand.u32 $0x4000, s31;
	s1 =	sadd.s32 s1, s30  }
0xba: {  	s0 =	sor.u32 s3, s0;
	s1 =	sshll.u32 s1, $0x11  }
0xbb: {  	s0 =	sor.u32 s1, s0  }
0xbc: {  	s0 =	sadd.s32 $0x8F2B, s0  }
0xbd: {  	[sflag:s0] =	ssyncadd.remote.s32 $0x1  }
0xbe: {  	_ =	sfence.sel $0xFFFF  }
0xbf: {  	[dreg:$0x0] =	wrdreg $0xFFFFFFFF;
	(pc) =	sbr.abs _section_cstart, $3  }
0xc0: {  	[dreg:$0x1] =	wrdreg $0xFFFFFFFF  }
0xc1: {  	_ =	task.clear_ibuf [dreg:s6], $0x2FFFF;
	_ =	strace $0x9FFFFFFF  }
0xc2: {  	(tm) =	ssettm $0x7FFFFFFF  }
0xc3: {  	_ =	shalt  }
tec
execute0_lowered:
.L_overlay_start_1:
0x0: {  	(tag) =	ssettag $0x1  }
0x1: {  	s3 =	rddreg [dreg:$0x0]  }
0x2: {  	s4 =	rddreg [dreg:$0x1];
	s2 =	simm.s32 $0x0;
	s1 =	stileid.u32  }
0x3: {  	s6 =	srdreg.scid;
	s23 =	simm.s32 $0x1;
	s24 =	simm.s32 $0x5000  }
0x4: {  	s26 =	simm.s32 $0x400;
	s28 =	simm.s32 $0x7800;
	s5 =	smul.u32 $0xA00, s1  }
0x5: {  	[smem:$0x7FF] =	sst s2;
	s7 =	smul.u32 $0x500, s1;
	s25 =	sand.u32 $0x1, s6  }
0x6: {  	s29 =	sshrl.u32 s1, $0x3;
	s10 =	smul.u32 $0x5000, s1;
	s30 =	sshll.u32 s1, $0x7  }
0x7: {  	_ =	strace $0x80000047;
	s8 =	ssub.s32 $0x2, s25;
	s6 =	smul.u32 $0x50000, s29  }
0x8: {  	p0 =	sne.s32 s25, $0x0;
	s25 =	simm.s32 $0x80;
	s5 =	sadd.s32 s5, s3  }
0x9: {  	s9 =	sshrl.u32 s8, $0x1;
	s21 =	sadd.s32 s7, s3;
	s31 =	sshrl.u32 s10, $0x2  }
0xa: {  	s22 =	ssub.s32 s8, s9;
	s3 =	sadd.s32 $0x3000, s5;
	s6 =	sshrl.u32 s6, $0x2  }
0xb: {  	s5 =	sand.u32 $0x380, s30;
	s21 =	sadd.s32 $0xD000, s21;
	s6 =	sadd.s32 s6, s4  }
0xc: {  	s4 =	sadd.s32 s31, s4;
	s22 =	smax.u32 s22, $0x1;
	s5 =	sadd.s32 s5, s6  }
0xd: {  	s6 =	sadd.s32 $0x80, s4;
	s7 =	sadd.s32 $0x100, s4;
	s8 =	sadd.s32 $0x180, s4  }
0xe: {  	s9 =	sadd.s32 $0x200, s4;
	s10 =	sadd.s32 $0x280, s4;
	s11 =	sadd.s32 $0x300, s4  }
0xf: {  	s12 =	sadd.s32 $0x380, s4;
	s13 =	sadd.s32 $0x14000, s4;
	s14 =	sadd.s32 $0x14080, s4  }
0x10: {  	s15 =	sadd.s32 $0x14100, s4;
	s16 =	sadd.s32 $0x14180, s4;
	s17 =	sadd.s32 $0x14200, s4  }
0x11: {  	v0 =	vimm.f32 $0.0e+00;
	v1 =	vimm.f32 $1.000000000e+00;
	s18 =	sadd.s32 $0x14280, s4;
	s19 =	sadd.s32 $0x14300, s4;
	s20 =	sadd.s32 $0x14380, s4  }
.LBB2_1:
0x12: {  	s29 =	simm.s32 $0x40;
	s30 =	simm.s32 $0x0  }
.LBB2_2:
0x13: {  	p1 =	sne.s32 s29, $0x9FC0;
	[tilespmem:s30+$0x5000] =	vst v0;
	s30 =	smov.u32 s29;
	s29 =	sadd.s32 $0x40, s29  }
.Ltmp0:
0x14: {  	(pc) =	sbr.rel @p1 .LBB2_2-.Ltmp0, $2  }
0x15: {  	_ =	sdelay $0x2  }
0x16: {  	s30 =	sshra.s32 s30, $0x2  }
0x17: {  	[tilespmem:s30+$0x5000] =	vst v0;
	s29 =	simm.s32 $0x0  }
0x18: {  	[tilespmem:s29], [sflag:$0x1] =	stream.linear.gather [hbm4b:s3+s29], $0x5000, $0x38;
	[tilespmem:$0xCA80] =	vst v63  }
0x19: {  	_ =	swait.ge [sflag:s23], $0x5000  }
0x1a: {  	[sflag:s23] =	ssyncset.done $0x0  }
0x1b: {  	[sflag:s23] =	ssyncadd.s32 $0xFFFFB000  }
.LBB2_4:
0x1c: {  	s30 =	sshra.s32 s29, $0x2  }
0x1d: {  	v2 =	vld [tilespmem:s30+$0x0];
	_ =	sdelay $0x7  }
0x1e: {  	[tilespmem:v2+s24+$0x0] =	vst.idx.add.f32.msk $0xffff, v1  }
0x1f: {  	v2 =	vld [tilespmem:s30+$0x10];
	_ =	sdelay $0x7  }
0x20: {  	[tilespmem:v2+s24+$0x0] =	vst.idx.add.f32.msk $0xffff, v1  }
0x21: {  	v2 =	vld [tilespmem:s30+$0x20];
	_ =	sdelay $0x7  }
0x22: {  	[tilespmem:v2+s24+$0x0] =	vst.idx.add.f32.msk $0xffff, v1  }
0x23: {  	v2 =	vld [tilespmem:s30+$0x30];
	_ =	sdelay $0x7  }
0x24: {  	[tilespmem:v2+s24+$0x0] =	vst.idx.add.f32.msk $0xffff, v1  }
0x25: {  	v2 =	vld [tilespmem:s30+$0x40];
	_ =	sdelay $0x7  }
0x26: {  	[tilespmem:v2+s24+$0x0] =	vst.idx.add.f32.msk $0xffff, v1  }
0x27: {  	v2 =	vld [tilespmem:s30+$0x50];
	_ =	sdelay $0x7  }
0x28: {  	[tilespmem:v2+s24+$0x0] =	vst.idx.add.f32.msk $0xffff, v1  }
0x29: {  	v2 =	vld [tilespmem:s30+$0x60];
	_ =	sdelay $0x7  }
0x2a: {  	[tilespmem:v2+s24+$0x0] =	vst.idx.add.f32.msk $0xffff, v1  }
0x2b: {  	v2 =	vld [tilespmem:s30+$0x70];
	_ =	sdelay $0x2  }
0x2c: {  	p1 =	sne.s32 s29, $0x13E00  }
.Ltmp1:
0x2d: {  	_ = 	snop;
	(pc) =	sbr.rel @p1 .LBB2_4-.Ltmp1, $2  }
0x2e: {  	_ =	sdelay $0x2  }
0x2f: {  	s29 =	sadd.s32 $0x200, s29;
	[tilespmem:v2+s24+$0x0] =	vst.idx.add.f32.msk $0xffff, v1  }
0x30: {  	[spmem:s5] =	stream.strided.scatter [tilespmem:s24], [sflag:$0x1], $0x2800, s26, s25, $0x38;
	[tilespmem:$0xCA80] =	vst v63  }
0x31: {  	_ =	swait.ge [sflag:s23], $0x2800  }
0x32: {  	[sflag:s23] =	ssyncset.done $0x0  }
0x33: {  	[sflag:s23] =	ssyncadd.s32 $0xFFFFD800  }
0x34: {  	[bflag:$0x0] =	sbarrier.arrive $0xFFFF  }
0x35: {  	[tilespmem:$0x7800] =	vst v0  }
0x36: {  	[tilespmem:$0x7810] =	vst v0  }
0x37: {  	[tilespmem:$0x7820] =	vst v0  }
0x38: {  	[tilespmem:$0x7830] =	vst v0  }
0x39: {  	[tilespmem:$0x7840] =	vst v0  }
0x3a: {  	[tilespmem:$0x7850] =	vst v0  }
0x3b: {  	[tilespmem:$0x7860] =	vst v0  }
0x3c: {  	[tilespmem:$0x7870] =	vst v0  }
0x3d: {  	[tilespmem:$0x7880] =	vst v0  }
0x3e: {  	[tilespmem:$0x7890] =	vst v0  }
0x3f: {  	[tilespmem:$0x78A0] =	vst v0  }
0x40: {  	[tilespmem:$0x78B0] =	vst v0  }
0x41: {  	[tilespmem:$0x78C0] =	vst v0  }
0x42: {  	[tilespmem:$0x78D0] =	vst v0  }
0x43: {  	[tilespmem:$0x78E0] =	vst v0  }
0x44: {  	[tilespmem:$0x78F0] =	vst v0  }
0x45: {  	[tilespmem:$0x7900] =	vst v0  }
0x46: {  	[tilespmem:$0x7910] =	vst v0  }
0x47: {  	[tilespmem:$0x7920] =	vst v0  }
0x48: {  	[tilespmem:$0x7930] =	vst v0  }
0x49: {  	[tilespmem:$0x7940] =	vst v0  }
0x4a: {  	[tilespmem:$0x7950] =	vst v0  }
0x4b: {  	[tilespmem:$0x7960] =	vst v0  }
0x4c: {  	[tilespmem:$0x7970] =	vst v0  }
0x4d: {  	[tilespmem:$0x7980] =	vst v0  }
0x4e: {  	[tilespmem:$0x7990] =	vst v0  }
0x4f: {  	[tilespmem:$0x79A0] =	vst v0  }
0x50: {  	[tilespmem:$0x79B0] =	vst v0  }
0x51: {  	[tilespmem:$0x79C0] =	vst v0  }
0x52: {  	[tilespmem:$0x79D0] =	vst v0  }
0x53: {  	[tilespmem:$0x79E0] =	vst v0  }
0x54: {  	[tilespmem:$0x79F0] =	vst v0  }
0x55: {  	[tilespmem:$0x7A00] =	vst v0  }
0x56: {  	[tilespmem:$0x7A10] =	vst v0  }
0x57: {  	[tilespmem:$0x7A20] =	vst v0  }
0x58: {  	[tilespmem:$0x7A30] =	vst v0  }
0x59: {  	[tilespmem:$0x7A40] =	vst v0  }
0x5a: {  	[tilespmem:$0x7A50] =	vst v0  }
0x5b: {  	[tilespmem:$0x7A60] =	vst v0  }
0x5c: {  	[tilespmem:$0x7A70] =	vst v0  }
0x5d: {  	[tilespmem:s24], [sflag:$0x1] =	stream.strided.gather [spmem:s4], $0x280, s26, s25, $0x38;
	[tilespmem:$0xCA80] =	vst v63  }
0x5e: {  	_ =	swait.ge [sflag:s23], $0x280  }
0x5f: {  	[sflag:s23] =	ssyncset.done $0x0  }
0x60: {  	s29 =	simm.s32 $0x0;
	[sflag:s23] =	ssyncadd.s32 $0xFFFFFD80  }
0x61: {  	s30 =	simm.s32 $0x40;
	v2 =	vld [tilespmem:s29+$0x5000]  }
.LBB2_6:
0x62: {  	p1 =	sne.s32 s30, $0x9C0;
	v3 =	vld [tilespmem:s29+$0x7800];
	_ =	sdelay $0x2  }
.Ltmp2:
0x63: {  	(pc) =	sbr.rel @p1 .LBB2_6-.Ltmp2, $4  }
0x64: {  	_ = 	snop  }
0x65: {  	v3 =	vadd.f32 v2, v3  }
0x66: {  	s31 =	sshra.s32 s30, $0x2  }
0x67: {  	s30 =	sadd.s32 $0x40, s30;
	v2 =	vld [tilespmem:s31+$0x5000];
	[tilespmem:s29+$0x7800] =	vst v3;
	s29 =	smov.u32 s31  }
0x68: {  	v3 =	vld [tilespmem:s29+$0x7800];
	_ =	sdelay $0x4  }
0x69: {  	v2 =	vadd.f32 v2, v3;
	_ =	sdelay $0x1  }
0x6a: {  	[tilespmem:s29+$0x7800] =	vst v2  }
0x6b: {  	[tilespmem:s24], [sflag:$0x1] =	stream.strided.gather [spmem:s6], $0x280, s26, s25, $0x38;
	[tilespmem:$0xCA80] =	vst v63  }
0x6c: {  	_ =	swait.ge [sflag:s23], $0x280  }
0x6d: {  	[sflag:s23] =	ssyncset.done $0x0  }
0x6e: {  	s29 =	simm.s32 $0x0;
	[sflag:s23] =	ssyncadd.s32 $0xFFFFFD80  }
0x6f: {  	s30 =	simm.s32 $0x40;
	v2 =	vld [tilespmem:s29+$0x5000]  }
.LBB2_8:
0x70: {  	p1 =	sne.s32 s30, $0x9C0;
	v3 =	vld [tilespmem:s29+$0x7800];
	_ =	sdelay $0x2  }
.Ltmp3:
0x71: {  	(pc) =	sbr.rel @p1 .LBB2_8-.Ltmp3, $4  }
0x72: {  	_ = 	snop  }
0x73: {  	v3 =	vadd.f32 v2, v3  }
0x74: {  	s31 =	sshra.s32 s30, $0x2  }
0x75: {  	s30 =	sadd.s32 $0x40, s30;
	v2 =	vld [tilespmem:s31+$0x5000];
	[tilespmem:s29+$0x7800] =	vst v3;
	s29 =	smov.u32 s31  }
0x76: {  	v3 =	vld [tilespmem:s29+$0x7800];
	_ =	sdelay $0x4  }
0x77: {  	v2 =	vadd.f32 v2, v3;
	_ =	sdelay $0x1  }
0x78: {  	[tilespmem:s29+$0x7800] =	vst v2  }
0x79: {  	[tilespmem:s24], [sflag:$0x1] =	stream.strided.gather [spmem:s7], $0x280, s26, s25, $0x38;
	[tilespmem:$0xCA80] =	vst v63  }
0x7a: {  	_ =	swait.ge [sflag:s23], $0x280  }
0x7b: {  	[sflag:s23] =	ssyncset.done $0x0  }
0x7c: {  	s29 =	simm.s32 $0x0;
	[sflag:s23] =	ssyncadd.s32 $0xFFFFFD80  }
0x7d: {  	s30 =	simm.s32 $0x40;
	v2 =	vld [tilespmem:s29+$0x5000]  }
.LBB2_10:
0x7e: {  	p1 =	sne.s32 s30, $0x9C0;
	v3 =	vld [tilespmem:s29+$0x7800];
	_ =	sdelay $0x2  }
.Ltmp4:
0x7f: {  	(pc) =	sbr.rel @p1 .LBB2_10-.Ltmp4, $4  }
0x80: {  	_ = 	snop  }
0x81: {  	v3 =	vadd.f32 v2, v3  }
0x82: {  	s31 =	sshra.s32 s30, $0x2  }
0x83: {  	s30 =	sadd.s32 $0x40, s30;
	v2 =	vld [tilespmem:s31+$0x5000];
	[tilespmem:s29+$0x7800] =	vst v3;
	s29 =	smov.u32 s31  }
0x84: {  	v3 =	vld [tilespmem:s29+$0x7800];
	_ =	sdelay $0x4  }
0x85: {  	v2 =	vadd.f32 v2, v3;
	_ =	sdelay $0x1  }
0x86: {  	[tilespmem:s29+$0x7800] =	vst v2  }
0x87: {  	[tilespmem:s24], [sflag:$0x1] =	stream.strided.gather [spmem:s8], $0x280, s26, s25, $0x38;
	[tilespmem:$0xCA80] =	vst v63  }
0x88: {  	_ =	swait.ge [sflag:s23], $0x280  }
0x89: {  	[sflag:s23] =	ssyncset.done $0x0  }
0x8a: {  	s29 =	simm.s32 $0x0;
	[sflag:s23] =	ssyncadd.s32 $0xFFFFFD80  }
0x8b: {  	s30 =	simm.s32 $0x40;
	v2 =	vld [tilespmem:s29+$0x5000]  }
.LBB2_12:
0x8c: {  	p1 =	sne.s32 s30, $0x9C0;
	v3 =	vld [tilespmem:s29+$0x7800];
	_ =	sdelay $0x2  }
.Ltmp5:
0x8d: {  	(pc) =	sbr.rel @p1 .LBB2_12-.Ltmp5, $4  }
0x8e: {  	_ = 	snop  }
0x8f: {  	v3 =	vadd.f32 v2, v3  }
0x90: {  	s31 =	sshra.s32 s30, $0x2  }
0x91: {  	s30 =	sadd.s32 $0x40, s30;
	v2 =	vld [tilespmem:s31+$0x5000];
	[tilespmem:s29+$0x7800] =	vst v3;
	s29 =	smov.u32 s31  }
0x92: {  	v3 =	vld [tilespmem:s29+$0x7800];
	_ =	sdelay $0x4  }
0x93: {  	v2 =	vadd.f32 v2, v3;
	_ =	sdelay $0x1  }
0x94: {  	[tilespmem:s29+$0x7800] =	vst v2  }
0x95: {  	[tilespmem:s24], [sflag:$0x1] =	stream.strided.gather [spmem:s9], $0x280, s26, s25, $0x38;
	[tilespmem:$0xCA80] =	vst v63  }
0x96: {  	_ =	swait.ge [sflag:s23], $0x280  }
0x97: {  	[sflag:s23] =	ssyncset.done $0x0  }
0x98: {  	s29 =	simm.s32 $0x0;
	[sflag:s23] =	ssyncadd.s32 $0xFFFFFD80  }
0x99: {  	s30 =	simm.s32 $0x40;
	v2 =	vld [tilespmem:s29+$0x5000]  }
.LBB2_14:
0x9a: {  	p1 =	sne.s32 s30, $0x9C0;
	v3 =	vld [tilespmem:s29+$0x7800];
	_ =	sdelay $0x2  }
.Ltmp6:
0x9b: {  	(pc) =	sbr.rel @p1 .LBB2_14-.Ltmp6, $4  }
0x9c: {  	_ = 	snop  }
0x9d: {  	v3 =	vadd.f32 v2, v3  }
0x9e: {  	s31 =	sshra.s32 s30, $0x2  }
0x9f: {  	s30 =	sadd.s32 $0x40, s30;
	v2 =	vld [tilespmem:s31+$0x5000];
	[tilespmem:s29+$0x7800] =	vst v3;
	s29 =	smov.u32 s31  }
0xa0: {  	v3 =	vld [tilespmem:s29+$0x7800];
	_ =	sdelay $0x4  }
0xa1: {  	v2 =	vadd.f32 v2, v3;
	_ =	sdelay $0x1  }
0xa2: {  	[tilespmem:s29+$0x7800] =	vst v2  }
0xa3: {  	[tilespmem:s24], [sflag:$0x1] =	stream.strided.gather [spmem:s10], $0x280, s26, s25, $0x38;
	[tilespmem:$0xCA80] =	vst v63  }
0xa4: {  	_ =	swait.ge [sflag:s23], $0x280  }
0xa5: {  	[sflag:s23] =	ssyncset.done $0x0  }
0xa6: {  	s29 =	simm.s32 $0x0;
	[sflag:s23] =	ssyncadd.s32 $0xFFFFFD80  }
0xa7: {  	s30 =	simm.s32 $0x40;
	v2 =	vld [tilespmem:s29+$0x5000]  }
.LBB2_16:
0xa8: {  	p1 =	sne.s32 s30, $0x9C0;
	v3 =	vld [tilespmem:s29+$0x7800];
	_ =	sdelay $0x2  }
.Ltmp7:
0xa9: {  	(pc) =	sbr.rel @p1 .LBB2_16-.Ltmp7, $4  }
0xaa: {  	_ = 	snop  }
0xab: {  	v3 =	vadd.f32 v2, v3  }
0xac: {  	s31 =	sshra.s32 s30, $0x2  }
0xad: {  	s30 =	sadd.s32 $0x40, s30;
	v2 =	vld [tilespmem:s31+$0x5000];
	[tilespmem:s29+$0x7800] =	vst v3;
	s29 =	smov.u32 s31  }
0xae: {  	v3 =	vld [tilespmem:s29+$0x7800];
	_ =	sdelay $0x4  }
0xaf: {  	v2 =	vadd.f32 v2, v3;
	_ =	sdelay $0x1  }
0xb0: {  	[tilespmem:s29+$0x7800] =	vst v2  }
0xb1: {  	[tilespmem:s24], [sflag:$0x1] =	stream.strided.gather [spmem:s11], $0x280, s26, s25, $0x38;
	[tilespmem:$0xCA80] =	vst v63  }
0xb2: {  	_ =	swait.ge [sflag:s23], $0x280  }
0xb3: {  	[sflag:s23] =	ssyncset.done $0x0  }
0xb4: {  	s29 =	simm.s32 $0x0;
	[sflag:s23] =	ssyncadd.s32 $0xFFFFFD80  }
0xb5: {  	s30 =	simm.s32 $0x40;
	v2 =	vld [tilespmem:s29+$0x5000]  }
.LBB2_18:
0xb6: {  	p1 =	sne.s32 s30, $0x9C0;
	v3 =	vld [tilespmem:s29+$0x7800];
	_ =	sdelay $0x2  }
.Ltmp8:
0xb7: {  	(pc) =	sbr.rel @p1 .LBB2_18-.Ltmp8, $4  }
0xb8: {  	_ = 	snop  }
0xb9: {  	v3 =	vadd.f32 v2, v3  }
0xba: {  	s31 =	sshra.s32 s30, $0x2  }
0xbb: {  	s30 =	sadd.s32 $0x40, s30;
	v2 =	vld [tilespmem:s31+$0x5000];
	[tilespmem:s29+$0x7800] =	vst v3;
	s29 =	smov.u32 s31  }
0xbc: {  	v3 =	vld [tilespmem:s29+$0x7800];
	_ =	sdelay $0x4  }
0xbd: {  	v2 =	vadd.f32 v2, v3;
	_ =	sdelay $0x1  }
0xbe: {  	[tilespmem:s29+$0x7800] =	vst v2  }
0xbf: {  	[tilespmem:s24], [sflag:$0x1] =	stream.strided.gather [spmem:s12], $0x280, s26, s25, $0x38;
	[tilespmem:$0xCA80] =	vst v63  }
0xc0: {  	_ =	swait.ge [sflag:s23], $0x280  }
0xc1: {  	[sflag:s23] =	ssyncset.done $0x0  }
0xc2: {  	s29 =	simm.s32 $0x0;
	[sflag:s23] =	ssyncadd.s32 $0xFFFFFD80  }
0xc3: {  	s30 =	simm.s32 $0x40;
	v2 =	vld [tilespmem:s29+$0x5000]  }
.LBB2_20:
0xc4: {  	p1 =	sne.s32 s30, $0x9C0;
	v3 =	vld [tilespmem:s29+$0x7800];
	_ =	sdelay $0x2  }
.Ltmp9:
0xc5: {  	(pc) =	sbr.rel @p1 .LBB2_20-.Ltmp9, $4  }
0xc6: {  	_ = 	snop  }
0xc7: {  	v3 =	vadd.f32 v2, v3  }
0xc8: {  	s31 =	sshra.s32 s30, $0x2  }
0xc9: {  	s30 =	sadd.s32 $0x40, s30;
	v2 =	vld [tilespmem:s31+$0x5000];
	[tilespmem:s29+$0x7800] =	vst v3;
	s29 =	smov.u32 s31  }
0xca: {  	v3 =	vld [tilespmem:s29+$0x7800];
	_ =	sdelay $0x4  }
0xcb: {  	v2 =	vadd.f32 v2, v3;
	_ =	sdelay $0x1  }
0xcc: {  	[tilespmem:s29+$0x7800] =	vst v2  }
0xcd: {  	[tilespmem:s24], [sflag:$0x1] =	stream.strided.gather [spmem:s13], $0x280, s26, s25, $0x38;
	[tilespmem:$0xCA80] =	vst v63  }
0xce: {  	_ =	swait.ge [sflag:s23], $0x280  }
0xcf: {  	[sflag:s23] =	ssyncset.done $0x0  }
0xd0: {  	s29 =	simm.s32 $0x0;
	[sflag:s23] =	ssyncadd.s32 $0xFFFFFD80  }
0xd1: {  	s30 =	simm.s32 $0x40;
	v2 =	vld [tilespmem:s29+$0x5000]  }
.LBB2_22:
0xd2: {  	p1 =	sne.s32 s30, $0x9C0;
	v3 =	vld [tilespmem:s29+$0x7800];
	_ =	sdelay $0x2  }
.Ltmp10:
0xd3: {  	(pc) =	sbr.rel @p1 .LBB2_22-.Ltmp10, $4  }
0xd4: {  	_ = 	snop  }
0xd5: {  	v3 =	vadd.f32 v2, v3  }
0xd6: {  	s31 =	sshra.s32 s30, $0x2  }
0xd7: {  	s30 =	sadd.s32 $0x40, s30;
	v2 =	vld [tilespmem:s31+$0x5000];
	[tilespmem:s29+$0x7800] =	vst v3;
	s29 =	smov.u32 s31  }
0xd8: {  	v3 =	vld [tilespmem:s29+$0x7800];
	_ =	sdelay $0x4  }
0xd9: {  	v2 =	vadd.f32 v2, v3;
	_ =	sdelay $0x1  }
0xda: {  	[tilespmem:s29+$0x7800] =	vst v2  }
0xdb: {  	[tilespmem:s24], [sflag:$0x1] =	stream.strided.gather [spmem:s14], $0x280, s26, s25, $0x38;
	[tilespmem:$0xCA80] =	vst v63  }
0xdc: {  	_ =	swait.ge [sflag:s23], $0x280  }
0xdd: {  	[sflag:s23] =	ssyncset.done $0x0  }
0xde: {  	s29 =	simm.s32 $0x0;
	[sflag:s23] =	ssyncadd.s32 $0xFFFFFD80  }
0xdf: {  	s30 =	simm.s32 $0x40;
	v2 =	vld [tilespmem:s29+$0x5000]  }
.LBB2_24:
0xe0: {  	p1 =	sne.s32 s30, $0x9C0;
	v3 =	vld [tilespmem:s29+$0x7800];
	_ =	sdelay $0x2  }
.Ltmp11:
0xe1: {  	(pc) =	sbr.rel @p1 .LBB2_24-.Ltmp11, $4  }
0xe2: {  	_ = 	snop  }
0xe3: {  	v3 =	vadd.f32 v2, v3  }
0xe4: {  	s31 =	sshra.s32 s30, $0x2  }
0xe5: {  	s30 =	sadd.s32 $0x40, s30;
	v2 =	vld [tilespmem:s31+$0x5000];
	[tilespmem:s29+$0x7800] =	vst v3;
	s29 =	smov.u32 s31  }
0xe6: {  	v3 =	vld [tilespmem:s29+$0x7800];
	_ =	sdelay $0x4  }
0xe7: {  	v2 =	vadd.f32 v2, v3;
	_ =	sdelay $0x1  }
0xe8: {  	[tilespmem:s29+$0x7800] =	vst v2  }
0xe9: {  	[tilespmem:s24], [sflag:$0x1] =	stream.strided.gather [spmem:s15], $0x280, s26, s25, $0x38;
	[tilespmem:$0xCA80] =	vst v63  }
0xea: {  	_ =	swait.ge [sflag:s23], $0x280  }
0xeb: {  	[sflag:s23] =	ssyncset.done $0x0  }
0xec: {  	s29 =	simm.s32 $0x0;
	[sflag:s23] =	ssyncadd.s32 $0xFFFFFD80  }
0xed: {  	s30 =	simm.s32 $0x40;
	v2 =	vld [tilespmem:s29+$0x5000]  }
.LBB2_26:
0xee: {  	p1 =	sne.s32 s30, $0x9C0;
	v3 =	vld [tilespmem:s29+$0x7800];
	_ =	sdelay $0x2  }
.Ltmp12:
0xef: {  	(pc) =	sbr.rel @p1 .LBB2_26-.Ltmp12, $4  }
0xf0: {  	_ = 	snop  }
0xf1: {  	v3 =	vadd.f32 v2, v3  }
0xf2: {  	s31 =	sshra.s32 s30, $0x2  }
0xf3: {  	s30 =	sadd.s32 $0x40, s30;
	v2 =	vld [tilespmem:s31+$0x5000];
	[tilespmem:s29+$0x7800] =	vst v3;
	s29 =	smov.u32 s31  }
0xf4: {  	v3 =	vld [tilespmem:s29+$0x7800];
	_ =	sdelay $0x4  }
0xf5: {  	v2 =	vadd.f32 v2, v3;
	_ =	sdelay $0x1  }
0xf6: {  	[tilespmem:s29+$0x7800] =	vst v2  }
0xf7: {  	[tilespmem:s24], [sflag:$0x1] =	stream.strided.gather [spmem:s16], $0x280, s26, s25, $0x38;
	[tilespmem:$0xCA80] =	vst v63  }
0xf8: {  	_ =	swait.ge [sflag:s23], $0x280  }
0xf9: {  	[sflag:s23] =	ssyncset.done $0x0  }
0xfa: {  	s29 =	simm.s32 $0x0;
	[sflag:s23] =	ssyncadd.s32 $0xFFFFFD80  }
0xfb: {  	s30 =	simm.s32 $0x40;
	v2 =	vld [tilespmem:s29+$0x5000]  }
.LBB2_28:
0xfc: {  	p1 =	sne.s32 s30, $0x9C0;
	v3 =	vld [tilespmem:s29+$0x7800];
	_ =	sdelay $0x2  }
.Ltmp13:
0xfd: {  	(pc) =	sbr.rel @p1 .LBB2_28-.Ltmp13, $4  }
0xfe: {  	_ = 	snop  }
0xff: {  	v3 =	vadd.f32 v2, v3  }
0x100: {  	s31 =	sshra.s32 s30, $0x2  }
0x101: {  	s30 =	sadd.s32 $0x40, s30;
	v2 =	vld [tilespmem:s31+$0x5000];
	[tilespmem:s29+$0x7800] =	vst v3;
	s29 =	smov.u32 s31  }
0x102: {  	v3 =	vld [tilespmem:s29+$0x7800];
	_ =	sdelay $0x4  }
0x103: {  	v2 =	vadd.f32 v2, v3;
	_ =	sdelay $0x1  }
0x104: {  	[tilespmem:s29+$0x7800] =	vst v2  }
0x105: {  	[tilespmem:s24], [sflag:$0x1] =	stream.strided.gather [spmem:s17], $0x280, s26, s25, $0x38;
	[tilespmem:$0xCA80] =	vst v63  }
0x106: {  	_ =	swait.ge [sflag:s23], $0x280  }
0x107: {  	[sflag:s23] =	ssyncset.done $0x0  }
0x108: {  	s29 =	simm.s32 $0x0;
	[sflag:s23] =	ssyncadd.s32 $0xFFFFFD80  }
0x109: {  	s30 =	simm.s32 $0x40;
	v2 =	vld [tilespmem:s29+$0x5000]  }
.LBB2_30:
0x10a: {  	p1 =	sne.s32 s30, $0x9C0;
	v3 =	vld [tilespmem:s29+$0x7800];
	_ =	sdelay $0x2  }
.Ltmp14:
0x10b: {  	(pc) =	sbr.rel @p1 .LBB2_30-.Ltmp14, $4  }
0x10c: {  	_ = 	snop  }
0x10d: {  	v3 =	vadd.f32 v2, v3  }
0x10e: {  	s31 =	sshra.s32 s30, $0x2  }
0x10f: {  	s30 =	sadd.s32 $0x40, s30;
	v2 =	vld [tilespmem:s31+$0x5000];
	[tilespmem:s29+$0x7800] =	vst v3;
	s29 =	smov.u32 s31  }
0x110: {  	v3 =	vld [tilespmem:s29+$0x7800];
	_ =	sdelay $0x4  }
0x111: {  	v2 =	vadd.f32 v2, v3;
	_ =	sdelay $0x1  }
0x112: {  	[tilespmem:s29+$0x7800] =	vst v2  }
0x113: {  	[tilespmem:s24], [sflag:$0x1] =	stream.strided.gather [spmem:s18], $0x280, s26, s25, $0x38;
	[tilespmem:$0xCA80] =	vst v63  }
0x114: {  	_ =	swait.ge [sflag:s23], $0x280  }
0x115: {  	[sflag:s23] =	ssyncset.done $0x0  }
0x116: {  	s29 =	simm.s32 $0x0;
	[sflag:s23] =	ssyncadd.s32 $0xFFFFFD80  }
0x117: {  	s30 =	simm.s32 $0x40;
	v2 =	vld [tilespmem:s29+$0x5000]  }
.LBB2_32:
0x118: {  	p1 =	sne.s32 s30, $0x9C0;
	v3 =	vld [tilespmem:s29+$0x7800];
	_ =	sdelay $0x2  }
.Ltmp15:
0x119: {  	(pc) =	sbr.rel @p1 .LBB2_32-.Ltmp15, $4  }
0x11a: {  	_ = 	snop  }
0x11b: {  	v3 =	vadd.f32 v2, v3  }
0x11c: {  	s31 =	sshra.s32 s30, $0x2  }
0x11d: {  	s30 =	sadd.s32 $0x40, s30;
	v2 =	vld [tilespmem:s31+$0x5000];
	[tilespmem:s29+$0x7800] =	vst v3;
	s29 =	smov.u32 s31  }
0x11e: {  	v3 =	vld [tilespmem:s29+$0x7800];
	_ =	sdelay $0x4  }
0x11f: {  	v2 =	vadd.f32 v2, v3;
	_ =	sdelay $0x1  }
0x120: {  	[tilespmem:s29+$0x7800] =	vst v2  }
0x121: {  	[tilespmem:s24], [sflag:$0x1] =	stream.strided.gather [spmem:s19], $0x280, s26, s25, $0x38;
	[tilespmem:$0xCA80] =	vst v63  }
0x122: {  	_ =	swait.ge [sflag:s23], $0x280  }
0x123: {  	[sflag:s23] =	ssyncset.done $0x0  }
0x124: {  	s29 =	simm.s32 $0x0;
	[sflag:s23] =	ssyncadd.s32 $0xFFFFFD80  }
0x125: {  	s30 =	simm.s32 $0x40;
	v2 =	vld [tilespmem:s29+$0x5000]  }
.LBB2_34:
0x126: {  	p1 =	sne.s32 s30, $0x9C0;
	v3 =	vld [tilespmem:s29+$0x7800];
	_ =	sdelay $0x2  }
.Ltmp16:
0x127: {  	(pc) =	sbr.rel @p1 .LBB2_34-.Ltmp16, $4  }
0x128: {  	_ = 	snop  }
0x129: {  	v3 =	vadd.f32 v2, v3  }
0x12a: {  	s31 =	sshra.s32 s30, $0x2  }
0x12b: {  	s30 =	sadd.s32 $0x40, s30;
	v2 =	vld [tilespmem:s31+$0x5000];
	[tilespmem:s29+$0x7800] =	vst v3;
	s29 =	smov.u32 s31  }
0x12c: {  	v3 =	vld [tilespmem:s29+$0x7800];
	_ =	sdelay $0x4  }
0x12d: {  	v2 =	vadd.f32 v2, v3;
	_ =	sdelay $0x1  }
0x12e: {  	[tilespmem:s29+$0x7800] =	vst v2  }
0x12f: {  	[tilespmem:s24], [sflag:$0x1] =	stream.strided.gather [spmem:s20], $0x280, s26, s25, $0x38;
	[tilespmem:$0xCA80] =	vst v63  }
0x130: {  	_ =	swait.ge [sflag:s23], $0x280  }
0x131: {  	[sflag:s23] =	ssyncset.done $0x0  }
0x132: {  	s29 =	simm.s32 $0x0;
	[sflag:s23] =	ssyncadd.s32 $0xFFFFFD80  }
0x133: {  	s31 =	simm.s32 $0x40;
	s30 =	simm.s32 $0x0;
	v2 =	vld [tilespmem:s29+$0x5000]  }
.LBB2_36:
0x134: {  	p1 =	sne.s32 s31, $0x9C0;
	v3 =	vld [tilespmem:s30+$0x7800];
	_ =	sdelay $0x2  }
.Ltmp17:
0x135: {  	(pc) =	sbr.rel @p1 .LBB2_36-.Ltmp17, $4  }
0x136: {  	_ = 	snop  }
0x137: {  	v3 =	vadd.f32 v2, v3  }
0x138: {  	s0 =	sshra.s32 s31, $0x2  }
0x139: {  	s31 =	sadd.s32 $0x40, s31;
	v2 =	vld [tilespmem:s0+$0x5000];
	[tilespmem:s30+$0x7800] =	vst v3;
	s30 =	smov.u32 s0  }
0x13a: {  	v3 =	vld [tilespmem:s30+$0x7800];
	_ =	sdelay $0x4  }
0x13b: {  	v2 =	vadd.f32 v2, v3;
	_ =	sdelay $0x1  }
0x13c: {  	[tilespmem:s30+$0x7800] =	vst v2;
	s30 =	simm.s32 $0x40  }
.LBB2_38:
0x13d: {  	p1 =	sne.s32 s30, $0x9C0;
	v2 =	vld [tilespmem:s29+$0x7800];
	_ =	sdelay $0x4  }
0x13e: {  	v2 =	vadd.f32 $1.000000000e+00, v2;
	_ =	sdelay $0x1  }
0x13f: {  	v3 =	vshra.s32 v2, $0x1;
	v2 =	vmul.f32 $5.000000000e-01, v2  }
0x140: {  	v3 =	vsub.s32 $0x5F3759DF, v3  }
0x141: {  	v4 =	vmul.f32 v3, v2;
	_ =	sdelay $0x1  }
0x142: {  	v4 =	vmul.f32 v3, v4;
	_ =	sdelay $0x1  }
0x143: {  	v4 =	vsub.f32 $1.500000000e+00, v4;
	_ =	sdelay $0x1  }
0x144: {  	v3 =	vmul.f32 v3, v4;
	_ =	sdelay $0x1  }
0x145: {  	v4 =	vmul.f32 v3, v2;
	_ =	sdelay $0x1  }
0x146: {  	v4 =	vmul.f32 v4, v3;
	_ =	sdelay $0x1  }
0x147: {  	v4 =	vsub.f32 $1.500000000e+00, v4;
	_ =	sdelay $0x1  }
0x148: {  	v3 =	vmul.f32 v4, v3;
	_ =	sdelay $0x1  }
0x149: {  	v2 =	vmul.f32 v3, v2;
	_ =	sdelay $0x1  }
0x14a: {  	v2 =	vmul.f32 v2, v3;
	_ =	sdelay $0x1  }
.Ltmp18:
0x14b: {  	v2 =	vsub.f32 $1.500000000e+00, v2;
	(pc) =	sbr.rel @p1 .LBB2_38-.Ltmp18, $3  }
0x14c: {  	_ = 	snop  }
0x14d: {  	v2 =	vmul.f32 v2, v3;
	_ =	sdelay $0x1  }
0x14e: {  	[tilespmem:s29+$0x7800] =	vst v2;
	s29 =	sshra.s32 s30, $0x2;
	s30 =	sadd.s32 $0x40, s30  }
0x14f: {  	v2 =	vld [tilespmem:s29+$0x7800];
	_ =	sdelay $0x4  }
0x150: {  	v2 =	vadd.f32 $1.000000000e+00, v2;
	_ =	sdelay $0x1  }
0x151: {  	v3 =	vshra.s32 v2, $0x1;
	v2 =	vmul.f32 $5.000000000e-01, v2  }
0x152: {  	v3 =	vsub.s32 $0x5F3759DF, v3  }
0x153: {  	v4 =	vmul.f32 v3, v2;
	_ =	sdelay $0x1  }
0x154: {  	v4 =	vmul.f32 v3, v4;
	_ =	sdelay $0x1  }
0x155: {  	v4 =	vsub.f32 $1.500000000e+00, v4;
	_ =	sdelay $0x1  }
0x156: {  	v3 =	vmul.f32 v3, v4;
	_ =	sdelay $0x1  }
0x157: {  	v4 =	vmul.f32 v3, v2;
	_ =	sdelay $0x1  }
0x158: {  	v4 =	vmul.f32 v4, v3;
	_ =	sdelay $0x1  }
0x159: {  	v4 =	vsub.f32 $1.500000000e+00, v4;
	_ =	sdelay $0x1  }
0x15a: {  	v3 =	vmul.f32 v4, v3;
	_ =	sdelay $0x1  }
0x15b: {  	v2 =	vmul.f32 v3, v2;
	_ =	sdelay $0x1  }
0x15c: {  	v2 =	vmul.f32 v2, v3  }
0x15d: {  	s0 =	simm.s32 $0x0  }
0x15e: {  	v4 =	vmov s0;
	v2 =	vsub.f32 $1.500000000e+00, v2;
	_ =	sdelay $0x1  }
0x15f: {  	v2 =	vmul.f32 v2, v3;
	_ =	sdelay $0x1  }
0x160: {  	[tilespmem:s29+$0x7800] =	vst v2  }
0x161: {  	s31 =	simm.s32 $0x1;
	v2 =	vld.idx.msk [tilespmem:v4+s28+$0x0], $0xffff  }
0x162: {  	v3 =	vmov s31;
	_ =	sdelay $0x2  }
0x163: {  	s29 =	simm.s32 $0x7A80  }
0x164: {  	[tilespmem:s29+$0x0] =	vst v2  }
0x165: {  	s31 =	simm.s32 $0x2;
	v2 =	vld.idx.msk [tilespmem:v3+s28+$0x0], $0xffff  }
0x166: {  	s30 =	simm.s32 $0x3;
	v3 =	vmov s31  }
.LBB2_40:
0x167: {  	p1 =	sne.s32 s30, $0x27F;
	_ =	sdelay $0x1  }
.Ltmp19:
0x168: {  	s29 =	sadd.s32 $0x10, s29;
	(pc) =	sbr.rel @p1 .LBB2_40-.Ltmp19, $3  }
0x169: {  	[tilespmem:s29+$0x0] =	vst v2  }
0x16a: {  	v2 =	vld.idx.msk [tilespmem:v3+s28+$0x0], $0xffff;
	_ =	sdelay $0x1  }
0x16b: {  	v3 =	vmov s30;
	s30 =	sadd.s32 $0x1, s30  }
0x16c: {  	_ =	sdelay $0x1  }
0x16d: {  	s0 =	sadd.s32 $0x10, s29  }
0x16e: {  	[tilespmem:s0+$0x0] =	vst v2  }
0x16f: {  	v2 =	vld.idx.msk [tilespmem:v3+s28+$0x0], $0xffff;
	_ =	sdelay $0x3  }
0x170: {  	s2 =	sadd.s32 $0x1, s2;
	s0 =	sadd.s32 $0x10, s0  }
0x171: {  	s29 =	simm.s32 @!p0 $0x7A80;
	p1 =	sne.s32 s2, s22;
	[tilespmem:s0+$0x0] =	vst v2;
	s0 =	simm.s32 @!p0 $0x0  }
0x172: {  	[hbm4b:s21+s0] =	stream.linear.scatter @!p0 [tilespmem:s29], [sflag:$0x1], $0x2800, $0x38;
	[tilespmem:$0xCA80] =	vst v63  }
.Ltmp20:
0x173: {  	_ = 	snop;
	(pc) =	sbr.rel @p1 .LBB2_1-.Ltmp20, $4  }
0x174: {  	s0 =	simm.s32 @!p0 $0x1  }
0x175: {  	_ =	swait.ge @!p0 [sflag:s0], $0x2800  }
0x176: {  	[sflag:s0] =	ssyncset.done @!p0 $0x0  }
0x177: {  	[sflag:s0] =	ssyncadd.s32 @!p0 $0xFFFFD800  }
0x178: {  	_ =	sfence.sel $0x180000  }
0x179: {  	[bflag:$0x0] =	sbarrier.arrive $0xFFFF  }
0x17a: {  	_ =	strace $0x90000047  }
0x17b: {  	[bflag:$0x2] =	sbarrier.arrive $0xFFFF  }
0x17c: {  	p0 =	sne.s32 s1, $0x0;
	s0 =	rddreg [dreg:$0x2]  }
0x17d: {  	s0 =	sadd.s32 @!p0 $0x100000, s0  }
0x17e: {  	[sflag:s0] =	ssyncadd.tile.s32 @!p0 $0x1;
	_ =	shalt  }
.Lfunc_end2:
_tile_overlayer_lowered:
.L_overlay_start_2:
0x17f: {  	(tag) =	ssettag $0x2  }
0x180: {  	s0 =	rddreg [dreg:$0x0];
	s2 =	stileid.u32  }
0x181: {  	s1 =	rddreg [dreg:$0x1];
	p0 =	sne.s32 s2, $0x0  }
0x182: {  	s3 =	rddreg [dreg:$0x2];
	[bflag:$0x3] =	sbarrier.arrive $0xFFFF;
	s2 =	simm.s32 @!p0 $0x1C01  }
0x183: {  	[timem:s3], [sflag:s2] =	dma.local @!p0 [hbm:s0], s1  }
0x184: {  	s0 =	simm.s32 @!p0 $0x1  }
0x185: {  	_ =	swait.ge @!p0 [sflag:s0], s1  }
0x186: {  	s1 =	ssub.s32 @!p0 $0x0, s1;
	[sflag:s0] =	ssyncset.done @!p0 $0x0  }
0x187: {  	[sflag:s0] =	ssyncadd.s32 @!p0 s1  }
0x188: {  	[bflag:$0x3] =	sbarrier.arrive $0xFFFF  }
0x189: {  	_ =	shalt  }

</sc_bundles>
